<compile_context>
chip_gen: v7x
topology: tpu7x:2x2x1
jax: 0.10.2.dev20260603
libtpu: 0.0.44.dev20260713+nightly
codegen_flags: <defaults>
</compile_context>

<pallas_src>
import functools

import jax
import jax.numpy as jnp
from jax import lax
from jax.experimental import pallas as pl
from jax.experimental.pallas import tpu as pltpu
from jax.experimental.pallas import tpu_sc as plsc

ROUTEID_NUM = 100000
PAD_ID = ROUTEID_NUM + 1
CLUSTER_NUM = 10000
EMBED_SIZE = 64

_info = plsc.get_sparse_core_info()
_NC, _NS = _info.num_cores, _info.num_subcores
_NW = _NC * _NS

_N = 4096 * 200
_BPW = _N // _NW
_RMAP_PAD = 100096
_TROWS = 10240
_SROWS = _TROWS // _NS
_C = 160
_S = 1600
_CPS = _S // _C
_NSUP = _BPW // _S

_mesh = plsc.VectorSubcoreMesh(core_axis_name="c", subcore_axis_name="s")


@functools.partial(
    pl.kernel,
    mesh=_mesh,
    out_type=jax.ShapeDtypeStruct((_N, 2 * EMBED_SIZE), jnp.float32),
    scratch_types=[
        pltpu.VMEM((_S,), jnp.int32),
        pltpu.VMEM((_S,), jnp.int32),
        pltpu.VMEM((_S,), jnp.int32),
        pltpu.VMEM((_S,), jnp.int32),
        pltpu.VMEM((_C, 2 * EMBED_SIZE), jnp.float32),
        pltpu.VMEM((_C, 2 * EMBED_SIZE), jnp.float32),
        pltpu.VMEM_SHARED((_TROWS, 2 * EMBED_SIZE), jnp.float32),
        pltpu.SemaphoreType.DMA,
        pltpu.SemaphoreType.DMA,
        pltpu.SemaphoreType.DMA,
        pltpu.SemaphoreType.DMA,
        pltpu.SemaphoreType.DMA,
        pltpu.SemaphoreType.DMA,
        pltpu.SemaphoreType.DMA,
        pltpu.SemaphoreType.DMA,
    ],
)
def _lookup(idx_hbm, rmap_hbm, tbl_hbm, out_hbm,
            idx_a, idx_b, cid_a, cid_b, rows_a, rows_b, spm,
            sem_ia, sem_ib, sem_ca, sem_cb, sem_a, sem_b, sem_wa, sem_wb):
    sid = lax.axis_index("s")
    base = (sid * _NC + lax.axis_index("c")) * _BPW

    ibufs, isems = (idx_a, idx_b), (sem_ia, sem_ib)
    cbufs, csems = (cid_a, cid_b), (sem_ca, sem_cb)
    bufs, sems = (rows_a, rows_b), (sem_a, sem_b)
    wsems = (sem_wa, sem_wb)

    def idx_fetch(s):
        return pltpu.async_copy(idx_hbm.at[pl.ds(base + s * _S, _S)],
                                ibufs[s % 2], isems[s % 2])

    def idx_wait(s):
        pltpu.make_async_copy(idx_hbm.at[pl.ds(base, _S)],
                              ibufs[s % 2], isems[s % 2]).wait()

    def cid_gather(s):
        return pltpu.async_copy(rmap_hbm.at[ibufs[s % 2]],
                                cbufs[s % 2], csems[s % 2])

    def cid_wait(s):
        pltpu.make_async_copy(rmap_hbm.at[pl.ds(0, _S)],
                              cbufs[s % 2], csems[s % 2]).wait()

    def gather(s, k, b):
        return pltpu.async_copy(
            spm.at[cbufs[s % 2].at[pl.ds(k * _C, _C)]], bufs[b], sems[b])

    def drain_write(s, k, b):
        pltpu.make_async_copy(spm.at[cbufs[0].at[pl.ds(0, _C)]],
                              bufs[b], sems[b]).wait()
        pltpu.async_copy(bufs[b],
                         out_hbm.at[pl.ds(base + (s * _CPS + k) * _C, _C)],
                         wsems[b])

    def write_wait(b):
        pltpu.make_async_copy(bufs[b], out_hbm.at[pl.ds(base, _C)],
                              wsems[b]).wait()

    idx_fetch(0)
    idx_fetch(1)
    for t in range(_SROWS // _C):
        off = sid * _SROWS + t * _C
        pltpu.sync_copy(tbl_hbm.at[pl.ds(off, _C)], rows_a)
        pltpu.sync_copy(rows_a, spm.at[pl.ds(off, _C)])
    plsc.subcore_barrier()
    idx_wait(0)
    cid_gather(0)
    cid_wait(0)
    gather(0, 0, 0)

    for s in range(_NSUP):
        if s + 1 < _NSUP:
            idx_wait(s + 1)
            cid_gather(s + 1)
            if s + 2 < _NSUP:
                idx_fetch(s + 2)

        def step(k, _):
            par = lax.rem(k, 2)

            def handle(b):
                @pl.when(par == b)
                def _():
                    @pl.when(k + s > 0)
                    def _():
                        write_wait(1 - b)

                    @pl.when(k < _CPS - 1)
                    def _():
                        gather(s, k + 1, 1 - b)
                    if s + 1 < _NSUP:
                        @pl.when(k == _CPS - 1)
                        def _():
                            cid_wait(s + 1)
                            gather(s + 1, 0, 1 - b)
                    drain_write(s, k, b)

            handle(0)
            handle(1)
            return 0

        lax.fori_loop(0, _CPS, step, 0)
    write_wait(1)


def kernel(data_orig, road_map, cluster_table):
    flat = data_orig.reshape(-1)
    road_map2 = jnp.pad(road_map.at[PAD_ID].set(CLUSTER_NUM),
                        (0, _RMAP_PAD - (ROUTEID_NUM + 2)))
    table2 = jnp.pad(cluster_table,
                     ((0, _TROWS - CLUSTER_NUM), (0, EMBED_SIZE)))
    out = _lookup(flat, road_map2, table2)
    out = out[:, :EMBED_SIZE]
    return out.reshape(data_orig.shape[0], data_orig.shape[1], EMBED_SIZE)

# --- scband reference (transcript-rebuilt; emitter-appended) ---
"""Pipeline reference for scband-gener-embedding-50002009260273 (READ-ONLY COPY).

The authoritative reference and input builder live on the scoring server;
editing this copy changes nothing except your own understanding.
"""

import jax, jax.numpy as jnp
import numpy as np

ROUTEID_NUM = 100000
PAD_ID = ROUTEID_NUM + 1
CLUSTER_NUM = 10000
EMBED_SIZE = 64


def setup_inputs(seed: int = 0) -> dict:
    key = jax.random.key(seed)
    k1, k2, k3 = jax.random.split(key, 3)
    # route ids in [0, PAD_ID]; PAD_ID entries map to zero vectors
    data_orig = jax.random.randint(k1, (4096, 200, 1), 0, PAD_ID + 1, dtype=jnp.int32)
    # road_map: routeid -> clusterid (the Road_Embedding.road_map lookup table)
    road_map = jax.random.randint(k2, (ROUTEID_NUM + 2,), 0, CLUSTER_NUM, dtype=jnp.int32)
    # cluster-level embedding table (Road_Embedding weights)
    cluster_table = jax.random.normal(k3, (CLUSTER_NUM, EMBED_SIZE), dtype=jnp.float32)
    return {"data_orig": data_orig, "road_map": road_map, "cluster_table": cluster_table}


def reference(data_orig, road_map, cluster_table):
    # Faithful vectorization of get_road_embedding: per-routeid two-level lookup,
    # with routeid == routeid_num + 1 producing a zero embedding.
    B, L, _ = data_orig.shape
    flat = data_orig.reshape(-1)
    cluster_ids = jnp.take(road_map, flat, axis=0)
    emb = jnp.take(cluster_table, cluster_ids, axis=0)
    mask = (flat != PAD_ID).astype(emb.dtype)
    emb = emb * mask[:, None]
    return emb.reshape(B, L, EMBED_SIZE)

if __name__ == "__main__":
    import jax
    _d = setup_inputs()
    print(jax.jit(kernel)(*tuple(_d.values())))

</pallas_src>

<mosaic_0001>
#map = affine_map<(d0, d1) -> (0)>
#map1 = affine_map<(d0, d1) -> (0, 0)>
module attributes {stable_mosaic.version = 14 : i64} {
  func.func @_lookup(%arg0: i32, %arg1: i32, %arg2: memref<819200xi32, #tpu.memory_space<hbm>>, %arg3: memref<100096xi32, #tpu.memory_space<hbm>>, %arg4: memref<10240x128xf32, #tpu.memory_space<hbm>>, %arg5: memref<819200x128xf32, #tpu.memory_space<hbm>>, %arg6: memref<1600xi32, #tpu.memory_space<vmem>>, %arg7: memref<1600xi32, #tpu.memory_space<vmem>>, %arg8: memref<1600xi32, #tpu.memory_space<vmem>>, %arg9: memref<1600xi32, #tpu.memory_space<vmem>>, %arg10: memref<160x128xf32, #tpu.memory_space<vmem>>, %arg11: memref<160x128xf32, #tpu.memory_space<vmem>>, %arg12: memref<10240x128xf32, #tpu.memory_space<vmem_shared>>, %arg13: memref<!tpu.dma_semaphore, #tpu.memory_space<semaphore_mem>>, %arg14: memref<!tpu.dma_semaphore, #tpu.memory_space<semaphore_mem>>, %arg15: memref<!tpu.dma_semaphore, #tpu.memory_space<semaphore_mem>>, %arg16: memref<!tpu.dma_semaphore, #tpu.memory_space<semaphore_mem>>, %arg17: memref<!tpu.dma_semaphore, #tpu.memory_space<semaphore_mem>>, %arg18: memref<!tpu.dma_semaphore, #tpu.memory_space<semaphore_mem>>, %arg19: memref<!tpu.dma_semaphore, #tpu.memory_space<semaphore_mem>>, %arg20: memref<!tpu.dma_semaphore, #tpu.memory_space<semaphore_mem>>) attributes {dimension_semantics = [#tpu.dimension_semantics<core_parallel>, #tpu.dimension_semantics<subcore_parallel>], iteration_bounds = array<i64: 2, 16>, scalar_prefetch = 0 : i64, scratch_operands = 15 : i64, tpu.core_type = #tpu.core_type<sc_vector_subcore>, window_params = [{transform_indices = #map}, {transform_indices = #map}, {transform_indices = #map1}, {transform_indices = #map1}]} {
    %mul3A = arith.constant 2 : i32
    %mul3A_0 = arith.muli %arg1, %mul3A : i32
    %add3A = arith.addi %mul3A_0, %arg0 : i32
    %mul3A_1 = arith.constant 25600 : i32
    %mul3A_2 = arith.muli %add3A, %mul3A_1 : i32
    %add3A_3 = arith.constant 0 : i32
    %add3A_4 = arith.addi %mul3A_2, %add3A_3 : i32
    %dma_start3A = tpu.memref_slice %arg2[%add3A_4] : memref<819200xi32, #tpu.memory_space<hbm>> -> memref<1600xi32, #tpu.memory_space<hbm>>
    %dma_start3A_5 = tpu.memref_slice %arg2[%add3A_4] : memref<819200xi32, #tpu.memory_space<hbm>> -> memref<1600xi32, #tpu.memory_space<hbm>>
    tpu.enqueue_dma source(%dma_start3A_5 : memref<1600xi32, #tpu.memory_space<hbm>>) target(%arg6 : memref<1600xi32, #tpu.memory_space<vmem>>) target_semaphore(%arg13 : memref<!tpu.dma_semaphore, #tpu.memory_space<semaphore_mem>>)
    %add3A_6 = arith.constant 1600 : i32
    %add3A_7 = arith.addi %mul3A_2, %add3A_6 : i32
    %dma_start3A_8 = tpu.memref_slice %arg2[%add3A_7] : memref<819200xi32, #tpu.memory_space<hbm>> -> memref<1600xi32, #tpu.memory_space<hbm>>
    %dma_start3A_9 = tpu.memref_slice %arg2[%add3A_7] : memref<819200xi32, #tpu.memory_space<hbm>> -> memref<1600xi32, #tpu.memory_space<hbm>>
    tpu.enqueue_dma source(%dma_start3A_9 : memref<1600xi32, #tpu.memory_space<hbm>>) target(%arg7 : memref<1600xi32, #tpu.memory_space<vmem>>) target_semaphore(%arg14 : memref<!tpu.dma_semaphore, #tpu.memory_space<semaphore_mem>>)
    %mul3A_10 = arith.constant 640 : i32
    %mul3A_11 = arith.muli %arg1, %mul3A_10 : i32
    %add3A_12 = arith.constant 0 : i32
    %add3A_13 = arith.addi %mul3A_11, %add3A_12 : i32
    "tpu.region"() ({
      %run_scoped3A = tpu.sem_alloc : memref<!tpu.dma_semaphore, #tpu.memory_space<semaphore_mem>>
      %dma_start3A_269 = arith.constant 0 : i32
      %dma_start3A_270 = tpu.memref_slice %arg4[%add3A_13, %dma_start3A_269] : memref<10240x128xf32, #tpu.memory_space<hbm>> -> memref<160x128xf32, #tpu.memory_space<hbm>>
      %dma_start3A_271 = arith.constant 0 : i32
      %dma_start3A_272 = tpu.memref_slice %arg4[%add3A_13, %dma_start3A_271] : memref<10240x128xf32, #tpu.memory_space<hbm>> -> memref<160x128xf32, #tpu.memory_space<hbm>>
      tpu.enqueue_dma source(%dma_start3A_272 : memref<160x128xf32, #tpu.memory_space<hbm>>) target(%arg10 : memref<160x128xf32, #tpu.memory_space<vmem>>) target_semaphore(%run_scoped3A : memref<!tpu.dma_semaphore, #tpu.memory_space<semaphore_mem>>)
      %dma_wait3A_273 = arith.constant 0 : i32
      %dma_wait3A_274 = tpu.memref_slice %arg4[%add3A_13, %dma_wait3A_273] : memref<10240x128xf32, #tpu.memory_space<hbm>> -> memref<160x128xf32, #tpu.memory_space<hbm>>
      %dma_wait3A_275 = arith.constant 0 : i32
      %dma_wait3A_276 = tpu.memref_slice %arg4[%add3A_13, %dma_wait3A_275] : memref<10240x128xf32, #tpu.memory_space<hbm>> -> memref<160x128xf32, #tpu.memory_space<hbm>>
      tpu.wait_dma2 semaphore(%run_scoped3A : memref<!tpu.dma_semaphore, #tpu.memory_space<semaphore_mem>>) src(%dma_wait3A_276 : memref<160x128xf32, #tpu.memory_space<hbm>>) dst(%arg10 : memref<160x128xf32, #tpu.memory_space<vmem>>)
      tpu.yield
    }) : () -> ()
    "tpu.region"() ({
      %run_scoped3A = tpu.sem_alloc : memref<!tpu.dma_semaphore, #tpu.memory_space<semaphore_mem>>
      %dma_start3A_269 = arith.constant 0 : i32
      %dma_start3A_270 = tpu.memref_slice %arg12[%add3A_13, %dma_start3A_269] : memref<10240x128xf32, #tpu.memory_space<vmem_shared>> -> memref<160x128xf32, #tpu.memory_space<vmem_shared>>
      %dma_start3A_271 = arith.constant 0 : i32
      %dma_start3A_272 = tpu.memref_slice %arg12[%add3A_13, %dma_start3A_271] : memref<10240x128xf32, #tpu.memory_space<vmem_shared>> -> memref<160x128xf32, #tpu.memory_space<vmem_shared>>
      tpu.enqueue_dma source(%arg10 : memref<160x128xf32, #tpu.memory_space<vmem>>) target(%dma_start3A_272 : memref<160x128xf32, #tpu.memory_space<vmem_shared>>) target_semaphore(%run_scoped3A : memref<!tpu.dma_semaphore, #tpu.memory_space<semaphore_mem>>)
      %dma_wait3A_273 = arith.constant 0 : i32
      %dma_wait3A_274 = tpu.memref_slice %arg12[%add3A_13, %dma_wait3A_273] : memref<10240x128xf32, #tpu.memory_space<vmem_shared>> -> memref<160x128xf32, #tpu.memory_space<vmem_shared>>
      %dma_wait3A_275 = arith.constant 0 : i32
      %dma_wait3A_276 = tpu.memref_slice %arg12[%add3A_13, %dma_wait3A_275] : memref<10240x128xf32, #tpu.memory_space<vmem_shared>> -> memref<160x128xf32, #tpu.memory_space<vmem_shared>>
      tpu.wait_dma2 semaphore(%run_scoped3A : memref<!tpu.dma_semaphore, #tpu.memory_space<semaphore_mem>>) src(%arg10 : memref<160x128xf32, #tpu.memory_space<vmem>>) dst(%dma_wait3A_276 : memref<160x128xf32, #tpu.memory_space<vmem_shared>>)
      tpu.yield
    }) : () -> ()
    %mul3A_14 = arith.constant 640 : i32
    %mul3A_15 = arith.muli %arg1, %mul3A_14 : i32
    %add3A_16 = arith.constant 160 : i32
    %add3A_17 = arith.addi %mul3A_15, %add3A_16 : i32
    "tpu.region"() ({
      %run_scoped3A = tpu.sem_alloc : memref<!tpu.dma_semaphore, #tpu.memory_space<semaphore_mem>>
      %dma_start3A_269 = arith.constant 0 : i32
      %dma_start3A_270 = tpu.memref_slice %arg4[%add3A_17, %dma_start3A_269] : memref<10240x128xf32, #tpu.memory_space<hbm>> -> memref<160x128xf32, #tpu.memory_space<hbm>>
      %dma_start3A_271 = arith.constant 0 : i32
      %dma_start3A_272 = tpu.memref_slice %arg4[%add3A_17, %dma_start3A_271] : memref<10240x128xf32, #tpu.memory_space<hbm>> -> memref<160x128xf32, #tpu.memory_space<hbm>>
      tpu.enqueue_dma source(%dma_start3A_272 : memref<160x128xf32, #tpu.memory_space<hbm>>) target(%arg10 : memref<160x128xf32, #tpu.memory_space<vmem>>) target_semaphore(%run_scoped3A : memref<!tpu.dma_semaphore, #tpu.memory_space<semaphore_mem>>)
      %dma_wait3A_273 = arith.constant 0 : i32
      %dma_wait3A_274 = tpu.memref_slice %arg4[%add3A_17, %dma_wait3A_273] : memref<10240x128xf32, #tpu.memory_space<hbm>> -> memref<160x128xf32, #tpu.memory_space<hbm>>
      %dma_wait3A_275 = arith.constant 0 : i32
      %dma_wait3A_276 = tpu.memref_slice %arg4[%add3A_17, %dma_wait3A_275] : memref<10240x128xf32, #tpu.memory_space<hbm>> -> memref<160x128xf32, #tpu.memory_space<hbm>>
      tpu.wait_dma2 semaphore(%run_scoped3A : memref<!tpu.dma_semaphore, #tpu.memory_space<semaphore_mem>>) src(%dma_wait3A_276 : memref<160x128xf32, #tpu.memory_space<hbm>>) dst(%arg10 : memref<160x128xf32, #tpu.memory_space<vmem>>)
      tpu.yield
    }) : () -> ()
    "tpu.region"() ({
      %run_scoped3A = tpu.sem_alloc : memref<!tpu.dma_semaphore, #tpu.memory_space<semaphore_mem>>
      %dma_start3A_269 = arith.constant 0 : i32
      %dma_start3A_270 = tpu.memref_slice %arg12[%add3A_17, %dma_start3A_269] : memref<10240x128xf32, #tpu.memory_space<vmem_shared>> -> memref<160x128xf32, #tpu.memory_space<vmem_shared>>
      %dma_start3A_271 = arith.constant 0 : i32
      %dma_start3A_272 = tpu.memref_slice %arg12[%add3A_17, %dma_start3A_271] : memref<10240x128xf32, #tpu.memory_space<vmem_shared>> -> memref<160x128xf32, #tpu.memory_space<vmem_shared>>
      tpu.enqueue_dma source(%arg10 : memref<160x128xf32, #tpu.memory_space<vmem>>) target(%dma_start3A_272 : memref<160x128xf32, #tpu.memory_space<vmem_shared>>) target_semaphore(%run_scoped3A : memref<!tpu.dma_semaphore, #tpu.memory_space<semaphore_mem>>)
      %dma_wait3A_273 = arith.constant 0 : i32
      %dma_wait3A_274 = tpu.memref_slice %arg12[%add3A_17, %dma_wait3A_273] : memref<10240x128xf32, #tpu.memory_space<vmem_shared>> -> memref<160x128xf32, #tpu.memory_space<vmem_shared>>
      %dma_wait3A_275 = arith.constant 0 : i32
      %dma_wait3A_276 = tpu.memref_slice %arg12[%add3A_17, %dma_wait3A_275] : memref<10240x128xf32, #tpu.memory_space<vmem_shared>> -> memref<160x128xf32, #tpu.memory_space<vmem_shared>>
      tpu.wait_dma2 semaphore(%run_scoped3A : memref<!tpu.dma_semaphore, #tpu.memory_space<semaphore_mem>>) src(%arg10 : memref<160x128xf32, #tpu.memory_space<vmem>>) dst(%dma_wait3A_276 : memref<160x128xf32, #tpu.memory_space<vmem_shared>>)
      tpu.yield
    }) : () -> ()
    %mul3A_18 = arith.constant 640 : i32
    %mul3A_19 = arith.muli %arg1, %mul3A_18 : i32
    %add3A_20 = arith.constant 320 : i32
    %add3A_21 = arith.addi %mul3A_19, %add3A_20 : i32
    "tpu.region"() ({
      %run_scoped3A = tpu.sem_alloc : memref<!tpu.dma_semaphore, #tpu.memory_space<semaphore_mem>>
      %dma_start3A_269 = arith.constant 0 : i32
      %dma_start3A_270 = tpu.memref_slice %arg4[%add3A_21, %dma_start3A_269] : memref<10240x128xf32, #tpu.memory_space<hbm>> -> memref<160x128xf32, #tpu.memory_space<hbm>>
      %dma_start3A_271 = arith.constant 0 : i32
      %dma_start3A_272 = tpu.memref_slice %arg4[%add3A_21, %dma_start3A_271] : memref<10240x128xf32, #tpu.memory_space<hbm>> -> memref<160x128xf32, #tpu.memory_space<hbm>>
      tpu.enqueue_dma source(%dma_start3A_272 : memref<160x128xf32, #tpu.memory_space<hbm>>) target(%arg10 : memref<160x128xf32, #tpu.memory_space<vmem>>) target_semaphore(%run_scoped3A : memref<!tpu.dma_semaphore, #tpu.memory_space<semaphore_mem>>)
      %dma_wait3A_273 = arith.constant 0 : i32
      %dma_wait3A_274 = tpu.memref_slice %arg4[%add3A_21, %dma_wait3A_273] : memref<10240x128xf32, #tpu.memory_space<hbm>> -> memref<160x128xf32, #tpu.memory_space<hbm>>
      %dma_wait3A_275 = arith.constant 0 : i32
      %dma_wait3A_276 = tpu.memref_slice %arg4[%add3A_21, %dma_wait3A_275] : memref<10240x128xf32, #tpu.memory_space<hbm>> -> memref<160x128xf32, #tpu.memory_space<hbm>>
      tpu.wait_dma2 semaphore(%run_scoped3A : memref<!tpu.dma_semaphore, #tpu.memory_space<semaphore_mem>>) src(%dma_wait3A_276 : memref<160x128xf32, #tpu.memory_space<hbm>>) dst(%arg10 : memref<160x128xf32, #tpu.memory_space<vmem>>)
      tpu.yield
    }) : () -> ()
    "tpu.region"() ({
      %run_scoped3A = tpu.sem_alloc : memref<!tpu.dma_semaphore, #tpu.memory_space<semaphore_mem>>
      %dma_start3A_269 = arith.constant 0 : i32
      %dma_start3A_270 = tpu.memref_slice %arg12[%add3A_21, %dma_start3A_269] : memref<10240x128xf32, #tpu.memory_space<vmem_shared>> -> memref<160x128xf32, #tpu.memory_space<vmem_shared>>
      %dma_start3A_271 = arith.constant 0 : i32
      %dma_start3A_272 = tpu.memref_slice %arg12[%add3A_21, %dma_start3A_271] : memref<10240x128xf32, #tpu.memory_space<vmem_shared>> -> memref<160x128xf32, #tpu.memory_space<vmem_shared>>
      tpu.enqueue_dma source(%arg10 : memref<160x128xf32, #tpu.memory_space<vmem>>) target(%dma_start3A_272 : memref<160x128xf32, #tpu.memory_space<vmem_shared>>) target_semaphore(%run_scoped3A : memref<!tpu.dma_semaphore, #tpu.memory_space<semaphore_mem>>)
      %dma_wait3A_273 = arith.constant 0 : i32
      %dma_wait3A_274 = tpu.memref_slice %arg12[%add3A_21, %dma_wait3A_273] : memref<10240x128xf32, #tpu.memory_space<vmem_shared>> -> memref<160x128xf32, #tpu.memory_space<vmem_shared>>
      %dma_wait3A_275 = arith.constant 0 : i32
      %dma_wait3A_276 = tpu.memref_slice %arg12[%add3A_21, %dma_wait3A_275] : memref<10240x128xf32, #tpu.memory_space<vmem_shared>> -> memref<160x128xf32, #tpu.memory_space<vmem_shared>>
      tpu.wait_dma2 semaphore(%run_scoped3A : memref<!tpu.dma_semaphore, #tpu.memory_space<semaphore_mem>>) src(%arg10 : memref<160x128xf32, #tpu.memory_space<vmem>>) dst(%dma_wait3A_276 : memref<160x128xf32, #tpu.memory_space<vmem_shared>>)
      tpu.yield
    }) : () -> ()
    %mul3A_22 = arith.constant 640 : i32
    %mul3A_23 = arith.muli %arg1, %mul3A_22 : i32
    %add3A_24 = arith.constant 480 : i32
    %add3A_25 = arith.addi %mul3A_23, %add3A_24 : i32
    "tpu.region"() ({
      %run_scoped3A = tpu.sem_alloc : memref<!tpu.dma_semaphore, #tpu.memory_space<semaphore_mem>>
      %dma_start3A_269 = arith.constant 0 : i32
      %dma_start3A_270 = tpu.memref_slice %arg4[%add3A_25, %dma_start3A_269] : memref<10240x128xf32, #tpu.memory_space<hbm>> -> memref<160x128xf32, #tpu.memory_space<hbm>>
      %dma_start3A_271 = arith.constant 0 : i32
      %dma_start3A_272 = tpu.memref_slice %arg4[%add3A_25, %dma_start3A_271] : memref<10240x128xf32, #tpu.memory_space<hbm>> -> memref<160x128xf32, #tpu.memory_space<hbm>>
      tpu.enqueue_dma source(%dma_start3A_272 : memref<160x128xf32, #tpu.memory_space<hbm>>) target(%arg10 : memref<160x128xf32, #tpu.memory_space<vmem>>) target_semaphore(%run_scoped3A : memref<!tpu.dma_semaphore, #tpu.memory_space<semaphore_mem>>)
      %dma_wait3A_273 = arith.constant 0 : i32
      %dma_wait3A_274 = tpu.memref_slice %arg4[%add3A_25, %dma_wait3A_273] : memref<10240x128xf32, #tpu.memory_space<hbm>> -> memref<160x128xf32, #tpu.memory_space<hbm>>
      %dma_wait3A_275 = arith.constant 0 : i32
      %dma_wait3A_276 = tpu.memref_slice %arg4[%add3A_25, %dma_wait3A_275] : memref<10240x128xf32, #tpu.memory_space<hbm>> -> memref<160x128xf32, #tpu.memory_space<hbm>>
      tpu.wait_dma2 semaphore(%run_scoped3A : memref<!tpu.dma_semaphore, #tpu.memory_space<semaphore_mem>>) src(%dma_wait3A_276 : memref<160x128xf32, #tpu.memory_space<hbm>>) dst(%arg10 : memref<160x128xf32, #tpu.memory_space<vmem>>)
      tpu.yield
    }) : () -> ()
    "tpu.region"() ({
      %run_scoped3A = tpu.sem_alloc : memref<!tpu.dma_semaphore, #tpu.memory_space<semaphore_mem>>
      %dma_start3A_269 = arith.constant 0 : i32
      %dma_start3A_270 = tpu.memref_slice %arg12[%add3A_25, %dma_start3A_269] : memref<10240x128xf32, #tpu.memory_space<vmem_shared>> -> memref<160x128xf32, #tpu.memory_space<vmem_shared>>
      %dma_start3A_271 = arith.constant 0 : i32
      %dma_start3A_272 = tpu.memref_slice %arg12[%add3A_25, %dma_start3A_271] : memref<10240x128xf32, #tpu.memory_space<vmem_shared>> -> memref<160x128xf32, #tpu.memory_space<vmem_shared>>
      tpu.enqueue_dma source(%arg10 : memref<160x128xf32, #tpu.memory_space<vmem>>) target(%dma_start3A_272 : memref<160x128xf32, #tpu.memory_space<vmem_shared>>) target_semaphore(%run_scoped3A : memref<!tpu.dma_semaphore, #tpu.memory_space<semaphore_mem>>)
      %dma_wait3A_273 = arith.constant 0 : i32
      %dma_wait3A_274 = tpu.memref_slice %arg12[%add3A_25, %dma_wait3A_273] : memref<10240x128xf32, #tpu.memory_space<vmem_shared>> -> memref<160x128xf32, #tpu.memory_space<vmem_shared>>
      %dma_wait3A_275 = arith.constant 0 : i32
      %dma_wait3A_276 = tpu.memref_slice %arg12[%add3A_25, %dma_wait3A_275] : memref<10240x128xf32, #tpu.memory_space<vmem_shared>> -> memref<160x128xf32, #tpu.memory_space<vmem_shared>>
      tpu.wait_dma2 semaphore(%run_scoped3A : memref<!tpu.dma_semaphore, #tpu.memory_space<semaphore_mem>>) src(%arg10 : memref<160x128xf32, #tpu.memory_space<vmem>>) dst(%dma_wait3A_276 : memref<160x128xf32, #tpu.memory_space<vmem_shared>>)
      tpu.yield
    }) : () -> ()
    %barrier3A = arith.constant 0 : index
    tpu.barrier barrier_id(%barrier3A)
    %dma_wait3A = tpu.memref_slice %arg2[%mul3A_2] : memref<819200xi32, #tpu.memory_space<hbm>> -> memref<1600xi32, #tpu.memory_space<hbm>>
    %dma_wait3A_26 = tpu.memref_slice %arg2[%mul3A_2] : memref<819200xi32, #tpu.memory_space<hbm>> -> memref<1600xi32, #tpu.memory_space<hbm>>
    tpu.wait_dma2 semaphore(%arg13 : memref<!tpu.dma_semaphore, #tpu.memory_space<semaphore_mem>>) src(%dma_wait3A_26 : memref<1600xi32, #tpu.memory_space<hbm>>) dst(%arg6 : memref<1600xi32, #tpu.memory_space<vmem>>)
    %dma_start3A_27 = arith.constant 0 : i32
    %dma_start3A_28 = tpu.memref_slice %arg3[%dma_start3A_27] : memref<100096xi32, #tpu.memory_space<hbm>> -> memref<100096xi32, #tpu.memory_space<hbm>>
    tpu.enqueue_indirect_dma source(%dma_start3A_28 : memref<100096xi32, #tpu.memory_space<hbm>>) target(%arg8 : memref<1600xi32, #tpu.memory_space<vmem>>) offsets(%arg6 : memref<1600xi32, #tpu.memory_space<vmem>>) semaphore(%arg15 : memref<!tpu.dma_semaphore, #tpu.memory_space<semaphore_mem>>)
    %dma_wait3A_29 = arith.constant 0 : i32
    %dma_wait3A_30 = tpu.memref_slice %arg3[%dma_wait3A_29] : memref<100096xi32, #tpu.memory_space<hbm>> -> memref<1600xi32, #tpu.memory_space<hbm>>
    %dma_wait3A_31 = arith.constant 0 : i32
    %dma_wait3A_32 = tpu.memref_slice %arg3[%dma_wait3A_31] : memref<100096xi32, #tpu.memory_space<hbm>> -> memref<1600xi32, #tpu.memory_space<hbm>>
    tpu.wait_dma2 semaphore(%arg15 : memref<!tpu.dma_semaphore, #tpu.memory_space<semaphore_mem>>) src(%dma_wait3A_32 : memref<1600xi32, #tpu.memory_space<hbm>>) dst(%arg8 : memref<1600xi32, #tpu.memory_space<vmem>>)
    %dma_start3A_33 = arith.constant 0 : i32
    %dma_start3A_34 = tpu.memref_slice %arg8[%dma_start3A_33] : memref<1600xi32, #tpu.memory_space<vmem>> -> memref<160xi32, #tpu.memory_space<vmem>>
    %dma_start3A_35 = arith.constant 0 : i32
    %dma_start3A_36 = arith.constant 0 : i32
    %dma_start3A_37 = tpu.memref_slice %arg12[%dma_start3A_35, %dma_start3A_36] : memref<10240x128xf32, #tpu.memory_space<vmem_shared>> -> memref<10240x128xf32, #tpu.memory_space<vmem_shared>>
    tpu.enqueue_indirect_dma source(%dma_start3A_37 : memref<10240x128xf32, #tpu.memory_space<vmem_shared>>) target(%arg10 : memref<160x128xf32, #tpu.memory_space<vmem>>) offsets(%dma_start3A_34 : memref<160xi32, #tpu.memory_space<vmem>>) semaphore(%arg17 : memref<!tpu.dma_semaphore, #tpu.memory_space<semaphore_mem>>)
    %dma_wait3A_38 = tpu.memref_slice %arg2[%mul3A_2] : memref<819200xi32, #tpu.memory_space<hbm>> -> memref<1600xi32, #tpu.memory_space<hbm>>
    %dma_wait3A_39 = tpu.memref_slice %arg2[%mul3A_2] : memref<819200xi32, #tpu.memory_space<hbm>> -> memref<1600xi32, #tpu.memory_space<hbm>>
    tpu.wait_dma2 semaphore(%arg14 : memref<!tpu.dma_semaphore, #tpu.memory_space<semaphore_mem>>) src(%dma_wait3A_39 : memref<1600xi32, #tpu.memory_space<hbm>>) dst(%arg7 : memref<1600xi32, #tpu.memory_space<vmem>>)
    %dma_start3A_40 = arith.constant 0 : i32
    %dma_start3A_41 = tpu.memref_slice %arg3[%dma_start3A_40] : memref<100096xi32, #tpu.memory_space<hbm>> -> memref<100096xi32, #tpu.memory_space<hbm>>
    tpu.enqueue_indirect_dma source(%dma_start3A_41 : memref<100096xi32, #tpu.memory_space<hbm>>) target(%arg9 : memref<1600xi32, #tpu.memory_space<vmem>>) offsets(%arg7 : memref<1600xi32, #tpu.memory_space<vmem>>) semaphore(%arg16 : memref<!tpu.dma_semaphore, #tpu.memory_space<semaphore_mem>>)
    %add3A_42 = arith.constant 3200 : i32
    %add3A_43 = arith.addi %mul3A_2, %add3A_42 : i32
    %dma_start3A_44 = tpu.memref_slice %arg2[%add3A_43] : memref<819200xi32, #tpu.memory_space<hbm>> -> memref<1600xi32, #tpu.memory_space<hbm>>
    %dma_start3A_45 = tpu.memref_slice %arg2[%add3A_43] : memref<819200xi32, #tpu.memory_space<hbm>> -> memref<1600xi32, #tpu.memory_space<hbm>>
    tpu.enqueue_dma source(%dma_start3A_45 : memref<1600xi32, #tpu.memory_space<hbm>>) target(%arg6 : memref<1600xi32, #tpu.memory_space<vmem>>) target_semaphore(%arg13 : memref<!tpu.dma_semaphore, #tpu.memory_space<semaphore_mem>>)
    %scan3A = arith.constant 0 : i32
    %scan3A_46 = arith.constant 0 : i32
    %scan3A_47 = arith.constant 10 : i32
    %scan3A_48 = arith.addi %scan3A_46, %scan3A_47 : i32
    %scan3A_49 = arith.constant 1 : i32
    %scan3A_50 = scf.for %scan3A_269 = %scan3A_46 to %scan3A_48 step %scan3A_49 iter_args(%scan3A_270 = %scan3A) -> (i32)  : i32 {
      %rem3A = arith.constant 2 : i32
      %rem3A_271 = arith.remsi %scan3A_269, %rem3A : i32
      %eq3A = arith.constant 0 : i32
      %eq3A_272 = arith.cmpi eq, %rem3A_271, %eq3A : i32
      %convert_element_type3A = arith.extui %eq3A_272 : i1 to i32
      %cond3A = arith.constant 0 : i32
      %cond3A_273 = arith.cmpi ne, %convert_element_type3A, %cond3A : i32
      scf.if %cond3A_273 {
        %add3A_280 = arith.constant 0 : i32
        %add3A_281 = arith.addi %scan3A_269, %add3A_280 : i32
        %gt3A = arith.constant 0 : i32
        %gt3A_282 = arith.cmpi sgt, %add3A_281, %gt3A : i32
        %convert_element_type3A_283 = arith.extui %gt3A_282 : i1 to i32
        %cond3A_284 = arith.constant 0 : i32
        %cond3A_285 = arith.cmpi ne, %convert_element_type3A_283, %cond3A_284 : i32
        scf.if %cond3A_285 {
          %dma_wait3A_309 = arith.constant 0 : i32
          %dma_wait3A_310 = tpu.memref_slice %arg5[%mul3A_2, %dma_wait3A_309] : memref<819200x128xf32, #tpu.memory_space<hbm>> -> memref<160x128xf32, #tpu.memory_space<hbm>>
          %dma_wait3A_311 = arith.constant 0 : i32
          %dma_wait3A_312 = tpu.memref_slice %arg5[%mul3A_2, %dma_wait3A_311] : memref<819200x128xf32, #tpu.memory_space<hbm>> -> memref<160x128xf32, #tpu.memory_space<hbm>>
          tpu.wait_dma2 semaphore(%arg20 : memref<!tpu.dma_semaphore, #tpu.memory_space<semaphore_mem>>) src(%arg11 : memref<160x128xf32, #tpu.memory_space<vmem>>) dst(%dma_wait3A_312 : memref<160x128xf32, #tpu.memory_space<hbm>>)
        } else {
        }
        %lt3A = arith.constant 9 : i32
        %lt3A_286 = arith.cmpi slt, %scan3A_269, %lt3A : i32
        %convert_element_type3A_287 = arith.extui %lt3A_286 : i1 to i32
        %cond3A_288 = arith.constant 0 : i32
        %cond3A_289 = arith.cmpi ne, %convert_element_type3A_287, %cond3A_288 : i32
        scf.if %cond3A_289 {
          %add3A_309 = arith.constant 1 : i32
          %add3A_310 = arith.addi %scan3A_269, %add3A_309 : i32
          %mul3A_311 = arith.constant 160 : i32
          %mul3A_312 = arith.muli %add3A_310, %mul3A_311 : i32
          %dma_start3A_313 = tpu.memref_slice %arg8[%mul3A_312] : memref<1600xi32, #tpu.memory_space<vmem>> -> memref<160xi32, #tpu.memory_space<vmem>>
          %dma_start3A_314 = arith.constant 0 : i32
          %dma_start3A_315 = arith.constant 0 : i32
          %dma_start3A_316 = tpu.memref_slice %arg12[%dma_start3A_314, %dma_start3A_315] : memref<10240x128xf32, #tpu.memory_space<vmem_shared>> -> memref<10240x128xf32, #tpu.memory_space<vmem_shared>>
          tpu.enqueue_indirect_dma source(%dma_start3A_316 : memref<10240x128xf32, #tpu.memory_space<vmem_shared>>) target(%arg11 : memref<160x128xf32, #tpu.memory_space<vmem>>) offsets(%dma_start3A_313 : memref<160xi32, #tpu.memory_space<vmem>>) semaphore(%arg18 : memref<!tpu.dma_semaphore, #tpu.memory_space<semaphore_mem>>)
        } else {
        }
        %eq3A_290 = arith.constant 9 : i32
        %eq3A_291 = arith.cmpi eq, %scan3A_269, %eq3A_290 : i32
        %convert_element_type3A_292 = arith.extui %eq3A_291 : i1 to i32
        %cond3A_293 = arith.constant 0 : i32
        %cond3A_294 = arith.cmpi ne, %convert_element_type3A_292, %cond3A_293 : i32
        scf.if %cond3A_294 {
          %dma_wait3A_309 = arith.constant 0 : i32
          %dma_wait3A_310 = tpu.memref_slice %arg3[%dma_wait3A_309] : memref<100096xi32, #tpu.memory_space<hbm>> -> memref<1600xi32, #tpu.memory_space<hbm>>
          %dma_wait3A_311 = arith.constant 0 : i32
          %dma_wait3A_312 = tpu.memref_slice %arg3[%dma_wait3A_311] : memref<100096xi32, #tpu.memory_space<hbm>> -> memref<1600xi32, #tpu.memory_space<hbm>>
          tpu.wait_dma2 semaphore(%arg16 : memref<!tpu.dma_semaphore, #tpu.memory_space<semaphore_mem>>) src(%dma_wait3A_312 : memref<1600xi32, #tpu.memory_space<hbm>>) dst(%arg9 : memref<1600xi32, #tpu.memory_space<vmem>>)
          %dma_start3A_313 = arith.constant 0 : i32
          %dma_start3A_314 = tpu.memref_slice %arg9[%dma_start3A_313] : memref<1600xi32, #tpu.memory_space<vmem>> -> memref<160xi32, #tpu.memory_space<vmem>>
          %dma_start3A_315 = arith.constant 0 : i32
          %dma_start3A_316 = arith.constant 0 : i32
          %dma_start3A_317 = tpu.memref_slice %arg12[%dma_start3A_315, %dma_start3A_316] : memref<10240x128xf32, #tpu.memory_space<vmem_shared>> -> memref<10240x128xf32, #tpu.memory_space<vmem_shared>>
          tpu.enqueue_indirect_dma source(%dma_start3A_317 : memref<10240x128xf32, #tpu.memory_space<vmem_shared>>) target(%arg11 : memref<160x128xf32, #tpu.memory_space<vmem>>) offsets(%dma_start3A_314 : memref<160xi32, #tpu.memory_space<vmem>>) semaphore(%arg18 : memref<!tpu.dma_semaphore, #tpu.memory_space<semaphore_mem>>)
        } else {
        }
        %dma_wait3A_295 = arith.constant 0 : i32
        %dma_wait3A_296 = tpu.memref_slice %arg8[%dma_wait3A_295] : memref<1600xi32, #tpu.memory_space<vmem>> -> memref<160xi32, #tpu.memory_space<vmem>>
        %dma_wait3A_297 = arith.constant 0 : i32
        %dma_wait3A_298 = arith.constant 0 : i32
        %dma_wait3A_299 = tpu.memref_slice %arg12[%dma_wait3A_297, %dma_wait3A_298] : memref<10240x128xf32, #tpu.memory_space<vmem_shared>> -> memref<10240x128xf32, #tpu.memory_space<vmem_shared>>
        tpu.wait_indirect_dma semaphore(%arg17 : memref<!tpu.dma_semaphore, #tpu.memory_space<semaphore_mem>>) src(%dma_wait3A_299 : memref<10240x128xf32, #tpu.memory_space<vmem_shared>>) dst(%arg10 : memref<160x128xf32, #tpu.memory_space<vmem>>)
        %add3A_300 = arith.constant 0 : i32
        %add3A_301 = arith.addi %add3A_300, %scan3A_269 : i32
        %mul3A_302 = arith.constant 160 : i32
        %mul3A_303 = arith.muli %add3A_301, %mul3A_302 : i32
        %add3A_304 = arith.addi %mul3A_2, %mul3A_303 : i32
        %dma_start3A_305 = arith.constant 0 : i32
        %dma_start3A_306 = tpu.memref_slice %arg5[%add3A_304, %dma_start3A_305] : memref<819200x128xf32, #tpu.memory_space<hbm>> -> memref<160x128xf32, #tpu.memory_space<hbm>>
        %dma_start3A_307 = arith.constant 0 : i32
        %dma_start3A_308 = tpu.memref_slice %arg5[%add3A_304, %dma_start3A_307] : memref<819200x128xf32, #tpu.memory_space<hbm>> -> memref<160x128xf32, #tpu.memory_space<hbm>>
        tpu.enqueue_dma source(%arg10 : memref<160x128xf32, #tpu.memory_space<vmem>>) target(%dma_start3A_308 : memref<160x128xf32, #tpu.memory_space<hbm>>) target_semaphore(%arg19 : memref<!tpu.dma_semaphore, #tpu.memory_space<semaphore_mem>>)
      } else {
      }
      %eq3A_274 = arith.constant 1 : i32
      %eq3A_275 = arith.cmpi eq, %rem3A_271, %eq3A_274 : i32
      %convert_element_type3A_276 = arith.extui %eq3A_275 : i1 to i32
      %cond3A_277 = arith.constant 0 : i32
      %cond3A_278 = arith.cmpi ne, %convert_element_type3A_276, %cond3A_277 : i32
      scf.if %cond3A_278 {
        %add3A_280 = arith.constant 0 : i32
        %add3A_281 = arith.addi %scan3A_269, %add3A_280 : i32
        %gt3A = arith.constant 0 : i32
        %gt3A_282 = arith.cmpi sgt, %add3A_281, %gt3A : i32
        %convert_element_type3A_283 = arith.extui %gt3A_282 : i1 to i32
        %cond3A_284 = arith.constant 0 : i32
        %cond3A_285 = arith.cmpi ne, %convert_element_type3A_283, %cond3A_284 : i32
        scf.if %cond3A_285 {
          %dma_wait3A_309 = arith.constant 0 : i32
          %dma_wait3A_310 = tpu.memref_slice %arg5[%mul3A_2, %dma_wait3A_309] : memref<819200x128xf32, #tpu.memory_space<hbm>> -> memref<160x128xf32, #tpu.memory_space<hbm>>
          %dma_wait3A_311 = arith.constant 0 : i32
          %dma_wait3A_312 = tpu.memref_slice %arg5[%mul3A_2, %dma_wait3A_311] : memref<819200x128xf32, #tpu.memory_space<hbm>> -> memref<160x128xf32, #tpu.memory_space<hbm>>
          tpu.wait_dma2 semaphore(%arg19 : memref<!tpu.dma_semaphore, #tpu.memory_space<semaphore_mem>>) src(%arg10 : memref<160x128xf32, #tpu.memory_space<vmem>>) dst(%dma_wait3A_312 : memref<160x128xf32, #tpu.memory_space<hbm>>)
        } else {
        }
        %lt3A = arith.constant 9 : i32
        %lt3A_286 = arith.cmpi slt, %scan3A_269, %lt3A : i32
        %convert_element_type3A_287 = arith.extui %lt3A_286 : i1 to i32
        %cond3A_288 = arith.constant 0 : i32
        %cond3A_289 = arith.cmpi ne, %convert_element_type3A_287, %cond3A_288 : i32
        scf.if %cond3A_289 {
          %add3A_309 = arith.constant 1 : i32
          %add3A_310 = arith.addi %scan3A_269, %add3A_309 : i32
          %mul3A_311 = arith.constant 160 : i32
          %mul3A_312 = arith.muli %add3A_310, %mul3A_311 : i32
          %dma_start3A_313 = tpu.memref_slice %arg8[%mul3A_312] : memref<1600xi32, #tpu.memory_space<vmem>> -> memref<160xi32, #tpu.memory_space<vmem>>
          %dma_start3A_314 = arith.constant 0 : i32
          %dma_start3A_315 = arith.constant 0 : i32
          %dma_start3A_316 = tpu.memref_slice %arg12[%dma_start3A_314, %dma_start3A_315] : memref<10240x128xf32, #tpu.memory_space<vmem_shared>> -> memref<10240x128xf32, #tpu.memory_space<vmem_shared>>
          tpu.enqueue_indirect_dma source(%dma_start3A_316 : memref<10240x128xf32, #tpu.memory_space<vmem_shared>>) target(%arg10 : memref<160x128xf32, #tpu.memory_space<vmem>>) offsets(%dma_start3A_313 : memref<160xi32, #tpu.memory_space<vmem>>) semaphore(%arg17 : memref<!tpu.dma_semaphore, #tpu.memory_space<semaphore_mem>>)
        } else {
        }
        %eq3A_290 = arith.constant 9 : i32
        %eq3A_291 = arith.cmpi eq, %scan3A_269, %eq3A_290 : i32
        %convert_element_type3A_292 = arith.extui %eq3A_291 : i1 to i32
        %cond3A_293 = arith.constant 0 : i32
        %cond3A_294 = arith.cmpi ne, %convert_element_type3A_292, %cond3A_293 : i32
        scf.if %cond3A_294 {
          %dma_wait3A_309 = arith.constant 0 : i32
          %dma_wait3A_310 = tpu.memref_slice %arg3[%dma_wait3A_309] : memref<100096xi32, #tpu.memory_space<hbm>> -> memref<1600xi32, #tpu.memory_space<hbm>>
          %dma_wait3A_311 = arith.constant 0 : i32
          %dma_wait3A_312 = tpu.memref_slice %arg3[%dma_wait3A_311] : memref<100096xi32, #tpu.memory_space<hbm>> -> memref<1600xi32, #tpu.memory_space<hbm>>
          tpu.wait_dma2 semaphore(%arg16 : memref<!tpu.dma_semaphore, #tpu.memory_space<semaphore_mem>>) src(%dma_wait3A_312 : memref<1600xi32, #tpu.memory_space<hbm>>) dst(%arg9 : memref<1600xi32, #tpu.memory_space<vmem>>)
          %dma_start3A_313 = arith.constant 0 : i32
          %dma_start3A_314 = tpu.memref_slice %arg9[%dma_start3A_313] : memref<1600xi32, #tpu.memory_space<vmem>> -> memref<160xi32, #tpu.memory_space<vmem>>
          %dma_start3A_315 = arith.constant 0 : i32
          %dma_start3A_316 = arith.constant 0 : i32
          %dma_start3A_317 = tpu.memref_slice %arg12[%dma_start3A_315, %dma_start3A_316] : memref<10240x128xf32, #tpu.memory_space<vmem_shared>> -> memref<10240x128xf32, #tpu.memory_space<vmem_shared>>
          tpu.enqueue_indirect_dma source(%dma_start3A_317 : memref<10240x128xf32, #tpu.memory_space<vmem_shared>>) target(%arg10 : memref<160x128xf32, #tpu.memory_space<vmem>>) offsets(%dma_start3A_314 : memref<160xi32, #tpu.memory_space<vmem>>) semaphore(%arg17 : memref<!tpu.dma_semaphore, #tpu.memory_space<semaphore_mem>>)
        } else {
        }
        %dma_wait3A_295 = arith.constant 0 : i32
        %dma_wait3A_296 = tpu.memref_slice %arg8[%dma_wait3A_295] : memref<1600xi32, #tpu.memory_space<vmem>> -> memref<160xi32, #tpu.memory_space<vmem>>
        %dma_wait3A_297 = arith.constant 0 : i32
        %dma_wait3A_298 = arith.constant 0 : i32
        %dma_wait3A_299 = tpu.memref_slice %arg12[%dma_wait3A_297, %dma_wait3A_298] : memref<10240x128xf32, #tpu.memory_space<vmem_shared>> -> memref<10240x128xf32, #tpu.memory_space<vmem_shared>>
        tpu.wait_indirect_dma semaphore(%arg18 : memref<!tpu.dma_semaphore, #tpu.memory_space<semaphore_mem>>) src(%dma_wait3A_299 : memref<10240x128xf32, #tpu.memory_space<vmem_shared>>) dst(%arg11 : memref<160x128xf32, #tpu.memory_space<vmem>>)
        %add3A_300 = arith.constant 0 : i32
        %add3A_301 = arith.addi %add3A_300, %scan3A_269 : i32
        %mul3A_302 = arith.constant 160 : i32
        %mul3A_303 = arith.muli %add3A_301, %mul3A_302 : i32
        %add3A_304 = arith.addi %mul3A_2, %mul3A_303 : i32
        %dma_start3A_305 = arith.constant 0 : i32
        %dma_start3A_306 = tpu.memref_slice %arg5[%add3A_304, %dma_start3A_305] : memref<819200x128xf32, #tpu.memory_space<hbm>> -> memref<160x128xf32, #tpu.memory_space<hbm>>
        %dma_start3A_307 = arith.constant 0 : i32
        %dma_start3A_308 = tpu.memref_slice %arg5[%add3A_304, %dma_start3A_307] : memref<819200x128xf32, #tpu.memory_space<hbm>> -> memref<160x128xf32, #tpu.memory_space<hbm>>
        tpu.enqueue_dma source(%arg11 : memref<160x128xf32, #tpu.memory_space<vmem>>) target(%dma_start3A_308 : memref<160x128xf32, #tpu.memory_space<hbm>>) target_semaphore(%arg20 : memref<!tpu.dma_semaphore, #tpu.memory_space<semaphore_mem>>)
      } else {
      }
      %scan3A_279 = arith.constant 0 : i32
      scf.yield %scan3A_279 : i32
    }
    %scan3A_51 = arith.constant 10 : i32
    %dma_wait3A_52 = tpu.memref_slice %arg2[%mul3A_2] : memref<819200xi32, #tpu.memory_space<hbm>> -> memref<1600xi32, #tpu.memory_space<hbm>>
    %dma_wait3A_53 = tpu.memref_slice %arg2[%mul3A_2] : memref<819200xi32, #tpu.memory_space<hbm>> -> memref<1600xi32, #tpu.memory_space<hbm>>
    tpu.wait_dma2 semaphore(%arg13 : memref<!tpu.dma_semaphore, #tpu.memory_space<semaphore_mem>>) src(%dma_wait3A_53 : memref<1600xi32, #tpu.memory_space<hbm>>) dst(%arg6 : memref<1600xi32, #tpu.memory_space<vmem>>)
    %dma_start3A_54 = arith.constant 0 : i32
    %dma_start3A_55 = tpu.memref_slice %arg3[%dma_start3A_54] : memref<100096xi32, #tpu.memory_space<hbm>> -> memref<100096xi32, #tpu.memory_space<hbm>>
    tpu.enqueue_indirect_dma source(%dma_start3A_55 : memref<100096xi32, #tpu.memory_space<hbm>>) target(%arg8 : memref<1600xi32, #tpu.memory_space<vmem>>) offsets(%arg6 : memref<1600xi32, #tpu.memory_space<vmem>>) semaphore(%arg15 : memref<!tpu.dma_semaphore, #tpu.memory_space<semaphore_mem>>)
    %add3A_56 = arith.constant 4800 : i32
    %add3A_57 = arith.addi %mul3A_2, %add3A_56 : i32
    %dma_start3A_58 = tpu.memref_slice %arg2[%add3A_57] : memref<819200xi32, #tpu.memory_space<hbm>> -> memref<1600xi32, #tpu.memory_space<hbm>>
    %dma_start3A_59 = tpu.memref_slice %arg2[%add3A_57] : memref<819200xi32, #tpu.memory_space<hbm>> -> memref<1600xi32, #tpu.memory_space<hbm>>
    tpu.enqueue_dma source(%dma_start3A_59 : memref<1600xi32, #tpu.memory_space<hbm>>) target(%arg7 : memref<1600xi32, #tpu.memory_space<vmem>>) target_semaphore(%arg14 : memref<!tpu.dma_semaphore, #tpu.memory_space<semaphore_mem>>)
    %scan3A_60 = arith.constant 0 : i32
    %scan3A_61 = arith.constant 0 : i32
    %scan3A_62 = arith.constant 10 : i32
    %scan3A_63 = arith.addi %scan3A_61, %scan3A_62 : i32
    %scan3A_64 = arith.constant 1 : i32
    %scan3A_65 = scf.for %scan3A_269 = %scan3A_61 to %scan3A_63 step %scan3A_64 iter_args(%scan3A_270 = %scan3A_60) -> (i32)  : i32 {
      %rem3A = arith.constant 2 : i32
      %rem3A_271 = arith.remsi %scan3A_269, %rem3A : i32
      %eq3A = arith.constant 0 : i32
      %eq3A_272 = arith.cmpi eq, %rem3A_271, %eq3A : i32
      %convert_element_type3A = arith.extui %eq3A_272 : i1 to i32
      %cond3A = arith.constant 0 : i32
      %cond3A_273 = arith.cmpi ne, %convert_element_type3A, %cond3A : i32
      scf.if %cond3A_273 {
        %add3A_280 = arith.constant 1 : i32
        %add3A_281 = arith.addi %scan3A_269, %add3A_280 : i32
        %gt3A = arith.constant 0 : i32
        %gt3A_282 = arith.cmpi sgt, %add3A_281, %gt3A : i32
        %convert_element_type3A_283 = arith.extui %gt3A_282 : i1 to i32
        %cond3A_284 = arith.constant 0 : i32
        %cond3A_285 = arith.cmpi ne, %convert_element_type3A_283, %cond3A_284 : i32
        scf.if %cond3A_285 {
          %dma_wait3A_309 = arith.constant 0 : i32
          %dma_wait3A_310 = tpu.memref_slice %arg5[%mul3A_2, %dma_wait3A_309] : memref<819200x128xf32, #tpu.memory_space<hbm>> -> memref<160x128xf32, #tpu.memory_space<hbm>>
          %dma_wait3A_311 = arith.constant 0 : i32
          %dma_wait3A_312 = tpu.memref_slice %arg5[%mul3A_2, %dma_wait3A_311] : memref<819200x128xf32, #tpu.memory_space<hbm>> -> memref<160x128xf32, #tpu.memory_space<hbm>>
          tpu.wait_dma2 semaphore(%arg20 : memref<!tpu.dma_semaphore, #tpu.memory_space<semaphore_mem>>) src(%arg11 : memref<160x128xf32, #tpu.memory_space<vmem>>) dst(%dma_wait3A_312 : memref<160x128xf32, #tpu.memory_space<hbm>>)
        } else {
        }
        %lt3A = arith.constant 9 : i32
        %lt3A_286 = arith.cmpi slt, %scan3A_269, %lt3A : i32
        %convert_element_type3A_287 = arith.extui %lt3A_286 : i1 to i32
        %cond3A_288 = arith.constant 0 : i32
        %cond3A_289 = arith.cmpi ne, %convert_element_type3A_287, %cond3A_288 : i32
        scf.if %cond3A_289 {
          %add3A_309 = arith.constant 1 : i32
          %add3A_310 = arith.addi %scan3A_269, %add3A_309 : i32
          %mul3A_311 = arith.constant 160 : i32
          %mul3A_312 = arith.muli %add3A_310, %mul3A_311 : i32
          %dma_start3A_313 = tpu.memref_slice %arg9[%mul3A_312] : memref<1600xi32, #tpu.memory_space<vmem>> -> memref<160xi32, #tpu.memory_space<vmem>>
          %dma_start3A_314 = arith.constant 0 : i32
          %dma_start3A_315 = arith.constant 0 : i32
          %dma_start3A_316 = tpu.memref_slice %arg12[%dma_start3A_314, %dma_start3A_315] : memref<10240x128xf32, #tpu.memory_space<vmem_shared>> -> memref<10240x128xf32, #tpu.memory_space<vmem_shared>>
          tpu.enqueue_indirect_dma source(%dma_start3A_316 : memref<10240x128xf32, #tpu.memory_space<vmem_shared>>) target(%arg11 : memref<160x128xf32, #tpu.memory_space<vmem>>) offsets(%dma_start3A_313 : memref<160xi32, #tpu.memory_space<vmem>>) semaphore(%arg18 : memref<!tpu.dma_semaphore, #tpu.memory_space<semaphore_mem>>)
        } else {
        }
        %eq3A_290 = arith.constant 9 : i32
        %eq3A_291 = arith.cmpi eq, %scan3A_269, %eq3A_290 : i32
        %convert_element_type3A_292 = arith.extui %eq3A_291 : i1 to i32
        %cond3A_293 = arith.constant 0 : i32
        %cond3A_294 = arith.cmpi ne, %convert_element_type3A_292, %cond3A_293 : i32
        scf.if %cond3A_294 {
          %dma_wait3A_309 = arith.constant 0 : i32
          %dma_wait3A_310 = tpu.memref_slice %arg3[%dma_wait3A_309] : memref<100096xi32, #tpu.memory_space<hbm>> -> memref<1600xi32, #tpu.memory_space<hbm>>
          %dma_wait3A_311 = arith.constant 0 : i32
          %dma_wait3A_312 = tpu.memref_slice %arg3[%dma_wait3A_311] : memref<100096xi32, #tpu.memory_space<hbm>> -> memref<1600xi32, #tpu.memory_space<hbm>>
          tpu.wait_dma2 semaphore(%arg15 : memref<!tpu.dma_semaphore, #tpu.memory_space<semaphore_mem>>) src(%dma_wait3A_312 : memref<1600xi32, #tpu.memory_space<hbm>>) dst(%arg8 : memref<1600xi32, #tpu.memory_space<vmem>>)
          %dma_start3A_313 = arith.constant 0 : i32
          %dma_start3A_314 = tpu.memref_slice %arg8[%dma_start3A_313] : memref<1600xi32, #tpu.memory_space<vmem>> -> memref<160xi32, #tpu.memory_space<vmem>>
          %dma_start3A_315 = arith.constant 0 : i32
          %dma_start3A_316 = arith.constant 0 : i32
          %dma_start3A_317 = tpu.memref_slice %arg12[%dma_start3A_315, %dma_start3A_316] : memref<10240x128xf32, #tpu.memory_space<vmem_shared>> -> memref<10240x128xf32, #tpu.memory_space<vmem_shared>>
          tpu.enqueue_indirect_dma source(%dma_start3A_317 : memref<10240x128xf32, #tpu.memory_space<vmem_shared>>) target(%arg11 : memref<160x128xf32, #tpu.memory_space<vmem>>) offsets(%dma_start3A_314 : memref<160xi32, #tpu.memory_space<vmem>>) semaphore(%arg18 : memref<!tpu.dma_semaphore, #tpu.memory_space<semaphore_mem>>)
        } else {
        }
        %dma_wait3A_295 = arith.constant 0 : i32
        %dma_wait3A_296 = tpu.memref_slice %arg8[%dma_wait3A_295] : memref<1600xi32, #tpu.memory_space<vmem>> -> memref<160xi32, #tpu.memory_space<vmem>>
        %dma_wait3A_297 = arith.constant 0 : i32
        %dma_wait3A_298 = arith.constant 0 : i32
        %dma_wait3A_299 = tpu.memref_slice %arg12[%dma_wait3A_297, %dma_wait3A_298] : memref<10240x128xf32, #tpu.memory_space<vmem_shared>> -> memref<10240x128xf32, #tpu.memory_space<vmem_shared>>
        tpu.wait_indirect_dma semaphore(%arg17 : memref<!tpu.dma_semaphore, #tpu.memory_space<semaphore_mem>>) src(%dma_wait3A_299 : memref<10240x128xf32, #tpu.memory_space<vmem_shared>>) dst(%arg10 : memref<160x128xf32, #tpu.memory_space<vmem>>)
        %add3A_300 = arith.constant 10 : i32
        %add3A_301 = arith.addi %add3A_300, %scan3A_269 : i32
        %mul3A_302 = arith.constant 160 : i32
        %mul3A_303 = arith.muli %add3A_301, %mul3A_302 : i32
        %add3A_304 = arith.addi %mul3A_2, %mul3A_303 : i32
        %dma_start3A_305 = arith.constant 0 : i32
        %dma_start3A_306 = tpu.memref_slice %arg5[%add3A_304, %dma_start3A_305] : memref<819200x128xf32, #tpu.memory_space<hbm>> -> memref<160x128xf32, #tpu.memory_space<hbm>>
        %dma_start3A_307 = arith.constant 0 : i32
        %dma_start3A_308 = tpu.memref_slice %arg5[%add3A_304, %dma_start3A_307] : memref<819200x128xf32, #tpu.memory_space<hbm>> -> memref<160x128xf32, #tpu.memory_space<hbm>>
        tpu.enqueue_dma source(%arg10 : memref<160x128xf32, #tpu.memory_space<vmem>>) target(%dma_start3A_308 : memref<160x128xf32, #tpu.memory_space<hbm>>) target_semaphore(%arg19 : memref<!tpu.dma_semaphore, #tpu.memory_space<semaphore_mem>>)
      } else {
      }
      %eq3A_274 = arith.constant 1 : i32
      %eq3A_275 = arith.cmpi eq, %rem3A_271, %eq3A_274 : i32
      %convert_element_type3A_276 = arith.extui %eq3A_275 : i1 to i32
      %cond3A_277 = arith.constant 0 : i32
      %cond3A_278 = arith.cmpi ne, %convert_element_type3A_276, %cond3A_277 : i32
      scf.if %cond3A_278 {
        %add3A_280 = arith.constant 1 : i32
        %add3A_281 = arith.addi %scan3A_269, %add3A_280 : i32
        %gt3A = arith.constant 0 : i32
        %gt3A_282 = arith.cmpi sgt, %add3A_281, %gt3A : i32
        %convert_element_type3A_283 = arith.extui %gt3A_282 : i1 to i32
        %cond3A_284 = arith.constant 0 : i32
        %cond3A_285 = arith.cmpi ne, %convert_element_type3A_283, %cond3A_284 : i32
        scf.if %cond3A_285 {
          %dma_wait3A_309 = arith.constant 0 : i32
          %dma_wait3A_310 = tpu.memref_slice %arg5[%mul3A_2, %dma_wait3A_309] : memref<819200x128xf32, #tpu.memory_space<hbm>> -> memref<160x128xf32, #tpu.memory_space<hbm>>
          %dma_wait3A_311 = arith.constant 0 : i32
          %dma_wait3A_312 = tpu.memref_slice %arg5[%mul3A_2, %dma_wait3A_311] : memref<819200x128xf32, #tpu.memory_space<hbm>> -> memref<160x128xf32, #tpu.memory_space<hbm>>
          tpu.wait_dma2 semaphore(%arg19 : memref<!tpu.dma_semaphore, #tpu.memory_space<semaphore_mem>>) src(%arg10 : memref<160x128xf32, #tpu.memory_space<vmem>>) dst(%dma_wait3A_312 : memref<160x128xf32, #tpu.memory_space<hbm>>)
        } else {
        }
        %lt3A = arith.constant 9 : i32
        %lt3A_286 = arith.cmpi slt, %scan3A_269, %lt3A : i32
        %convert_element_type3A_287 = arith.extui %lt3A_286 : i1 to i32
        %cond3A_288 = arith.constant 0 : i32
        %cond3A_289 = arith.cmpi ne, %convert_element_type3A_287, %cond3A_288 : i32
        scf.if %cond3A_289 {
          %add3A_309 = arith.constant 1 : i32
          %add3A_310 = arith.addi %scan3A_269, %add3A_309 : i32
          %mul3A_311 = arith.constant 160 : i32
          %mul3A_312 = arith.muli %add3A_310, %mul3A_311 : i32
          %dma_start3A_313 = tpu.memref_slice %arg9[%mul3A_312] : memref<1600xi32, #tpu.memory_space<vmem>> -> memref<160xi32, #tpu.memory_space<vmem>>
          %dma_start3A_314 = arith.constant 0 : i32
          %dma_start3A_315 = arith.constant 0 : i32
          %dma_start3A_316 = tpu.memref_slice %arg12[%dma_start3A_314, %dma_start3A_315] : memref<10240x128xf32, #tpu.memory_space<vmem_shared>> -> memref<10240x128xf32, #tpu.memory_space<vmem_shared>>
          tpu.enqueue_indirect_dma source(%dma_start3A_316 : memref<10240x128xf32, #tpu.memory_space<vmem_shared>>) target(%arg10 : memref<160x128xf32, #tpu.memory_space<vmem>>) offsets(%dma_start3A_313 : memref<160xi32, #tpu.memory_space<vmem>>) semaphore(%arg17 : memref<!tpu.dma_semaphore, #tpu.memory_space<semaphore_mem>>)
        } else {
        }
        %eq3A_290 = arith.constant 9 : i32
        %eq3A_291 = arith.cmpi eq, %scan3A_269, %eq3A_290 : i32
        %convert_element_type3A_292 = arith.extui %eq3A_291 : i1 to i32
        %cond3A_293 = arith.constant 0 : i32
        %cond3A_294 = arith.cmpi ne, %convert_element_type3A_292, %cond3A_293 : i32
        scf.if %cond3A_294 {
          %dma_wait3A_309 = arith.constant 0 : i32
          %dma_wait3A_310 = tpu.memref_slice %arg3[%dma_wait3A_309] : memref<100096xi32, #tpu.memory_space<hbm>> -> memref<1600xi32, #tpu.memory_space<hbm>>
          %dma_wait3A_311 = arith.constant 0 : i32
          %dma_wait3A_312 = tpu.memref_slice %arg3[%dma_wait3A_311] : memref<100096xi32, #tpu.memory_space<hbm>> -> memref<1600xi32, #tpu.memory_space<hbm>>
          tpu.wait_dma2 semaphore(%arg15 : memref<!tpu.dma_semaphore, #tpu.memory_space<semaphore_mem>>) src(%dma_wait3A_312 : memref<1600xi32, #tpu.memory_space<hbm>>) dst(%arg8 : memref<1600xi32, #tpu.memory_space<vmem>>)
          %dma_start3A_313 = arith.constant 0 : i32
          %dma_start3A_314 = tpu.memref_slice %arg8[%dma_start3A_313] : memref<1600xi32, #tpu.memory_space<vmem>> -> memref<160xi32, #tpu.memory_space<vmem>>
          %dma_start3A_315 = arith.constant 0 : i32
          %dma_start3A_316 = arith.constant 0 : i32
          %dma_start3A_317 = tpu.memref_slice %arg12[%dma_start3A_315, %dma_start3A_316] : memref<10240x128xf32, #tpu.memory_space<vmem_shared>> -> memref<10240x128xf32, #tpu.memory_space<vmem_shared>>
          tpu.enqueue_indirect_dma source(%dma_start3A_317 : memref<10240x128xf32, #tpu.memory_space<vmem_shared>>) target(%arg10 : memref<160x128xf32, #tpu.memory_space<vmem>>) offsets(%dma_start3A_314 : memref<160xi32, #tpu.memory_space<vmem>>) semaphore(%arg17 : memref<!tpu.dma_semaphore, #tpu.memory_space<semaphore_mem>>)
        } else {
        }
        %dma_wait3A_295 = arith.constant 0 : i32
        %dma_wait3A_296 = tpu.memref_slice %arg8[%dma_wait3A_295] : memref<1600xi32, #tpu.memory_space<vmem>> -> memref<160xi32, #tpu.memory_space<vmem>>
        %dma_wait3A_297 = arith.constant 0 : i32
        %dma_wait3A_298 = arith.constant 0 : i32
        %dma_wait3A_299 = tpu.memref_slice %arg12[%dma_wait3A_297, %dma_wait3A_298] : memref<10240x128xf32, #tpu.memory_space<vmem_shared>> -> memref<10240x128xf32, #tpu.memory_space<vmem_shared>>
        tpu.wait_indirect_dma semaphore(%arg18 : memref<!tpu.dma_semaphore, #tpu.memory_space<semaphore_mem>>) src(%dma_wait3A_299 : memref<10240x128xf32, #tpu.memory_space<vmem_shared>>) dst(%arg11 : memref<160x128xf32, #tpu.memory_space<vmem>>)
        %add3A_300 = arith.constant 10 : i32
        %add3A_301 = arith.addi %add3A_300, %scan3A_269 : i32
        %mul3A_302 = arith.constant 160 : i32
        %mul3A_303 = arith.muli %add3A_301, %mul3A_302 : i32
        %add3A_304 = arith.addi %mul3A_2, %mul3A_303 : i32
        %dma_start3A_305 = arith.constant 0 : i32
        %dma_start3A_306 = tpu.memref_slice %arg5[%add3A_304, %dma_start3A_305] : memref<819200x128xf32, #tpu.memory_space<hbm>> -> memref<160x128xf32, #tpu.memory_space<hbm>>
        %dma_start3A_307 = arith.constant 0 : i32
        %dma_start3A_308 = tpu.memref_slice %arg5[%add3A_304, %dma_start3A_307] : memref<819200x128xf32, #tpu.memory_space<hbm>> -> memref<160x128xf32, #tpu.memory_space<hbm>>
        tpu.enqueue_dma source(%arg11 : memref<160x128xf32, #tpu.memory_space<vmem>>) target(%dma_start3A_308 : memref<160x128xf32, #tpu.memory_space<hbm>>) target_semaphore(%arg20 : memref<!tpu.dma_semaphore, #tpu.memory_space<semaphore_mem>>)
      } else {
      }
      %scan3A_279 = arith.constant 0 : i32
      scf.yield %scan3A_279 : i32
    }
    %scan3A_66 = arith.constant 10 : i32
    %dma_wait3A_67 = tpu.memref_slice %arg2[%mul3A_2] : memref<819200xi32, #tpu.memory_space<hbm>> -> memref<1600xi32, #tpu.memory_space<hbm>>
    %dma_wait3A_68 = tpu.memref_slice %arg2[%mul3A_2] : memref<819200xi32, #tpu.memory_space<hbm>> -> memref<1600xi32, #tpu.memory_space<hbm>>
    tpu.wait_dma2 semaphore(%arg14 : memref<!tpu.dma_semaphore, #tpu.memory_space<semaphore_mem>>) src(%dma_wait3A_68 : memref<1600xi32, #tpu.memory_space<hbm>>) dst(%arg7 : memref<1600xi32, #tpu.memory_space<vmem>>)
    %dma_start3A_69 = arith.constant 0 : i32
    %dma_start3A_70 = tpu.memref_slice %arg3[%dma_start3A_69] : memref<100096xi32, #tpu.memory_space<hbm>> -> memref<100096xi32, #tpu.memory_space<hbm>>
    tpu.enqueue_indirect_dma source(%dma_start3A_70 : memref<100096xi32, #tpu.memory_space<hbm>>) target(%arg9 : memref<1600xi32, #tpu.memory_space<vmem>>) offsets(%arg7 : memref<1600xi32, #tpu.memory_space<vmem>>) semaphore(%arg16 : memref<!tpu.dma_semaphore, #tpu.memory_space<semaphore_mem>>)
    %add3A_71 = arith.constant 6400 : i32
    %add3A_72 = arith.addi %mul3A_2, %add3A_71 : i32
    %dma_start3A_73 = tpu.memref_slice %arg2[%add3A_72] : memref<819200xi32, #tpu.memory_space<hbm>> -> memref<1600xi32, #tpu.memory_space<hbm>>
    %dma_start3A_74 = tpu.memref_slice %arg2[%add3A_72] : memref<819200xi32, #tpu.memory_space<hbm>> -> memref<1600xi32, #tpu.memory_space<hbm>>
    tpu.enqueue_dma source(%dma_start3A_74 : memref<1600xi32, #tpu.memory_space<hbm>>) target(%arg6 : memref<1600xi32, #tpu.memory_space<vmem>>) target_semaphore(%arg13 : memref<!tpu.dma_semaphore, #tpu.memory_space<semaphore_mem>>)
    %scan3A_75 = arith.constant 0 : i32
    %scan3A_76 = arith.constant 0 : i32
    %scan3A_77 = arith.constant 10 : i32
    %scan3A_78 = arith.addi %scan3A_76, %scan3A_77 : i32
    %scan3A_79 = arith.constant 1 : i32
    %scan3A_80 = scf.for %scan3A_269 = %scan3A_76 to %scan3A_78 step %scan3A_79 iter_args(%scan3A_270 = %scan3A_75) -> (i32)  : i32 {
      %rem3A = arith.constant 2 : i32
      %rem3A_271 = arith.remsi %scan3A_269, %rem3A : i32
      %eq3A = arith.constant 0 : i32
      %eq3A_272 = arith.cmpi eq, %rem3A_271, %eq3A : i32
      %convert_element_type3A = arith.extui %eq3A_272 : i1 to i32
      %cond3A = arith.constant 0 : i32
      %cond3A_273 = arith.cmpi ne, %convert_element_type3A, %cond3A : i32
      scf.if %cond3A_273 {
        %add3A_280 = arith.constant 2 : i32
        %add3A_281 = arith.addi %scan3A_269, %add3A_280 : i32
        %gt3A = arith.constant 0 : i32
        %gt3A_282 = arith.cmpi sgt, %add3A_281, %gt3A : i32
        %convert_element_type3A_283 = arith.extui %gt3A_282 : i1 to i32
        %cond3A_284 = arith.constant 0 : i32
        %cond3A_285 = arith.cmpi ne, %convert_element_type3A_283, %cond3A_284 : i32
        scf.if %cond3A_285 {
          %dma_wait3A_309 = arith.constant 0 : i32
          %dma_wait3A_310 = tpu.memref_slice %arg5[%mul3A_2, %dma_wait3A_309] : memref<819200x128xf32, #tpu.memory_space<hbm>> -> memref<160x128xf32, #tpu.memory_space<hbm>>
          %dma_wait3A_311 = arith.constant 0 : i32
          %dma_wait3A_312 = tpu.memref_slice %arg5[%mul3A_2, %dma_wait3A_311] : memref<819200x128xf32, #tpu.memory_space<hbm>> -> memref<160x128xf32, #tpu.memory_space<hbm>>
          tpu.wait_dma2 semaphore(%arg20 : memref<!tpu.dma_semaphore, #tpu.memory_space<semaphore_mem>>) src(%arg11 : memref<160x128xf32, #tpu.memory_space<vmem>>) dst(%dma_wait3A_312 : memref<160x128xf32, #tpu.memory_space<hbm>>)
        } else {
        }
        %lt3A = arith.constant 9 : i32
        %lt3A_286 = arith.cmpi slt, %scan3A_269, %lt3A : i32
        %convert_element_type3A_287 = arith.extui %lt3A_286 : i1 to i32
        %cond3A_288 = arith.constant 0 : i32
        %cond3A_289 = arith.cmpi ne, %convert_element_type3A_287, %cond3A_288 : i32
        scf.if %cond3A_289 {
          %add3A_309 = arith.constant 1 : i32
          %add3A_310 = arith.addi %scan3A_269, %add3A_309 : i32
          %mul3A_311 = arith.constant 160 : i32
          %mul3A_312 = arith.muli %add3A_310, %mul3A_311 : i32
          %dma_start3A_313 = tpu.memref_slice %arg8[%mul3A_312] : memref<1600xi32, #tpu.memory_space<vmem>> -> memref<160xi32, #tpu.memory_space<vmem>>
          %dma_start3A_314 = arith.constant 0 : i32
          %dma_start3A_315 = arith.constant 0 : i32
          %dma_start3A_316 = tpu.memref_slice %arg12[%dma_start3A_314, %dma_start3A_315] : memref<10240x128xf32, #tpu.memory_space<vmem_shared>> -> memref<10240x128xf32, #tpu.memory_space<vmem_shared>>
          tpu.enqueue_indirect_dma source(%dma_start3A_316 : memref<10240x128xf32, #tpu.memory_space<vmem_shared>>) target(%arg11 : memref<160x128xf32, #tpu.memory_space<vmem>>) offsets(%dma_start3A_313 : memref<160xi32, #tpu.memory_space<vmem>>) semaphore(%arg18 : memref<!tpu.dma_semaphore, #tpu.memory_space<semaphore_mem>>)
        } else {
        }
        %eq3A_290 = arith.constant 9 : i32
        %eq3A_291 = arith.cmpi eq, %scan3A_269, %eq3A_290 : i32
        %convert_element_type3A_292 = arith.extui %eq3A_291 : i1 to i32
        %cond3A_293 = arith.constant 0 : i32
        %cond3A_294 = arith.cmpi ne, %convert_element_type3A_292, %cond3A_293 : i32
        scf.if %cond3A_294 {
          %dma_wait3A_309 = arith.constant 0 : i32
          %dma_wait3A_310 = tpu.memref_slice %arg3[%dma_wait3A_309] : memref<100096xi32, #tpu.memory_space<hbm>> -> memref<1600xi32, #tpu.memory_space<hbm>>
          %dma_wait3A_311 = arith.constant 0 : i32
          %dma_wait3A_312 = tpu.memref_slice %arg3[%dma_wait3A_311] : memref<100096xi32, #tpu.memory_space<hbm>> -> memref<1600xi32, #tpu.memory_space<hbm>>
          tpu.wait_dma2 semaphore(%arg16 : memref<!tpu.dma_semaphore, #tpu.memory_space<semaphore_mem>>) src(%dma_wait3A_312 : memref<1600xi32, #tpu.memory_space<hbm>>) dst(%arg9 : memref<1600xi32, #tpu.memory_space<vmem>>)
          %dma_start3A_313 = arith.constant 0 : i32
          %dma_start3A_314 = tpu.memref_slice %arg9[%dma_start3A_313] : memref<1600xi32, #tpu.memory_space<vmem>> -> memref<160xi32, #tpu.memory_space<vmem>>
          %dma_start3A_315 = arith.constant 0 : i32
          %dma_start3A_316 = arith.constant 0 : i32
          %dma_start3A_317 = tpu.memref_slice %arg12[%dma_start3A_315, %dma_start3A_316] : memref<10240x128xf32, #tpu.memory_space<vmem_shared>> -> memref<10240x128xf32, #tpu.memory_space<vmem_shared>>
          tpu.enqueue_indirect_dma source(%dma_start3A_317 : memref<10240x128xf32, #tpu.memory_space<vmem_shared>>) target(%arg11 : memref<160x128xf32, #tpu.memory_space<vmem>>) offsets(%dma_start3A_314 : memref<160xi32, #tpu.memory_space<vmem>>) semaphore(%arg18 : memref<!tpu.dma_semaphore, #tpu.memory_space<semaphore_mem>>)
        } else {
        }
        %dma_wait3A_295 = arith.constant 0 : i32
        %dma_wait3A_296 = tpu.memref_slice %arg8[%dma_wait3A_295] : memref<1600xi32, #tpu.memory_space<vmem>> -> memref<160xi32, #tpu.memory_space<vmem>>
        %dma_wait3A_297 = arith.constant 0 : i32
        %dma_wait3A_298 = arith.constant 0 : i32
        %dma_wait3A_299 = tpu.memref_slice %arg12[%dma_wait3A_297, %dma_wait3A_298] : memref<10240x128xf32, #tpu.memory_space<vmem_shared>> -> memref<10240x128xf32, #tpu.memory_space<vmem_shared>>
        tpu.wait_indirect_dma semaphore(%arg17 : memref<!tpu.dma_semaphore, #tpu.memory_space<semaphore_mem>>) src(%dma_wait3A_299 : memref<10240x128xf32, #tpu.memory_space<vmem_shared>>) dst(%arg10 : memref<160x128xf32, #tpu.memory_space<vmem>>)
        %add3A_300 = arith.constant 20 : i32
        %add3A_301 = arith.addi %add3A_300, %scan3A_269 : i32
        %mul3A_302 = arith.constant 160 : i32
        %mul3A_303 = arith.muli %add3A_301, %mul3A_302 : i32
        %add3A_304 = arith.addi %mul3A_2, %mul3A_303 : i32
        %dma_start3A_305 = arith.constant 0 : i32
        %dma_start3A_306 = tpu.memref_slice %arg5[%add3A_304, %dma_start3A_305] : memref<819200x128xf32, #tpu.memory_space<hbm>> -> memref<160x128xf32, #tpu.memory_space<hbm>>
        %dma_start3A_307 = arith.constant 0 : i32
        %dma_start3A_308 = tpu.memref_slice %arg5[%add3A_304, %dma_start3A_307] : memref<819200x128xf32, #tpu.memory_space<hbm>> -> memref<160x128xf32, #tpu.memory_space<hbm>>
        tpu.enqueue_dma source(%arg10 : memref<160x128xf32, #tpu.memory_space<vmem>>) target(%dma_start3A_308 : memref<160x128xf32, #tpu.memory_space<hbm>>) target_semaphore(%arg19 : memref<!tpu.dma_semaphore, #tpu.memory_space<semaphore_mem>>)
      } else {
      }
      %eq3A_274 = arith.constant 1 : i32
      %eq3A_275 = arith.cmpi eq, %rem3A_271, %eq3A_274 : i32
      %convert_element_type3A_276 = arith.extui %eq3A_275 : i1 to i32
      %cond3A_277 = arith.constant 0 : i32
      %cond3A_278 = arith.cmpi ne, %convert_element_type3A_276, %cond3A_277 : i32
      scf.if %cond3A_278 {
        %add3A_280 = arith.constant 2 : i32
        %add3A_281 = arith.addi %scan3A_269, %add3A_280 : i32
        %gt3A = arith.constant 0 : i32
        %gt3A_282 = arith.cmpi sgt, %add3A_281, %gt3A : i32
        %convert_element_type3A_283 = arith.extui %gt3A_282 : i1 to i32
        %cond3A_284 = arith.constant 0 : i32
        %cond3A_285 = arith.cmpi ne, %convert_element_type3A_283, %cond3A_284 : i32
        scf.if %cond3A_285 {
          %dma_wait3A_309 = arith.constant 0 : i32
          %dma_wait3A_310 = tpu.memref_slice %arg5[%mul3A_2, %dma_wait3A_309] : memref<819200x128xf32, #tpu.memory_space<hbm>> -> memref<160x128xf32, #tpu.memory_space<hbm>>
          %dma_wait3A_311 = arith.constant 0 : i32
          %dma_wait3A_312 = tpu.memref_slice %arg5[%mul3A_2, %dma_wait3A_311] : memref<819200x128xf32, #tpu.memory_space<hbm>> -> memref<160x128xf32, #tpu.memory_space<hbm>>
          tpu.wait_dma2 semaphore(%arg19 : memref<!tpu.dma_semaphore, #tpu.memory_space<semaphore_mem>>) src(%arg10 : memref<160x128xf32, #tpu.memory_space<vmem>>) dst(%dma_wait3A_312 : memref<160x128xf32, #tpu.memory_space<hbm>>)
        } else {
        }
        %lt3A = arith.constant 9 : i32
        %lt3A_286 = arith.cmpi slt, %scan3A_269, %lt3A : i32
        %convert_element_type3A_287 = arith.extui %lt3A_286 : i1 to i32
        %cond3A_288 = arith.constant 0 : i32
        %cond3A_289 = arith.cmpi ne, %convert_element_type3A_287, %cond3A_288 : i32
        scf.if %cond3A_289 {
          %add3A_309 = arith.constant 1 : i32
          %add3A_310 = arith.addi %scan3A_269, %add3A_309 : i32
          %mul3A_311 = arith.constant 160 : i32
          %mul3A_312 = arith.muli %add3A_310, %mul3A_311 : i32
          %dma_start3A_313 = tpu.memref_slice %arg8[%mul3A_312] : memref<1600xi32, #tpu.memory_space<vmem>> -> memref<160xi32, #tpu.memory_space<vmem>>
          %dma_start3A_314 = arith.constant 0 : i32
          %dma_start3A_315 = arith.constant 0 : i32
          %dma_start3A_316 = tpu.memref_slice %arg12[%dma_start3A_314, %dma_start3A_315] : memref<10240x128xf32, #tpu.memory_space<vmem_shared>> -> memref<10240x128xf32, #tpu.memory_space<vmem_shared>>
          tpu.enqueue_indirect_dma source(%dma_start3A_316 : memref<10240x128xf32, #tpu.memory_space<vmem_shared>>) target(%arg10 : memref<160x128xf32, #tpu.memory_space<vmem>>) offsets(%dma_start3A_313 : memref<160xi32, #tpu.memory_space<vmem>>) semaphore(%arg17 : memref<!tpu.dma_semaphore, #tpu.memory_space<semaphore_mem>>)
        } else {
        }
        %eq3A_290 = arith.constant 9 : i32
        %eq3A_291 = arith.cmpi eq, %scan3A_269, %eq3A_290 : i32
        %convert_element_type3A_292 = arith.extui %eq3A_291 : i1 to i32
        %cond3A_293 = arith.constant 0 : i32
        %cond3A_294 = arith.cmpi ne, %convert_element_type3A_292, %cond3A_293 : i32
        scf.if %cond3A_294 {
          %dma_wait3A_309 = arith.constant 0 : i32
          %dma_wait3A_310 = tpu.memref_slice %arg3[%dma_wait3A_309] : memref<100096xi32, #tpu.memory_space<hbm>> -> memref<1600xi32, #tpu.memory_space<hbm>>
          %dma_wait3A_311 = arith.constant 0 : i32
          %dma_wait3A_312 = tpu.memref_slice %arg3[%dma_wait3A_311] : memref<100096xi32, #tpu.memory_space<hbm>> -> memref<1600xi32, #tpu.memory_space<hbm>>
          tpu.wait_dma2 semaphore(%arg16 : memref<!tpu.dma_semaphore, #tpu.memory_space<semaphore_mem>>) src(%dma_wait3A_312 : memref<1600xi32, #tpu.memory_space<hbm>>) dst(%arg9 : memref<1600xi32, #tpu.memory_space<vmem>>)
          %dma_start3A_313 = arith.constant 0 : i32
          %dma_start3A_314 = tpu.memref_slice %arg9[%dma_start3A_313] : memref<1600xi32, #tpu.memory_space<vmem>> -> memref<160xi32, #tpu.memory_space<vmem>>
          %dma_start3A_315 = arith.constant 0 : i32
          %dma_start3A_316 = arith.constant 0 : i32
          %dma_start3A_317 = tpu.memref_slice %arg12[%dma_start3A_315, %dma_start3A_316] : memref<10240x128xf32, #tpu.memory_space<vmem_shared>> -> memref<10240x128xf32, #tpu.memory_space<vmem_shared>>
          tpu.enqueue_indirect_dma source(%dma_start3A_317 : memref<10240x128xf32, #tpu.memory_space<vmem_shared>>) target(%arg10 : memref<160x128xf32, #tpu.memory_space<vmem>>) offsets(%dma_start3A_314 : memref<160xi32, #tpu.memory_space<vmem>>) semaphore(%arg17 : memref<!tpu.dma_semaphore, #tpu.memory_space<semaphore_mem>>)
        } else {
        }
        %dma_wait3A_295 = arith.constant 0 : i32
        %dma_wait3A_296 = tpu.memref_slice %arg8[%dma_wait3A_295] : memref<1600xi32, #tpu.memory_space<vmem>> -> memref<160xi32, #tpu.memory_space<vmem>>
        %dma_wait3A_297 = arith.constant 0 : i32
        %dma_wait3A_298 = arith.constant 0 : i32
        %dma_wait3A_299 = tpu.memref_slice %arg12[%dma_wait3A_297, %dma_wait3A_298] : memref<10240x128xf32, #tpu.memory_space<vmem_shared>> -> memref<10240x128xf32, #tpu.memory_space<vmem_shared>>
        tpu.wait_indirect_dma semaphore(%arg18 : memref<!tpu.dma_semaphore, #tpu.memory_space<semaphore_mem>>) src(%dma_wait3A_299 : memref<10240x128xf32, #tpu.memory_space<vmem_shared>>) dst(%arg11 : memref<160x128xf32, #tpu.memory_space<vmem>>)
        %add3A_300 = arith.constant 20 : i32
        %add3A_301 = arith.addi %add3A_300, %scan3A_269 : i32
        %mul3A_302 = arith.constant 160 : i32
        %mul3A_303 = arith.muli %add3A_301, %mul3A_302 : i32
        %add3A_304 = arith.addi %mul3A_2, %mul3A_303 : i32
        %dma_start3A_305 = arith.constant 0 : i32
        %dma_start3A_306 = tpu.memref_slice %arg5[%add3A_304, %dma_start3A_305] : memref<819200x128xf32, #tpu.memory_space<hbm>> -> memref<160x128xf32, #tpu.memory_space<hbm>>
        %dma_start3A_307 = arith.constant 0 : i32
        %dma_start3A_308 = tpu.memref_slice %arg5[%add3A_304, %dma_start3A_307] : memref<819200x128xf32, #tpu.memory_space<hbm>> -> memref<160x128xf32, #tpu.memory_space<hbm>>
        tpu.enqueue_dma source(%arg11 : memref<160x128xf32, #tpu.memory_space<vmem>>) target(%dma_start3A_308 : memref<160x128xf32, #tpu.memory_space<hbm>>) target_semaphore(%arg20 : memref<!tpu.dma_semaphore, #tpu.memory_space<semaphore_mem>>)
      } else {
      }
      %scan3A_279 = arith.constant 0 : i32
      scf.yield %scan3A_279 : i32
    }
    %scan3A_81 = arith.constant 10 : i32
    %dma_wait3A_82 = tpu.memref_slice %arg2[%mul3A_2] : memref<819200xi32, #tpu.memory_space<hbm>> -> memref<1600xi32, #tpu.memory_space<hbm>>
    %dma_wait3A_83 = tpu.memref_slice %arg2[%mul3A_2] : memref<819200xi32, #tpu.memory_space<hbm>> -> memref<1600xi32, #tpu.memory_space<hbm>>
    tpu.wait_dma2 semaphore(%arg13 : memref<!tpu.dma_semaphore, #tpu.memory_space<semaphore_mem>>) src(%dma_wait3A_83 : memref<1600xi32, #tpu.memory_space<hbm>>) dst(%arg6 : memref<1600xi32, #tpu.memory_space<vmem>>)
    %dma_start3A_84 = arith.constant 0 : i32
    %dma_start3A_85 = tpu.memref_slice %arg3[%dma_start3A_84] : memref<100096xi32, #tpu.memory_space<hbm>> -> memref<100096xi32, #tpu.memory_space<hbm>>
    tpu.enqueue_indirect_dma source(%dma_start3A_85 : memref<100096xi32, #tpu.memory_space<hbm>>) target(%arg8 : memref<1600xi32, #tpu.memory_space<vmem>>) offsets(%arg6 : memref<1600xi32, #tpu.memory_space<vmem>>) semaphore(%arg15 : memref<!tpu.dma_semaphore, #tpu.memory_space<semaphore_mem>>)
    %add3A_86 = arith.constant 8000 : i32
    %add3A_87 = arith.addi %mul3A_2, %add3A_86 : i32
    %dma_start3A_88 = tpu.memref_slice %arg2[%add3A_87] : memref<819200xi32, #tpu.memory_space<hbm>> -> memref<1600xi32, #tpu.memory_space<hbm>>
    %dma_start3A_89 = tpu.memref_slice %arg2[%add3A_87] : memref<819200xi32, #tpu.memory_space<hbm>> -> memref<1600xi32, #tpu.memory_space<hbm>>
    tpu.enqueue_dma source(%dma_start3A_89 : memref<1600xi32, #tpu.memory_space<hbm>>) target(%arg7 : memref<1600xi32, #tpu.memory_space<vmem>>) target_semaphore(%arg14 : memref<!tpu.dma_semaphore, #tpu.memory_space<semaphore_mem>>)
    %scan3A_90 = arith.constant 0 : i32
    %scan3A_91 = arith.constant 0 : i32
    %scan3A_92 = arith.constant 10 : i32
    %scan3A_93 = arith.addi %scan3A_91, %scan3A_92 : i32
    %scan3A_94 = arith.constant 1 : i32
    %scan3A_95 = scf.for %scan3A_269 = %scan3A_91 to %scan3A_93 step %scan3A_94 iter_args(%scan3A_270 = %scan3A_90) -> (i32)  : i32 {
      %rem3A = arith.constant 2 : i32
      %rem3A_271 = arith.remsi %scan3A_269, %rem3A : i32
      %eq3A = arith.constant 0 : i32
      %eq3A_272 = arith.cmpi eq, %rem3A_271, %eq3A : i32
      %convert_element_type3A = arith.extui %eq3A_272 : i1 to i32
      %cond3A = arith.constant 0 : i32
      %cond3A_273 = arith.cmpi ne, %convert_element_type3A, %cond3A : i32
      scf.if %cond3A_273 {
        %add3A_280 = arith.constant 3 : i32
        %add3A_281 = arith.addi %scan3A_269, %add3A_280 : i32
        %gt3A = arith.constant 0 : i32
        %gt3A_282 = arith.cmpi sgt, %add3A_281, %gt3A : i32
        %convert_element_type3A_283 = arith.extui %gt3A_282 : i1 to i32
        %cond3A_284 = arith.constant 0 : i32
        %cond3A_285 = arith.cmpi ne, %convert_element_type3A_283, %cond3A_284 : i32
        scf.if %cond3A_285 {
          %dma_wait3A_309 = arith.constant 0 : i32
          %dma_wait3A_310 = tpu.memref_slice %arg5[%mul3A_2, %dma_wait3A_309] : memref<819200x128xf32, #tpu.memory_space<hbm>> -> memref<160x128xf32, #tpu.memory_space<hbm>>
          %dma_wait3A_311 = arith.constant 0 : i32
          %dma_wait3A_312 = tpu.memref_slice %arg5[%mul3A_2, %dma_wait3A_311] : memref<819200x128xf32, #tpu.memory_space<hbm>> -> memref<160x128xf32, #tpu.memory_space<hbm>>
          tpu.wait_dma2 semaphore(%arg20 : memref<!tpu.dma_semaphore, #tpu.memory_space<semaphore_mem>>) src(%arg11 : memref<160x128xf32, #tpu.memory_space<vmem>>) dst(%dma_wait3A_312 : memref<160x128xf32, #tpu.memory_space<hbm>>)
        } else {
        }
        %lt3A = arith.constant 9 : i32
        %lt3A_286 = arith.cmpi slt, %scan3A_269, %lt3A : i32
        %convert_element_type3A_287 = arith.extui %lt3A_286 : i1 to i32
        %cond3A_288 = arith.constant 0 : i32
        %cond3A_289 = arith.cmpi ne, %convert_element_type3A_287, %cond3A_288 : i32
        scf.if %cond3A_289 {
          %add3A_309 = arith.constant 1 : i32
          %add3A_310 = arith.addi %scan3A_269, %add3A_309 : i32
          %mul3A_311 = arith.constant 160 : i32
          %mul3A_312 = arith.muli %add3A_310, %mul3A_311 : i32
          %dma_start3A_313 = tpu.memref_slice %arg9[%mul3A_312] : memref<1600xi32, #tpu.memory_space<vmem>> -> memref<160xi32, #tpu.memory_space<vmem>>
          %dma_start3A_314 = arith.constant 0 : i32
          %dma_start3A_315 = arith.constant 0 : i32
          %dma_start3A_316 = tpu.memref_slice %arg12[%dma_start3A_314, %dma_start3A_315] : memref<10240x128xf32, #tpu.memory_space<vmem_shared>> -> memref<10240x128xf32, #tpu.memory_space<vmem_shared>>
          tpu.enqueue_indirect_dma source(%dma_start3A_316 : memref<10240x128xf32, #tpu.memory_space<vmem_shared>>) target(%arg11 : memref<160x128xf32, #tpu.memory_space<vmem>>) offsets(%dma_start3A_313 : memref<160xi32, #tpu.memory_space<vmem>>) semaphore(%arg18 : memref<!tpu.dma_semaphore, #tpu.memory_space<semaphore_mem>>)
        } else {
        }
        %eq3A_290 = arith.constant 9 : i32
        %eq3A_291 = arith.cmpi eq, %scan3A_269, %eq3A_290 : i32
        %convert_element_type3A_292 = arith.extui %eq3A_291 : i1 to i32
        %cond3A_293 = arith.constant 0 : i32
        %cond3A_294 = arith.cmpi ne, %convert_element_type3A_292, %cond3A_293 : i32
        scf.if %cond3A_294 {
          %dma_wait3A_309 = arith.constant 0 : i32
          %dma_wait3A_310 = tpu.memref_slice %arg3[%dma_wait3A_309] : memref<100096xi32, #tpu.memory_space<hbm>> -> memref<1600xi32, #tpu.memory_space<hbm>>
          %dma_wait3A_311 = arith.constant 0 : i32
          %dma_wait3A_312 = tpu.memref_slice %arg3[%dma_wait3A_311] : memref<100096xi32, #tpu.memory_space<hbm>> -> memref<1600xi32, #tpu.memory_space<hbm>>
          tpu.wait_dma2 semaphore(%arg15 : memref<!tpu.dma_semaphore, #tpu.memory_space<semaphore_mem>>) src(%dma_wait3A_312 : memref<1600xi32, #tpu.memory_space<hbm>>) dst(%arg8 : memref<1600xi32, #tpu.memory_space<vmem>>)
          %dma_start3A_313 = arith.constant 0 : i32
          %dma_start3A_314 = tpu.memref_slice %arg8[%dma_start3A_313] : memref<1600xi32, #tpu.memory_space<vmem>> -> memref<160xi32, #tpu.memory_space<vmem>>
          %dma_start3A_315 = arith.constant 0 : i32
          %dma_start3A_316 = arith.constant 0 : i32
          %dma_start3A_317 = tpu.memref_slice %arg12[%dma_start3A_315, %dma_start3A_316] : memref<10240x128xf32, #tpu.memory_space<vmem_shared>> -> memref<10240x128xf32, #tpu.memory_space<vmem_shared>>
          tpu.enqueue_indirect_dma source(%dma_start3A_317 : memref<10240x128xf32, #tpu.memory_space<vmem_shared>>) target(%arg11 : memref<160x128xf32, #tpu.memory_space<vmem>>) offsets(%dma_start3A_314 : memref<160xi32, #tpu.memory_space<vmem>>) semaphore(%arg18 : memref<!tpu.dma_semaphore, #tpu.memory_space<semaphore_mem>>)
        } else {
        }
        %dma_wait3A_295 = arith.constant 0 : i32
        %dma_wait3A_296 = tpu.memref_slice %arg8[%dma_wait3A_295] : memref<1600xi32, #tpu.memory_space<vmem>> -> memref<160xi32, #tpu.memory_space<vmem>>
        %dma_wait3A_297 = arith.constant 0 : i32
        %dma_wait3A_298 = arith.constant 0 : i32
        %dma_wait3A_299 = tpu.memref_slice %arg12[%dma_wait3A_297, %dma_wait3A_298] : memref<10240x128xf32, #tpu.memory_space<vmem_shared>> -> memref<10240x128xf32, #tpu.memory_space<vmem_shared>>
        tpu.wait_indirect_dma semaphore(%arg17 : memref<!tpu.dma_semaphore, #tpu.memory_space<semaphore_mem>>) src(%dma_wait3A_299 : memref<10240x128xf32, #tpu.memory_space<vmem_shared>>) dst(%arg10 : memref<160x128xf32, #tpu.memory_space<vmem>>)
        %add3A_300 = arith.constant 30 : i32
        %add3A_301 = arith.addi %add3A_300, %scan3A_269 : i32
        %mul3A_302 = arith.constant 160 : i32
        %mul3A_303 = arith.muli %add3A_301, %mul3A_302 : i32
        %add3A_304 = arith.addi %mul3A_2, %mul3A_303 : i32
        %dma_start3A_305 = arith.constant 0 : i32
        %dma_start3A_306 = tpu.memref_slice %arg5[%add3A_304, %dma_start3A_305] : memref<819200x128xf32, #tpu.memory_space<hbm>> -> memref<160x128xf32, #tpu.memory_space<hbm>>
        %dma_start3A_307 = arith.constant 0 : i32
        %dma_start3A_308 = tpu.memref_slice %arg5[%add3A_304, %dma_start3A_307] : memref<819200x128xf32, #tpu.memory_space<hbm>> -> memref<160x128xf32, #tpu.memory_space<hbm>>
        tpu.enqueue_dma source(%arg10 : memref<160x128xf32, #tpu.memory_space<vmem>>) target(%dma_start3A_308 : memref<160x128xf32, #tpu.memory_space<hbm>>) target_semaphore(%arg19 : memref<!tpu.dma_semaphore, #tpu.memory_space<semaphore_mem>>)
      } else {
      }
      %eq3A_274 = arith.constant 1 : i32
      %eq3A_275 = arith.cmpi eq, %rem3A_271, %eq3A_274 : i32
      %convert_element_type3A_276 = arith.extui %eq3A_275 : i1 to i32
      %cond3A_277 = arith.constant 0 : i32
      %cond3A_278 = arith.cmpi ne, %convert_element_type3A_276, %cond3A_277 : i32
      scf.if %cond3A_278 {
        %add3A_280 = arith.constant 3 : i32
        %add3A_281 = arith.addi %scan3A_269, %add3A_280 : i32
        %gt3A = arith.constant 0 : i32
        %gt3A_282 = arith.cmpi sgt, %add3A_281, %gt3A : i32
        %convert_element_type3A_283 = arith.extui %gt3A_282 : i1 to i32
        %cond3A_284 = arith.constant 0 : i32
        %cond3A_285 = arith.cmpi ne, %convert_element_type3A_283, %cond3A_284 : i32
        scf.if %cond3A_285 {
          %dma_wait3A_309 = arith.constant 0 : i32
          %dma_wait3A_310 = tpu.memref_slice %arg5[%mul3A_2, %dma_wait3A_309] : memref<819200x128xf32, #tpu.memory_space<hbm>> -> memref<160x128xf32, #tpu.memory_space<hbm>>
          %dma_wait3A_311 = arith.constant 0 : i32
          %dma_wait3A_312 = tpu.memref_slice %arg5[%mul3A_2, %dma_wait3A_311] : memref<819200x128xf32, #tpu.memory_space<hbm>> -> memref<160x128xf32, #tpu.memory_space<hbm>>
          tpu.wait_dma2 semaphore(%arg19 : memref<!tpu.dma_semaphore, #tpu.memory_space<semaphore_mem>>) src(%arg10 : memref<160x128xf32, #tpu.memory_space<vmem>>) dst(%dma_wait3A_312 : memref<160x128xf32, #tpu.memory_space<hbm>>)
        } else {
        }
        %lt3A = arith.constant 9 : i32
        %lt3A_286 = arith.cmpi slt, %scan3A_269, %lt3A : i32
        %convert_element_type3A_287 = arith.extui %lt3A_286 : i1 to i32
        %cond3A_288 = arith.constant 0 : i32
        %cond3A_289 = arith.cmpi ne, %convert_element_type3A_287, %cond3A_288 : i32
        scf.if %cond3A_289 {
          %add3A_309 = arith.constant 1 : i32
          %add3A_310 = arith.addi %scan3A_269, %add3A_309 : i32
          %mul3A_311 = arith.constant 160 : i32
          %mul3A_312 = arith.muli %add3A_310, %mul3A_311 : i32
          %dma_start3A_313 = tpu.memref_slice %arg9[%mul3A_312] : memref<1600xi32, #tpu.memory_space<vmem>> -> memref<160xi32, #tpu.memory_space<vmem>>
          %dma_start3A_314 = arith.constant 0 : i32
          %dma_start3A_315 = arith.constant 0 : i32
          %dma_start3A_316 = tpu.memref_slice %arg12[%dma_start3A_314, %dma_start3A_315] : memref<10240x128xf32, #tpu.memory_space<vmem_shared>> -> memref<10240x128xf32, #tpu.memory_space<vmem_shared>>
          tpu.enqueue_indirect_dma source(%dma_start3A_316 : memref<10240x128xf32, #tpu.memory_space<vmem_shared>>) target(%arg10 : memref<160x128xf32, #tpu.memory_space<vmem>>) offsets(%dma_start3A_313 : memref<160xi32, #tpu.memory_space<vmem>>) semaphore(%arg17 : memref<!tpu.dma_semaphore, #tpu.memory_space<semaphore_mem>>)
        } else {
        }
        %eq3A_290 = arith.constant 9 : i32
        %eq3A_291 = arith.cmpi eq, %scan3A_269, %eq3A_290 : i32
        %convert_element_type3A_292 = arith.extui %eq3A_291 : i1 to i32
        %cond3A_293 = arith.constant 0 : i32
        %cond3A_294 = arith.cmpi ne, %convert_element_type3A_292, %cond3A_293 : i32
        scf.if %cond3A_294 {
          %dma_wait3A_309 = arith.constant 0 : i32
          %dma_wait3A_310 = tpu.memref_slice %arg3[%dma_wait3A_309] : memref<100096xi32, #tpu.memory_space<hbm>> -> memref<1600xi32, #tpu.memory_space<hbm>>
          %dma_wait3A_311 = arith.constant 0 : i32
          %dma_wait3A_312 = tpu.memref_slice %arg3[%dma_wait3A_311] : memref<100096xi32, #tpu.memory_space<hbm>> -> memref<1600xi32, #tpu.memory_space<hbm>>
          tpu.wait_dma2 semaphore(%arg15 : memref<!tpu.dma_semaphore, #tpu.memory_space<semaphore_mem>>) src(%dma_wait3A_312 : memref<1600xi32, #tpu.memory_space<hbm>>) dst(%arg8 : memref<1600xi32, #tpu.memory_space<vmem>>)
          %dma_start3A_313 = arith.constant 0 : i32
          %dma_start3A_314 = tpu.memref_slice %arg8[%dma_start3A_313] : memref<1600xi32, #tpu.memory_space<vmem>> -> memref<160xi32, #tpu.memory_space<vmem>>
          %dma_start3A_315 = arith.constant 0 : i32
          %dma_start3A_316 = arith.constant 0 : i32
          %dma_start3A_317 = tpu.memref_slice %arg12[%dma_start3A_315, %dma_start3A_316] : memref<10240x128xf32, #tpu.memory_space<vmem_shared>> -> memref<10240x128xf32, #tpu.memory_space<vmem_shared>>
          tpu.enqueue_indirect_dma source(%dma_start3A_317 : memref<10240x128xf32, #tpu.memory_space<vmem_shared>>) target(%arg10 : memref<160x128xf32, #tpu.memory_space<vmem>>) offsets(%dma_start3A_314 : memref<160xi32, #tpu.memory_space<vmem>>) semaphore(%arg17 : memref<!tpu.dma_semaphore, #tpu.memory_space<semaphore_mem>>)
        } else {
        }
        %dma_wait3A_295 = arith.constant 0 : i32
        %dma_wait3A_296 = tpu.memref_slice %arg8[%dma_wait3A_295] : memref<1600xi32, #tpu.memory_space<vmem>> -> memref<160xi32, #tpu.memory_space<vmem>>
        %dma_wait3A_297 = arith.constant 0 : i32
        %dma_wait3A_298 = arith.constant 0 : i32
        %dma_wait3A_299 = tpu.memref_slice %arg12[%dma_wait3A_297, %dma_wait3A_298] : memref<10240x128xf32, #tpu.memory_space<vmem_shared>> -> memref<10240x128xf32, #tpu.memory_space<vmem_shared>>
        tpu.wait_indirect_dma semaphore(%arg18 : memref<!tpu.dma_semaphore, #tpu.memory_space<semaphore_mem>>) src(%dma_wait3A_299 : memref<10240x128xf32, #tpu.memory_space<vmem_shared>>) dst(%arg11 : memref<160x128xf32, #tpu.memory_space<vmem>>)
        %add3A_300 = arith.constant 30 : i32
        %add3A_301 = arith.addi %add3A_300, %scan3A_269 : i32
        %mul3A_302 = arith.constant 160 : i32
        %mul3A_303 = arith.muli %add3A_301, %mul3A_302 : i32
        %add3A_304 = arith.addi %mul3A_2, %mul3A_303 : i32
        %dma_start3A_305 = arith.constant 0 : i32
        %dma_start3A_306 = tpu.memref_slice %arg5[%add3A_304, %dma_start3A_305] : memref<819200x128xf32, #tpu.memory_space<hbm>> -> memref<160x128xf32, #tpu.memory_space<hbm>>
        %dma_start3A_307 = arith.constant 0 : i32
        %dma_start3A_308 = tpu.memref_slice %arg5[%add3A_304, %dma_start3A_307] : memref<819200x128xf32, #tpu.memory_space<hbm>> -> memref<160x128xf32, #tpu.memory_space<hbm>>
        tpu.enqueue_dma source(%arg11 : memref<160x128xf32, #tpu.memory_space<vmem>>) target(%dma_start3A_308 : memref<160x128xf32, #tpu.memory_space<hbm>>) target_semaphore(%arg20 : memref<!tpu.dma_semaphore, #tpu.memory_space<semaphore_mem>>)
      } else {
      }
      %scan3A_279 = arith.constant 0 : i32
      scf.yield %scan3A_279 : i32
    }
    %scan3A_96 = arith.constant 10 : i32
    %dma_wait3A_97 = tpu.memref_slice %arg2[%mul3A_2] : memref<819200xi32, #tpu.memory_space<hbm>> -> memref<1600xi32, #tpu.memory_space<hbm>>
    %dma_wait3A_98 = tpu.memref_slice %arg2[%mul3A_2] : memref<819200xi32, #tpu.memory_space<hbm>> -> memref<1600xi32, #tpu.memory_space<hbm>>
    tpu.wait_dma2 semaphore(%arg14 : memref<!tpu.dma_semaphore, #tpu.memory_space<semaphore_mem>>) src(%dma_wait3A_98 : memref<1600xi32, #tpu.memory_space<hbm>>) dst(%arg7 : memref<1600xi32, #tpu.memory_space<vmem>>)
    %dma_start3A_99 = arith.constant 0 : i32
    %dma_start3A_100 = tpu.memref_slice %arg3[%dma_start3A_99] : memref<100096xi32, #tpu.memory_space<hbm>> -> memref<100096xi32, #tpu.memory_space<hbm>>
    tpu.enqueue_indirect_dma source(%dma_start3A_100 : memref<100096xi32, #tpu.memory_space<hbm>>) target(%arg9 : memref<1600xi32, #tpu.memory_space<vmem>>) offsets(%arg7 : memref<1600xi32, #tpu.memory_space<vmem>>) semaphore(%arg16 : memref<!tpu.dma_semaphore, #tpu.memory_space<semaphore_mem>>)
    %add3A_101 = arith.constant 9600 : i32
    %add3A_102 = arith.addi %mul3A_2, %add3A_101 : i32
    %dma_start3A_103 = tpu.memref_slice %arg2[%add3A_102] : memref<819200xi32, #tpu.memory_space<hbm>> -> memref<1600xi32, #tpu.memory_space<hbm>>
    %dma_start3A_104 = tpu.memref_slice %arg2[%add3A_102] : memref<819200xi32, #tpu.memory_space<hbm>> -> memref<1600xi32, #tpu.memory_space<hbm>>
    tpu.enqueue_dma source(%dma_start3A_104 : memref<1600xi32, #tpu.memory_space<hbm>>) target(%arg6 : memref<1600xi32, #tpu.memory_space<vmem>>) target_semaphore(%arg13 : memref<!tpu.dma_semaphore, #tpu.memory_space<semaphore_mem>>)
    %scan3A_105 = arith.constant 0 : i32
    %scan3A_106 = arith.constant 0 : i32
    %scan3A_107 = arith.constant 10 : i32
    %scan3A_108 = arith.addi %scan3A_106, %scan3A_107 : i32
    %scan3A_109 = arith.constant 1 : i32
    %scan3A_110 = scf.for %scan3A_269 = %scan3A_106 to %scan3A_108 step %scan3A_109 iter_args(%scan3A_270 = %scan3A_105) -> (i32)  : i32 {
      %rem3A = arith.constant 2 : i32
      %rem3A_271 = arith.remsi %scan3A_269, %rem3A : i32
      %eq3A = arith.constant 0 : i32
      %eq3A_272 = arith.cmpi eq, %rem3A_271, %eq3A : i32
      %convert_element_type3A = arith.extui %eq3A_272 : i1 to i32
      %cond3A = arith.constant 0 : i32
      %cond3A_273 = arith.cmpi ne, %convert_element_type3A, %cond3A : i32
      scf.if %cond3A_273 {
        %add3A_280 = arith.constant 4 : i32
        %add3A_281 = arith.addi %scan3A_269, %add3A_280 : i32
        %gt3A = arith.constant 0 : i32
        %gt3A_282 = arith.cmpi sgt, %add3A_281, %gt3A : i32
        %convert_element_type3A_283 = arith.extui %gt3A_282 : i1 to i32
        %cond3A_284 = arith.constant 0 : i32
        %cond3A_285 = arith.cmpi ne, %convert_element_type3A_283, %cond3A_284 : i32
        scf.if %cond3A_285 {
          %dma_wait3A_309 = arith.constant 0 : i32
          %dma_wait3A_310 = tpu.memref_slice %arg5[%mul3A_2, %dma_wait3A_309] : memref<819200x128xf32, #tpu.memory_space<hbm>> -> memref<160x128xf32, #tpu.memory_space<hbm>>
          %dma_wait3A_311 = arith.constant 0 : i32
          %dma_wait3A_312 = tpu.memref_slice %arg5[%mul3A_2, %dma_wait3A_311] : memref<819200x128xf32, #tpu.memory_space<hbm>> -> memref<160x128xf32, #tpu.memory_space<hbm>>
          tpu.wait_dma2 semaphore(%arg20 : memref<!tpu.dma_semaphore, #tpu.memory_space<semaphore_mem>>) src(%arg11 : memref<160x128xf32, #tpu.memory_space<vmem>>) dst(%dma_wait3A_312 : memref<160x128xf32, #tpu.memory_space<hbm>>)
        } else {
        }
        %lt3A = arith.constant 9 : i32
        %lt3A_286 = arith.cmpi slt, %scan3A_269, %lt3A : i32
        %convert_element_type3A_287 = arith.extui %lt3A_286 : i1 to i32
        %cond3A_288 = arith.constant 0 : i32
        %cond3A_289 = arith.cmpi ne, %convert_element_type3A_287, %cond3A_288 : i32
        scf.if %cond3A_289 {
          %add3A_309 = arith.constant 1 : i32
          %add3A_310 = arith.addi %scan3A_269, %add3A_309 : i32
          %mul3A_311 = arith.constant 160 : i32
          %mul3A_312 = arith.muli %add3A_310, %mul3A_311 : i32
          %dma_start3A_313 = tpu.memref_slice %arg8[%mul3A_312] : memref<1600xi32, #tpu.memory_space<vmem>> -> memref<160xi32, #tpu.memory_space<vmem>>
          %dma_start3A_314 = arith.constant 0 : i32
          %dma_start3A_315 = arith.constant 0 : i32
          %dma_start3A_316 = tpu.memref_slice %arg12[%dma_start3A_314, %dma_start3A_315] : memref<10240x128xf32, #tpu.memory_space<vmem_shared>> -> memref<10240x128xf32, #tpu.memory_space<vmem_shared>>
          tpu.enqueue_indirect_dma source(%dma_start3A_316 : memref<10240x128xf32, #tpu.memory_space<vmem_shared>>) target(%arg11 : memref<160x128xf32, #tpu.memory_space<vmem>>) offsets(%dma_start3A_313 : memref<160xi32, #tpu.memory_space<vmem>>) semaphore(%arg18 : memref<!tpu.dma_semaphore, #tpu.memory_space<semaphore_mem>>)
        } else {
        }
        %eq3A_290 = arith.constant 9 : i32
        %eq3A_291 = arith.cmpi eq, %scan3A_269, %eq3A_290 : i32
        %convert_element_type3A_292 = arith.extui %eq3A_291 : i1 to i32
        %cond3A_293 = arith.constant 0 : i32
        %cond3A_294 = arith.cmpi ne, %convert_element_type3A_292, %cond3A_293 : i32
        scf.if %cond3A_294 {
          %dma_wait3A_309 = arith.constant 0 : i32
          %dma_wait3A_310 = tpu.memref_slice %arg3[%dma_wait3A_309] : memref<100096xi32, #tpu.memory_space<hbm>> -> memref<1600xi32, #tpu.memory_space<hbm>>
          %dma_wait3A_311 = arith.constant 0 : i32
          %dma_wait3A_312 = tpu.memref_slice %arg3[%dma_wait3A_311] : memref<100096xi32, #tpu.memory_space<hbm>> -> memref<1600xi32, #tpu.memory_space<hbm>>
          tpu.wait_dma2 semaphore(%arg16 : memref<!tpu.dma_semaphore, #tpu.memory_space<semaphore_mem>>) src(%dma_wait3A_312 : memref<1600xi32, #tpu.memory_space<hbm>>) dst(%arg9 : memref<1600xi32, #tpu.memory_space<vmem>>)
          %dma_start3A_313 = arith.constant 0 : i32
          %dma_start3A_314 = tpu.memref_slice %arg9[%dma_start3A_313] : memref<1600xi32, #tpu.memory_space<vmem>> -> memref<160xi32, #tpu.memory_space<vmem>>
          %dma_start3A_315 = arith.constant 0 : i32
          %dma_start3A_316 = arith.constant 0 : i32
          %dma_start3A_317 = tpu.memref_slice %arg12[%dma_start3A_315, %dma_start3A_316] : memref<10240x128xf32, #tpu.memory_space<vmem_shared>> -> memref<10240x128xf32, #tpu.memory_space<vmem_shared>>
          tpu.enqueue_indirect_dma source(%dma_start3A_317 : memref<10240x128xf32, #tpu.memory_space<vmem_shared>>) target(%arg11 : memref<160x128xf32, #tpu.memory_space<vmem>>) offsets(%dma_start3A_314 : memref<160xi32, #tpu.memory_space<vmem>>) semaphore(%arg18 : memref<!tpu.dma_semaphore, #tpu.memory_space<semaphore_mem>>)
        } else {
        }
        %dma_wait3A_295 = arith.constant 0 : i32
        %dma_wait3A_296 = tpu.memref_slice %arg8[%dma_wait3A_295] : memref<1600xi32, #tpu.memory_space<vmem>> -> memref<160xi32, #tpu.memory_space<vmem>>
        %dma_wait3A_297 = arith.constant 0 : i32
        %dma_wait3A_298 = arith.constant 0 : i32
        %dma_wait3A_299 = tpu.memref_slice %arg12[%dma_wait3A_297, %dma_wait3A_298] : memref<10240x128xf32, #tpu.memory_space<vmem_shared>> -> memref<10240x128xf32, #tpu.memory_space<vmem_shared>>
        tpu.wait_indirect_dma semaphore(%arg17 : memref<!tpu.dma_semaphore, #tpu.memory_space<semaphore_mem>>) src(%dma_wait3A_299 : memref<10240x128xf32, #tpu.memory_space<vmem_shared>>) dst(%arg10 : memref<160x128xf32, #tpu.memory_space<vmem>>)
        %add3A_300 = arith.constant 40 : i32
        %add3A_301 = arith.addi %add3A_300, %scan3A_269 : i32
        %mul3A_302 = arith.constant 160 : i32
        %mul3A_303 = arith.muli %add3A_301, %mul3A_302 : i32
        %add3A_304 = arith.addi %mul3A_2, %mul3A_303 : i32
        %dma_start3A_305 = arith.constant 0 : i32
        %dma_start3A_306 = tpu.memref_slice %arg5[%add3A_304, %dma_start3A_305] : memref<819200x128xf32, #tpu.memory_space<hbm>> -> memref<160x128xf32, #tpu.memory_space<hbm>>
        %dma_start3A_307 = arith.constant 0 : i32
        %dma_start3A_308 = tpu.memref_slice %arg5[%add3A_304, %dma_start3A_307] : memref<819200x128xf32, #tpu.memory_space<hbm>> -> memref<160x128xf32, #tpu.memory_space<hbm>>
        tpu.enqueue_dma source(%arg10 : memref<160x128xf32, #tpu.memory_space<vmem>>) target(%dma_start3A_308 : memref<160x128xf32, #tpu.memory_space<hbm>>) target_semaphore(%arg19 : memref<!tpu.dma_semaphore, #tpu.memory_space<semaphore_mem>>)
      } else {
      }
      %eq3A_274 = arith.constant 1 : i32
      %eq3A_275 = arith.cmpi eq, %rem3A_271, %eq3A_274 : i32
      %convert_element_type3A_276 = arith.extui %eq3A_275 : i1 to i32
      %cond3A_277 = arith.constant 0 : i32
      %cond3A_278 = arith.cmpi ne, %convert_element_type3A_276, %cond3A_277 : i32
      scf.if %cond3A_278 {
        %add3A_280 = arith.constant 4 : i32
        %add3A_281 = arith.addi %scan3A_269, %add3A_280 : i32
        %gt3A = arith.constant 0 : i32
        %gt3A_282 = arith.cmpi sgt, %add3A_281, %gt3A : i32
        %convert_element_type3A_283 = arith.extui %gt3A_282 : i1 to i32
        %cond3A_284 = arith.constant 0 : i32
        %cond3A_285 = arith.cmpi ne, %convert_element_type3A_283, %cond3A_284 : i32
        scf.if %cond3A_285 {
          %dma_wait3A_309 = arith.constant 0 : i32
          %dma_wait3A_310 = tpu.memref_slice %arg5[%mul3A_2, %dma_wait3A_309] : memref<819200x128xf32, #tpu.memory_space<hbm>> -> memref<160x128xf32, #tpu.memory_space<hbm>>
          %dma_wait3A_311 = arith.constant 0 : i32
          %dma_wait3A_312 = tpu.memref_slice %arg5[%mul3A_2, %dma_wait3A_311] : memref<819200x128xf32, #tpu.memory_space<hbm>> -> memref<160x128xf32, #tpu.memory_space<hbm>>
          tpu.wait_dma2 semaphore(%arg19 : memref<!tpu.dma_semaphore, #tpu.memory_space<semaphore_mem>>) src(%arg10 : memref<160x128xf32, #tpu.memory_space<vmem>>) dst(%dma_wait3A_312 : memref<160x128xf32, #tpu.memory_space<hbm>>)
        } else {
        }
        %lt3A = arith.constant 9 : i32
        %lt3A_286 = arith.cmpi slt, %scan3A_269, %lt3A : i32
        %convert_element_type3A_287 = arith.extui %lt3A_286 : i1 to i32
        %cond3A_288 = arith.constant 0 : i32
        %cond3A_289 = arith.cmpi ne, %convert_element_type3A_287, %cond3A_288 : i32
        scf.if %cond3A_289 {
          %add3A_309 = arith.constant 1 : i32
          %add3A_310 = arith.addi %scan3A_269, %add3A_309 : i32
          %mul3A_311 = arith.constant 160 : i32
          %mul3A_312 = arith.muli %add3A_310, %mul3A_311 : i32
          %dma_start3A_313 = tpu.memref_slice %arg8[%mul3A_312] : memref<1600xi32, #tpu.memory_space<vmem>> -> memref<160xi32, #tpu.memory_space<vmem>>
          %dma_start3A_314 = arith.constant 0 : i32
          %dma_start3A_315 = arith.constant 0 : i32
          %dma_start3A_316 = tpu.memref_slice %arg12[%dma_start3A_314, %dma_start3A_315] : memref<10240x128xf32, #tpu.memory_space<vmem_shared>> -> memref<10240x128xf32, #tpu.memory_space<vmem_shared>>
          tpu.enqueue_indirect_dma source(%dma_start3A_316 : memref<10240x128xf32, #tpu.memory_space<vmem_shared>>) target(%arg10 : memref<160x128xf32, #tpu.memory_space<vmem>>) offsets(%dma_start3A_313 : memref<160xi32, #tpu.memory_space<vmem>>) semaphore(%arg17 : memref<!tpu.dma_semaphore, #tpu.memory_space<semaphore_mem>>)
        } else {
        }
        %eq3A_290 = arith.constant 9 : i32
        %eq3A_291 = arith.cmpi eq, %scan3A_269, %eq3A_290 : i32
        %convert_element_type3A_292 = arith.extui %eq3A_291 : i1 to i32
        %cond3A_293 = arith.constant 0 : i32
        %cond3A_294 = arith.cmpi ne, %convert_element_type3A_292, %cond3A_293 : i32
        scf.if %cond3A_294 {
          %dma_wait3A_309 = arith.constant 0 : i32
          %dma_wait3A_310 = tpu.memref_slice %arg3[%dma_wait3A_309] : memref<100096xi32, #tpu.memory_space<hbm>> -> memref<1600xi32, #tpu.memory_space<hbm>>
          %dma_wait3A_311 = arith.constant 0 : i32
          %dma_wait3A_312 = tpu.memref_slice %arg3[%dma_wait3A_311] : memref<100096xi32, #tpu.memory_space<hbm>> -> memref<1600xi32, #tpu.memory_space<hbm>>
          tpu.wait_dma2 semaphore(%arg16 : memref<!tpu.dma_semaphore, #tpu.memory_space<semaphore_mem>>) src(%dma_wait3A_312 : memref<1600xi32, #tpu.memory_space<hbm>>) dst(%arg9 : memref<1600xi32, #tpu.memory_space<vmem>>)
          %dma_start3A_313 = arith.constant 0 : i32
          %dma_start3A_314 = tpu.memref_slice %arg9[%dma_start3A_313] : memref<1600xi32, #tpu.memory_space<vmem>> -> memref<160xi32, #tpu.memory_space<vmem>>
          %dma_start3A_315 = arith.constant 0 : i32
          %dma_start3A_316 = arith.constant 0 : i32
          %dma_start3A_317 = tpu.memref_slice %arg12[%dma_start3A_315, %dma_start3A_316] : memref<10240x128xf32, #tpu.memory_space<vmem_shared>> -> memref<10240x128xf32, #tpu.memory_space<vmem_shared>>
          tpu.enqueue_indirect_dma source(%dma_start3A_317 : memref<10240x128xf32, #tpu.memory_space<vmem_shared>>) target(%arg10 : memref<160x128xf32, #tpu.memory_space<vmem>>) offsets(%dma_start3A_314 : memref<160xi32, #tpu.memory_space<vmem>>) semaphore(%arg17 : memref<!tpu.dma_semaphore, #tpu.memory_space<semaphore_mem>>)
        } else {
        }
        %dma_wait3A_295 = arith.constant 0 : i32
        %dma_wait3A_296 = tpu.memref_slice %arg8[%dma_wait3A_295] : memref<1600xi32, #tpu.memory_space<vmem>> -> memref<160xi32, #tpu.memory_space<vmem>>
        %dma_wait3A_297 = arith.constant 0 : i32
        %dma_wait3A_298 = arith.constant 0 : i32
        %dma_wait3A_299 = tpu.memref_slice %arg12[%dma_wait3A_297, %dma_wait3A_298] : memref<10240x128xf32, #tpu.memory_space<vmem_shared>> -> memref<10240x128xf32, #tpu.memory_space<vmem_shared>>
        tpu.wait_indirect_dma semaphore(%arg18 : memref<!tpu.dma_semaphore, #tpu.memory_space<semaphore_mem>>) src(%dma_wait3A_299 : memref<10240x128xf32, #tpu.memory_space<vmem_shared>>) dst(%arg11 : memref<160x128xf32, #tpu.memory_space<vmem>>)
        %add3A_300 = arith.constant 40 : i32
        %add3A_301 = arith.addi %add3A_300, %scan3A_269 : i32
        %mul3A_302 = arith.constant 160 : i32
        %mul3A_303 = arith.muli %add3A_301, %mul3A_302 : i32
        %add3A_304 = arith.addi %mul3A_2, %mul3A_303 : i32
        %dma_start3A_305 = arith.constant 0 : i32
        %dma_start3A_306 = tpu.memref_slice %arg5[%add3A_304, %dma_start3A_305] : memref<819200x128xf32, #tpu.memory_space<hbm>> -> memref<160x128xf32, #tpu.memory_space<hbm>>
        %dma_start3A_307 = arith.constant 0 : i32
        %dma_start3A_308 = tpu.memref_slice %arg5[%add3A_304, %dma_start3A_307] : memref<819200x128xf32, #tpu.memory_space<hbm>> -> memref<160x128xf32, #tpu.memory_space<hbm>>
        tpu.enqueue_dma source(%arg11 : memref<160x128xf32, #tpu.memory_space<vmem>>) target(%dma_start3A_308 : memref<160x128xf32, #tpu.memory_space<hbm>>) target_semaphore(%arg20 : memref<!tpu.dma_semaphore, #tpu.memory_space<semaphore_mem>>)
      } else {
      }
      %scan3A_279 = arith.constant 0 : i32
      scf.yield %scan3A_279 : i32
    }
    %scan3A_111 = arith.constant 10 : i32
    %dma_wait3A_112 = tpu.memref_slice %arg2[%mul3A_2] : memref<819200xi32, #tpu.memory_space<hbm>> -> memref<1600xi32, #tpu.memory_space<hbm>>
    %dma_wait3A_113 = tpu.memref_slice %arg2[%mul3A_2] : memref<819200xi32, #tpu.memory_space<hbm>> -> memref<1600xi32, #tpu.memory_space<hbm>>
    tpu.wait_dma2 semaphore(%arg13 : memref<!tpu.dma_semaphore, #tpu.memory_space<semaphore_mem>>) src(%dma_wait3A_113 : memref<1600xi32, #tpu.memory_space<hbm>>) dst(%arg6 : memref<1600xi32, #tpu.memory_space<vmem>>)
    %dma_start3A_114 = arith.constant 0 : i32
    %dma_start3A_115 = tpu.memref_slice %arg3[%dma_start3A_114] : memref<100096xi32, #tpu.memory_space<hbm>> -> memref<100096xi32, #tpu.memory_space<hbm>>
    tpu.enqueue_indirect_dma source(%dma_start3A_115 : memref<100096xi32, #tpu.memory_space<hbm>>) target(%arg8 : memref<1600xi32, #tpu.memory_space<vmem>>) offsets(%arg6 : memref<1600xi32, #tpu.memory_space<vmem>>) semaphore(%arg15 : memref<!tpu.dma_semaphore, #tpu.memory_space<semaphore_mem>>)
    %add3A_116 = arith.constant 11200 : i32
    %add3A_117 = arith.addi %mul3A_2, %add3A_116 : i32
    %dma_start3A_118 = tpu.memref_slice %arg2[%add3A_117] : memref<819200xi32, #tpu.memory_space<hbm>> -> memref<1600xi32, #tpu.memory_space<hbm>>
    %dma_start3A_119 = tpu.memref_slice %arg2[%add3A_117] : memref<819200xi32, #tpu.memory_space<hbm>> -> memref<1600xi32, #tpu.memory_space<hbm>>
    tpu.enqueue_dma source(%dma_start3A_119 : memref<1600xi32, #tpu.memory_space<hbm>>) target(%arg7 : memref<1600xi32, #tpu.memory_space<vmem>>) target_semaphore(%arg14 : memref<!tpu.dma_semaphore, #tpu.memory_space<semaphore_mem>>)
    %scan3A_120 = arith.constant 0 : i32
    %scan3A_121 = arith.constant 0 : i32
    %scan3A_122 = arith.constant 10 : i32
    %scan3A_123 = arith.addi %scan3A_121, %scan3A_122 : i32
    %scan3A_124 = arith.constant 1 : i32
    %scan3A_125 = scf.for %scan3A_269 = %scan3A_121 to %scan3A_123 step %scan3A_124 iter_args(%scan3A_270 = %scan3A_120) -> (i32)  : i32 {
      %rem3A = arith.constant 2 : i32
      %rem3A_271 = arith.remsi %scan3A_269, %rem3A : i32
      %eq3A = arith.constant 0 : i32
      %eq3A_272 = arith.cmpi eq, %rem3A_271, %eq3A : i32
      %convert_element_type3A = arith.extui %eq3A_272 : i1 to i32
      %cond3A = arith.constant 0 : i32
      %cond3A_273 = arith.cmpi ne, %convert_element_type3A, %cond3A : i32
      scf.if %cond3A_273 {
        %add3A_280 = arith.constant 5 : i32
        %add3A_281 = arith.addi %scan3A_269, %add3A_280 : i32
        %gt3A = arith.constant 0 : i32
        %gt3A_282 = arith.cmpi sgt, %add3A_281, %gt3A : i32
        %convert_element_type3A_283 = arith.extui %gt3A_282 : i1 to i32
        %cond3A_284 = arith.constant 0 : i32
        %cond3A_285 = arith.cmpi ne, %convert_element_type3A_283, %cond3A_284 : i32
        scf.if %cond3A_285 {
          %dma_wait3A_309 = arith.constant 0 : i32
          %dma_wait3A_310 = tpu.memref_slice %arg5[%mul3A_2, %dma_wait3A_309] : memref<819200x128xf32, #tpu.memory_space<hbm>> -> memref<160x128xf32, #tpu.memory_space<hbm>>
          %dma_wait3A_311 = arith.constant 0 : i32
          %dma_wait3A_312 = tpu.memref_slice %arg5[%mul3A_2, %dma_wait3A_311] : memref<819200x128xf32, #tpu.memory_space<hbm>> -> memref<160x128xf32, #tpu.memory_space<hbm>>
          tpu.wait_dma2 semaphore(%arg20 : memref<!tpu.dma_semaphore, #tpu.memory_space<semaphore_mem>>) src(%arg11 : memref<160x128xf32, #tpu.memory_space<vmem>>) dst(%dma_wait3A_312 : memref<160x128xf32, #tpu.memory_space<hbm>>)
        } else {
        }
        %lt3A = arith.constant 9 : i32
        %lt3A_286 = arith.cmpi slt, %scan3A_269, %lt3A : i32
        %convert_element_type3A_287 = arith.extui %lt3A_286 : i1 to i32
        %cond3A_288 = arith.constant 0 : i32
        %cond3A_289 = arith.cmpi ne, %convert_element_type3A_287, %cond3A_288 : i32
        scf.if %cond3A_289 {
          %add3A_309 = arith.constant 1 : i32
          %add3A_310 = arith.addi %scan3A_269, %add3A_309 : i32
          %mul3A_311 = arith.constant 160 : i32
          %mul3A_312 = arith.muli %add3A_310, %mul3A_311 : i32
          %dma_start3A_313 = tpu.memref_slice %arg9[%mul3A_312] : memref<1600xi32, #tpu.memory_space<vmem>> -> memref<160xi32, #tpu.memory_space<vmem>>
          %dma_start3A_314 = arith.constant 0 : i32
          %dma_start3A_315 = arith.constant 0 : i32
          %dma_start3A_316 = tpu.memref_slice %arg12[%dma_start3A_314, %dma_start3A_315] : memref<10240x128xf32, #tpu.memory_space<vmem_shared>> -> memref<10240x128xf32, #tpu.memory_space<vmem_shared>>
          tpu.enqueue_indirect_dma source(%dma_start3A_316 : memref<10240x128xf32, #tpu.memory_space<vmem_shared>>) target(%arg11 : memref<160x128xf32, #tpu.memory_space<vmem>>) offsets(%dma_start3A_313 : memref<160xi32, #tpu.memory_space<vmem>>) semaphore(%arg18 : memref<!tpu.dma_semaphore, #tpu.memory_space<semaphore_mem>>)
        } else {
        }
        %eq3A_290 = arith.constant 9 : i32
        %eq3A_291 = arith.cmpi eq, %scan3A_269, %eq3A_290 : i32
        %convert_element_type3A_292 = arith.extui %eq3A_291 : i1 to i32
        %cond3A_293 = arith.constant 0 : i32
        %cond3A_294 = arith.cmpi ne, %convert_element_type3A_292, %cond3A_293 : i32
        scf.if %cond3A_294 {
          %dma_wait3A_309 = arith.constant 0 : i32
          %dma_wait3A_310 = tpu.memref_slice %arg3[%dma_wait3A_309] : memref<100096xi32, #tpu.memory_space<hbm>> -> memref<1600xi32, #tpu.memory_space<hbm>>
          %dma_wait3A_311 = arith.constant 0 : i32
          %dma_wait3A_312 = tpu.memref_slice %arg3[%dma_wait3A_311] : memref<100096xi32, #tpu.memory_space<hbm>> -> memref<1600xi32, #tpu.memory_space<hbm>>
          tpu.wait_dma2 semaphore(%arg15 : memref<!tpu.dma_semaphore, #tpu.memory_space<semaphore_mem>>) src(%dma_wait3A_312 : memref<1600xi32, #tpu.memory_space<hbm>>) dst(%arg8 : memref<1600xi32, #tpu.memory_space<vmem>>)
          %dma_start3A_313 = arith.constant 0 : i32
          %dma_start3A_314 = tpu.memref_slice %arg8[%dma_start3A_313] : memref<1600xi32, #tpu.memory_space<vmem>> -> memref<160xi32, #tpu.memory_space<vmem>>
          %dma_start3A_315 = arith.constant 0 : i32
          %dma_start3A_316 = arith.constant 0 : i32
          %dma_start3A_317 = tpu.memref_slice %arg12[%dma_start3A_315, %dma_start3A_316] : memref<10240x128xf32, #tpu.memory_space<vmem_shared>> -> memref<10240x128xf32, #tpu.memory_space<vmem_shared>>
          tpu.enqueue_indirect_dma source(%dma_start3A_317 : memref<10240x128xf32, #tpu.memory_space<vmem_shared>>) target(%arg11 : memref<160x128xf32, #tpu.memory_space<vmem>>) offsets(%dma_start3A_314 : memref<160xi32, #tpu.memory_space<vmem>>) semaphore(%arg18 : memref<!tpu.dma_semaphore, #tpu.memory_space<semaphore_mem>>)
        } else {
        }
        %dma_wait3A_295 = arith.constant 0 : i32
        %dma_wait3A_296 = tpu.memref_slice %arg8[%dma_wait3A_295] : memref<1600xi32, #tpu.memory_space<vmem>> -> memref<160xi32, #tpu.memory_space<vmem>>
        %dma_wait3A_297 = arith.constant 0 : i32
        %dma_wait3A_298 = arith.constant 0 : i32
        %dma_wait3A_299 = tpu.memref_slice %arg12[%dma_wait3A_297, %dma_wait3A_298] : memref<10240x128xf32, #tpu.memory_space<vmem_shared>> -> memref<10240x128xf32, #tpu.memory_space<vmem_shared>>
        tpu.wait_indirect_dma semaphore(%arg17 : memref<!tpu.dma_semaphore, #tpu.memory_space<semaphore_mem>>) src(%dma_wait3A_299 : memref<10240x128xf32, #tpu.memory_space<vmem_shared>>) dst(%arg10 : memref<160x128xf32, #tpu.memory_space<vmem>>)
        %add3A_300 = arith.constant 50 : i32
        %add3A_301 = arith.addi %add3A_300, %scan3A_269 : i32
        %mul3A_302 = arith.constant 160 : i32
        %mul3A_303 = arith.muli %add3A_301, %mul3A_302 : i32
        %add3A_304 = arith.addi %mul3A_2, %mul3A_303 : i32
        %dma_start3A_305 = arith.constant 0 : i32
        %dma_start3A_306 = tpu.memref_slice %arg5[%add3A_304, %dma_start3A_305] : memref<819200x128xf32, #tpu.memory_space<hbm>> -> memref<160x128xf32, #tpu.memory_space<hbm>>
        %dma_start3A_307 = arith.constant 0 : i32
        %dma_start3A_308 = tpu.memref_slice %arg5[%add3A_304, %dma_start3A_307] : memref<819200x128xf32, #tpu.memory_space<hbm>> -> memref<160x128xf32, #tpu.memory_space<hbm>>
        tpu.enqueue_dma source(%arg10 : memref<160x128xf32, #tpu.memory_space<vmem>>) target(%dma_start3A_308 : memref<160x128xf32, #tpu.memory_space<hbm>>) target_semaphore(%arg19 : memref<!tpu.dma_semaphore, #tpu.memory_space<semaphore_mem>>)
      } else {
      }
      %eq3A_274 = arith.constant 1 : i32
      %eq3A_275 = arith.cmpi eq, %rem3A_271, %eq3A_274 : i32
      %convert_element_type3A_276 = arith.extui %eq3A_275 : i1 to i32
      %cond3A_277 = arith.constant 0 : i32
      %cond3A_278 = arith.cmpi ne, %convert_element_type3A_276, %cond3A_277 : i32
      scf.if %cond3A_278 {
        %add3A_280 = arith.constant 5 : i32
        %add3A_281 = arith.addi %scan3A_269, %add3A_280 : i32
        %gt3A = arith.constant 0 : i32
        %gt3A_282 = arith.cmpi sgt, %add3A_281, %gt3A : i32
        %convert_element_type3A_283 = arith.extui %gt3A_282 : i1 to i32
        %cond3A_284 = arith.constant 0 : i32
        %cond3A_285 = arith.cmpi ne, %convert_element_type3A_283, %cond3A_284 : i32
        scf.if %cond3A_285 {
          %dma_wait3A_309 = arith.constant 0 : i32
          %dma_wait3A_310 = tpu.memref_slice %arg5[%mul3A_2, %dma_wait3A_309] : memref<819200x128xf32, #tpu.memory_space<hbm>> -> memref<160x128xf32, #tpu.memory_space<hbm>>
          %dma_wait3A_311 = arith.constant 0 : i32
          %dma_wait3A_312 = tpu.memref_slice %arg5[%mul3A_2, %dma_wait3A_311] : memref<819200x128xf32, #tpu.memory_space<hbm>> -> memref<160x128xf32, #tpu.memory_space<hbm>>
          tpu.wait_dma2 semaphore(%arg19 : memref<!tpu.dma_semaphore, #tpu.memory_space<semaphore_mem>>) src(%arg10 : memref<160x128xf32, #tpu.memory_space<vmem>>) dst(%dma_wait3A_312 : memref<160x128xf32, #tpu.memory_space<hbm>>)
        } else {
        }
        %lt3A = arith.constant 9 : i32
        %lt3A_286 = arith.cmpi slt, %scan3A_269, %lt3A : i32
        %convert_element_type3A_287 = arith.extui %lt3A_286 : i1 to i32
        %cond3A_288 = arith.constant 0 : i32
        %cond3A_289 = arith.cmpi ne, %convert_element_type3A_287, %cond3A_288 : i32
        scf.if %cond3A_289 {
          %add3A_309 = arith.constant 1 : i32
          %add3A_310 = arith.addi %scan3A_269, %add3A_309 : i32
          %mul3A_311 = arith.constant 160 : i32
          %mul3A_312 = arith.muli %add3A_310, %mul3A_311 : i32
          %dma_start3A_313 = tpu.memref_slice %arg9[%mul3A_312] : memref<1600xi32, #tpu.memory_space<vmem>> -> memref<160xi32, #tpu.memory_space<vmem>>
          %dma_start3A_314 = arith.constant 0 : i32
          %dma_start3A_315 = arith.constant 0 : i32
          %dma_start3A_316 = tpu.memref_slice %arg12[%dma_start3A_314, %dma_start3A_315] : memref<10240x128xf32, #tpu.memory_space<vmem_shared>> -> memref<10240x128xf32, #tpu.memory_space<vmem_shared>>
          tpu.enqueue_indirect_dma source(%dma_start3A_316 : memref<10240x128xf32, #tpu.memory_space<vmem_shared>>) target(%arg10 : memref<160x128xf32, #tpu.memory_space<vmem>>) offsets(%dma_start3A_313 : memref<160xi32, #tpu.memory_space<vmem>>) semaphore(%arg17 : memref<!tpu.dma_semaphore, #tpu.memory_space<semaphore_mem>>)
        } else {
        }
        %eq3A_290 = arith.constant 9 : i32
        %eq3A_291 = arith.cmpi eq, %scan3A_269, %eq3A_290 : i32
        %convert_element_type3A_292 = arith.extui %eq3A_291 : i1 to i32
        %cond3A_293 = arith.constant 0 : i32
        %cond3A_294 = arith.cmpi ne, %convert_element_type3A_292, %cond3A_293 : i32
        scf.if %cond3A_294 {
          %dma_wait3A_309 = arith.constant 0 : i32
          %dma_wait3A_310 = tpu.memref_slice %arg3[%dma_wait3A_309] : memref<100096xi32, #tpu.memory_space<hbm>> -> memref<1600xi32, #tpu.memory_space<hbm>>
          %dma_wait3A_311 = arith.constant 0 : i32
          %dma_wait3A_312 = tpu.memref_slice %arg3[%dma_wait3A_311] : memref<100096xi32, #tpu.memory_space<hbm>> -> memref<1600xi32, #tpu.memory_space<hbm>>
          tpu.wait_dma2 semaphore(%arg15 : memref<!tpu.dma_semaphore, #tpu.memory_space<semaphore_mem>>) src(%dma_wait3A_312 : memref<1600xi32, #tpu.memory_space<hbm>>) dst(%arg8 : memref<1600xi32, #tpu.memory_space<vmem>>)
          %dma_start3A_313 = arith.constant 0 : i32
          %dma_start3A_314 = tpu.memref_slice %arg8[%dma_start3A_313] : memref<1600xi32, #tpu.memory_space<vmem>> -> memref<160xi32, #tpu.memory_space<vmem>>
          %dma_start3A_315 = arith.constant 0 : i32
          %dma_start3A_316 = arith.constant 0 : i32
          %dma_start3A_317 = tpu.memref_slice %arg12[%dma_start3A_315, %dma_start3A_316] : memref<10240x128xf32, #tpu.memory_space<vmem_shared>> -> memref<10240x128xf32, #tpu.memory_space<vmem_shared>>
          tpu.enqueue_indirect_dma source(%dma_start3A_317 : memref<10240x128xf32, #tpu.memory_space<vmem_shared>>) target(%arg10 : memref<160x128xf32, #tpu.memory_space<vmem>>) offsets(%dma_start3A_314 : memref<160xi32, #tpu.memory_space<vmem>>) semaphore(%arg17 : memref<!tpu.dma_semaphore, #tpu.memory_space<semaphore_mem>>)
        } else {
        }
        %dma_wait3A_295 = arith.constant 0 : i32
        %dma_wait3A_296 = tpu.memref_slice %arg8[%dma_wait3A_295] : memref<1600xi32, #tpu.memory_space<vmem>> -> memref<160xi32, #tpu.memory_space<vmem>>
        %dma_wait3A_297 = arith.constant 0 : i32
        %dma_wait3A_298 = arith.constant 0 : i32
        %dma_wait3A_299 = tpu.memref_slice %arg12[%dma_wait3A_297, %dma_wait3A_298] : memref<10240x128xf32, #tpu.memory_space<vmem_shared>> -> memref<10240x128xf32, #tpu.memory_space<vmem_shared>>
        tpu.wait_indirect_dma semaphore(%arg18 : memref<!tpu.dma_semaphore, #tpu.memory_space<semaphore_mem>>) src(%dma_wait3A_299 : memref<10240x128xf32, #tpu.memory_space<vmem_shared>>) dst(%arg11 : memref<160x128xf32, #tpu.memory_space<vmem>>)
        %add3A_300 = arith.constant 50 : i32
        %add3A_301 = arith.addi %add3A_300, %scan3A_269 : i32
        %mul3A_302 = arith.constant 160 : i32
        %mul3A_303 = arith.muli %add3A_301, %mul3A_302 : i32
        %add3A_304 = arith.addi %mul3A_2, %mul3A_303 : i32
        %dma_start3A_305 = arith.constant 0 : i32
        %dma_start3A_306 = tpu.memref_slice %arg5[%add3A_304, %dma_start3A_305] : memref<819200x128xf32, #tpu.memory_space<hbm>> -> memref<160x128xf32, #tpu.memory_space<hbm>>
        %dma_start3A_307 = arith.constant 0 : i32
        %dma_start3A_308 = tpu.memref_slice %arg5[%add3A_304, %dma_start3A_307] : memref<819200x128xf32, #tpu.memory_space<hbm>> -> memref<160x128xf32, #tpu.memory_space<hbm>>
        tpu.enqueue_dma source(%arg11 : memref<160x128xf32, #tpu.memory_space<vmem>>) target(%dma_start3A_308 : memref<160x128xf32, #tpu.memory_space<hbm>>) target_semaphore(%arg20 : memref<!tpu.dma_semaphore, #tpu.memory_space<semaphore_mem>>)
      } else {
      }
      %scan3A_279 = arith.constant 0 : i32
      scf.yield %scan3A_279 : i32
    }
    %scan3A_126 = arith.constant 10 : i32
    %dma_wait3A_127 = tpu.memref_slice %arg2[%mul3A_2] : memref<819200xi32, #tpu.memory_space<hbm>> -> memref<1600xi32, #tpu.memory_space<hbm>>
    %dma_wait3A_128 = tpu.memref_slice %arg2[%mul3A_2] : memref<819200xi32, #tpu.memory_space<hbm>> -> memref<1600xi32, #tpu.memory_space<hbm>>
    tpu.wait_dma2 semaphore(%arg14 : memref<!tpu.dma_semaphore, #tpu.memory_space<semaphore_mem>>) src(%dma_wait3A_128 : memref<1600xi32, #tpu.memory_space<hbm>>) dst(%arg7 : memref<1600xi32, #tpu.memory_space<vmem>>)
    %dma_start3A_129 = arith.constant 0 : i32
    %dma_start3A_130 = tpu.memref_slice %arg3[%dma_start3A_129] : memref<100096xi32, #tpu.memory_space<hbm>> -> memref<100096xi32, #tpu.memory_space<hbm>>
    tpu.enqueue_indirect_dma source(%dma_start3A_130 : memref<100096xi32, #tpu.memory_space<hbm>>) target(%arg9 : memref<1600xi32, #tpu.memory_space<vmem>>) offsets(%arg7 : memref<1600xi32, #tpu.memory_space<vmem>>) semaphore(%arg16 : memref<!tpu.dma_semaphore, #tpu.memory_space<semaphore_mem>>)
    %add3A_131 = arith.constant 12800 : i32
    %add3A_132 = arith.addi %mul3A_2, %add3A_131 : i32
    %dma_start3A_133 = tpu.memref_slice %arg2[%add3A_132] : memref<819200xi32, #tpu.memory_space<hbm>> -> memref<1600xi32, #tpu.memory_space<hbm>>
    %dma_start3A_134 = tpu.memref_slice %arg2[%add3A_132] : memref<819200xi32, #tpu.memory_space<hbm>> -> memref<1600xi32, #tpu.memory_space<hbm>>
    tpu.enqueue_dma source(%dma_start3A_134 : memref<1600xi32, #tpu.memory_space<hbm>>) target(%arg6 : memref<1600xi32, #tpu.memory_space<vmem>>) target_semaphore(%arg13 : memref<!tpu.dma_semaphore, #tpu.memory_space<semaphore_mem>>)
    %scan3A_135 = arith.constant 0 : i32
    %scan3A_136 = arith.constant 0 : i32
    %scan3A_137 = arith.constant 10 : i32
    %scan3A_138 = arith.addi %scan3A_136, %scan3A_137 : i32
    %scan3A_139 = arith.constant 1 : i32
    %scan3A_140 = scf.for %scan3A_269 = %scan3A_136 to %scan3A_138 step %scan3A_139 iter_args(%scan3A_270 = %scan3A_135) -> (i32)  : i32 {
      %rem3A = arith.constant 2 : i32
      %rem3A_271 = arith.remsi %scan3A_269, %rem3A : i32
      %eq3A = arith.constant 0 : i32
      %eq3A_272 = arith.cmpi eq, %rem3A_271, %eq3A : i32
      %convert_element_type3A = arith.extui %eq3A_272 : i1 to i32
      %cond3A = arith.constant 0 : i32
      %cond3A_273 = arith.cmpi ne, %convert_element_type3A, %cond3A : i32
      scf.if %cond3A_273 {
        %add3A_280 = arith.constant 6 : i32
        %add3A_281 = arith.addi %scan3A_269, %add3A_280 : i32
        %gt3A = arith.constant 0 : i32
        %gt3A_282 = arith.cmpi sgt, %add3A_281, %gt3A : i32
        %convert_element_type3A_283 = arith.extui %gt3A_282 : i1 to i32
        %cond3A_284 = arith.constant 0 : i32
        %cond3A_285 = arith.cmpi ne, %convert_element_type3A_283, %cond3A_284 : i32
        scf.if %cond3A_285 {
          %dma_wait3A_309 = arith.constant 0 : i32
          %dma_wait3A_310 = tpu.memref_slice %arg5[%mul3A_2, %dma_wait3A_309] : memref<819200x128xf32, #tpu.memory_space<hbm>> -> memref<160x128xf32, #tpu.memory_space<hbm>>
          %dma_wait3A_311 = arith.constant 0 : i32
          %dma_wait3A_312 = tpu.memref_slice %arg5[%mul3A_2, %dma_wait3A_311] : memref<819200x128xf32, #tpu.memory_space<hbm>> -> memref<160x128xf32, #tpu.memory_space<hbm>>
          tpu.wait_dma2 semaphore(%arg20 : memref<!tpu.dma_semaphore, #tpu.memory_space<semaphore_mem>>) src(%arg11 : memref<160x128xf32, #tpu.memory_space<vmem>>) dst(%dma_wait3A_312 : memref<160x128xf32, #tpu.memory_space<hbm>>)
        } else {
        }
        %lt3A = arith.constant 9 : i32
        %lt3A_286 = arith.cmpi slt, %scan3A_269, %lt3A : i32
        %convert_element_type3A_287 = arith.extui %lt3A_286 : i1 to i32
        %cond3A_288 = arith.constant 0 : i32
        %cond3A_289 = arith.cmpi ne, %convert_element_type3A_287, %cond3A_288 : i32
        scf.if %cond3A_289 {
          %add3A_309 = arith.constant 1 : i32
          %add3A_310 = arith.addi %scan3A_269, %add3A_309 : i32
          %mul3A_311 = arith.constant 160 : i32
          %mul3A_312 = arith.muli %add3A_310, %mul3A_311 : i32
          %dma_start3A_313 = tpu.memref_slice %arg8[%mul3A_312] : memref<1600xi32, #tpu.memory_space<vmem>> -> memref<160xi32, #tpu.memory_space<vmem>>
          %dma_start3A_314 = arith.constant 0 : i32
          %dma_start3A_315 = arith.constant 0 : i32
          %dma_start3A_316 = tpu.memref_slice %arg12[%dma_start3A_314, %dma_start3A_315] : memref<10240x128xf32, #tpu.memory_space<vmem_shared>> -> memref<10240x128xf32, #tpu.memory_space<vmem_shared>>
          tpu.enqueue_indirect_dma source(%dma_start3A_316 : memref<10240x128xf32, #tpu.memory_space<vmem_shared>>) target(%arg11 : memref<160x128xf32, #tpu.memory_space<vmem>>) offsets(%dma_start3A_313 : memref<160xi32, #tpu.memory_space<vmem>>) semaphore(%arg18 : memref<!tpu.dma_semaphore, #tpu.memory_space<semaphore_mem>>)
        } else {
        }
        %eq3A_290 = arith.constant 9 : i32
        %eq3A_291 = arith.cmpi eq, %scan3A_269, %eq3A_290 : i32
        %convert_element_type3A_292 = arith.extui %eq3A_291 : i1 to i32
        %cond3A_293 = arith.constant 0 : i32
        %cond3A_294 = arith.cmpi ne, %convert_element_type3A_292, %cond3A_293 : i32
        scf.if %cond3A_294 {
          %dma_wait3A_309 = arith.constant 0 : i32
          %dma_wait3A_310 = tpu.memref_slice %arg3[%dma_wait3A_309] : memref<100096xi32, #tpu.memory_space<hbm>> -> memref<1600xi32, #tpu.memory_space<hbm>>
          %dma_wait3A_311 = arith.constant 0 : i32
          %dma_wait3A_312 = tpu.memref_slice %arg3[%dma_wait3A_311] : memref<100096xi32, #tpu.memory_space<hbm>> -> memref<1600xi32, #tpu.memory_space<hbm>>
          tpu.wait_dma2 semaphore(%arg16 : memref<!tpu.dma_semaphore, #tpu.memory_space<semaphore_mem>>) src(%dma_wait3A_312 : memref<1600xi32, #tpu.memory_space<hbm>>) dst(%arg9 : memref<1600xi32, #tpu.memory_space<vmem>>)
          %dma_start3A_313 = arith.constant 0 : i32
          %dma_start3A_314 = tpu.memref_slice %arg9[%dma_start3A_313] : memref<1600xi32, #tpu.memory_space<vmem>> -> memref<160xi32, #tpu.memory_space<vmem>>
          %dma_start3A_315 = arith.constant 0 : i32
          %dma_start3A_316 = arith.constant 0 : i32
          %dma_start3A_317 = tpu.memref_slice %arg12[%dma_start3A_315, %dma_start3A_316] : memref<10240x128xf32, #tpu.memory_space<vmem_shared>> -> memref<10240x128xf32, #tpu.memory_space<vmem_shared>>
          tpu.enqueue_indirect_dma source(%dma_start3A_317 : memref<10240x128xf32, #tpu.memory_space<vmem_shared>>) target(%arg11 : memref<160x128xf32, #tpu.memory_space<vmem>>) offsets(%dma_start3A_314 : memref<160xi32, #tpu.memory_space<vmem>>) semaphore(%arg18 : memref<!tpu.dma_semaphore, #tpu.memory_space<semaphore_mem>>)
        } else {
        }
        %dma_wait3A_295 = arith.constant 0 : i32
        %dma_wait3A_296 = tpu.memref_slice %arg8[%dma_wait3A_295] : memref<1600xi32, #tpu.memory_space<vmem>> -> memref<160xi32, #tpu.memory_space<vmem>>
        %dma_wait3A_297 = arith.constant 0 : i32
        %dma_wait3A_298 = arith.constant 0 : i32
        %dma_wait3A_299 = tpu.memref_slice %arg12[%dma_wait3A_297, %dma_wait3A_298] : memref<10240x128xf32, #tpu.memory_space<vmem_shared>> -> memref<10240x128xf32, #tpu.memory_space<vmem_shared>>
        tpu.wait_indirect_dma semaphore(%arg17 : memref<!tpu.dma_semaphore, #tpu.memory_space<semaphore_mem>>) src(%dma_wait3A_299 : memref<10240x128xf32, #tpu.memory_space<vmem_shared>>) dst(%arg10 : memref<160x128xf32, #tpu.memory_space<vmem>>)
        %add3A_300 = arith.constant 60 : i32
        %add3A_301 = arith.addi %add3A_300, %scan3A_269 : i32
        %mul3A_302 = arith.constant 160 : i32
        %mul3A_303 = arith.muli %add3A_301, %mul3A_302 : i32
        %add3A_304 = arith.addi %mul3A_2, %mul3A_303 : i32
        %dma_start3A_305 = arith.constant 0 : i32
        %dma_start3A_306 = tpu.memref_slice %arg5[%add3A_304, %dma_start3A_305] : memref<819200x128xf32, #tpu.memory_space<hbm>> -> memref<160x128xf32, #tpu.memory_space<hbm>>
        %dma_start3A_307 = arith.constant 0 : i32
        %dma_start3A_308 = tpu.memref_slice %arg5[%add3A_304, %dma_start3A_307] : memref<819200x128xf32, #tpu.memory_space<hbm>> -> memref<160x128xf32, #tpu.memory_space<hbm>>
        tpu.enqueue_dma source(%arg10 : memref<160x128xf32, #tpu.memory_space<vmem>>) target(%dma_start3A_308 : memref<160x128xf32, #tpu.memory_space<hbm>>) target_semaphore(%arg19 : memref<!tpu.dma_semaphore, #tpu.memory_space<semaphore_mem>>)
      } else {
      }
      %eq3A_274 = arith.constant 1 : i32
      %eq3A_275 = arith.cmpi eq, %rem3A_271, %eq3A_274 : i32
      %convert_element_type3A_276 = arith.extui %eq3A_275 : i1 to i32
      %cond3A_277 = arith.constant 0 : i32
      %cond3A_278 = arith.cmpi ne, %convert_element_type3A_276, %cond3A_277 : i32
      scf.if %cond3A_278 {
        %add3A_280 = arith.constant 6 : i32
        %add3A_281 = arith.addi %scan3A_269, %add3A_280 : i32
        %gt3A = arith.constant 0 : i32
        %gt3A_282 = arith.cmpi sgt, %add3A_281, %gt3A : i32
        %convert_element_type3A_283 = arith.extui %gt3A_282 : i1 to i32
        %cond3A_284 = arith.constant 0 : i32
        %cond3A_285 = arith.cmpi ne, %convert_element_type3A_283, %cond3A_284 : i32
        scf.if %cond3A_285 {
          %dma_wait3A_309 = arith.constant 0 : i32
          %dma_wait3A_310 = tpu.memref_slice %arg5[%mul3A_2, %dma_wait3A_309] : memref<819200x128xf32, #tpu.memory_space<hbm>> -> memref<160x128xf32, #tpu.memory_space<hbm>>
          %dma_wait3A_311 = arith.constant 0 : i32
          %dma_wait3A_312 = tpu.memref_slice %arg5[%mul3A_2, %dma_wait3A_311] : memref<819200x128xf32, #tpu.memory_space<hbm>> -> memref<160x128xf32, #tpu.memory_space<hbm>>
          tpu.wait_dma2 semaphore(%arg19 : memref<!tpu.dma_semaphore, #tpu.memory_space<semaphore_mem>>) src(%arg10 : memref<160x128xf32, #tpu.memory_space<vmem>>) dst(%dma_wait3A_312 : memref<160x128xf32, #tpu.memory_space<hbm>>)
        } else {
        }
        %lt3A = arith.constant 9 : i32
        %lt3A_286 = arith.cmpi slt, %scan3A_269, %lt3A : i32
        %convert_element_type3A_287 = arith.extui %lt3A_286 : i1 to i32
        %cond3A_288 = arith.constant 0 : i32
        %cond3A_289 = arith.cmpi ne, %convert_element_type3A_287, %cond3A_288 : i32
        scf.if %cond3A_289 {
          %add3A_309 = arith.constant 1 : i32
          %add3A_310 = arith.addi %scan3A_269, %add3A_309 : i32
          %mul3A_311 = arith.constant 160 : i32
          %mul3A_312 = arith.muli %add3A_310, %mul3A_311 : i32
          %dma_start3A_313 = tpu.memref_slice %arg8[%mul3A_312] : memref<1600xi32, #tpu.memory_space<vmem>> -> memref<160xi32, #tpu.memory_space<vmem>>
          %dma_start3A_314 = arith.constant 0 : i32
          %dma_start3A_315 = arith.constant 0 : i32
          %dma_start3A_316 = tpu.memref_slice %arg12[%dma_start3A_314, %dma_start3A_315] : memref<10240x128xf32, #tpu.memory_space<vmem_shared>> -> memref<10240x128xf32, #tpu.memory_space<vmem_shared>>
          tpu.enqueue_indirect_dma source(%dma_start3A_316 : memref<10240x128xf32, #tpu.memory_space<vmem_shared>>) target(%arg10 : memref<160x128xf32, #tpu.memory_space<vmem>>) offsets(%dma_start3A_313 : memref<160xi32, #tpu.memory_space<vmem>>) semaphore(%arg17 : memref<!tpu.dma_semaphore, #tpu.memory_space<semaphore_mem>>)
        } else {
        }
        %eq3A_290 = arith.constant 9 : i32
        %eq3A_291 = arith.cmpi eq, %scan3A_269, %eq3A_290 : i32
        %convert_element_type3A_292 = arith.extui %eq3A_291 : i1 to i32
        %cond3A_293 = arith.constant 0 : i32
        %cond3A_294 = arith.cmpi ne, %convert_element_type3A_292, %cond3A_293 : i32
        scf.if %cond3A_294 {
          %dma_wait3A_309 = arith.constant 0 : i32
          %dma_wait3A_310 = tpu.memref_slice %arg3[%dma_wait3A_309] : memref<100096xi32, #tpu.memory_space<hbm>> -> memref<1600xi32, #tpu.memory_space<hbm>>
          %dma_wait3A_311 = arith.constant 0 : i32
          %dma_wait3A_312 = tpu.memref_slice %arg3[%dma_wait3A_311] : memref<100096xi32, #tpu.memory_space<hbm>> -> memref<1600xi32, #tpu.memory_space<hbm>>
          tpu.wait_dma2 semaphore(%arg16 : memref<!tpu.dma_semaphore, #tpu.memory_space<semaphore_mem>>) src(%dma_wait3A_312 : memref<1600xi32, #tpu.memory_space<hbm>>) dst(%arg9 : memref<1600xi32, #tpu.memory_space<vmem>>)
          %dma_start3A_313 = arith.constant 0 : i32
          %dma_start3A_314 = tpu.memref_slice %arg9[%dma_start3A_313] : memref<1600xi32, #tpu.memory_space<vmem>> -> memref<160xi32, #tpu.memory_space<vmem>>
          %dma_start3A_315 = arith.constant 0 : i32
          %dma_start3A_316 = arith.constant 0 : i32
          %dma_start3A_317 = tpu.memref_slice %arg12[%dma_start3A_315, %dma_start3A_316] : memref<10240x128xf32, #tpu.memory_space<vmem_shared>> -> memref<10240x128xf32, #tpu.memory_space<vmem_shared>>
          tpu.enqueue_indirect_dma source(%dma_start3A_317 : memref<10240x128xf32, #tpu.memory_space<vmem_shared>>) target(%arg10 : memref<160x128xf32, #tpu.memory_space<vmem>>) offsets(%dma_start3A_314 : memref<160xi32, #tpu.memory_space<vmem>>) semaphore(%arg17 : memref<!tpu.dma_semaphore, #tpu.memory_space<semaphore_mem>>)
        } else {
        }
        %dma_wait3A_295 = arith.constant 0 : i32
        %dma_wait3A_296 = tpu.memref_slice %arg8[%dma_wait3A_295] : memref<1600xi32, #tpu.memory_space<vmem>> -> memref<160xi32, #tpu.memory_space<vmem>>
        %dma_wait3A_297 = arith.constant 0 : i32
        %dma_wait3A_298 = arith.constant 0 : i32
        %dma_wait3A_299 = tpu.memref_slice %arg12[%dma_wait3A_297, %dma_wait3A_298] : memref<10240x128xf32, #tpu.memory_space<vmem_shared>> -> memref<10240x128xf32, #tpu.memory_space<vmem_shared>>
        tpu.wait_indirect_dma semaphore(%arg18 : memref<!tpu.dma_semaphore, #tpu.memory_space<semaphore_mem>>) src(%dma_wait3A_299 : memref<10240x128xf32, #tpu.memory_space<vmem_shared>>) dst(%arg11 : memref<160x128xf32, #tpu.memory_space<vmem>>)
        %add3A_300 = arith.constant 60 : i32
        %add3A_301 = arith.addi %add3A_300, %scan3A_269 : i32
        %mul3A_302 = arith.constant 160 : i32
        %mul3A_303 = arith.muli %add3A_301, %mul3A_302 : i32
        %add3A_304 = arith.addi %mul3A_2, %mul3A_303 : i32
        %dma_start3A_305 = arith.constant 0 : i32
        %dma_start3A_306 = tpu.memref_slice %arg5[%add3A_304, %dma_start3A_305] : memref<819200x128xf32, #tpu.memory_space<hbm>> -> memref<160x128xf32, #tpu.memory_space<hbm>>
        %dma_start3A_307 = arith.constant 0 : i32
        %dma_start3A_308 = tpu.memref_slice %arg5[%add3A_304, %dma_start3A_307] : memref<819200x128xf32, #tpu.memory_space<hbm>> -> memref<160x128xf32, #tpu.memory_space<hbm>>
        tpu.enqueue_dma source(%arg11 : memref<160x128xf32, #tpu.memory_space<vmem>>) target(%dma_start3A_308 : memref<160x128xf32, #tpu.memory_space<hbm>>) target_semaphore(%arg20 : memref<!tpu.dma_semaphore, #tpu.memory_space<semaphore_mem>>)
      } else {
      }
      %scan3A_279 = arith.constant 0 : i32
      scf.yield %scan3A_279 : i32
    }
    %scan3A_141 = arith.constant 10 : i32
    %dma_wait3A_142 = tpu.memref_slice %arg2[%mul3A_2] : memref<819200xi32, #tpu.memory_space<hbm>> -> memref<1600xi32, #tpu.memory_space<hbm>>
    %dma_wait3A_143 = tpu.memref_slice %arg2[%mul3A_2] : memref<819200xi32, #tpu.memory_space<hbm>> -> memref<1600xi32, #tpu.memory_space<hbm>>
    tpu.wait_dma2 semaphore(%arg13 : memref<!tpu.dma_semaphore, #tpu.memory_space<semaphore_mem>>) src(%dma_wait3A_143 : memref<1600xi32, #tpu.memory_space<hbm>>) dst(%arg6 : memref<1600xi32, #tpu.memory_space<vmem>>)
    %dma_start3A_144 = arith.constant 0 : i32
    %dma_start3A_145 = tpu.memref_slice %arg3[%dma_start3A_144] : memref<100096xi32, #tpu.memory_space<hbm>> -> memref<100096xi32, #tpu.memory_space<hbm>>
    tpu.enqueue_indirect_dma source(%dma_start3A_145 : memref<100096xi32, #tpu.memory_space<hbm>>) target(%arg8 : memref<1600xi32, #tpu.memory_space<vmem>>) offsets(%arg6 : memref<1600xi32, #tpu.memory_space<vmem>>) semaphore(%arg15 : memref<!tpu.dma_semaphore, #tpu.memory_space<semaphore_mem>>)
    %add3A_146 = arith.constant 14400 : i32
    %add3A_147 = arith.addi %mul3A_2, %add3A_146 : i32
    %dma_start3A_148 = tpu.memref_slice %arg2[%add3A_147] : memref<819200xi32, #tpu.memory_space<hbm>> -> memref<1600xi32, #tpu.memory_space<hbm>>
    %dma_start3A_149 = tpu.memref_slice %arg2[%add3A_147] : memref<819200xi32, #tpu.memory_space<hbm>> -> memref<1600xi32, #tpu.memory_space<hbm>>
    tpu.enqueue_dma source(%dma_start3A_149 : memref<1600xi32, #tpu.memory_space<hbm>>) target(%arg7 : memref<1600xi32, #tpu.memory_space<vmem>>) target_semaphore(%arg14 : memref<!tpu.dma_semaphore, #tpu.memory_space<semaphore_mem>>)
    %scan3A_150 = arith.constant 0 : i32
    %scan3A_151 = arith.constant 0 : i32
    %scan3A_152 = arith.constant 10 : i32
    %scan3A_153 = arith.addi %scan3A_151, %scan3A_152 : i32
    %scan3A_154 = arith.constant 1 : i32
    %scan3A_155 = scf.for %scan3A_269 = %scan3A_151 to %scan3A_153 step %scan3A_154 iter_args(%scan3A_270 = %scan3A_150) -> (i32)  : i32 {
      %rem3A = arith.constant 2 : i32
      %rem3A_271 = arith.remsi %scan3A_269, %rem3A : i32
      %eq3A = arith.constant 0 : i32
      %eq3A_272 = arith.cmpi eq, %rem3A_271, %eq3A : i32
      %convert_element_type3A = arith.extui %eq3A_272 : i1 to i32
      %cond3A = arith.constant 0 : i32
      %cond3A_273 = arith.cmpi ne, %convert_element_type3A, %cond3A : i32
      scf.if %cond3A_273 {
        %add3A_280 = arith.constant 7 : i32
        %add3A_281 = arith.addi %scan3A_269, %add3A_280 : i32
        %gt3A = arith.constant 0 : i32
        %gt3A_282 = arith.cmpi sgt, %add3A_281, %gt3A : i32
        %convert_element_type3A_283 = arith.extui %gt3A_282 : i1 to i32
        %cond3A_284 = arith.constant 0 : i32
        %cond3A_285 = arith.cmpi ne, %convert_element_type3A_283, %cond3A_284 : i32
        scf.if %cond3A_285 {
          %dma_wait3A_309 = arith.constant 0 : i32
          %dma_wait3A_310 = tpu.memref_slice %arg5[%mul3A_2, %dma_wait3A_309] : memref<819200x128xf32, #tpu.memory_space<hbm>> -> memref<160x128xf32, #tpu.memory_space<hbm>>
          %dma_wait3A_311 = arith.constant 0 : i32
          %dma_wait3A_312 = tpu.memref_slice %arg5[%mul3A_2, %dma_wait3A_311] : memref<819200x128xf32, #tpu.memory_space<hbm>> -> memref<160x128xf32, #tpu.memory_space<hbm>>
          tpu.wait_dma2 semaphore(%arg20 : memref<!tpu.dma_semaphore, #tpu.memory_space<semaphore_mem>>) src(%arg11 : memref<160x128xf32, #tpu.memory_space<vmem>>) dst(%dma_wait3A_312 : memref<160x128xf32, #tpu.memory_space<hbm>>)
        } else {
        }
        %lt3A = arith.constant 9 : i32
        %lt3A_286 = arith.cmpi slt, %scan3A_269, %lt3A : i32
        %convert_element_type3A_287 = arith.extui %lt3A_286 : i1 to i32
        %cond3A_288 = arith.constant 0 : i32
        %cond3A_289 = arith.cmpi ne, %convert_element_type3A_287, %cond3A_288 : i32
        scf.if %cond3A_289 {
          %add3A_309 = arith.constant 1 : i32
          %add3A_310 = arith.addi %scan3A_269, %add3A_309 : i32
          %mul3A_311 = arith.constant 160 : i32
          %mul3A_312 = arith.muli %add3A_310, %mul3A_311 : i32
          %dma_start3A_313 = tpu.memref_slice %arg9[%mul3A_312] : memref<1600xi32, #tpu.memory_space<vmem>> -> memref<160xi32, #tpu.memory_space<vmem>>
          %dma_start3A_314 = arith.constant 0 : i32
          %dma_start3A_315 = arith.constant 0 : i32
          %dma_start3A_316 = tpu.memref_slice %arg12[%dma_start3A_314, %dma_start3A_315] : memref<10240x128xf32, #tpu.memory_space<vmem_shared>> -> memref<10240x128xf32, #tpu.memory_space<vmem_shared>>
          tpu.enqueue_indirect_dma source(%dma_start3A_316 : memref<10240x128xf32, #tpu.memory_space<vmem_shared>>) target(%arg11 : memref<160x128xf32, #tpu.memory_space<vmem>>) offsets(%dma_start3A_313 : memref<160xi32, #tpu.memory_space<vmem>>) semaphore(%arg18 : memref<!tpu.dma_semaphore, #tpu.memory_space<semaphore_mem>>)
        } else {
        }
        %eq3A_290 = arith.constant 9 : i32
        %eq3A_291 = arith.cmpi eq, %scan3A_269, %eq3A_290 : i32
        %convert_element_type3A_292 = arith.extui %eq3A_291 : i1 to i32
        %cond3A_293 = arith.constant 0 : i32
        %cond3A_294 = arith.cmpi ne, %convert_element_type3A_292, %cond3A_293 : i32
        scf.if %cond3A_294 {
          %dma_wait3A_309 = arith.constant 0 : i32
          %dma_wait3A_310 = tpu.memref_slice %arg3[%dma_wait3A_309] : memref<100096xi32, #tpu.memory_space<hbm>> -> memref<1600xi32, #tpu.memory_space<hbm>>
          %dma_wait3A_311 = arith.constant 0 : i32
          %dma_wait3A_312 = tpu.memref_slice %arg3[%dma_wait3A_311] : memref<100096xi32, #tpu.memory_space<hbm>> -> memref<1600xi32, #tpu.memory_space<hbm>>
          tpu.wait_dma2 semaphore(%arg15 : memref<!tpu.dma_semaphore, #tpu.memory_space<semaphore_mem>>) src(%dma_wait3A_312 : memref<1600xi32, #tpu.memory_space<hbm>>) dst(%arg8 : memref<1600xi32, #tpu.memory_space<vmem>>)
          %dma_start3A_313 = arith.constant 0 : i32
          %dma_start3A_314 = tpu.memref_slice %arg8[%dma_start3A_313] : memref<1600xi32, #tpu.memory_space<vmem>> -> memref<160xi32, #tpu.memory_space<vmem>>
          %dma_start3A_315 = arith.constant 0 : i32
          %dma_start3A_316 = arith.constant 0 : i32
          %dma_start3A_317 = tpu.memref_slice %arg12[%dma_start3A_315, %dma_start3A_316] : memref<10240x128xf32, #tpu.memory_space<vmem_shared>> -> memref<10240x128xf32, #tpu.memory_space<vmem_shared>>
          tpu.enqueue_indirect_dma source(%dma_start3A_317 : memref<10240x128xf32, #tpu.memory_space<vmem_shared>>) target(%arg11 : memref<160x128xf32, #tpu.memory_space<vmem>>) offsets(%dma_start3A_314 : memref<160xi32, #tpu.memory_space<vmem>>) semaphore(%arg18 : memref<!tpu.dma_semaphore, #tpu.memory_space<semaphore_mem>>)
        } else {
        }
        %dma_wait3A_295 = arith.constant 0 : i32
        %dma_wait3A_296 = tpu.memref_slice %arg8[%dma_wait3A_295] : memref<1600xi32, #tpu.memory_space<vmem>> -> memref<160xi32, #tpu.memory_space<vmem>>
        %dma_wait3A_297 = arith.constant 0 : i32
        %dma_wait3A_298 = arith.constant 0 : i32
        %dma_wait3A_299 = tpu.memref_slice %arg12[%dma_wait3A_297, %dma_wait3A_298] : memref<10240x128xf32, #tpu.memory_space<vmem_shared>> -> memref<10240x128xf32, #tpu.memory_space<vmem_shared>>
        tpu.wait_indirect_dma semaphore(%arg17 : memref<!tpu.dma_semaphore, #tpu.memory_space<semaphore_mem>>) src(%dma_wait3A_299 : memref<10240x128xf32, #tpu.memory_space<vmem_shared>>) dst(%arg10 : memref<160x128xf32, #tpu.memory_space<vmem>>)
        %add3A_300 = arith.constant 70 : i32
        %add3A_301 = arith.addi %add3A_300, %scan3A_269 : i32
        %mul3A_302 = arith.constant 160 : i32
        %mul3A_303 = arith.muli %add3A_301, %mul3A_302 : i32
        %add3A_304 = arith.addi %mul3A_2, %mul3A_303 : i32
        %dma_start3A_305 = arith.constant 0 : i32
        %dma_start3A_306 = tpu.memref_slice %arg5[%add3A_304, %dma_start3A_305] : memref<819200x128xf32, #tpu.memory_space<hbm>> -> memref<160x128xf32, #tpu.memory_space<hbm>>
        %dma_start3A_307 = arith.constant 0 : i32
        %dma_start3A_308 = tpu.memref_slice %arg5[%add3A_304, %dma_start3A_307] : memref<819200x128xf32, #tpu.memory_space<hbm>> -> memref<160x128xf32, #tpu.memory_space<hbm>>
        tpu.enqueue_dma source(%arg10 : memref<160x128xf32, #tpu.memory_space<vmem>>) target(%dma_start3A_308 : memref<160x128xf32, #tpu.memory_space<hbm>>) target_semaphore(%arg19 : memref<!tpu.dma_semaphore, #tpu.memory_space<semaphore_mem>>)
      } else {
      }
      %eq3A_274 = arith.constant 1 : i32
      %eq3A_275 = arith.cmpi eq, %rem3A_271, %eq3A_274 : i32
      %convert_element_type3A_276 = arith.extui %eq3A_275 : i1 to i32
      %cond3A_277 = arith.constant 0 : i32
      %cond3A_278 = arith.cmpi ne, %convert_element_type3A_276, %cond3A_277 : i32
      scf.if %cond3A_278 {
        %add3A_280 = arith.constant 7 : i32
        %add3A_281 = arith.addi %scan3A_269, %add3A_280 : i32
        %gt3A = arith.constant 0 : i32
        %gt3A_282 = arith.cmpi sgt, %add3A_281, %gt3A : i32
        %convert_element_type3A_283 = arith.extui %gt3A_282 : i1 to i32
        %cond3A_284 = arith.constant 0 : i32
        %cond3A_285 = arith.cmpi ne, %convert_element_type3A_283, %cond3A_284 : i32
        scf.if %cond3A_285 {
          %dma_wait3A_309 = arith.constant 0 : i32
          %dma_wait3A_310 = tpu.memref_slice %arg5[%mul3A_2, %dma_wait3A_309] : memref<819200x128xf32, #tpu.memory_space<hbm>> -> memref<160x128xf32, #tpu.memory_space<hbm>>
          %dma_wait3A_311 = arith.constant 0 : i32
          %dma_wait3A_312 = tpu.memref_slice %arg5[%mul3A_2, %dma_wait3A_311] : memref<819200x128xf32, #tpu.memory_space<hbm>> -> memref<160x128xf32, #tpu.memory_space<hbm>>
          tpu.wait_dma2 semaphore(%arg19 : memref<!tpu.dma_semaphore, #tpu.memory_space<semaphore_mem>>) src(%arg10 : memref<160x128xf32, #tpu.memory_space<vmem>>) dst(%dma_wait3A_312 : memref<160x128xf32, #tpu.memory_space<hbm>>)
        } else {
        }
        %lt3A = arith.constant 9 : i32
        %lt3A_286 = arith.cmpi slt, %scan3A_269, %lt3A : i32
        %convert_element_type3A_287 = arith.extui %lt3A_286 : i1 to i32
        %cond3A_288 = arith.constant 0 : i32
        %cond3A_289 = arith.cmpi ne, %convert_element_type3A_287, %cond3A_288 : i32
        scf.if %cond3A_289 {
          %add3A_309 = arith.constant 1 : i32
          %add3A_310 = arith.addi %scan3A_269, %add3A_309 : i32
          %mul3A_311 = arith.constant 160 : i32
          %mul3A_312 = arith.muli %add3A_310, %mul3A_311 : i32
          %dma_start3A_313 = tpu.memref_slice %arg9[%mul3A_312] : memref<1600xi32, #tpu.memory_space<vmem>> -> memref<160xi32, #tpu.memory_space<vmem>>
          %dma_start3A_314 = arith.constant 0 : i32
          %dma_start3A_315 = arith.constant 0 : i32
          %dma_start3A_316 = tpu.memref_slice %arg12[%dma_start3A_314, %dma_start3A_315] : memref<10240x128xf32, #tpu.memory_space<vmem_shared>> -> memref<10240x128xf32, #tpu.memory_space<vmem_shared>>
          tpu.enqueue_indirect_dma source(%dma_start3A_316 : memref<10240x128xf32, #tpu.memory_space<vmem_shared>>) target(%arg10 : memref<160x128xf32, #tpu.memory_space<vmem>>) offsets(%dma_start3A_313 : memref<160xi32, #tpu.memory_space<vmem>>) semaphore(%arg17 : memref<!tpu.dma_semaphore, #tpu.memory_space<semaphore_mem>>)
        } else {
        }
        %eq3A_290 = arith.constant 9 : i32
        %eq3A_291 = arith.cmpi eq, %scan3A_269, %eq3A_290 : i32
        %convert_element_type3A_292 = arith.extui %eq3A_291 : i1 to i32
        %cond3A_293 = arith.constant 0 : i32
        %cond3A_294 = arith.cmpi ne, %convert_element_type3A_292, %cond3A_293 : i32
        scf.if %cond3A_294 {
          %dma_wait3A_309 = arith.constant 0 : i32
          %dma_wait3A_310 = tpu.memref_slice %arg3[%dma_wait3A_309] : memref<100096xi32, #tpu.memory_space<hbm>> -> memref<1600xi32, #tpu.memory_space<hbm>>
          %dma_wait3A_311 = arith.constant 0 : i32
          %dma_wait3A_312 = tpu.memref_slice %arg3[%dma_wait3A_311] : memref<100096xi32, #tpu.memory_space<hbm>> -> memref<1600xi32, #tpu.memory_space<hbm>>
          tpu.wait_dma2 semaphore(%arg15 : memref<!tpu.dma_semaphore, #tpu.memory_space<semaphore_mem>>) src(%dma_wait3A_312 : memref<1600xi32, #tpu.memory_space<hbm>>) dst(%arg8 : memref<1600xi32, #tpu.memory_space<vmem>>)
          %dma_start3A_313 = arith.constant 0 : i32
          %dma_start3A_314 = tpu.memref_slice %arg8[%dma_start3A_313] : memref<1600xi32, #tpu.memory_space<vmem>> -> memref<160xi32, #tpu.memory_space<vmem>>
          %dma_start3A_315 = arith.constant 0 : i32
          %dma_start3A_316 = arith.constant 0 : i32
          %dma_start3A_317 = tpu.memref_slice %arg12[%dma_start3A_315, %dma_start3A_316] : memref<10240x128xf32, #tpu.memory_space<vmem_shared>> -> memref<10240x128xf32, #tpu.memory_space<vmem_shared>>
          tpu.enqueue_indirect_dma source(%dma_start3A_317 : memref<10240x128xf32, #tpu.memory_space<vmem_shared>>) target(%arg10 : memref<160x128xf32, #tpu.memory_space<vmem>>) offsets(%dma_start3A_314 : memref<160xi32, #tpu.memory_space<vmem>>) semaphore(%arg17 : memref<!tpu.dma_semaphore, #tpu.memory_space<semaphore_mem>>)
        } else {
        }
        %dma_wait3A_295 = arith.constant 0 : i32
        %dma_wait3A_296 = tpu.memref_slice %arg8[%dma_wait3A_295] : memref<1600xi32, #tpu.memory_space<vmem>> -> memref<160xi32, #tpu.memory_space<vmem>>
        %dma_wait3A_297 = arith.constant 0 : i32
        %dma_wait3A_298 = arith.constant 0 : i32
        %dma_wait3A_299 = tpu.memref_slice %arg12[%dma_wait3A_297, %dma_wait3A_298] : memref<10240x128xf32, #tpu.memory_space<vmem_shared>> -> memref<10240x128xf32, #tpu.memory_space<vmem_shared>>
        tpu.wait_indirect_dma semaphore(%arg18 : memref<!tpu.dma_semaphore, #tpu.memory_space<semaphore_mem>>) src(%dma_wait3A_299 : memref<10240x128xf32, #tpu.memory_space<vmem_shared>>) dst(%arg11 : memref<160x128xf32, #tpu.memory_space<vmem>>)
        %add3A_300 = arith.constant 70 : i32
        %add3A_301 = arith.addi %add3A_300, %scan3A_269 : i32
        %mul3A_302 = arith.constant 160 : i32
        %mul3A_303 = arith.muli %add3A_301, %mul3A_302 : i32
        %add3A_304 = arith.addi %mul3A_2, %mul3A_303 : i32
        %dma_start3A_305 = arith.constant 0 : i32
        %dma_start3A_306 = tpu.memref_slice %arg5[%add3A_304, %dma_start3A_305] : memref<819200x128xf32, #tpu.memory_space<hbm>> -> memref<160x128xf32, #tpu.memory_space<hbm>>
        %dma_start3A_307 = arith.constant 0 : i32
        %dma_start3A_308 = tpu.memref_slice %arg5[%add3A_304, %dma_start3A_307] : memref<819200x128xf32, #tpu.memory_space<hbm>> -> memref<160x128xf32, #tpu.memory_space<hbm>>
        tpu.enqueue_dma source(%arg11 : memref<160x128xf32, #tpu.memory_space<vmem>>) target(%dma_start3A_308 : memref<160x128xf32, #tpu.memory_space<hbm>>) target_semaphore(%arg20 : memref<!tpu.dma_semaphore, #tpu.memory_space<semaphore_mem>>)
      } else {
      }
      %scan3A_279 = arith.constant 0 : i32
      scf.yield %scan3A_279 : i32
    }
    %scan3A_156 = arith.constant 10 : i32
    %dma_wait3A_157 = tpu.memref_slice %arg2[%mul3A_2] : memref<819200xi32, #tpu.memory_space<hbm>> -> memref<1600xi32, #tpu.memory_space<hbm>>
    %dma_wait3A_158 = tpu.memref_slice %arg2[%mul3A_2] : memref<819200xi32, #tpu.memory_space<hbm>> -> memref<1600xi32, #tpu.memory_space<hbm>>
    tpu.wait_dma2 semaphore(%arg14 : memref<!tpu.dma_semaphore, #tpu.memory_space<semaphore_mem>>) src(%dma_wait3A_158 : memref<1600xi32, #tpu.memory_space<hbm>>) dst(%arg7 : memref<1600xi32, #tpu.memory_space<vmem>>)
    %dma_start3A_159 = arith.constant 0 : i32
    %dma_start3A_160 = tpu.memref_slice %arg3[%dma_start3A_159] : memref<100096xi32, #tpu.memory_space<hbm>> -> memref<100096xi32, #tpu.memory_space<hbm>>
    tpu.enqueue_indirect_dma source(%dma_start3A_160 : memref<100096xi32, #tpu.memory_space<hbm>>) target(%arg9 : memref<1600xi32, #tpu.memory_space<vmem>>) offsets(%arg7 : memref<1600xi32, #tpu.memory_space<vmem>>) semaphore(%arg16 : memref<!tpu.dma_semaphore, #tpu.memory_space<semaphore_mem>>)
    %add3A_161 = arith.constant 16000 : i32
    %add3A_162 = arith.addi %mul3A_2, %add3A_161 : i32
    %dma_start3A_163 = tpu.memref_slice %arg2[%add3A_162] : memref<819200xi32, #tpu.memory_space<hbm>> -> memref<1600xi32, #tpu.memory_space<hbm>>
    %dma_start3A_164 = tpu.memref_slice %arg2[%add3A_162] : memref<819200xi32, #tpu.memory_space<hbm>> -> memref<1600xi32, #tpu.memory_space<hbm>>
    tpu.enqueue_dma source(%dma_start3A_164 : memref<1600xi32, #tpu.memory_space<hbm>>) target(%arg6 : memref<1600xi32, #tpu.memory_space<vmem>>) target_semaphore(%arg13 : memref<!tpu.dma_semaphore, #tpu.memory_space<semaphore_mem>>)
    %scan3A_165 = arith.constant 0 : i32
    %scan3A_166 = arith.constant 0 : i32
    %scan3A_167 = arith.constant 10 : i32
    %scan3A_168 = arith.addi %scan3A_166, %scan3A_167 : i32
    %scan3A_169 = arith.constant 1 : i32
    %scan3A_170 = scf.for %scan3A_269 = %scan3A_166 to %scan3A_168 step %scan3A_169 iter_args(%scan3A_270 = %scan3A_165) -> (i32)  : i32 {
      %rem3A = arith.constant 2 : i32
      %rem3A_271 = arith.remsi %scan3A_269, %rem3A : i32
      %eq3A = arith.constant 0 : i32
      %eq3A_272 = arith.cmpi eq, %rem3A_271, %eq3A : i32
      %convert_element_type3A = arith.extui %eq3A_272 : i1 to i32
      %cond3A = arith.constant 0 : i32
      %cond3A_273 = arith.cmpi ne, %convert_element_type3A, %cond3A : i32
      scf.if %cond3A_273 {
        %add3A_280 = arith.constant 8 : i32
        %add3A_281 = arith.addi %scan3A_269, %add3A_280 : i32
        %gt3A = arith.constant 0 : i32
        %gt3A_282 = arith.cmpi sgt, %add3A_281, %gt3A : i32
        %convert_element_type3A_283 = arith.extui %gt3A_282 : i1 to i32
        %cond3A_284 = arith.constant 0 : i32
        %cond3A_285 = arith.cmpi ne, %convert_element_type3A_283, %cond3A_284 : i32
        scf.if %cond3A_285 {
          %dma_wait3A_309 = arith.constant 0 : i32
          %dma_wait3A_310 = tpu.memref_slice %arg5[%mul3A_2, %dma_wait3A_309] : memref<819200x128xf32, #tpu.memory_space<hbm>> -> memref<160x128xf32, #tpu.memory_space<hbm>>
          %dma_wait3A_311 = arith.constant 0 : i32
          %dma_wait3A_312 = tpu.memref_slice %arg5[%mul3A_2, %dma_wait3A_311] : memref<819200x128xf32, #tpu.memory_space<hbm>> -> memref<160x128xf32, #tpu.memory_space<hbm>>
          tpu.wait_dma2 semaphore(%arg20 : memref<!tpu.dma_semaphore, #tpu.memory_space<semaphore_mem>>) src(%arg11 : memref<160x128xf32, #tpu.memory_space<vmem>>) dst(%dma_wait3A_312 : memref<160x128xf32, #tpu.memory_space<hbm>>)
        } else {
        }
        %lt3A = arith.constant 9 : i32
        %lt3A_286 = arith.cmpi slt, %scan3A_269, %lt3A : i32
        %convert_element_type3A_287 = arith.extui %lt3A_286 : i1 to i32
        %cond3A_288 = arith.constant 0 : i32
        %cond3A_289 = arith.cmpi ne, %convert_element_type3A_287, %cond3A_288 : i32
        scf.if %cond3A_289 {
          %add3A_309 = arith.constant 1 : i32
          %add3A_310 = arith.addi %scan3A_269, %add3A_309 : i32
          %mul3A_311 = arith.constant 160 : i32
          %mul3A_312 = arith.muli %add3A_310, %mul3A_311 : i32
          %dma_start3A_313 = tpu.memref_slice %arg8[%mul3A_312] : memref<1600xi32, #tpu.memory_space<vmem>> -> memref<160xi32, #tpu.memory_space<vmem>>
          %dma_start3A_314 = arith.constant 0 : i32
          %dma_start3A_315 = arith.constant 0 : i32
          %dma_start3A_316 = tpu.memref_slice %arg12[%dma_start3A_314, %dma_start3A_315] : memref<10240x128xf32, #tpu.memory_space<vmem_shared>> -> memref<10240x128xf32, #tpu.memory_space<vmem_shared>>
          tpu.enqueue_indirect_dma source(%dma_start3A_316 : memref<10240x128xf32, #tpu.memory_space<vmem_shared>>) target(%arg11 : memref<160x128xf32, #tpu.memory_space<vmem>>) offsets(%dma_start3A_313 : memref<160xi32, #tpu.memory_space<vmem>>) semaphore(%arg18 : memref<!tpu.dma_semaphore, #tpu.memory_space<semaphore_mem>>)
        } else {
        }
        %eq3A_290 = arith.constant 9 : i32
        %eq3A_291 = arith.cmpi eq, %scan3A_269, %eq3A_290 : i32
        %convert_element_type3A_292 = arith.extui %eq3A_291 : i1 to i32
        %cond3A_293 = arith.constant 0 : i32
        %cond3A_294 = arith.cmpi ne, %convert_element_type3A_292, %cond3A_293 : i32
        scf.if %cond3A_294 {
          %dma_wait3A_309 = arith.constant 0 : i32
          %dma_wait3A_310 = tpu.memref_slice %arg3[%dma_wait3A_309] : memref<100096xi32, #tpu.memory_space<hbm>> -> memref<1600xi32, #tpu.memory_space<hbm>>
          %dma_wait3A_311 = arith.constant 0 : i32
          %dma_wait3A_312 = tpu.memref_slice %arg3[%dma_wait3A_311] : memref<100096xi32, #tpu.memory_space<hbm>> -> memref<1600xi32, #tpu.memory_space<hbm>>
          tpu.wait_dma2 semaphore(%arg16 : memref<!tpu.dma_semaphore, #tpu.memory_space<semaphore_mem>>) src(%dma_wait3A_312 : memref<1600xi32, #tpu.memory_space<hbm>>) dst(%arg9 : memref<1600xi32, #tpu.memory_space<vmem>>)
          %dma_start3A_313 = arith.constant 0 : i32
          %dma_start3A_314 = tpu.memref_slice %arg9[%dma_start3A_313] : memref<1600xi32, #tpu.memory_space<vmem>> -> memref<160xi32, #tpu.memory_space<vmem>>
          %dma_start3A_315 = arith.constant 0 : i32
          %dma_start3A_316 = arith.constant 0 : i32
          %dma_start3A_317 = tpu.memref_slice %arg12[%dma_start3A_315, %dma_start3A_316] : memref<10240x128xf32, #tpu.memory_space<vmem_shared>> -> memref<10240x128xf32, #tpu.memory_space<vmem_shared>>
          tpu.enqueue_indirect_dma source(%dma_start3A_317 : memref<10240x128xf32, #tpu.memory_space<vmem_shared>>) target(%arg11 : memref<160x128xf32, #tpu.memory_space<vmem>>) offsets(%dma_start3A_314 : memref<160xi32, #tpu.memory_space<vmem>>) semaphore(%arg18 : memref<!tpu.dma_semaphore, #tpu.memory_space<semaphore_mem>>)
        } else {
        }
        %dma_wait3A_295 = arith.constant 0 : i32
        %dma_wait3A_296 = tpu.memref_slice %arg8[%dma_wait3A_295] : memref<1600xi32, #tpu.memory_space<vmem>> -> memref<160xi32, #tpu.memory_space<vmem>>
        %dma_wait3A_297 = arith.constant 0 : i32
        %dma_wait3A_298 = arith.constant 0 : i32
        %dma_wait3A_299 = tpu.memref_slice %arg12[%dma_wait3A_297, %dma_wait3A_298] : memref<10240x128xf32, #tpu.memory_space<vmem_shared>> -> memref<10240x128xf32, #tpu.memory_space<vmem_shared>>
        tpu.wait_indirect_dma semaphore(%arg17 : memref<!tpu.dma_semaphore, #tpu.memory_space<semaphore_mem>>) src(%dma_wait3A_299 : memref<10240x128xf32, #tpu.memory_space<vmem_shared>>) dst(%arg10 : memref<160x128xf32, #tpu.memory_space<vmem>>)
        %add3A_300 = arith.constant 80 : i32
        %add3A_301 = arith.addi %add3A_300, %scan3A_269 : i32
        %mul3A_302 = arith.constant 160 : i32
        %mul3A_303 = arith.muli %add3A_301, %mul3A_302 : i32
        %add3A_304 = arith.addi %mul3A_2, %mul3A_303 : i32
        %dma_start3A_305 = arith.constant 0 : i32
        %dma_start3A_306 = tpu.memref_slice %arg5[%add3A_304, %dma_start3A_305] : memref<819200x128xf32, #tpu.memory_space<hbm>> -> memref<160x128xf32, #tpu.memory_space<hbm>>
        %dma_start3A_307 = arith.constant 0 : i32
        %dma_start3A_308 = tpu.memref_slice %arg5[%add3A_304, %dma_start3A_307] : memref<819200x128xf32, #tpu.memory_space<hbm>> -> memref<160x128xf32, #tpu.memory_space<hbm>>
        tpu.enqueue_dma source(%arg10 : memref<160x128xf32, #tpu.memory_space<vmem>>) target(%dma_start3A_308 : memref<160x128xf32, #tpu.memory_space<hbm>>) target_semaphore(%arg19 : memref<!tpu.dma_semaphore, #tpu.memory_space<semaphore_mem>>)
      } else {
      }
      %eq3A_274 = arith.constant 1 : i32
      %eq3A_275 = arith.cmpi eq, %rem3A_271, %eq3A_274 : i32
      %convert_element_type3A_276 = arith.extui %eq3A_275 : i1 to i32
      %cond3A_277 = arith.constant 0 : i32
      %cond3A_278 = arith.cmpi ne, %convert_element_type3A_276, %cond3A_277 : i32
      scf.if %cond3A_278 {
        %add3A_280 = arith.constant 8 : i32
        %add3A_281 = arith.addi %scan3A_269, %add3A_280 : i32
        %gt3A = arith.constant 0 : i32
        %gt3A_282 = arith.cmpi sgt, %add3A_281, %gt3A : i32
        %convert_element_type3A_283 = arith.extui %gt3A_282 : i1 to i32
        %cond3A_284 = arith.constant 0 : i32
        %cond3A_285 = arith.cmpi ne, %convert_element_type3A_283, %cond3A_284 : i32
        scf.if %cond3A_285 {
          %dma_wait3A_309 = arith.constant 0 : i32
          %dma_wait3A_310 = tpu.memref_slice %arg5[%mul3A_2, %dma_wait3A_309] : memref<819200x128xf32, #tpu.memory_space<hbm>> -> memref<160x128xf32, #tpu.memory_space<hbm>>
          %dma_wait3A_311 = arith.constant 0 : i32
          %dma_wait3A_312 = tpu.memref_slice %arg5[%mul3A_2, %dma_wait3A_311] : memref<819200x128xf32, #tpu.memory_space<hbm>> -> memref<160x128xf32, #tpu.memory_space<hbm>>
          tpu.wait_dma2 semaphore(%arg19 : memref<!tpu.dma_semaphore, #tpu.memory_space<semaphore_mem>>) src(%arg10 : memref<160x128xf32, #tpu.memory_space<vmem>>) dst(%dma_wait3A_312 : memref<160x128xf32, #tpu.memory_space<hbm>>)
        } else {
        }
        %lt3A = arith.constant 9 : i32
        %lt3A_286 = arith.cmpi slt, %scan3A_269, %lt3A : i32
        %convert_element_type3A_287 = arith.extui %lt3A_286 : i1 to i32
        %cond3A_288 = arith.constant 0 : i32
        %cond3A_289 = arith.cmpi ne, %convert_element_type3A_287, %cond3A_288 : i32
        scf.if %cond3A_289 {
          %add3A_309 = arith.constant 1 : i32
          %add3A_310 = arith.addi %scan3A_269, %add3A_309 : i32
          %mul3A_311 = arith.constant 160 : i32
          %mul3A_312 = arith.muli %add3A_310, %mul3A_311 : i32
          %dma_start3A_313 = tpu.memref_slice %arg8[%mul3A_312] : memref<1600xi32, #tpu.memory_space<vmem>> -> memref<160xi32, #tpu.memory_space<vmem>>
          %dma_start3A_314 = arith.constant 0 : i32
          %dma_start3A_315 = arith.constant 0 : i32
          %dma_start3A_316 = tpu.memref_slice %arg12[%dma_start3A_314, %dma_start3A_315] : memref<10240x128xf32, #tpu.memory_space<vmem_shared>> -> memref<10240x128xf32, #tpu.memory_space<vmem_shared>>
          tpu.enqueue_indirect_dma source(%dma_start3A_316 : memref<10240x128xf32, #tpu.memory_space<vmem_shared>>) target(%arg10 : memref<160x128xf32, #tpu.memory_space<vmem>>) offsets(%dma_start3A_313 : memref<160xi32, #tpu.memory_space<vmem>>) semaphore(%arg17 : memref<!tpu.dma_semaphore, #tpu.memory_space<semaphore_mem>>)
        } else {
        }
        %eq3A_290 = arith.constant 9 : i32
        %eq3A_291 = arith.cmpi eq, %scan3A_269, %eq3A_290 : i32
        %convert_element_type3A_292 = arith.extui %eq3A_291 : i1 to i32
        %cond3A_293 = arith.constant 0 : i32
        %cond3A_294 = arith.cmpi ne, %convert_element_type3A_292, %cond3A_293 : i32
        scf.if %cond3A_294 {
          %dma_wait3A_309 = arith.constant 0 : i32
          %dma_wait3A_310 = tpu.memref_slice %arg3[%dma_wait3A_309] : memref<100096xi32, #tpu.memory_space<hbm>> -> memref<1600xi32, #tpu.memory_space<hbm>>
          %dma_wait3A_311 = arith.constant 0 : i32
          %dma_wait3A_312 = tpu.memref_slice %arg3[%dma_wait3A_311] : memref<100096xi32, #tpu.memory_space<hbm>> -> memref<1600xi32, #tpu.memory_space<hbm>>
          tpu.wait_dma2 semaphore(%arg16 : memref<!tpu.dma_semaphore, #tpu.memory_space<semaphore_mem>>) src(%dma_wait3A_312 : memref<1600xi32, #tpu.memory_space<hbm>>) dst(%arg9 : memref<1600xi32, #tpu.memory_space<vmem>>)
          %dma_start3A_313 = arith.constant 0 : i32
          %dma_start3A_314 = tpu.memref_slice %arg9[%dma_start3A_313] : memref<1600xi32, #tpu.memory_space<vmem>> -> memref<160xi32, #tpu.memory_space<vmem>>
          %dma_start3A_315 = arith.constant 0 : i32
          %dma_start3A_316 = arith.constant 0 : i32
          %dma_start3A_317 = tpu.memref_slice %arg12[%dma_start3A_315, %dma_start3A_316] : memref<10240x128xf32, #tpu.memory_space<vmem_shared>> -> memref<10240x128xf32, #tpu.memory_space<vmem_shared>>
          tpu.enqueue_indirect_dma source(%dma_start3A_317 : memref<10240x128xf32, #tpu.memory_space<vmem_shared>>) target(%arg10 : memref<160x128xf32, #tpu.memory_space<vmem>>) offsets(%dma_start3A_314 : memref<160xi32, #tpu.memory_space<vmem>>) semaphore(%arg17 : memref<!tpu.dma_semaphore, #tpu.memory_space<semaphore_mem>>)
        } else {
        }
        %dma_wait3A_295 = arith.constant 0 : i32
        %dma_wait3A_296 = tpu.memref_slice %arg8[%dma_wait3A_295] : memref<1600xi32, #tpu.memory_space<vmem>> -> memref<160xi32, #tpu.memory_space<vmem>>
        %dma_wait3A_297 = arith.constant 0 : i32
        %dma_wait3A_298 = arith.constant 0 : i32
        %dma_wait3A_299 = tpu.memref_slice %arg12[%dma_wait3A_297, %dma_wait3A_298] : memref<10240x128xf32, #tpu.memory_space<vmem_shared>> -> memref<10240x128xf32, #tpu.memory_space<vmem_shared>>
        tpu.wait_indirect_dma semaphore(%arg18 : memref<!tpu.dma_semaphore, #tpu.memory_space<semaphore_mem>>) src(%dma_wait3A_299 : memref<10240x128xf32, #tpu.memory_space<vmem_shared>>) dst(%arg11 : memref<160x128xf32, #tpu.memory_space<vmem>>)
        %add3A_300 = arith.constant 80 : i32
        %add3A_301 = arith.addi %add3A_300, %scan3A_269 : i32
        %mul3A_302 = arith.constant 160 : i32
        %mul3A_303 = arith.muli %add3A_301, %mul3A_302 : i32
        %add3A_304 = arith.addi %mul3A_2, %mul3A_303 : i32
        %dma_start3A_305 = arith.constant 0 : i32
        %dma_start3A_306 = tpu.memref_slice %arg5[%add3A_304, %dma_start3A_305] : memref<819200x128xf32, #tpu.memory_space<hbm>> -> memref<160x128xf32, #tpu.memory_space<hbm>>
        %dma_start3A_307 = arith.constant 0 : i32
        %dma_start3A_308 = tpu.memref_slice %arg5[%add3A_304, %dma_start3A_307] : memref<819200x128xf32, #tpu.memory_space<hbm>> -> memref<160x128xf32, #tpu.memory_space<hbm>>
        tpu.enqueue_dma source(%arg11 : memref<160x128xf32, #tpu.memory_space<vmem>>) target(%dma_start3A_308 : memref<160x128xf32, #tpu.memory_space<hbm>>) target_semaphore(%arg20 : memref<!tpu.dma_semaphore, #tpu.memory_space<semaphore_mem>>)
      } else {
      }
      %scan3A_279 = arith.constant 0 : i32
      scf.yield %scan3A_279 : i32
    }
    %scan3A_171 = arith.constant 10 : i32
    %dma_wait3A_172 = tpu.memref_slice %arg2[%mul3A_2] : memref<819200xi32, #tpu.memory_space<hbm>> -> memref<1600xi32, #tpu.memory_space<hbm>>
    %dma_wait3A_173 = tpu.memref_slice %arg2[%mul3A_2] : memref<819200xi32, #tpu.memory_space<hbm>> -> memref<1600xi32, #tpu.memory_space<hbm>>
    tpu.wait_dma2 semaphore(%arg13 : memref<!tpu.dma_semaphore, #tpu.memory_space<semaphore_mem>>) src(%dma_wait3A_173 : memref<1600xi32, #tpu.memory_space<hbm>>) dst(%arg6 : memref<1600xi32, #tpu.memory_space<vmem>>)
    %dma_start3A_174 = arith.constant 0 : i32
    %dma_start3A_175 = tpu.memref_slice %arg3[%dma_start3A_174] : memref<100096xi32, #tpu.memory_space<hbm>> -> memref<100096xi32, #tpu.memory_space<hbm>>
    tpu.enqueue_indirect_dma source(%dma_start3A_175 : memref<100096xi32, #tpu.memory_space<hbm>>) target(%arg8 : memref<1600xi32, #tpu.memory_space<vmem>>) offsets(%arg6 : memref<1600xi32, #tpu.memory_space<vmem>>) semaphore(%arg15 : memref<!tpu.dma_semaphore, #tpu.memory_space<semaphore_mem>>)
    %add3A_176 = arith.constant 17600 : i32
    %add3A_177 = arith.addi %mul3A_2, %add3A_176 : i32
    %dma_start3A_178 = tpu.memref_slice %arg2[%add3A_177] : memref<819200xi32, #tpu.memory_space<hbm>> -> memref<1600xi32, #tpu.memory_space<hbm>>
    %dma_start3A_179 = tpu.memref_slice %arg2[%add3A_177] : memref<819200xi32, #tpu.memory_space<hbm>> -> memref<1600xi32, #tpu.memory_space<hbm>>
    tpu.enqueue_dma source(%dma_start3A_179 : memref<1600xi32, #tpu.memory_space<hbm>>) target(%arg7 : memref<1600xi32, #tpu.memory_space<vmem>>) target_semaphore(%arg14 : memref<!tpu.dma_semaphore, #tpu.memory_space<semaphore_mem>>)
    %scan3A_180 = arith.constant 0 : i32
    %scan3A_181 = arith.constant 0 : i32
    %scan3A_182 = arith.constant 10 : i32
    %scan3A_183 = arith.addi %scan3A_181, %scan3A_182 : i32
    %scan3A_184 = arith.constant 1 : i32
    %scan3A_185 = scf.for %scan3A_269 = %scan3A_181 to %scan3A_183 step %scan3A_184 iter_args(%scan3A_270 = %scan3A_180) -> (i32)  : i32 {
      %rem3A = arith.constant 2 : i32
      %rem3A_271 = arith.remsi %scan3A_269, %rem3A : i32
      %eq3A = arith.constant 0 : i32
      %eq3A_272 = arith.cmpi eq, %rem3A_271, %eq3A : i32
      %convert_element_type3A = arith.extui %eq3A_272 : i1 to i32
      %cond3A = arith.constant 0 : i32
      %cond3A_273 = arith.cmpi ne, %convert_element_type3A, %cond3A : i32
      scf.if %cond3A_273 {
        %add3A_280 = arith.constant 9 : i32
        %add3A_281 = arith.addi %scan3A_269, %add3A_280 : i32
        %gt3A = arith.constant 0 : i32
        %gt3A_282 = arith.cmpi sgt, %add3A_281, %gt3A : i32
        %convert_element_type3A_283 = arith.extui %gt3A_282 : i1 to i32
        %cond3A_284 = arith.constant 0 : i32
        %cond3A_285 = arith.cmpi ne, %convert_element_type3A_283, %cond3A_284 : i32
        scf.if %cond3A_285 {
          %dma_wait3A_309 = arith.constant 0 : i32
          %dma_wait3A_310 = tpu.memref_slice %arg5[%mul3A_2, %dma_wait3A_309] : memref<819200x128xf32, #tpu.memory_space<hbm>> -> memref<160x128xf32, #tpu.memory_space<hbm>>
          %dma_wait3A_311 = arith.constant 0 : i32
          %dma_wait3A_312 = tpu.memref_slice %arg5[%mul3A_2, %dma_wait3A_311] : memref<819200x128xf32, #tpu.memory_space<hbm>> -> memref<160x128xf32, #tpu.memory_space<hbm>>
          tpu.wait_dma2 semaphore(%arg20 : memref<!tpu.dma_semaphore, #tpu.memory_space<semaphore_mem>>) src(%arg11 : memref<160x128xf32, #tpu.memory_space<vmem>>) dst(%dma_wait3A_312 : memref<160x128xf32, #tpu.memory_space<hbm>>)
        } else {
        }
        %lt3A = arith.constant 9 : i32
        %lt3A_286 = arith.cmpi slt, %scan3A_269, %lt3A : i32
        %convert_element_type3A_287 = arith.extui %lt3A_286 : i1 to i32
        %cond3A_288 = arith.constant 0 : i32
        %cond3A_289 = arith.cmpi ne, %convert_element_type3A_287, %cond3A_288 : i32
        scf.if %cond3A_289 {
          %add3A_309 = arith.constant 1 : i32
          %add3A_310 = arith.addi %scan3A_269, %add3A_309 : i32
          %mul3A_311 = arith.constant 160 : i32
          %mul3A_312 = arith.muli %add3A_310, %mul3A_311 : i32
          %dma_start3A_313 = tpu.memref_slice %arg9[%mul3A_312] : memref<1600xi32, #tpu.memory_space<vmem>> -> memref<160xi32, #tpu.memory_space<vmem>>
          %dma_start3A_314 = arith.constant 0 : i32
          %dma_start3A_315 = arith.constant 0 : i32
          %dma_start3A_316 = tpu.memref_slice %arg12[%dma_start3A_314, %dma_start3A_315] : memref<10240x128xf32, #tpu.memory_space<vmem_shared>> -> memref<10240x128xf32, #tpu.memory_space<vmem_shared>>
          tpu.enqueue_indirect_dma source(%dma_start3A_316 : memref<10240x128xf32, #tpu.memory_space<vmem_shared>>) target(%arg11 : memref<160x128xf32, #tpu.memory_space<vmem>>) offsets(%dma_start3A_313 : memref<160xi32, #tpu.memory_space<vmem>>) semaphore(%arg18 : memref<!tpu.dma_semaphore, #tpu.memory_space<semaphore_mem>>)
        } else {
        }
        %eq3A_290 = arith.constant 9 : i32
        %eq3A_291 = arith.cmpi eq, %scan3A_269, %eq3A_290 : i32
        %convert_element_type3A_292 = arith.extui %eq3A_291 : i1 to i32
        %cond3A_293 = arith.constant 0 : i32
        %cond3A_294 = arith.cmpi ne, %convert_element_type3A_292, %cond3A_293 : i32
        scf.if %cond3A_294 {
          %dma_wait3A_309 = arith.constant 0 : i32
          %dma_wait3A_310 = tpu.memref_slice %arg3[%dma_wait3A_309] : memref<100096xi32, #tpu.memory_space<hbm>> -> memref<1600xi32, #tpu.memory_space<hbm>>
          %dma_wait3A_311 = arith.constant 0 : i32
          %dma_wait3A_312 = tpu.memref_slice %arg3[%dma_wait3A_311] : memref<100096xi32, #tpu.memory_space<hbm>> -> memref<1600xi32, #tpu.memory_space<hbm>>
          tpu.wait_dma2 semaphore(%arg15 : memref<!tpu.dma_semaphore, #tpu.memory_space<semaphore_mem>>) src(%dma_wait3A_312 : memref<1600xi32, #tpu.memory_space<hbm>>) dst(%arg8 : memref<1600xi32, #tpu.memory_space<vmem>>)
          %dma_start3A_313 = arith.constant 0 : i32
          %dma_start3A_314 = tpu.memref_slice %arg8[%dma_start3A_313] : memref<1600xi32, #tpu.memory_space<vmem>> -> memref<160xi32, #tpu.memory_space<vmem>>
          %dma_start3A_315 = arith.constant 0 : i32
          %dma_start3A_316 = arith.constant 0 : i32
          %dma_start3A_317 = tpu.memref_slice %arg12[%dma_start3A_315, %dma_start3A_316] : memref<10240x128xf32, #tpu.memory_space<vmem_shared>> -> memref<10240x128xf32, #tpu.memory_space<vmem_shared>>
          tpu.enqueue_indirect_dma source(%dma_start3A_317 : memref<10240x128xf32, #tpu.memory_space<vmem_shared>>) target(%arg11 : memref<160x128xf32, #tpu.memory_space<vmem>>) offsets(%dma_start3A_314 : memref<160xi32, #tpu.memory_space<vmem>>) semaphore(%arg18 : memref<!tpu.dma_semaphore, #tpu.memory_space<semaphore_mem>>)
        } else {
        }
        %dma_wait3A_295 = arith.constant 0 : i32
        %dma_wait3A_296 = tpu.memref_slice %arg8[%dma_wait3A_295] : memref<1600xi32, #tpu.memory_space<vmem>> -> memref<160xi32, #tpu.memory_space<vmem>>
        %dma_wait3A_297 = arith.constant 0 : i32
        %dma_wait3A_298 = arith.constant 0 : i32
        %dma_wait3A_299 = tpu.memref_slice %arg12[%dma_wait3A_297, %dma_wait3A_298] : memref<10240x128xf32, #tpu.memory_space<vmem_shared>> -> memref<10240x128xf32, #tpu.memory_space<vmem_shared>>
        tpu.wait_indirect_dma semaphore(%arg17 : memref<!tpu.dma_semaphore, #tpu.memory_space<semaphore_mem>>) src(%dma_wait3A_299 : memref<10240x128xf32, #tpu.memory_space<vmem_shared>>) dst(%arg10 : memref<160x128xf32, #tpu.memory_space<vmem>>)
        %add3A_300 = arith.constant 90 : i32
        %add3A_301 = arith.addi %add3A_300, %scan3A_269 : i32
        %mul3A_302 = arith.constant 160 : i32
        %mul3A_303 = arith.muli %add3A_301, %mul3A_302 : i32
        %add3A_304 = arith.addi %mul3A_2, %mul3A_303 : i32
        %dma_start3A_305 = arith.constant 0 : i32
        %dma_start3A_306 = tpu.memref_slice %arg5[%add3A_304, %dma_start3A_305] : memref<819200x128xf32, #tpu.memory_space<hbm>> -> memref<160x128xf32, #tpu.memory_space<hbm>>
        %dma_start3A_307 = arith.constant 0 : i32
        %dma_start3A_308 = tpu.memref_slice %arg5[%add3A_304, %dma_start3A_307] : memref<819200x128xf32, #tpu.memory_space<hbm>> -> memref<160x128xf32, #tpu.memory_space<hbm>>
        tpu.enqueue_dma source(%arg10 : memref<160x128xf32, #tpu.memory_space<vmem>>) target(%dma_start3A_308 : memref<160x128xf32, #tpu.memory_space<hbm>>) target_semaphore(%arg19 : memref<!tpu.dma_semaphore, #tpu.memory_space<semaphore_mem>>)
      } else {
      }
      %eq3A_274 = arith.constant 1 : i32
      %eq3A_275 = arith.cmpi eq, %rem3A_271, %eq3A_274 : i32
      %convert_element_type3A_276 = arith.extui %eq3A_275 : i1 to i32
      %cond3A_277 = arith.constant 0 : i32
      %cond3A_278 = arith.cmpi ne, %convert_element_type3A_276, %cond3A_277 : i32
      scf.if %cond3A_278 {
        %add3A_280 = arith.constant 9 : i32
        %add3A_281 = arith.addi %scan3A_269, %add3A_280 : i32
        %gt3A = arith.constant 0 : i32
        %gt3A_282 = arith.cmpi sgt, %add3A_281, %gt3A : i32
        %convert_element_type3A_283 = arith.extui %gt3A_282 : i1 to i32
        %cond3A_284 = arith.constant 0 : i32
        %cond3A_285 = arith.cmpi ne, %convert_element_type3A_283, %cond3A_284 : i32
        scf.if %cond3A_285 {
          %dma_wait3A_309 = arith.constant 0 : i32
          %dma_wait3A_310 = tpu.memref_slice %arg5[%mul3A_2, %dma_wait3A_309] : memref<819200x128xf32, #tpu.memory_space<hbm>> -> memref<160x128xf32, #tpu.memory_space<hbm>>
          %dma_wait3A_311 = arith.constant 0 : i32
          %dma_wait3A_312 = tpu.memref_slice %arg5[%mul3A_2, %dma_wait3A_311] : memref<819200x128xf32, #tpu.memory_space<hbm>> -> memref<160x128xf32, #tpu.memory_space<hbm>>
          tpu.wait_dma2 semaphore(%arg19 : memref<!tpu.dma_semaphore, #tpu.memory_space<semaphore_mem>>) src(%arg10 : memref<160x128xf32, #tpu.memory_space<vmem>>) dst(%dma_wait3A_312 : memref<160x128xf32, #tpu.memory_space<hbm>>)
        } else {
        }
        %lt3A = arith.constant 9 : i32
        %lt3A_286 = arith.cmpi slt, %scan3A_269, %lt3A : i32
        %convert_element_type3A_287 = arith.extui %lt3A_286 : i1 to i32
        %cond3A_288 = arith.constant 0 : i32
        %cond3A_289 = arith.cmpi ne, %convert_element_type3A_287, %cond3A_288 : i32
        scf.if %cond3A_289 {
          %add3A_309 = arith.constant 1 : i32
          %add3A_310 = arith.addi %scan3A_269, %add3A_309 : i32
          %mul3A_311 = arith.constant 160 : i32
          %mul3A_312 = arith.muli %add3A_310, %mul3A_311 : i32
          %dma_start3A_313 = tpu.memref_slice %arg9[%mul3A_312] : memref<1600xi32, #tpu.memory_space<vmem>> -> memref<160xi32, #tpu.memory_space<vmem>>
          %dma_start3A_314 = arith.constant 0 : i32
          %dma_start3A_315 = arith.constant 0 : i32
          %dma_start3A_316 = tpu.memref_slice %arg12[%dma_start3A_314, %dma_start3A_315] : memref<10240x128xf32, #tpu.memory_space<vmem_shared>> -> memref<10240x128xf32, #tpu.memory_space<vmem_shared>>
          tpu.enqueue_indirect_dma source(%dma_start3A_316 : memref<10240x128xf32, #tpu.memory_space<vmem_shared>>) target(%arg10 : memref<160x128xf32, #tpu.memory_space<vmem>>) offsets(%dma_start3A_313 : memref<160xi32, #tpu.memory_space<vmem>>) semaphore(%arg17 : memref<!tpu.dma_semaphore, #tpu.memory_space<semaphore_mem>>)
        } else {
        }
        %eq3A_290 = arith.constant 9 : i32
        %eq3A_291 = arith.cmpi eq, %scan3A_269, %eq3A_290 : i32
        %convert_element_type3A_292 = arith.extui %eq3A_291 : i1 to i32
        %cond3A_293 = arith.constant 0 : i32
        %cond3A_294 = arith.cmpi ne, %convert_element_type3A_292, %cond3A_293 : i32
        scf.if %cond3A_294 {
          %dma_wait3A_309 = arith.constant 0 : i32
          %dma_wait3A_310 = tpu.memref_slice %arg3[%dma_wait3A_309] : memref<100096xi32, #tpu.memory_space<hbm>> -> memref<1600xi32, #tpu.memory_space<hbm>>
          %dma_wait3A_311 = arith.constant 0 : i32
          %dma_wait3A_312 = tpu.memref_slice %arg3[%dma_wait3A_311] : memref<100096xi32, #tpu.memory_space<hbm>> -> memref<1600xi32, #tpu.memory_space<hbm>>
          tpu.wait_dma2 semaphore(%arg15 : memref<!tpu.dma_semaphore, #tpu.memory_space<semaphore_mem>>) src(%dma_wait3A_312 : memref<1600xi32, #tpu.memory_space<hbm>>) dst(%arg8 : memref<1600xi32, #tpu.memory_space<vmem>>)
          %dma_start3A_313 = arith.constant 0 : i32
          %dma_start3A_314 = tpu.memref_slice %arg8[%dma_start3A_313] : memref<1600xi32, #tpu.memory_space<vmem>> -> memref<160xi32, #tpu.memory_space<vmem>>
          %dma_start3A_315 = arith.constant 0 : i32
          %dma_start3A_316 = arith.constant 0 : i32
          %dma_start3A_317 = tpu.memref_slice %arg12[%dma_start3A_315, %dma_start3A_316] : memref<10240x128xf32, #tpu.memory_space<vmem_shared>> -> memref<10240x128xf32, #tpu.memory_space<vmem_shared>>
          tpu.enqueue_indirect_dma source(%dma_start3A_317 : memref<10240x128xf32, #tpu.memory_space<vmem_shared>>) target(%arg10 : memref<160x128xf32, #tpu.memory_space<vmem>>) offsets(%dma_start3A_314 : memref<160xi32, #tpu.memory_space<vmem>>) semaphore(%arg17 : memref<!tpu.dma_semaphore, #tpu.memory_space<semaphore_mem>>)
        } else {
        }
        %dma_wait3A_295 = arith.constant 0 : i32
        %dma_wait3A_296 = tpu.memref_slice %arg8[%dma_wait3A_295] : memref<1600xi32, #tpu.memory_space<vmem>> -> memref<160xi32, #tpu.memory_space<vmem>>
        %dma_wait3A_297 = arith.constant 0 : i32
        %dma_wait3A_298 = arith.constant 0 : i32
        %dma_wait3A_299 = tpu.memref_slice %arg12[%dma_wait3A_297, %dma_wait3A_298] : memref<10240x128xf32, #tpu.memory_space<vmem_shared>> -> memref<10240x128xf32, #tpu.memory_space<vmem_shared>>
        tpu.wait_indirect_dma semaphore(%arg18 : memref<!tpu.dma_semaphore, #tpu.memory_space<semaphore_mem>>) src(%dma_wait3A_299 : memref<10240x128xf32, #tpu.memory_space<vmem_shared>>) dst(%arg11 : memref<160x128xf32, #tpu.memory_space<vmem>>)
        %add3A_300 = arith.constant 90 : i32
        %add3A_301 = arith.addi %add3A_300, %scan3A_269 : i32
        %mul3A_302 = arith.constant 160 : i32
        %mul3A_303 = arith.muli %add3A_301, %mul3A_302 : i32
        %add3A_304 = arith.addi %mul3A_2, %mul3A_303 : i32
        %dma_start3A_305 = arith.constant 0 : i32
        %dma_start3A_306 = tpu.memref_slice %arg5[%add3A_304, %dma_start3A_305] : memref<819200x128xf32, #tpu.memory_space<hbm>> -> memref<160x128xf32, #tpu.memory_space<hbm>>
        %dma_start3A_307 = arith.constant 0 : i32
        %dma_start3A_308 = tpu.memref_slice %arg5[%add3A_304, %dma_start3A_307] : memref<819200x128xf32, #tpu.memory_space<hbm>> -> memref<160x128xf32, #tpu.memory_space<hbm>>
        tpu.enqueue_dma source(%arg11 : memref<160x128xf32, #tpu.memory_space<vmem>>) target(%dma_start3A_308 : memref<160x128xf32, #tpu.memory_space<hbm>>) target_semaphore(%arg20 : memref<!tpu.dma_semaphore, #tpu.memory_space<semaphore_mem>>)
      } else {
      }
      %scan3A_279 = arith.constant 0 : i32
      scf.yield %scan3A_279 : i32
    }
    %scan3A_186 = arith.constant 10 : i32
    %dma_wait3A_187 = tpu.memref_slice %arg2[%mul3A_2] : memref<819200xi32, #tpu.memory_space<hbm>> -> memref<1600xi32, #tpu.memory_space<hbm>>
    %dma_wait3A_188 = tpu.memref_slice %arg2[%mul3A_2] : memref<819200xi32, #tpu.memory_space<hbm>> -> memref<1600xi32, #tpu.memory_space<hbm>>
    tpu.wait_dma2 semaphore(%arg14 : memref<!tpu.dma_semaphore, #tpu.memory_space<semaphore_mem>>) src(%dma_wait3A_188 : memref<1600xi32, #tpu.memory_space<hbm>>) dst(%arg7 : memref<1600xi32, #tpu.memory_space<vmem>>)
    %dma_start3A_189 = arith.constant 0 : i32
    %dma_start3A_190 = tpu.memref_slice %arg3[%dma_start3A_189] : memref<100096xi32, #tpu.memory_space<hbm>> -> memref<100096xi32, #tpu.memory_space<hbm>>
    tpu.enqueue_indirect_dma source(%dma_start3A_190 : memref<100096xi32, #tpu.memory_space<hbm>>) target(%arg9 : memref<1600xi32, #tpu.memory_space<vmem>>) offsets(%arg7 : memref<1600xi32, #tpu.memory_space<vmem>>) semaphore(%arg16 : memref<!tpu.dma_semaphore, #tpu.memory_space<semaphore_mem>>)
    %add3A_191 = arith.constant 19200 : i32
    %add3A_192 = arith.addi %mul3A_2, %add3A_191 : i32
    %dma_start3A_193 = tpu.memref_slice %arg2[%add3A_192] : memref<819200xi32, #tpu.memory_space<hbm>> -> memref<1600xi32, #tpu.memory_space<hbm>>
    %dma_start3A_194 = tpu.memref_slice %arg2[%add3A_192] : memref<819200xi32, #tpu.memory_space<hbm>> -> memref<1600xi32, #tpu.memory_space<hbm>>
    tpu.enqueue_dma source(%dma_start3A_194 : memref<1600xi32, #tpu.memory_space<hbm>>) target(%arg6 : memref<1600xi32, #tpu.memory_space<vmem>>) target_semaphore(%arg13 : memref<!tpu.dma_semaphore, #tpu.memory_space<semaphore_mem>>)
    %scan3A_195 = arith.constant 0 : i32
    %scan3A_196 = arith.constant 0 : i32
    %scan3A_197 = arith.constant 10 : i32
    %scan3A_198 = arith.addi %scan3A_196, %scan3A_197 : i32
    %scan3A_199 = arith.constant 1 : i32
    %scan3A_200 = scf.for %scan3A_269 = %scan3A_196 to %scan3A_198 step %scan3A_199 iter_args(%scan3A_270 = %scan3A_195) -> (i32)  : i32 {
      %rem3A = arith.constant 2 : i32
      %rem3A_271 = arith.remsi %scan3A_269, %rem3A : i32
      %eq3A = arith.constant 0 : i32
      %eq3A_272 = arith.cmpi eq, %rem3A_271, %eq3A : i32
      %convert_element_type3A = arith.extui %eq3A_272 : i1 to i32
      %cond3A = arith.constant 0 : i32
      %cond3A_273 = arith.cmpi ne, %convert_element_type3A, %cond3A : i32
      scf.if %cond3A_273 {
        %add3A_280 = arith.constant 10 : i32
        %add3A_281 = arith.addi %scan3A_269, %add3A_280 : i32
        %gt3A = arith.constant 0 : i32
        %gt3A_282 = arith.cmpi sgt, %add3A_281, %gt3A : i32
        %convert_element_type3A_283 = arith.extui %gt3A_282 : i1 to i32
        %cond3A_284 = arith.constant 0 : i32
        %cond3A_285 = arith.cmpi ne, %convert_element_type3A_283, %cond3A_284 : i32
        scf.if %cond3A_285 {
          %dma_wait3A_309 = arith.constant 0 : i32
          %dma_wait3A_310 = tpu.memref_slice %arg5[%mul3A_2, %dma_wait3A_309] : memref<819200x128xf32, #tpu.memory_space<hbm>> -> memref<160x128xf32, #tpu.memory_space<hbm>>
          %dma_wait3A_311 = arith.constant 0 : i32
          %dma_wait3A_312 = tpu.memref_slice %arg5[%mul3A_2, %dma_wait3A_311] : memref<819200x128xf32, #tpu.memory_space<hbm>> -> memref<160x128xf32, #tpu.memory_space<hbm>>
          tpu.wait_dma2 semaphore(%arg20 : memref<!tpu.dma_semaphore, #tpu.memory_space<semaphore_mem>>) src(%arg11 : memref<160x128xf32, #tpu.memory_space<vmem>>) dst(%dma_wait3A_312 : memref<160x128xf32, #tpu.memory_space<hbm>>)
        } else {
        }
        %lt3A = arith.constant 9 : i32
        %lt3A_286 = arith.cmpi slt, %scan3A_269, %lt3A : i32
        %convert_element_type3A_287 = arith.extui %lt3A_286 : i1 to i32
        %cond3A_288 = arith.constant 0 : i32
        %cond3A_289 = arith.cmpi ne, %convert_element_type3A_287, %cond3A_288 : i32
        scf.if %cond3A_289 {
          %add3A_309 = arith.constant 1 : i32
          %add3A_310 = arith.addi %scan3A_269, %add3A_309 : i32
          %mul3A_311 = arith.constant 160 : i32
          %mul3A_312 = arith.muli %add3A_310, %mul3A_311 : i32
          %dma_start3A_313 = tpu.memref_slice %arg8[%mul3A_312] : memref<1600xi32, #tpu.memory_space<vmem>> -> memref<160xi32, #tpu.memory_space<vmem>>
          %dma_start3A_314 = arith.constant 0 : i32
          %dma_start3A_315 = arith.constant 0 : i32
          %dma_start3A_316 = tpu.memref_slice %arg12[%dma_start3A_314, %dma_start3A_315] : memref<10240x128xf32, #tpu.memory_space<vmem_shared>> -> memref<10240x128xf32, #tpu.memory_space<vmem_shared>>
          tpu.enqueue_indirect_dma source(%dma_start3A_316 : memref<10240x128xf32, #tpu.memory_space<vmem_shared>>) target(%arg11 : memref<160x128xf32, #tpu.memory_space<vmem>>) offsets(%dma_start3A_313 : memref<160xi32, #tpu.memory_space<vmem>>) semaphore(%arg18 : memref<!tpu.dma_semaphore, #tpu.memory_space<semaphore_mem>>)
        } else {
        }
        %eq3A_290 = arith.constant 9 : i32
        %eq3A_291 = arith.cmpi eq, %scan3A_269, %eq3A_290 : i32
        %convert_element_type3A_292 = arith.extui %eq3A_291 : i1 to i32
        %cond3A_293 = arith.constant 0 : i32
        %cond3A_294 = arith.cmpi ne, %convert_element_type3A_292, %cond3A_293 : i32
        scf.if %cond3A_294 {
          %dma_wait3A_309 = arith.constant 0 : i32
          %dma_wait3A_310 = tpu.memref_slice %arg3[%dma_wait3A_309] : memref<100096xi32, #tpu.memory_space<hbm>> -> memref<1600xi32, #tpu.memory_space<hbm>>
          %dma_wait3A_311 = arith.constant 0 : i32
          %dma_wait3A_312 = tpu.memref_slice %arg3[%dma_wait3A_311] : memref<100096xi32, #tpu.memory_space<hbm>> -> memref<1600xi32, #tpu.memory_space<hbm>>
          tpu.wait_dma2 semaphore(%arg16 : memref<!tpu.dma_semaphore, #tpu.memory_space<semaphore_mem>>) src(%dma_wait3A_312 : memref<1600xi32, #tpu.memory_space<hbm>>) dst(%arg9 : memref<1600xi32, #tpu.memory_space<vmem>>)
          %dma_start3A_313 = arith.constant 0 : i32
          %dma_start3A_314 = tpu.memref_slice %arg9[%dma_start3A_313] : memref<1600xi32, #tpu.memory_space<vmem>> -> memref<160xi32, #tpu.memory_space<vmem>>
          %dma_start3A_315 = arith.constant 0 : i32
          %dma_start3A_316 = arith.constant 0 : i32
          %dma_start3A_317 = tpu.memref_slice %arg12[%dma_start3A_315, %dma_start3A_316] : memref<10240x128xf32, #tpu.memory_space<vmem_shared>> -> memref<10240x128xf32, #tpu.memory_space<vmem_shared>>
          tpu.enqueue_indirect_dma source(%dma_start3A_317 : memref<10240x128xf32, #tpu.memory_space<vmem_shared>>) target(%arg11 : memref<160x128xf32, #tpu.memory_space<vmem>>) offsets(%dma_start3A_314 : memref<160xi32, #tpu.memory_space<vmem>>) semaphore(%arg18 : memref<!tpu.dma_semaphore, #tpu.memory_space<semaphore_mem>>)
        } else {
        }
        %dma_wait3A_295 = arith.constant 0 : i32
        %dma_wait3A_296 = tpu.memref_slice %arg8[%dma_wait3A_295] : memref<1600xi32, #tpu.memory_space<vmem>> -> memref<160xi32, #tpu.memory_space<vmem>>
        %dma_wait3A_297 = arith.constant 0 : i32
        %dma_wait3A_298 = arith.constant 0 : i32
        %dma_wait3A_299 = tpu.memref_slice %arg12[%dma_wait3A_297, %dma_wait3A_298] : memref<10240x128xf32, #tpu.memory_space<vmem_shared>> -> memref<10240x128xf32, #tpu.memory_space<vmem_shared>>
        tpu.wait_indirect_dma semaphore(%arg17 : memref<!tpu.dma_semaphore, #tpu.memory_space<semaphore_mem>>) src(%dma_wait3A_299 : memref<10240x128xf32, #tpu.memory_space<vmem_shared>>) dst(%arg10 : memref<160x128xf32, #tpu.memory_space<vmem>>)
        %add3A_300 = arith.constant 100 : i32
        %add3A_301 = arith.addi %add3A_300, %scan3A_269 : i32
        %mul3A_302 = arith.constant 160 : i32
        %mul3A_303 = arith.muli %add3A_301, %mul3A_302 : i32
        %add3A_304 = arith.addi %mul3A_2, %mul3A_303 : i32
        %dma_start3A_305 = arith.constant 0 : i32
        %dma_start3A_306 = tpu.memref_slice %arg5[%add3A_304, %dma_start3A_305] : memref<819200x128xf32, #tpu.memory_space<hbm>> -> memref<160x128xf32, #tpu.memory_space<hbm>>
        %dma_start3A_307 = arith.constant 0 : i32
        %dma_start3A_308 = tpu.memref_slice %arg5[%add3A_304, %dma_start3A_307] : memref<819200x128xf32, #tpu.memory_space<hbm>> -> memref<160x128xf32, #tpu.memory_space<hbm>>
        tpu.enqueue_dma source(%arg10 : memref<160x128xf32, #tpu.memory_space<vmem>>) target(%dma_start3A_308 : memref<160x128xf32, #tpu.memory_space<hbm>>) target_semaphore(%arg19 : memref<!tpu.dma_semaphore, #tpu.memory_space<semaphore_mem>>)
      } else {
      }
      %eq3A_274 = arith.constant 1 : i32
      %eq3A_275 = arith.cmpi eq, %rem3A_271, %eq3A_274 : i32
      %convert_element_type3A_276 = arith.extui %eq3A_275 : i1 to i32
      %cond3A_277 = arith.constant 0 : i32
      %cond3A_278 = arith.cmpi ne, %convert_element_type3A_276, %cond3A_277 : i32
      scf.if %cond3A_278 {
        %add3A_280 = arith.constant 10 : i32
        %add3A_281 = arith.addi %scan3A_269, %add3A_280 : i32
        %gt3A = arith.constant 0 : i32
        %gt3A_282 = arith.cmpi sgt, %add3A_281, %gt3A : i32
        %convert_element_type3A_283 = arith.extui %gt3A_282 : i1 to i32
        %cond3A_284 = arith.constant 0 : i32
        %cond3A_285 = arith.cmpi ne, %convert_element_type3A_283, %cond3A_284 : i32
        scf.if %cond3A_285 {
          %dma_wait3A_309 = arith.constant 0 : i32
          %dma_wait3A_310 = tpu.memref_slice %arg5[%mul3A_2, %dma_wait3A_309] : memref<819200x128xf32, #tpu.memory_space<hbm>> -> memref<160x128xf32, #tpu.memory_space<hbm>>
          %dma_wait3A_311 = arith.constant 0 : i32
          %dma_wait3A_312 = tpu.memref_slice %arg5[%mul3A_2, %dma_wait3A_311] : memref<819200x128xf32, #tpu.memory_space<hbm>> -> memref<160x128xf32, #tpu.memory_space<hbm>>
          tpu.wait_dma2 semaphore(%arg19 : memref<!tpu.dma_semaphore, #tpu.memory_space<semaphore_mem>>) src(%arg10 : memref<160x128xf32, #tpu.memory_space<vmem>>) dst(%dma_wait3A_312 : memref<160x128xf32, #tpu.memory_space<hbm>>)
        } else {
        }
        %lt3A = arith.constant 9 : i32
        %lt3A_286 = arith.cmpi slt, %scan3A_269, %lt3A : i32
        %convert_element_type3A_287 = arith.extui %lt3A_286 : i1 to i32
        %cond3A_288 = arith.constant 0 : i32
        %cond3A_289 = arith.cmpi ne, %convert_element_type3A_287, %cond3A_288 : i32
        scf.if %cond3A_289 {
          %add3A_309 = arith.constant 1 : i32
          %add3A_310 = arith.addi %scan3A_269, %add3A_309 : i32
          %mul3A_311 = arith.constant 160 : i32
          %mul3A_312 = arith.muli %add3A_310, %mul3A_311 : i32
          %dma_start3A_313 = tpu.memref_slice %arg8[%mul3A_312] : memref<1600xi32, #tpu.memory_space<vmem>> -> memref<160xi32, #tpu.memory_space<vmem>>
          %dma_start3A_314 = arith.constant 0 : i32
          %dma_start3A_315 = arith.constant 0 : i32
          %dma_start3A_316 = tpu.memref_slice %arg12[%dma_start3A_314, %dma_start3A_315] : memref<10240x128xf32, #tpu.memory_space<vmem_shared>> -> memref<10240x128xf32, #tpu.memory_space<vmem_shared>>
          tpu.enqueue_indirect_dma source(%dma_start3A_316 : memref<10240x128xf32, #tpu.memory_space<vmem_shared>>) target(%arg10 : memref<160x128xf32, #tpu.memory_space<vmem>>) offsets(%dma_start3A_313 : memref<160xi32, #tpu.memory_space<vmem>>) semaphore(%arg17 : memref<!tpu.dma_semaphore, #tpu.memory_space<semaphore_mem>>)
        } else {
        }
        %eq3A_290 = arith.constant 9 : i32
        %eq3A_291 = arith.cmpi eq, %scan3A_269, %eq3A_290 : i32
        %convert_element_type3A_292 = arith.extui %eq3A_291 : i1 to i32
        %cond3A_293 = arith.constant 0 : i32
        %cond3A_294 = arith.cmpi ne, %convert_element_type3A_292, %cond3A_293 : i32
        scf.if %cond3A_294 {
          %dma_wait3A_309 = arith.constant 0 : i32
          %dma_wait3A_310 = tpu.memref_slice %arg3[%dma_wait3A_309] : memref<100096xi32, #tpu.memory_space<hbm>> -> memref<1600xi32, #tpu.memory_space<hbm>>
          %dma_wait3A_311 = arith.constant 0 : i32
          %dma_wait3A_312 = tpu.memref_slice %arg3[%dma_wait3A_311] : memref<100096xi32, #tpu.memory_space<hbm>> -> memref<1600xi32, #tpu.memory_space<hbm>>
          tpu.wait_dma2 semaphore(%arg16 : memref<!tpu.dma_semaphore, #tpu.memory_space<semaphore_mem>>) src(%dma_wait3A_312 : memref<1600xi32, #tpu.memory_space<hbm>>) dst(%arg9 : memref<1600xi32, #tpu.memory_space<vmem>>)
          %dma_start3A_313 = arith.constant 0 : i32
          %dma_start3A_314 = tpu.memref_slice %arg9[%dma_start3A_313] : memref<1600xi32, #tpu.memory_space<vmem>> -> memref<160xi32, #tpu.memory_space<vmem>>
          %dma_start3A_315 = arith.constant 0 : i32
          %dma_start3A_316 = arith.constant 0 : i32
          %dma_start3A_317 = tpu.memref_slice %arg12[%dma_start3A_315, %dma_start3A_316] : memref<10240x128xf32, #tpu.memory_space<vmem_shared>> -> memref<10240x128xf32, #tpu.memory_space<vmem_shared>>
          tpu.enqueue_indirect_dma source(%dma_start3A_317 : memref<10240x128xf32, #tpu.memory_space<vmem_shared>>) target(%arg10 : memref<160x128xf32, #tpu.memory_space<vmem>>) offsets(%dma_start3A_314 : memref<160xi32, #tpu.memory_space<vmem>>) semaphore(%arg17 : memref<!tpu.dma_semaphore, #tpu.memory_space<semaphore_mem>>)
        } else {
        }
        %dma_wait3A_295 = arith.constant 0 : i32
        %dma_wait3A_296 = tpu.memref_slice %arg8[%dma_wait3A_295] : memref<1600xi32, #tpu.memory_space<vmem>> -> memref<160xi32, #tpu.memory_space<vmem>>
        %dma_wait3A_297 = arith.constant 0 : i32
        %dma_wait3A_298 = arith.constant 0 : i32
        %dma_wait3A_299 = tpu.memref_slice %arg12[%dma_wait3A_297, %dma_wait3A_298] : memref<10240x128xf32, #tpu.memory_space<vmem_shared>> -> memref<10240x128xf32, #tpu.memory_space<vmem_shared>>
        tpu.wait_indirect_dma semaphore(%arg18 : memref<!tpu.dma_semaphore, #tpu.memory_space<semaphore_mem>>) src(%dma_wait3A_299 : memref<10240x128xf32, #tpu.memory_space<vmem_shared>>) dst(%arg11 : memref<160x128xf32, #tpu.memory_space<vmem>>)
        %add3A_300 = arith.constant 100 : i32
        %add3A_301 = arith.addi %add3A_300, %scan3A_269 : i32
        %mul3A_302 = arith.constant 160 : i32
        %mul3A_303 = arith.muli %add3A_301, %mul3A_302 : i32
        %add3A_304 = arith.addi %mul3A_2, %mul3A_303 : i32
        %dma_start3A_305 = arith.constant 0 : i32
        %dma_start3A_306 = tpu.memref_slice %arg5[%add3A_304, %dma_start3A_305] : memref<819200x128xf32, #tpu.memory_space<hbm>> -> memref<160x128xf32, #tpu.memory_space<hbm>>
        %dma_start3A_307 = arith.constant 0 : i32
        %dma_start3A_308 = tpu.memref_slice %arg5[%add3A_304, %dma_start3A_307] : memref<819200x128xf32, #tpu.memory_space<hbm>> -> memref<160x128xf32, #tpu.memory_space<hbm>>
        tpu.enqueue_dma source(%arg11 : memref<160x128xf32, #tpu.memory_space<vmem>>) target(%dma_start3A_308 : memref<160x128xf32, #tpu.memory_space<hbm>>) target_semaphore(%arg20 : memref<!tpu.dma_semaphore, #tpu.memory_space<semaphore_mem>>)
      } else {
      }
      %scan3A_279 = arith.constant 0 : i32
      scf.yield %scan3A_279 : i32
    }
    %scan3A_201 = arith.constant 10 : i32
    %dma_wait3A_202 = tpu.memref_slice %arg2[%mul3A_2] : memref<819200xi32, #tpu.memory_space<hbm>> -> memref<1600xi32, #tpu.memory_space<hbm>>
    %dma_wait3A_203 = tpu.memref_slice %arg2[%mul3A_2] : memref<819200xi32, #tpu.memory_space<hbm>> -> memref<1600xi32, #tpu.memory_space<hbm>>
    tpu.wait_dma2 semaphore(%arg13 : memref<!tpu.dma_semaphore, #tpu.memory_space<semaphore_mem>>) src(%dma_wait3A_203 : memref<1600xi32, #tpu.memory_space<hbm>>) dst(%arg6 : memref<1600xi32, #tpu.memory_space<vmem>>)
    %dma_start3A_204 = arith.constant 0 : i32
    %dma_start3A_205 = tpu.memref_slice %arg3[%dma_start3A_204] : memref<100096xi32, #tpu.memory_space<hbm>> -> memref<100096xi32, #tpu.memory_space<hbm>>
    tpu.enqueue_indirect_dma source(%dma_start3A_205 : memref<100096xi32, #tpu.memory_space<hbm>>) target(%arg8 : memref<1600xi32, #tpu.memory_space<vmem>>) offsets(%arg6 : memref<1600xi32, #tpu.memory_space<vmem>>) semaphore(%arg15 : memref<!tpu.dma_semaphore, #tpu.memory_space<semaphore_mem>>)
    %add3A_206 = arith.constant 20800 : i32
    %add3A_207 = arith.addi %mul3A_2, %add3A_206 : i32
    %dma_start3A_208 = tpu.memref_slice %arg2[%add3A_207] : memref<819200xi32, #tpu.memory_space<hbm>> -> memref<1600xi32, #tpu.memory_space<hbm>>
    %dma_start3A_209 = tpu.memref_slice %arg2[%add3A_207] : memref<819200xi32, #tpu.memory_space<hbm>> -> memref<1600xi32, #tpu.memory_space<hbm>>
    tpu.enqueue_dma source(%dma_start3A_209 : memref<1600xi32, #tpu.memory_space<hbm>>) target(%arg7 : memref<1600xi32, #tpu.memory_space<vmem>>) target_semaphore(%arg14 : memref<!tpu.dma_semaphore, #tpu.memory_space<semaphore_mem>>)
    %scan3A_210 = arith.constant 0 : i32
    %scan3A_211 = arith.constant 0 : i32
    %scan3A_212 = arith.constant 10 : i32
    %scan3A_213 = arith.addi %scan3A_211, %scan3A_212 : i32
    %scan3A_214 = arith.constant 1 : i32
    %scan3A_215 = scf.for %scan3A_269 = %scan3A_211 to %scan3A_213 step %scan3A_214 iter_args(%scan3A_270 = %scan3A_210) -> (i32)  : i32 {
      %rem3A = arith.constant 2 : i32
      %rem3A_271 = arith.remsi %scan3A_269, %rem3A : i32
      %eq3A = arith.constant 0 : i32
      %eq3A_272 = arith.cmpi eq, %rem3A_271, %eq3A : i32
      %convert_element_type3A = arith.extui %eq3A_272 : i1 to i32
      %cond3A = arith.constant 0 : i32
      %cond3A_273 = arith.cmpi ne, %convert_element_type3A, %cond3A : i32
      scf.if %cond3A_273 {
        %add3A_280 = arith.constant 11 : i32
        %add3A_281 = arith.addi %scan3A_269, %add3A_280 : i32
        %gt3A = arith.constant 0 : i32
        %gt3A_282 = arith.cmpi sgt, %add3A_281, %gt3A : i32
        %convert_element_type3A_283 = arith.extui %gt3A_282 : i1 to i32
        %cond3A_284 = arith.constant 0 : i32
        %cond3A_285 = arith.cmpi ne, %convert_element_type3A_283, %cond3A_284 : i32
        scf.if %cond3A_285 {
          %dma_wait3A_309 = arith.constant 0 : i32
          %dma_wait3A_310 = tpu.memref_slice %arg5[%mul3A_2, %dma_wait3A_309] : memref<819200x128xf32, #tpu.memory_space<hbm>> -> memref<160x128xf32, #tpu.memory_space<hbm>>
          %dma_wait3A_311 = arith.constant 0 : i32
          %dma_wait3A_312 = tpu.memref_slice %arg5[%mul3A_2, %dma_wait3A_311] : memref<819200x128xf32, #tpu.memory_space<hbm>> -> memref<160x128xf32, #tpu.memory_space<hbm>>
          tpu.wait_dma2 semaphore(%arg20 : memref<!tpu.dma_semaphore, #tpu.memory_space<semaphore_mem>>) src(%arg11 : memref<160x128xf32, #tpu.memory_space<vmem>>) dst(%dma_wait3A_312 : memref<160x128xf32, #tpu.memory_space<hbm>>)
        } else {
        }
        %lt3A = arith.constant 9 : i32
        %lt3A_286 = arith.cmpi slt, %scan3A_269, %lt3A : i32
        %convert_element_type3A_287 = arith.extui %lt3A_286 : i1 to i32
        %cond3A_288 = arith.constant 0 : i32
        %cond3A_289 = arith.cmpi ne, %convert_element_type3A_287, %cond3A_288 : i32
        scf.if %cond3A_289 {
          %add3A_309 = arith.constant 1 : i32
          %add3A_310 = arith.addi %scan3A_269, %add3A_309 : i32
          %mul3A_311 = arith.constant 160 : i32
          %mul3A_312 = arith.muli %add3A_310, %mul3A_311 : i32
          %dma_start3A_313 = tpu.memref_slice %arg9[%mul3A_312] : memref<1600xi32, #tpu.memory_space<vmem>> -> memref<160xi32, #tpu.memory_space<vmem>>
          %dma_start3A_314 = arith.constant 0 : i32
          %dma_start3A_315 = arith.constant 0 : i32
          %dma_start3A_316 = tpu.memref_slice %arg12[%dma_start3A_314, %dma_start3A_315] : memref<10240x128xf32, #tpu.memory_space<vmem_shared>> -> memref<10240x128xf32, #tpu.memory_space<vmem_shared>>
          tpu.enqueue_indirect_dma source(%dma_start3A_316 : memref<10240x128xf32, #tpu.memory_space<vmem_shared>>) target(%arg11 : memref<160x128xf32, #tpu.memory_space<vmem>>) offsets(%dma_start3A_313 : memref<160xi32, #tpu.memory_space<vmem>>) semaphore(%arg18 : memref<!tpu.dma_semaphore, #tpu.memory_space<semaphore_mem>>)
        } else {
        }
        %eq3A_290 = arith.constant 9 : i32
        %eq3A_291 = arith.cmpi eq, %scan3A_269, %eq3A_290 : i32
        %convert_element_type3A_292 = arith.extui %eq3A_291 : i1 to i32
        %cond3A_293 = arith.constant 0 : i32
        %cond3A_294 = arith.cmpi ne, %convert_element_type3A_292, %cond3A_293 : i32
        scf.if %cond3A_294 {
          %dma_wait3A_309 = arith.constant 0 : i32
          %dma_wait3A_310 = tpu.memref_slice %arg3[%dma_wait3A_309] : memref<100096xi32, #tpu.memory_space<hbm>> -> memref<1600xi32, #tpu.memory_space<hbm>>
          %dma_wait3A_311 = arith.constant 0 : i32
          %dma_wait3A_312 = tpu.memref_slice %arg3[%dma_wait3A_311] : memref<100096xi32, #tpu.memory_space<hbm>> -> memref<1600xi32, #tpu.memory_space<hbm>>
          tpu.wait_dma2 semaphore(%arg15 : memref<!tpu.dma_semaphore, #tpu.memory_space<semaphore_mem>>) src(%dma_wait3A_312 : memref<1600xi32, #tpu.memory_space<hbm>>) dst(%arg8 : memref<1600xi32, #tpu.memory_space<vmem>>)
          %dma_start3A_313 = arith.constant 0 : i32
          %dma_start3A_314 = tpu.memref_slice %arg8[%dma_start3A_313] : memref<1600xi32, #tpu.memory_space<vmem>> -> memref<160xi32, #tpu.memory_space<vmem>>
          %dma_start3A_315 = arith.constant 0 : i32
          %dma_start3A_316 = arith.constant 0 : i32
          %dma_start3A_317 = tpu.memref_slice %arg12[%dma_start3A_315, %dma_start3A_316] : memref<10240x128xf32, #tpu.memory_space<vmem_shared>> -> memref<10240x128xf32, #tpu.memory_space<vmem_shared>>
          tpu.enqueue_indirect_dma source(%dma_start3A_317 : memref<10240x128xf32, #tpu.memory_space<vmem_shared>>) target(%arg11 : memref<160x128xf32, #tpu.memory_space<vmem>>) offsets(%dma_start3A_314 : memref<160xi32, #tpu.memory_space<vmem>>) semaphore(%arg18 : memref<!tpu.dma_semaphore, #tpu.memory_space<semaphore_mem>>)
        } else {
        }
        %dma_wait3A_295 = arith.constant 0 : i32
        %dma_wait3A_296 = tpu.memref_slice %arg8[%dma_wait3A_295] : memref<1600xi32, #tpu.memory_space<vmem>> -> memref<160xi32, #tpu.memory_space<vmem>>
        %dma_wait3A_297 = arith.constant 0 : i32
        %dma_wait3A_298 = arith.constant 0 : i32
        %dma_wait3A_299 = tpu.memref_slice %arg12[%dma_wait3A_297, %dma_wait3A_298] : memref<10240x128xf32, #tpu.memory_space<vmem_shared>> -> memref<10240x128xf32, #tpu.memory_space<vmem_shared>>
        tpu.wait_indirect_dma semaphore(%arg17 : memref<!tpu.dma_semaphore, #tpu.memory_space<semaphore_mem>>) src(%dma_wait3A_299 : memref<10240x128xf32, #tpu.memory_space<vmem_shared>>) dst(%arg10 : memref<160x128xf32, #tpu.memory_space<vmem>>)
        %add3A_300 = arith.constant 110 : i32
        %add3A_301 = arith.addi %add3A_300, %scan3A_269 : i32
        %mul3A_302 = arith.constant 160 : i32
        %mul3A_303 = arith.muli %add3A_301, %mul3A_302 : i32
        %add3A_304 = arith.addi %mul3A_2, %mul3A_303 : i32
        %dma_start3A_305 = arith.constant 0 : i32
        %dma_start3A_306 = tpu.memref_slice %arg5[%add3A_304, %dma_start3A_305] : memref<819200x128xf32, #tpu.memory_space<hbm>> -> memref<160x128xf32, #tpu.memory_space<hbm>>
        %dma_start3A_307 = arith.constant 0 : i32
        %dma_start3A_308 = tpu.memref_slice %arg5[%add3A_304, %dma_start3A_307] : memref<819200x128xf32, #tpu.memory_space<hbm>> -> memref<160x128xf32, #tpu.memory_space<hbm>>
        tpu.enqueue_dma source(%arg10 : memref<160x128xf32, #tpu.memory_space<vmem>>) target(%dma_start3A_308 : memref<160x128xf32, #tpu.memory_space<hbm>>) target_semaphore(%arg19 : memref<!tpu.dma_semaphore, #tpu.memory_space<semaphore_mem>>)
      } else {
      }
      %eq3A_274 = arith.constant 1 : i32
      %eq3A_275 = arith.cmpi eq, %rem3A_271, %eq3A_274 : i32
      %convert_element_type3A_276 = arith.extui %eq3A_275 : i1 to i32
      %cond3A_277 = arith.constant 0 : i32
      %cond3A_278 = arith.cmpi ne, %convert_element_type3A_276, %cond3A_277 : i32
      scf.if %cond3A_278 {
        %add3A_280 = arith.constant 11 : i32
        %add3A_281 = arith.addi %scan3A_269, %add3A_280 : i32
        %gt3A = arith.constant 0 : i32
        %gt3A_282 = arith.cmpi sgt, %add3A_281, %gt3A : i32
        %convert_element_type3A_283 = arith.extui %gt3A_282 : i1 to i32
        %cond3A_284 = arith.constant 0 : i32
        %cond3A_285 = arith.cmpi ne, %convert_element_type3A_283, %cond3A_284 : i32
        scf.if %cond3A_285 {
          %dma_wait3A_309 = arith.constant 0 : i32
          %dma_wait3A_310 = tpu.memref_slice %arg5[%mul3A_2, %dma_wait3A_309] : memref<819200x128xf32, #tpu.memory_space<hbm>> -> memref<160x128xf32, #tpu.memory_space<hbm>>
          %dma_wait3A_311 = arith.constant 0 : i32
          %dma_wait3A_312 = tpu.memref_slice %arg5[%mul3A_2, %dma_wait3A_311] : memref<819200x128xf32, #tpu.memory_space<hbm>> -> memref<160x128xf32, #tpu.memory_space<hbm>>
          tpu.wait_dma2 semaphore(%arg19 : memref<!tpu.dma_semaphore, #tpu.memory_space<semaphore_mem>>) src(%arg10 : memref<160x128xf32, #tpu.memory_space<vmem>>) dst(%dma_wait3A_312 : memref<160x128xf32, #tpu.memory_space<hbm>>)
        } else {
        }
        %lt3A = arith.constant 9 : i32
        %lt3A_286 = arith.cmpi slt, %scan3A_269, %lt3A : i32
        %convert_element_type3A_287 = arith.extui %lt3A_286 : i1 to i32
        %cond3A_288 = arith.constant 0 : i32
        %cond3A_289 = arith.cmpi ne, %convert_element_type3A_287, %cond3A_288 : i32
        scf.if %cond3A_289 {
          %add3A_309 = arith.constant 1 : i32
          %add3A_310 = arith.addi %scan3A_269, %add3A_309 : i32
          %mul3A_311 = arith.constant 160 : i32
          %mul3A_312 = arith.muli %add3A_310, %mul3A_311 : i32
          %dma_start3A_313 = tpu.memref_slice %arg9[%mul3A_312] : memref<1600xi32, #tpu.memory_space<vmem>> -> memref<160xi32, #tpu.memory_space<vmem>>
          %dma_start3A_314 = arith.constant 0 : i32
          %dma_start3A_315 = arith.constant 0 : i32
          %dma_start3A_316 = tpu.memref_slice %arg12[%dma_start3A_314, %dma_start3A_315] : memref<10240x128xf32, #tpu.memory_space<vmem_shared>> -> memref<10240x128xf32, #tpu.memory_space<vmem_shared>>
          tpu.enqueue_indirect_dma source(%dma_start3A_316 : memref<10240x128xf32, #tpu.memory_space<vmem_shared>>) target(%arg10 : memref<160x128xf32, #tpu.memory_space<vmem>>) offsets(%dma_start3A_313 : memref<160xi32, #tpu.memory_space<vmem>>) semaphore(%arg17 : memref<!tpu.dma_semaphore, #tpu.memory_space<semaphore_mem>>)
        } else {
        }
        %eq3A_290 = arith.constant 9 : i32
        %eq3A_291 = arith.cmpi eq, %scan3A_269, %eq3A_290 : i32
        %convert_element_type3A_292 = arith.extui %eq3A_291 : i1 to i32
        %cond3A_293 = arith.constant 0 : i32
        %cond3A_294 = arith.cmpi ne, %convert_element_type3A_292, %cond3A_293 : i32
        scf.if %cond3A_294 {
          %dma_wait3A_309 = arith.constant 0 : i32
          %dma_wait3A_310 = tpu.memref_slice %arg3[%dma_wait3A_309] : memref<100096xi32, #tpu.memory_space<hbm>> -> memref<1600xi32, #tpu.memory_space<hbm>>
          %dma_wait3A_311 = arith.constant 0 : i32
          %dma_wait3A_312 = tpu.memref_slice %arg3[%dma_wait3A_311] : memref<100096xi32, #tpu.memory_space<hbm>> -> memref<1600xi32, #tpu.memory_space<hbm>>
          tpu.wait_dma2 semaphore(%arg15 : memref<!tpu.dma_semaphore, #tpu.memory_space<semaphore_mem>>) src(%dma_wait3A_312 : memref<1600xi32, #tpu.memory_space<hbm>>) dst(%arg8 : memref<1600xi32, #tpu.memory_space<vmem>>)
          %dma_start3A_313 = arith.constant 0 : i32
          %dma_start3A_314 = tpu.memref_slice %arg8[%dma_start3A_313] : memref<1600xi32, #tpu.memory_space<vmem>> -> memref<160xi32, #tpu.memory_space<vmem>>
          %dma_start3A_315 = arith.constant 0 : i32
          %dma_start3A_316 = arith.constant 0 : i32
          %dma_start3A_317 = tpu.memref_slice %arg12[%dma_start3A_315, %dma_start3A_316] : memref<10240x128xf32, #tpu.memory_space<vmem_shared>> -> memref<10240x128xf32, #tpu.memory_space<vmem_shared>>
          tpu.enqueue_indirect_dma source(%dma_start3A_317 : memref<10240x128xf32, #tpu.memory_space<vmem_shared>>) target(%arg10 : memref<160x128xf32, #tpu.memory_space<vmem>>) offsets(%dma_start3A_314 : memref<160xi32, #tpu.memory_space<vmem>>) semaphore(%arg17 : memref<!tpu.dma_semaphore, #tpu.memory_space<semaphore_mem>>)
        } else {
        }
        %dma_wait3A_295 = arith.constant 0 : i32
        %dma_wait3A_296 = tpu.memref_slice %arg8[%dma_wait3A_295] : memref<1600xi32, #tpu.memory_space<vmem>> -> memref<160xi32, #tpu.memory_space<vmem>>
        %dma_wait3A_297 = arith.constant 0 : i32
        %dma_wait3A_298 = arith.constant 0 : i32
        %dma_wait3A_299 = tpu.memref_slice %arg12[%dma_wait3A_297, %dma_wait3A_298] : memref<10240x128xf32, #tpu.memory_space<vmem_shared>> -> memref<10240x128xf32, #tpu.memory_space<vmem_shared>>
        tpu.wait_indirect_dma semaphore(%arg18 : memref<!tpu.dma_semaphore, #tpu.memory_space<semaphore_mem>>) src(%dma_wait3A_299 : memref<10240x128xf32, #tpu.memory_space<vmem_shared>>) dst(%arg11 : memref<160x128xf32, #tpu.memory_space<vmem>>)
        %add3A_300 = arith.constant 110 : i32
        %add3A_301 = arith.addi %add3A_300, %scan3A_269 : i32
        %mul3A_302 = arith.constant 160 : i32
        %mul3A_303 = arith.muli %add3A_301, %mul3A_302 : i32
        %add3A_304 = arith.addi %mul3A_2, %mul3A_303 : i32
        %dma_start3A_305 = arith.constant 0 : i32
        %dma_start3A_306 = tpu.memref_slice %arg5[%add3A_304, %dma_start3A_305] : memref<819200x128xf32, #tpu.memory_space<hbm>> -> memref<160x128xf32, #tpu.memory_space<hbm>>
        %dma_start3A_307 = arith.constant 0 : i32
        %dma_start3A_308 = tpu.memref_slice %arg5[%add3A_304, %dma_start3A_307] : memref<819200x128xf32, #tpu.memory_space<hbm>> -> memref<160x128xf32, #tpu.memory_space<hbm>>
        tpu.enqueue_dma source(%arg11 : memref<160x128xf32, #tpu.memory_space<vmem>>) target(%dma_start3A_308 : memref<160x128xf32, #tpu.memory_space<hbm>>) target_semaphore(%arg20 : memref<!tpu.dma_semaphore, #tpu.memory_space<semaphore_mem>>)
      } else {
      }
      %scan3A_279 = arith.constant 0 : i32
      scf.yield %scan3A_279 : i32
    }
    %scan3A_216 = arith.constant 10 : i32
    %dma_wait3A_217 = tpu.memref_slice %arg2[%mul3A_2] : memref<819200xi32, #tpu.memory_space<hbm>> -> memref<1600xi32, #tpu.memory_space<hbm>>
    %dma_wait3A_218 = tpu.memref_slice %arg2[%mul3A_2] : memref<819200xi32, #tpu.memory_space<hbm>> -> memref<1600xi32, #tpu.memory_space<hbm>>
    tpu.wait_dma2 semaphore(%arg14 : memref<!tpu.dma_semaphore, #tpu.memory_space<semaphore_mem>>) src(%dma_wait3A_218 : memref<1600xi32, #tpu.memory_space<hbm>>) dst(%arg7 : memref<1600xi32, #tpu.memory_space<vmem>>)
    %dma_start3A_219 = arith.constant 0 : i32
    %dma_start3A_220 = tpu.memref_slice %arg3[%dma_start3A_219] : memref<100096xi32, #tpu.memory_space<hbm>> -> memref<100096xi32, #tpu.memory_space<hbm>>
    tpu.enqueue_indirect_dma source(%dma_start3A_220 : memref<100096xi32, #tpu.memory_space<hbm>>) target(%arg9 : memref<1600xi32, #tpu.memory_space<vmem>>) offsets(%arg7 : memref<1600xi32, #tpu.memory_space<vmem>>) semaphore(%arg16 : memref<!tpu.dma_semaphore, #tpu.memory_space<semaphore_mem>>)
    %add3A_221 = arith.constant 22400 : i32
    %add3A_222 = arith.addi %mul3A_2, %add3A_221 : i32
    %dma_start3A_223 = tpu.memref_slice %arg2[%add3A_222] : memref<819200xi32, #tpu.memory_space<hbm>> -> memref<1600xi32, #tpu.memory_space<hbm>>
    %dma_start3A_224 = tpu.memref_slice %arg2[%add3A_222] : memref<819200xi32, #tpu.memory_space<hbm>> -> memref<1600xi32, #tpu.memory_space<hbm>>
    tpu.enqueue_dma source(%dma_start3A_224 : memref<1600xi32, #tpu.memory_space<hbm>>) target(%arg6 : memref<1600xi32, #tpu.memory_space<vmem>>) target_semaphore(%arg13 : memref<!tpu.dma_semaphore, #tpu.memory_space<semaphore_mem>>)
    %scan3A_225 = arith.constant 0 : i32
    %scan3A_226 = arith.constant 0 : i32
    %scan3A_227 = arith.constant 10 : i32
    %scan3A_228 = arith.addi %scan3A_226, %scan3A_227 : i32
    %scan3A_229 = arith.constant 1 : i32
    %scan3A_230 = scf.for %scan3A_269 = %scan3A_226 to %scan3A_228 step %scan3A_229 iter_args(%scan3A_270 = %scan3A_225) -> (i32)  : i32 {
      %rem3A = arith.constant 2 : i32
      %rem3A_271 = arith.remsi %scan3A_269, %rem3A : i32
      %eq3A = arith.constant 0 : i32
      %eq3A_272 = arith.cmpi eq, %rem3A_271, %eq3A : i32
      %convert_element_type3A = arith.extui %eq3A_272 : i1 to i32
      %cond3A = arith.constant 0 : i32
      %cond3A_273 = arith.cmpi ne, %convert_element_type3A, %cond3A : i32
      scf.if %cond3A_273 {
        %add3A_280 = arith.constant 12 : i32
        %add3A_281 = arith.addi %scan3A_269, %add3A_280 : i32
        %gt3A = arith.constant 0 : i32
        %gt3A_282 = arith.cmpi sgt, %add3A_281, %gt3A : i32
        %convert_element_type3A_283 = arith.extui %gt3A_282 : i1 to i32
        %cond3A_284 = arith.constant 0 : i32
        %cond3A_285 = arith.cmpi ne, %convert_element_type3A_283, %cond3A_284 : i32
        scf.if %cond3A_285 {
          %dma_wait3A_309 = arith.constant 0 : i32
          %dma_wait3A_310 = tpu.memref_slice %arg5[%mul3A_2, %dma_wait3A_309] : memref<819200x128xf32, #tpu.memory_space<hbm>> -> memref<160x128xf32, #tpu.memory_space<hbm>>
          %dma_wait3A_311 = arith.constant 0 : i32
          %dma_wait3A_312 = tpu.memref_slice %arg5[%mul3A_2, %dma_wait3A_311] : memref<819200x128xf32, #tpu.memory_space<hbm>> -> memref<160x128xf32, #tpu.memory_space<hbm>>
          tpu.wait_dma2 semaphore(%arg20 : memref<!tpu.dma_semaphore, #tpu.memory_space<semaphore_mem>>) src(%arg11 : memref<160x128xf32, #tpu.memory_space<vmem>>) dst(%dma_wait3A_312 : memref<160x128xf32, #tpu.memory_space<hbm>>)
        } else {
        }
        %lt3A = arith.constant 9 : i32
        %lt3A_286 = arith.cmpi slt, %scan3A_269, %lt3A : i32
        %convert_element_type3A_287 = arith.extui %lt3A_286 : i1 to i32
        %cond3A_288 = arith.constant 0 : i32
        %cond3A_289 = arith.cmpi ne, %convert_element_type3A_287, %cond3A_288 : i32
        scf.if %cond3A_289 {
          %add3A_309 = arith.constant 1 : i32
          %add3A_310 = arith.addi %scan3A_269, %add3A_309 : i32
          %mul3A_311 = arith.constant 160 : i32
          %mul3A_312 = arith.muli %add3A_310, %mul3A_311 : i32
          %dma_start3A_313 = tpu.memref_slice %arg8[%mul3A_312] : memref<1600xi32, #tpu.memory_space<vmem>> -> memref<160xi32, #tpu.memory_space<vmem>>
          %dma_start3A_314 = arith.constant 0 : i32
          %dma_start3A_315 = arith.constant 0 : i32
          %dma_start3A_316 = tpu.memref_slice %arg12[%dma_start3A_314, %dma_start3A_315] : memref<10240x128xf32, #tpu.memory_space<vmem_shared>> -> memref<10240x128xf32, #tpu.memory_space<vmem_shared>>
          tpu.enqueue_indirect_dma source(%dma_start3A_316 : memref<10240x128xf32, #tpu.memory_space<vmem_shared>>) target(%arg11 : memref<160x128xf32, #tpu.memory_space<vmem>>) offsets(%dma_start3A_313 : memref<160xi32, #tpu.memory_space<vmem>>) semaphore(%arg18 : memref<!tpu.dma_semaphore, #tpu.memory_space<semaphore_mem>>)
        } else {
        }
        %eq3A_290 = arith.constant 9 : i32
        %eq3A_291 = arith.cmpi eq, %scan3A_269, %eq3A_290 : i32
        %convert_element_type3A_292 = arith.extui %eq3A_291 : i1 to i32
        %cond3A_293 = arith.constant 0 : i32
        %cond3A_294 = arith.cmpi ne, %convert_element_type3A_292, %cond3A_293 : i32
        scf.if %cond3A_294 {
          %dma_wait3A_309 = arith.constant 0 : i32
          %dma_wait3A_310 = tpu.memref_slice %arg3[%dma_wait3A_309] : memref<100096xi32, #tpu.memory_space<hbm>> -> memref<1600xi32, #tpu.memory_space<hbm>>
          %dma_wait3A_311 = arith.constant 0 : i32
          %dma_wait3A_312 = tpu.memref_slice %arg3[%dma_wait3A_311] : memref<100096xi32, #tpu.memory_space<hbm>> -> memref<1600xi32, #tpu.memory_space<hbm>>
          tpu.wait_dma2 semaphore(%arg16 : memref<!tpu.dma_semaphore, #tpu.memory_space<semaphore_mem>>) src(%dma_wait3A_312 : memref<1600xi32, #tpu.memory_space<hbm>>) dst(%arg9 : memref<1600xi32, #tpu.memory_space<vmem>>)
          %dma_start3A_313 = arith.constant 0 : i32
          %dma_start3A_314 = tpu.memref_slice %arg9[%dma_start3A_313] : memref<1600xi32, #tpu.memory_space<vmem>> -> memref<160xi32, #tpu.memory_space<vmem>>
          %dma_start3A_315 = arith.constant 0 : i32
          %dma_start3A_316 = arith.constant 0 : i32
          %dma_start3A_317 = tpu.memref_slice %arg12[%dma_start3A_315, %dma_start3A_316] : memref<10240x128xf32, #tpu.memory_space<vmem_shared>> -> memref<10240x128xf32, #tpu.memory_space<vmem_shared>>
          tpu.enqueue_indirect_dma source(%dma_start3A_317 : memref<10240x128xf32, #tpu.memory_space<vmem_shared>>) target(%arg11 : memref<160x128xf32, #tpu.memory_space<vmem>>) offsets(%dma_start3A_314 : memref<160xi32, #tpu.memory_space<vmem>>) semaphore(%arg18 : memref<!tpu.dma_semaphore, #tpu.memory_space<semaphore_mem>>)
        } else {
        }
        %dma_wait3A_295 = arith.constant 0 : i32
        %dma_wait3A_296 = tpu.memref_slice %arg8[%dma_wait3A_295] : memref<1600xi32, #tpu.memory_space<vmem>> -> memref<160xi32, #tpu.memory_space<vmem>>
        %dma_wait3A_297 = arith.constant 0 : i32
        %dma_wait3A_298 = arith.constant 0 : i32
        %dma_wait3A_299 = tpu.memref_slice %arg12[%dma_wait3A_297, %dma_wait3A_298] : memref<10240x128xf32, #tpu.memory_space<vmem_shared>> -> memref<10240x128xf32, #tpu.memory_space<vmem_shared>>
        tpu.wait_indirect_dma semaphore(%arg17 : memref<!tpu.dma_semaphore, #tpu.memory_space<semaphore_mem>>) src(%dma_wait3A_299 : memref<10240x128xf32, #tpu.memory_space<vmem_shared>>) dst(%arg10 : memref<160x128xf32, #tpu.memory_space<vmem>>)
        %add3A_300 = arith.constant 120 : i32
        %add3A_301 = arith.addi %add3A_300, %scan3A_269 : i32
        %mul3A_302 = arith.constant 160 : i32
        %mul3A_303 = arith.muli %add3A_301, %mul3A_302 : i32
        %add3A_304 = arith.addi %mul3A_2, %mul3A_303 : i32
        %dma_start3A_305 = arith.constant 0 : i32
        %dma_start3A_306 = tpu.memref_slice %arg5[%add3A_304, %dma_start3A_305] : memref<819200x128xf32, #tpu.memory_space<hbm>> -> memref<160x128xf32, #tpu.memory_space<hbm>>
        %dma_start3A_307 = arith.constant 0 : i32
        %dma_start3A_308 = tpu.memref_slice %arg5[%add3A_304, %dma_start3A_307] : memref<819200x128xf32, #tpu.memory_space<hbm>> -> memref<160x128xf32, #tpu.memory_space<hbm>>
        tpu.enqueue_dma source(%arg10 : memref<160x128xf32, #tpu.memory_space<vmem>>) target(%dma_start3A_308 : memref<160x128xf32, #tpu.memory_space<hbm>>) target_semaphore(%arg19 : memref<!tpu.dma_semaphore, #tpu.memory_space<semaphore_mem>>)
      } else {
      }
      %eq3A_274 = arith.constant 1 : i32
      %eq3A_275 = arith.cmpi eq, %rem3A_271, %eq3A_274 : i32
      %convert_element_type3A_276 = arith.extui %eq3A_275 : i1 to i32
      %cond3A_277 = arith.constant 0 : i32
      %cond3A_278 = arith.cmpi ne, %convert_element_type3A_276, %cond3A_277 : i32
      scf.if %cond3A_278 {
        %add3A_280 = arith.constant 12 : i32
        %add3A_281 = arith.addi %scan3A_269, %add3A_280 : i32
        %gt3A = arith.constant 0 : i32
        %gt3A_282 = arith.cmpi sgt, %add3A_281, %gt3A : i32
        %convert_element_type3A_283 = arith.extui %gt3A_282 : i1 to i32
        %cond3A_284 = arith.constant 0 : i32
        %cond3A_285 = arith.cmpi ne, %convert_element_type3A_283, %cond3A_284 : i32
        scf.if %cond3A_285 {
          %dma_wait3A_309 = arith.constant 0 : i32
          %dma_wait3A_310 = tpu.memref_slice %arg5[%mul3A_2, %dma_wait3A_309] : memref<819200x128xf32, #tpu.memory_space<hbm>> -> memref<160x128xf32, #tpu.memory_space<hbm>>
          %dma_wait3A_311 = arith.constant 0 : i32
          %dma_wait3A_312 = tpu.memref_slice %arg5[%mul3A_2, %dma_wait3A_311] : memref<819200x128xf32, #tpu.memory_space<hbm>> -> memref<160x128xf32, #tpu.memory_space<hbm>>
          tpu.wait_dma2 semaphore(%arg19 : memref<!tpu.dma_semaphore, #tpu.memory_space<semaphore_mem>>) src(%arg10 : memref<160x128xf32, #tpu.memory_space<vmem>>) dst(%dma_wait3A_312 : memref<160x128xf32, #tpu.memory_space<hbm>>)
        } else {
        }
        %lt3A = arith.constant 9 : i32
        %lt3A_286 = arith.cmpi slt, %scan3A_269, %lt3A : i32
        %convert_element_type3A_287 = arith.extui %lt3A_286 : i1 to i32
        %cond3A_288 = arith.constant 0 : i32
        %cond3A_289 = arith.cmpi ne, %convert_element_type3A_287, %cond3A_288 : i32
        scf.if %cond3A_289 {
          %add3A_309 = arith.constant 1 : i32
          %add3A_310 = arith.addi %scan3A_269, %add3A_309 : i32
          %mul3A_311 = arith.constant 160 : i32
          %mul3A_312 = arith.muli %add3A_310, %mul3A_311 : i32
          %dma_start3A_313 = tpu.memref_slice %arg8[%mul3A_312] : memref<1600xi32, #tpu.memory_space<vmem>> -> memref<160xi32, #tpu.memory_space<vmem>>
          %dma_start3A_314 = arith.constant 0 : i32
          %dma_start3A_315 = arith.constant 0 : i32
          %dma_start3A_316 = tpu.memref_slice %arg12[%dma_start3A_314, %dma_start3A_315] : memref<10240x128xf32, #tpu.memory_space<vmem_shared>> -> memref<10240x128xf32, #tpu.memory_space<vmem_shared>>
          tpu.enqueue_indirect_dma source(%dma_start3A_316 : memref<10240x128xf32, #tpu.memory_space<vmem_shared>>) target(%arg10 : memref<160x128xf32, #tpu.memory_space<vmem>>) offsets(%dma_start3A_313 : memref<160xi32, #tpu.memory_space<vmem>>) semaphore(%arg17 : memref<!tpu.dma_semaphore, #tpu.memory_space<semaphore_mem>>)
        } else {
        }
        %eq3A_290 = arith.constant 9 : i32
        %eq3A_291 = arith.cmpi eq, %scan3A_269, %eq3A_290 : i32
        %convert_element_type3A_292 = arith.extui %eq3A_291 : i1 to i32
        %cond3A_293 = arith.constant 0 : i32
        %cond3A_294 = arith.cmpi ne, %convert_element_type3A_292, %cond3A_293 : i32
        scf.if %cond3A_294 {
          %dma_wait3A_309 = arith.constant 0 : i32
          %dma_wait3A_310 = tpu.memref_slice %arg3[%dma_wait3A_309] : memref<100096xi32, #tpu.memory_space<hbm>> -> memref<1600xi32, #tpu.memory_space<hbm>>
          %dma_wait3A_311 = arith.constant 0 : i32
          %dma_wait3A_312 = tpu.memref_slice %arg3[%dma_wait3A_311] : memref<100096xi32, #tpu.memory_space<hbm>> -> memref<1600xi32, #tpu.memory_space<hbm>>
          tpu.wait_dma2 semaphore(%arg16 : memref<!tpu.dma_semaphore, #tpu.memory_space<semaphore_mem>>) src(%dma_wait3A_312 : memref<1600xi32, #tpu.memory_space<hbm>>) dst(%arg9 : memref<1600xi32, #tpu.memory_space<vmem>>)
          %dma_start3A_313 = arith.constant 0 : i32
          %dma_start3A_314 = tpu.memref_slice %arg9[%dma_start3A_313] : memref<1600xi32, #tpu.memory_space<vmem>> -> memref<160xi32, #tpu.memory_space<vmem>>
          %dma_start3A_315 = arith.constant 0 : i32
          %dma_start3A_316 = arith.constant 0 : i32
          %dma_start3A_317 = tpu.memref_slice %arg12[%dma_start3A_315, %dma_start3A_316] : memref<10240x128xf32, #tpu.memory_space<vmem_shared>> -> memref<10240x128xf32, #tpu.memory_space<vmem_shared>>
          tpu.enqueue_indirect_dma source(%dma_start3A_317 : memref<10240x128xf32, #tpu.memory_space<vmem_shared>>) target(%arg10 : memref<160x128xf32, #tpu.memory_space<vmem>>) offsets(%dma_start3A_314 : memref<160xi32, #tpu.memory_space<vmem>>) semaphore(%arg17 : memref<!tpu.dma_semaphore, #tpu.memory_space<semaphore_mem>>)
        } else {
        }
        %dma_wait3A_295 = arith.constant 0 : i32
        %dma_wait3A_296 = tpu.memref_slice %arg8[%dma_wait3A_295] : memref<1600xi32, #tpu.memory_space<vmem>> -> memref<160xi32, #tpu.memory_space<vmem>>
        %dma_wait3A_297 = arith.constant 0 : i32
        %dma_wait3A_298 = arith.constant 0 : i32
        %dma_wait3A_299 = tpu.memref_slice %arg12[%dma_wait3A_297, %dma_wait3A_298] : memref<10240x128xf32, #tpu.memory_space<vmem_shared>> -> memref<10240x128xf32, #tpu.memory_space<vmem_shared>>
        tpu.wait_indirect_dma semaphore(%arg18 : memref<!tpu.dma_semaphore, #tpu.memory_space<semaphore_mem>>) src(%dma_wait3A_299 : memref<10240x128xf32, #tpu.memory_space<vmem_shared>>) dst(%arg11 : memref<160x128xf32, #tpu.memory_space<vmem>>)
        %add3A_300 = arith.constant 120 : i32
        %add3A_301 = arith.addi %add3A_300, %scan3A_269 : i32
        %mul3A_302 = arith.constant 160 : i32
        %mul3A_303 = arith.muli %add3A_301, %mul3A_302 : i32
        %add3A_304 = arith.addi %mul3A_2, %mul3A_303 : i32
        %dma_start3A_305 = arith.constant 0 : i32
        %dma_start3A_306 = tpu.memref_slice %arg5[%add3A_304, %dma_start3A_305] : memref<819200x128xf32, #tpu.memory_space<hbm>> -> memref<160x128xf32, #tpu.memory_space<hbm>>
        %dma_start3A_307 = arith.constant 0 : i32
        %dma_start3A_308 = tpu.memref_slice %arg5[%add3A_304, %dma_start3A_307] : memref<819200x128xf32, #tpu.memory_space<hbm>> -> memref<160x128xf32, #tpu.memory_space<hbm>>
        tpu.enqueue_dma source(%arg11 : memref<160x128xf32, #tpu.memory_space<vmem>>) target(%dma_start3A_308 : memref<160x128xf32, #tpu.memory_space<hbm>>) target_semaphore(%arg20 : memref<!tpu.dma_semaphore, #tpu.memory_space<semaphore_mem>>)
      } else {
      }
      %scan3A_279 = arith.constant 0 : i32
      scf.yield %scan3A_279 : i32
    }
    %scan3A_231 = arith.constant 10 : i32
    %dma_wait3A_232 = tpu.memref_slice %arg2[%mul3A_2] : memref<819200xi32, #tpu.memory_space<hbm>> -> memref<1600xi32, #tpu.memory_space<hbm>>
    %dma_wait3A_233 = tpu.memref_slice %arg2[%mul3A_2] : memref<819200xi32, #tpu.memory_space<hbm>> -> memref<1600xi32, #tpu.memory_space<hbm>>
    tpu.wait_dma2 semaphore(%arg13 : memref<!tpu.dma_semaphore, #tpu.memory_space<semaphore_mem>>) src(%dma_wait3A_233 : memref<1600xi32, #tpu.memory_space<hbm>>) dst(%arg6 : memref<1600xi32, #tpu.memory_space<vmem>>)
    %dma_start3A_234 = arith.constant 0 : i32
    %dma_start3A_235 = tpu.memref_slice %arg3[%dma_start3A_234] : memref<100096xi32, #tpu.memory_space<hbm>> -> memref<100096xi32, #tpu.memory_space<hbm>>
    tpu.enqueue_indirect_dma source(%dma_start3A_235 : memref<100096xi32, #tpu.memory_space<hbm>>) target(%arg8 : memref<1600xi32, #tpu.memory_space<vmem>>) offsets(%arg6 : memref<1600xi32, #tpu.memory_space<vmem>>) semaphore(%arg15 : memref<!tpu.dma_semaphore, #tpu.memory_space<semaphore_mem>>)
    %add3A_236 = arith.constant 24000 : i32
    %add3A_237 = arith.addi %mul3A_2, %add3A_236 : i32
    %dma_start3A_238 = tpu.memref_slice %arg2[%add3A_237] : memref<819200xi32, #tpu.memory_space<hbm>> -> memref<1600xi32, #tpu.memory_space<hbm>>
    %dma_start3A_239 = tpu.memref_slice %arg2[%add3A_237] : memref<819200xi32, #tpu.memory_space<hbm>> -> memref<1600xi32, #tpu.memory_space<hbm>>
    tpu.enqueue_dma source(%dma_start3A_239 : memref<1600xi32, #tpu.memory_space<hbm>>) target(%arg7 : memref<1600xi32, #tpu.memory_space<vmem>>) target_semaphore(%arg14 : memref<!tpu.dma_semaphore, #tpu.memory_space<semaphore_mem>>)
    %scan3A_240 = arith.constant 0 : i32
    %scan3A_241 = arith.constant 0 : i32
    %scan3A_242 = arith.constant 10 : i32
    %scan3A_243 = arith.addi %scan3A_241, %scan3A_242 : i32
    %scan3A_244 = arith.constant 1 : i32
    %scan3A_245 = scf.for %scan3A_269 = %scan3A_241 to %scan3A_243 step %scan3A_244 iter_args(%scan3A_270 = %scan3A_240) -> (i32)  : i32 {
      %rem3A = arith.constant 2 : i32
      %rem3A_271 = arith.remsi %scan3A_269, %rem3A : i32
      %eq3A = arith.constant 0 : i32
      %eq3A_272 = arith.cmpi eq, %rem3A_271, %eq3A : i32
      %convert_element_type3A = arith.extui %eq3A_272 : i1 to i32
      %cond3A = arith.constant 0 : i32
      %cond3A_273 = arith.cmpi ne, %convert_element_type3A, %cond3A : i32
      scf.if %cond3A_273 {
        %add3A_280 = arith.constant 13 : i32
        %add3A_281 = arith.addi %scan3A_269, %add3A_280 : i32
        %gt3A = arith.constant 0 : i32
        %gt3A_282 = arith.cmpi sgt, %add3A_281, %gt3A : i32
        %convert_element_type3A_283 = arith.extui %gt3A_282 : i1 to i32
        %cond3A_284 = arith.constant 0 : i32
        %cond3A_285 = arith.cmpi ne, %convert_element_type3A_283, %cond3A_284 : i32
        scf.if %cond3A_285 {
          %dma_wait3A_309 = arith.constant 0 : i32
          %dma_wait3A_310 = tpu.memref_slice %arg5[%mul3A_2, %dma_wait3A_309] : memref<819200x128xf32, #tpu.memory_space<hbm>> -> memref<160x128xf32, #tpu.memory_space<hbm>>
          %dma_wait3A_311 = arith.constant 0 : i32
          %dma_wait3A_312 = tpu.memref_slice %arg5[%mul3A_2, %dma_wait3A_311] : memref<819200x128xf32, #tpu.memory_space<hbm>> -> memref<160x128xf32, #tpu.memory_space<hbm>>
          tpu.wait_dma2 semaphore(%arg20 : memref<!tpu.dma_semaphore, #tpu.memory_space<semaphore_mem>>) src(%arg11 : memref<160x128xf32, #tpu.memory_space<vmem>>) dst(%dma_wait3A_312 : memref<160x128xf32, #tpu.memory_space<hbm>>)
        } else {
        }
        %lt3A = arith.constant 9 : i32
        %lt3A_286 = arith.cmpi slt, %scan3A_269, %lt3A : i32
        %convert_element_type3A_287 = arith.extui %lt3A_286 : i1 to i32
        %cond3A_288 = arith.constant 0 : i32
        %cond3A_289 = arith.cmpi ne, %convert_element_type3A_287, %cond3A_288 : i32
        scf.if %cond3A_289 {
          %add3A_309 = arith.constant 1 : i32
          %add3A_310 = arith.addi %scan3A_269, %add3A_309 : i32
          %mul3A_311 = arith.constant 160 : i32
          %mul3A_312 = arith.muli %add3A_310, %mul3A_311 : i32
          %dma_start3A_313 = tpu.memref_slice %arg9[%mul3A_312] : memref<1600xi32, #tpu.memory_space<vmem>> -> memref<160xi32, #tpu.memory_space<vmem>>
          %dma_start3A_314 = arith.constant 0 : i32
          %dma_start3A_315 = arith.constant 0 : i32
          %dma_start3A_316 = tpu.memref_slice %arg12[%dma_start3A_314, %dma_start3A_315] : memref<10240x128xf32, #tpu.memory_space<vmem_shared>> -> memref<10240x128xf32, #tpu.memory_space<vmem_shared>>
          tpu.enqueue_indirect_dma source(%dma_start3A_316 : memref<10240x128xf32, #tpu.memory_space<vmem_shared>>) target(%arg11 : memref<160x128xf32, #tpu.memory_space<vmem>>) offsets(%dma_start3A_313 : memref<160xi32, #tpu.memory_space<vmem>>) semaphore(%arg18 : memref<!tpu.dma_semaphore, #tpu.memory_space<semaphore_mem>>)
        } else {
        }
        %eq3A_290 = arith.constant 9 : i32
        %eq3A_291 = arith.cmpi eq, %scan3A_269, %eq3A_290 : i32
        %convert_element_type3A_292 = arith.extui %eq3A_291 : i1 to i32
        %cond3A_293 = arith.constant 0 : i32
        %cond3A_294 = arith.cmpi ne, %convert_element_type3A_292, %cond3A_293 : i32
        scf.if %cond3A_294 {
          %dma_wait3A_309 = arith.constant 0 : i32
          %dma_wait3A_310 = tpu.memref_slice %arg3[%dma_wait3A_309] : memref<100096xi32, #tpu.memory_space<hbm>> -> memref<1600xi32, #tpu.memory_space<hbm>>
          %dma_wait3A_311 = arith.constant 0 : i32
          %dma_wait3A_312 = tpu.memref_slice %arg3[%dma_wait3A_311] : memref<100096xi32, #tpu.memory_space<hbm>> -> memref<1600xi32, #tpu.memory_space<hbm>>
          tpu.wait_dma2 semaphore(%arg15 : memref<!tpu.dma_semaphore, #tpu.memory_space<semaphore_mem>>) src(%dma_wait3A_312 : memref<1600xi32, #tpu.memory_space<hbm>>) dst(%arg8 : memref<1600xi32, #tpu.memory_space<vmem>>)
          %dma_start3A_313 = arith.constant 0 : i32
          %dma_start3A_314 = tpu.memref_slice %arg8[%dma_start3A_313] : memref<1600xi32, #tpu.memory_space<vmem>> -> memref<160xi32, #tpu.memory_space<vmem>>
          %dma_start3A_315 = arith.constant 0 : i32
          %dma_start3A_316 = arith.constant 0 : i32
          %dma_start3A_317 = tpu.memref_slice %arg12[%dma_start3A_315, %dma_start3A_316] : memref<10240x128xf32, #tpu.memory_space<vmem_shared>> -> memref<10240x128xf32, #tpu.memory_space<vmem_shared>>
          tpu.enqueue_indirect_dma source(%dma_start3A_317 : memref<10240x128xf32, #tpu.memory_space<vmem_shared>>) target(%arg11 : memref<160x128xf32, #tpu.memory_space<vmem>>) offsets(%dma_start3A_314 : memref<160xi32, #tpu.memory_space<vmem>>) semaphore(%arg18 : memref<!tpu.dma_semaphore, #tpu.memory_space<semaphore_mem>>)
        } else {
        }
        %dma_wait3A_295 = arith.constant 0 : i32
        %dma_wait3A_296 = tpu.memref_slice %arg8[%dma_wait3A_295] : memref<1600xi32, #tpu.memory_space<vmem>> -> memref<160xi32, #tpu.memory_space<vmem>>
        %dma_wait3A_297 = arith.constant 0 : i32
        %dma_wait3A_298 = arith.constant 0 : i32
        %dma_wait3A_299 = tpu.memref_slice %arg12[%dma_wait3A_297, %dma_wait3A_298] : memref<10240x128xf32, #tpu.memory_space<vmem_shared>> -> memref<10240x128xf32, #tpu.memory_space<vmem_shared>>
        tpu.wait_indirect_dma semaphore(%arg17 : memref<!tpu.dma_semaphore, #tpu.memory_space<semaphore_mem>>) src(%dma_wait3A_299 : memref<10240x128xf32, #tpu.memory_space<vmem_shared>>) dst(%arg10 : memref<160x128xf32, #tpu.memory_space<vmem>>)
        %add3A_300 = arith.constant 130 : i32
        %add3A_301 = arith.addi %add3A_300, %scan3A_269 : i32
        %mul3A_302 = arith.constant 160 : i32
        %mul3A_303 = arith.muli %add3A_301, %mul3A_302 : i32
        %add3A_304 = arith.addi %mul3A_2, %mul3A_303 : i32
        %dma_start3A_305 = arith.constant 0 : i32
        %dma_start3A_306 = tpu.memref_slice %arg5[%add3A_304, %dma_start3A_305] : memref<819200x128xf32, #tpu.memory_space<hbm>> -> memref<160x128xf32, #tpu.memory_space<hbm>>
        %dma_start3A_307 = arith.constant 0 : i32
        %dma_start3A_308 = tpu.memref_slice %arg5[%add3A_304, %dma_start3A_307] : memref<819200x128xf32, #tpu.memory_space<hbm>> -> memref<160x128xf32, #tpu.memory_space<hbm>>
        tpu.enqueue_dma source(%arg10 : memref<160x128xf32, #tpu.memory_space<vmem>>) target(%dma_start3A_308 : memref<160x128xf32, #tpu.memory_space<hbm>>) target_semaphore(%arg19 : memref<!tpu.dma_semaphore, #tpu.memory_space<semaphore_mem>>)
      } else {
      }
      %eq3A_274 = arith.constant 1 : i32
      %eq3A_275 = arith.cmpi eq, %rem3A_271, %eq3A_274 : i32
      %convert_element_type3A_276 = arith.extui %eq3A_275 : i1 to i32
      %cond3A_277 = arith.constant 0 : i32
      %cond3A_278 = arith.cmpi ne, %convert_element_type3A_276, %cond3A_277 : i32
      scf.if %cond3A_278 {
        %add3A_280 = arith.constant 13 : i32
        %add3A_281 = arith.addi %scan3A_269, %add3A_280 : i32
        %gt3A = arith.constant 0 : i32
        %gt3A_282 = arith.cmpi sgt, %add3A_281, %gt3A : i32
        %convert_element_type3A_283 = arith.extui %gt3A_282 : i1 to i32
        %cond3A_284 = arith.constant 0 : i32
        %cond3A_285 = arith.cmpi ne, %convert_element_type3A_283, %cond3A_284 : i32
        scf.if %cond3A_285 {
          %dma_wait3A_309 = arith.constant 0 : i32
          %dma_wait3A_310 = tpu.memref_slice %arg5[%mul3A_2, %dma_wait3A_309] : memref<819200x128xf32, #tpu.memory_space<hbm>> -> memref<160x128xf32, #tpu.memory_space<hbm>>
          %dma_wait3A_311 = arith.constant 0 : i32
          %dma_wait3A_312 = tpu.memref_slice %arg5[%mul3A_2, %dma_wait3A_311] : memref<819200x128xf32, #tpu.memory_space<hbm>> -> memref<160x128xf32, #tpu.memory_space<hbm>>
          tpu.wait_dma2 semaphore(%arg19 : memref<!tpu.dma_semaphore, #tpu.memory_space<semaphore_mem>>) src(%arg10 : memref<160x128xf32, #tpu.memory_space<vmem>>) dst(%dma_wait3A_312 : memref<160x128xf32, #tpu.memory_space<hbm>>)
        } else {
        }
        %lt3A = arith.constant 9 : i32
        %lt3A_286 = arith.cmpi slt, %scan3A_269, %lt3A : i32
        %convert_element_type3A_287 = arith.extui %lt3A_286 : i1 to i32
        %cond3A_288 = arith.constant 0 : i32
        %cond3A_289 = arith.cmpi ne, %convert_element_type3A_287, %cond3A_288 : i32
        scf.if %cond3A_289 {
          %add3A_309 = arith.constant 1 : i32
          %add3A_310 = arith.addi %scan3A_269, %add3A_309 : i32
          %mul3A_311 = arith.constant 160 : i32
          %mul3A_312 = arith.muli %add3A_310, %mul3A_311 : i32
          %dma_start3A_313 = tpu.memref_slice %arg9[%mul3A_312] : memref<1600xi32, #tpu.memory_space<vmem>> -> memref<160xi32, #tpu.memory_space<vmem>>
          %dma_start3A_314 = arith.constant 0 : i32
          %dma_start3A_315 = arith.constant 0 : i32
          %dma_start3A_316 = tpu.memref_slice %arg12[%dma_start3A_314, %dma_start3A_315] : memref<10240x128xf32, #tpu.memory_space<vmem_shared>> -> memref<10240x128xf32, #tpu.memory_space<vmem_shared>>
          tpu.enqueue_indirect_dma source(%dma_start3A_316 : memref<10240x128xf32, #tpu.memory_space<vmem_shared>>) target(%arg10 : memref<160x128xf32, #tpu.memory_space<vmem>>) offsets(%dma_start3A_313 : memref<160xi32, #tpu.memory_space<vmem>>) semaphore(%arg17 : memref<!tpu.dma_semaphore, #tpu.memory_space<semaphore_mem>>)
        } else {
        }
        %eq3A_290 = arith.constant 9 : i32
        %eq3A_291 = arith.cmpi eq, %scan3A_269, %eq3A_290 : i32
        %convert_element_type3A_292 = arith.extui %eq3A_291 : i1 to i32
        %cond3A_293 = arith.constant 0 : i32
        %cond3A_294 = arith.cmpi ne, %convert_element_type3A_292, %cond3A_293 : i32
        scf.if %cond3A_294 {
          %dma_wait3A_309 = arith.constant 0 : i32
          %dma_wait3A_310 = tpu.memref_slice %arg3[%dma_wait3A_309] : memref<100096xi32, #tpu.memory_space<hbm>> -> memref<1600xi32, #tpu.memory_space<hbm>>
          %dma_wait3A_311 = arith.constant 0 : i32
          %dma_wait3A_312 = tpu.memref_slice %arg3[%dma_wait3A_311] : memref<100096xi32, #tpu.memory_space<hbm>> -> memref<1600xi32, #tpu.memory_space<hbm>>
          tpu.wait_dma2 semaphore(%arg15 : memref<!tpu.dma_semaphore, #tpu.memory_space<semaphore_mem>>) src(%dma_wait3A_312 : memref<1600xi32, #tpu.memory_space<hbm>>) dst(%arg8 : memref<1600xi32, #tpu.memory_space<vmem>>)
          %dma_start3A_313 = arith.constant 0 : i32
          %dma_start3A_314 = tpu.memref_slice %arg8[%dma_start3A_313] : memref<1600xi32, #tpu.memory_space<vmem>> -> memref<160xi32, #tpu.memory_space<vmem>>
          %dma_start3A_315 = arith.constant 0 : i32
          %dma_start3A_316 = arith.constant 0 : i32
          %dma_start3A_317 = tpu.memref_slice %arg12[%dma_start3A_315, %dma_start3A_316] : memref<10240x128xf32, #tpu.memory_space<vmem_shared>> -> memref<10240x128xf32, #tpu.memory_space<vmem_shared>>
          tpu.enqueue_indirect_dma source(%dma_start3A_317 : memref<10240x128xf32, #tpu.memory_space<vmem_shared>>) target(%arg10 : memref<160x128xf32, #tpu.memory_space<vmem>>) offsets(%dma_start3A_314 : memref<160xi32, #tpu.memory_space<vmem>>) semaphore(%arg17 : memref<!tpu.dma_semaphore, #tpu.memory_space<semaphore_mem>>)
        } else {
        }
        %dma_wait3A_295 = arith.constant 0 : i32
        %dma_wait3A_296 = tpu.memref_slice %arg8[%dma_wait3A_295] : memref<1600xi32, #tpu.memory_space<vmem>> -> memref<160xi32, #tpu.memory_space<vmem>>
        %dma_wait3A_297 = arith.constant 0 : i32
        %dma_wait3A_298 = arith.constant 0 : i32
        %dma_wait3A_299 = tpu.memref_slice %arg12[%dma_wait3A_297, %dma_wait3A_298] : memref<10240x128xf32, #tpu.memory_space<vmem_shared>> -> memref<10240x128xf32, #tpu.memory_space<vmem_shared>>
        tpu.wait_indirect_dma semaphore(%arg18 : memref<!tpu.dma_semaphore, #tpu.memory_space<semaphore_mem>>) src(%dma_wait3A_299 : memref<10240x128xf32, #tpu.memory_space<vmem_shared>>) dst(%arg11 : memref<160x128xf32, #tpu.memory_space<vmem>>)
        %add3A_300 = arith.constant 130 : i32
        %add3A_301 = arith.addi %add3A_300, %scan3A_269 : i32
        %mul3A_302 = arith.constant 160 : i32
        %mul3A_303 = arith.muli %add3A_301, %mul3A_302 : i32
        %add3A_304 = arith.addi %mul3A_2, %mul3A_303 : i32
        %dma_start3A_305 = arith.constant 0 : i32
        %dma_start3A_306 = tpu.memref_slice %arg5[%add3A_304, %dma_start3A_305] : memref<819200x128xf32, #tpu.memory_space<hbm>> -> memref<160x128xf32, #tpu.memory_space<hbm>>
        %dma_start3A_307 = arith.constant 0 : i32
        %dma_start3A_308 = tpu.memref_slice %arg5[%add3A_304, %dma_start3A_307] : memref<819200x128xf32, #tpu.memory_space<hbm>> -> memref<160x128xf32, #tpu.memory_space<hbm>>
        tpu.enqueue_dma source(%arg11 : memref<160x128xf32, #tpu.memory_space<vmem>>) target(%dma_start3A_308 : memref<160x128xf32, #tpu.memory_space<hbm>>) target_semaphore(%arg20 : memref<!tpu.dma_semaphore, #tpu.memory_space<semaphore_mem>>)
      } else {
      }
      %scan3A_279 = arith.constant 0 : i32
      scf.yield %scan3A_279 : i32
    }
    %scan3A_246 = arith.constant 10 : i32
    %dma_wait3A_247 = tpu.memref_slice %arg2[%mul3A_2] : memref<819200xi32, #tpu.memory_space<hbm>> -> memref<1600xi32, #tpu.memory_space<hbm>>
    %dma_wait3A_248 = tpu.memref_slice %arg2[%mul3A_2] : memref<819200xi32, #tpu.memory_space<hbm>> -> memref<1600xi32, #tpu.memory_space<hbm>>
    tpu.wait_dma2 semaphore(%arg14 : memref<!tpu.dma_semaphore, #tpu.memory_space<semaphore_mem>>) src(%dma_wait3A_248 : memref<1600xi32, #tpu.memory_space<hbm>>) dst(%arg7 : memref<1600xi32, #tpu.memory_space<vmem>>)
    %dma_start3A_249 = arith.constant 0 : i32
    %dma_start3A_250 = tpu.memref_slice %arg3[%dma_start3A_249] : memref<100096xi32, #tpu.memory_space<hbm>> -> memref<100096xi32, #tpu.memory_space<hbm>>
    tpu.enqueue_indirect_dma source(%dma_start3A_250 : memref<100096xi32, #tpu.memory_space<hbm>>) target(%arg9 : memref<1600xi32, #tpu.memory_space<vmem>>) offsets(%arg7 : memref<1600xi32, #tpu.memory_space<vmem>>) semaphore(%arg16 : memref<!tpu.dma_semaphore, #tpu.memory_space<semaphore_mem>>)
    %scan3A_251 = arith.constant 0 : i32
    %scan3A_252 = arith.constant 0 : i32
    %scan3A_253 = arith.constant 10 : i32
    %scan3A_254 = arith.addi %scan3A_252, %scan3A_253 : i32
    %scan3A_255 = arith.constant 1 : i32
    %scan3A_256 = scf.for %scan3A_269 = %scan3A_252 to %scan3A_254 step %scan3A_255 iter_args(%scan3A_270 = %scan3A_251) -> (i32)  : i32 {
      %rem3A = arith.constant 2 : i32
      %rem3A_271 = arith.remsi %scan3A_269, %rem3A : i32
      %eq3A = arith.constant 0 : i32
      %eq3A_272 = arith.cmpi eq, %rem3A_271, %eq3A : i32
      %convert_element_type3A = arith.extui %eq3A_272 : i1 to i32
      %cond3A = arith.constant 0 : i32
      %cond3A_273 = arith.cmpi ne, %convert_element_type3A, %cond3A : i32
      scf.if %cond3A_273 {
        %add3A_280 = arith.constant 14 : i32
        %add3A_281 = arith.addi %scan3A_269, %add3A_280 : i32
        %gt3A = arith.constant 0 : i32
        %gt3A_282 = arith.cmpi sgt, %add3A_281, %gt3A : i32
        %convert_element_type3A_283 = arith.extui %gt3A_282 : i1 to i32
        %cond3A_284 = arith.constant 0 : i32
        %cond3A_285 = arith.cmpi ne, %convert_element_type3A_283, %cond3A_284 : i32
        scf.if %cond3A_285 {
          %dma_wait3A_309 = arith.constant 0 : i32
          %dma_wait3A_310 = tpu.memref_slice %arg5[%mul3A_2, %dma_wait3A_309] : memref<819200x128xf32, #tpu.memory_space<hbm>> -> memref<160x128xf32, #tpu.memory_space<hbm>>
          %dma_wait3A_311 = arith.constant 0 : i32
          %dma_wait3A_312 = tpu.memref_slice %arg5[%mul3A_2, %dma_wait3A_311] : memref<819200x128xf32, #tpu.memory_space<hbm>> -> memref<160x128xf32, #tpu.memory_space<hbm>>
          tpu.wait_dma2 semaphore(%arg20 : memref<!tpu.dma_semaphore, #tpu.memory_space<semaphore_mem>>) src(%arg11 : memref<160x128xf32, #tpu.memory_space<vmem>>) dst(%dma_wait3A_312 : memref<160x128xf32, #tpu.memory_space<hbm>>)
        } else {
        }
        %lt3A = arith.constant 9 : i32
        %lt3A_286 = arith.cmpi slt, %scan3A_269, %lt3A : i32
        %convert_element_type3A_287 = arith.extui %lt3A_286 : i1 to i32
        %cond3A_288 = arith.constant 0 : i32
        %cond3A_289 = arith.cmpi ne, %convert_element_type3A_287, %cond3A_288 : i32
        scf.if %cond3A_289 {
          %add3A_309 = arith.constant 1 : i32
          %add3A_310 = arith.addi %scan3A_269, %add3A_309 : i32
          %mul3A_311 = arith.constant 160 : i32
          %mul3A_312 = arith.muli %add3A_310, %mul3A_311 : i32
          %dma_start3A_313 = tpu.memref_slice %arg8[%mul3A_312] : memref<1600xi32, #tpu.memory_space<vmem>> -> memref<160xi32, #tpu.memory_space<vmem>>
          %dma_start3A_314 = arith.constant 0 : i32
          %dma_start3A_315 = arith.constant 0 : i32
          %dma_start3A_316 = tpu.memref_slice %arg12[%dma_start3A_314, %dma_start3A_315] : memref<10240x128xf32, #tpu.memory_space<vmem_shared>> -> memref<10240x128xf32, #tpu.memory_space<vmem_shared>>
          tpu.enqueue_indirect_dma source(%dma_start3A_316 : memref<10240x128xf32, #tpu.memory_space<vmem_shared>>) target(%arg11 : memref<160x128xf32, #tpu.memory_space<vmem>>) offsets(%dma_start3A_313 : memref<160xi32, #tpu.memory_space<vmem>>) semaphore(%arg18 : memref<!tpu.dma_semaphore, #tpu.memory_space<semaphore_mem>>)
        } else {
        }
        %eq3A_290 = arith.constant 9 : i32
        %eq3A_291 = arith.cmpi eq, %scan3A_269, %eq3A_290 : i32
        %convert_element_type3A_292 = arith.extui %eq3A_291 : i1 to i32
        %cond3A_293 = arith.constant 0 : i32
        %cond3A_294 = arith.cmpi ne, %convert_element_type3A_292, %cond3A_293 : i32
        scf.if %cond3A_294 {
          %dma_wait3A_309 = arith.constant 0 : i32
          %dma_wait3A_310 = tpu.memref_slice %arg3[%dma_wait3A_309] : memref<100096xi32, #tpu.memory_space<hbm>> -> memref<1600xi32, #tpu.memory_space<hbm>>
          %dma_wait3A_311 = arith.constant 0 : i32
          %dma_wait3A_312 = tpu.memref_slice %arg3[%dma_wait3A_311] : memref<100096xi32, #tpu.memory_space<hbm>> -> memref<1600xi32, #tpu.memory_space<hbm>>
          tpu.wait_dma2 semaphore(%arg16 : memref<!tpu.dma_semaphore, #tpu.memory_space<semaphore_mem>>) src(%dma_wait3A_312 : memref<1600xi32, #tpu.memory_space<hbm>>) dst(%arg9 : memref<1600xi32, #tpu.memory_space<vmem>>)
          %dma_start3A_313 = arith.constant 0 : i32
          %dma_start3A_314 = tpu.memref_slice %arg9[%dma_start3A_313] : memref<1600xi32, #tpu.memory_space<vmem>> -> memref<160xi32, #tpu.memory_space<vmem>>
          %dma_start3A_315 = arith.constant 0 : i32
          %dma_start3A_316 = arith.constant 0 : i32
          %dma_start3A_317 = tpu.memref_slice %arg12[%dma_start3A_315, %dma_start3A_316] : memref<10240x128xf32, #tpu.memory_space<vmem_shared>> -> memref<10240x128xf32, #tpu.memory_space<vmem_shared>>
          tpu.enqueue_indirect_dma source(%dma_start3A_317 : memref<10240x128xf32, #tpu.memory_space<vmem_shared>>) target(%arg11 : memref<160x128xf32, #tpu.memory_space<vmem>>) offsets(%dma_start3A_314 : memref<160xi32, #tpu.memory_space<vmem>>) semaphore(%arg18 : memref<!tpu.dma_semaphore, #tpu.memory_space<semaphore_mem>>)
        } else {
        }
        %dma_wait3A_295 = arith.constant 0 : i32
        %dma_wait3A_296 = tpu.memref_slice %arg8[%dma_wait3A_295] : memref<1600xi32, #tpu.memory_space<vmem>> -> memref<160xi32, #tpu.memory_space<vmem>>
        %dma_wait3A_297 = arith.constant 0 : i32
        %dma_wait3A_298 = arith.constant 0 : i32
        %dma_wait3A_299 = tpu.memref_slice %arg12[%dma_wait3A_297, %dma_wait3A_298] : memref<10240x128xf32, #tpu.memory_space<vmem_shared>> -> memref<10240x128xf32, #tpu.memory_space<vmem_shared>>
        tpu.wait_indirect_dma semaphore(%arg17 : memref<!tpu.dma_semaphore, #tpu.memory_space<semaphore_mem>>) src(%dma_wait3A_299 : memref<10240x128xf32, #tpu.memory_space<vmem_shared>>) dst(%arg10 : memref<160x128xf32, #tpu.memory_space<vmem>>)
        %add3A_300 = arith.constant 140 : i32
        %add3A_301 = arith.addi %add3A_300, %scan3A_269 : i32
        %mul3A_302 = arith.constant 160 : i32
        %mul3A_303 = arith.muli %add3A_301, %mul3A_302 : i32
        %add3A_304 = arith.addi %mul3A_2, %mul3A_303 : i32
        %dma_start3A_305 = arith.constant 0 : i32
        %dma_start3A_306 = tpu.memref_slice %arg5[%add3A_304, %dma_start3A_305] : memref<819200x128xf32, #tpu.memory_space<hbm>> -> memref<160x128xf32, #tpu.memory_space<hbm>>
        %dma_start3A_307 = arith.constant 0 : i32
        %dma_start3A_308 = tpu.memref_slice %arg5[%add3A_304, %dma_start3A_307] : memref<819200x128xf32, #tpu.memory_space<hbm>> -> memref<160x128xf32, #tpu.memory_space<hbm>>
        tpu.enqueue_dma source(%arg10 : memref<160x128xf32, #tpu.memory_space<vmem>>) target(%dma_start3A_308 : memref<160x128xf32, #tpu.memory_space<hbm>>) target_semaphore(%arg19 : memref<!tpu.dma_semaphore, #tpu.memory_space<semaphore_mem>>)
      } else {
      }
      %eq3A_274 = arith.constant 1 : i32
      %eq3A_275 = arith.cmpi eq, %rem3A_271, %eq3A_274 : i32
      %convert_element_type3A_276 = arith.extui %eq3A_275 : i1 to i32
      %cond3A_277 = arith.constant 0 : i32
      %cond3A_278 = arith.cmpi ne, %convert_element_type3A_276, %cond3A_277 : i32
      scf.if %cond3A_278 {
        %add3A_280 = arith.constant 14 : i32
        %add3A_281 = arith.addi %scan3A_269, %add3A_280 : i32
        %gt3A = arith.constant 0 : i32
        %gt3A_282 = arith.cmpi sgt, %add3A_281, %gt3A : i32
        %convert_element_type3A_283 = arith.extui %gt3A_282 : i1 to i32
        %cond3A_284 = arith.constant 0 : i32
        %cond3A_285 = arith.cmpi ne, %convert_element_type3A_283, %cond3A_284 : i32
        scf.if %cond3A_285 {
          %dma_wait3A_309 = arith.constant 0 : i32
          %dma_wait3A_310 = tpu.memref_slice %arg5[%mul3A_2, %dma_wait3A_309] : memref<819200x128xf32, #tpu.memory_space<hbm>> -> memref<160x128xf32, #tpu.memory_space<hbm>>
          %dma_wait3A_311 = arith.constant 0 : i32
          %dma_wait3A_312 = tpu.memref_slice %arg5[%mul3A_2, %dma_wait3A_311] : memref<819200x128xf32, #tpu.memory_space<hbm>> -> memref<160x128xf32, #tpu.memory_space<hbm>>
          tpu.wait_dma2 semaphore(%arg19 : memref<!tpu.dma_semaphore, #tpu.memory_space<semaphore_mem>>) src(%arg10 : memref<160x128xf32, #tpu.memory_space<vmem>>) dst(%dma_wait3A_312 : memref<160x128xf32, #tpu.memory_space<hbm>>)
        } else {
        }
        %lt3A = arith.constant 9 : i32
        %lt3A_286 = arith.cmpi slt, %scan3A_269, %lt3A : i32
        %convert_element_type3A_287 = arith.extui %lt3A_286 : i1 to i32
        %cond3A_288 = arith.constant 0 : i32
        %cond3A_289 = arith.cmpi ne, %convert_element_type3A_287, %cond3A_288 : i32
        scf.if %cond3A_289 {
          %add3A_309 = arith.constant 1 : i32
          %add3A_310 = arith.addi %scan3A_269, %add3A_309 : i32
          %mul3A_311 = arith.constant 160 : i32
          %mul3A_312 = arith.muli %add3A_310, %mul3A_311 : i32
          %dma_start3A_313 = tpu.memref_slice %arg8[%mul3A_312] : memref<1600xi32, #tpu.memory_space<vmem>> -> memref<160xi32, #tpu.memory_space<vmem>>
          %dma_start3A_314 = arith.constant 0 : i32
          %dma_start3A_315 = arith.constant 0 : i32
          %dma_start3A_316 = tpu.memref_slice %arg12[%dma_start3A_314, %dma_start3A_315] : memref<10240x128xf32, #tpu.memory_space<vmem_shared>> -> memref<10240x128xf32, #tpu.memory_space<vmem_shared>>
          tpu.enqueue_indirect_dma source(%dma_start3A_316 : memref<10240x128xf32, #tpu.memory_space<vmem_shared>>) target(%arg10 : memref<160x128xf32, #tpu.memory_space<vmem>>) offsets(%dma_start3A_313 : memref<160xi32, #tpu.memory_space<vmem>>) semaphore(%arg17 : memref<!tpu.dma_semaphore, #tpu.memory_space<semaphore_mem>>)
        } else {
        }
        %eq3A_290 = arith.constant 9 : i32
        %eq3A_291 = arith.cmpi eq, %scan3A_269, %eq3A_290 : i32
        %convert_element_type3A_292 = arith.extui %eq3A_291 : i1 to i32
        %cond3A_293 = arith.constant 0 : i32
        %cond3A_294 = arith.cmpi ne, %convert_element_type3A_292, %cond3A_293 : i32
        scf.if %cond3A_294 {
          %dma_wait3A_309 = arith.constant 0 : i32
          %dma_wait3A_310 = tpu.memref_slice %arg3[%dma_wait3A_309] : memref<100096xi32, #tpu.memory_space<hbm>> -> memref<1600xi32, #tpu.memory_space<hbm>>
          %dma_wait3A_311 = arith.constant 0 : i32
          %dma_wait3A_312 = tpu.memref_slice %arg3[%dma_wait3A_311] : memref<100096xi32, #tpu.memory_space<hbm>> -> memref<1600xi32, #tpu.memory_space<hbm>>
          tpu.wait_dma2 semaphore(%arg16 : memref<!tpu.dma_semaphore, #tpu.memory_space<semaphore_mem>>) src(%dma_wait3A_312 : memref<1600xi32, #tpu.memory_space<hbm>>) dst(%arg9 : memref<1600xi32, #tpu.memory_space<vmem>>)
          %dma_start3A_313 = arith.constant 0 : i32
          %dma_start3A_314 = tpu.memref_slice %arg9[%dma_start3A_313] : memref<1600xi32, #tpu.memory_space<vmem>> -> memref<160xi32, #tpu.memory_space<vmem>>
          %dma_start3A_315 = arith.constant 0 : i32
          %dma_start3A_316 = arith.constant 0 : i32
          %dma_start3A_317 = tpu.memref_slice %arg12[%dma_start3A_315, %dma_start3A_316] : memref<10240x128xf32, #tpu.memory_space<vmem_shared>> -> memref<10240x128xf32, #tpu.memory_space<vmem_shared>>
          tpu.enqueue_indirect_dma source(%dma_start3A_317 : memref<10240x128xf32, #tpu.memory_space<vmem_shared>>) target(%arg10 : memref<160x128xf32, #tpu.memory_space<vmem>>) offsets(%dma_start3A_314 : memref<160xi32, #tpu.memory_space<vmem>>) semaphore(%arg17 : memref<!tpu.dma_semaphore, #tpu.memory_space<semaphore_mem>>)
        } else {
        }
        %dma_wait3A_295 = arith.constant 0 : i32
        %dma_wait3A_296 = tpu.memref_slice %arg8[%dma_wait3A_295] : memref<1600xi32, #tpu.memory_space<vmem>> -> memref<160xi32, #tpu.memory_space<vmem>>
        %dma_wait3A_297 = arith.constant 0 : i32
        %dma_wait3A_298 = arith.constant 0 : i32
        %dma_wait3A_299 = tpu.memref_slice %arg12[%dma_wait3A_297, %dma_wait3A_298] : memref<10240x128xf32, #tpu.memory_space<vmem_shared>> -> memref<10240x128xf32, #tpu.memory_space<vmem_shared>>
        tpu.wait_indirect_dma semaphore(%arg18 : memref<!tpu.dma_semaphore, #tpu.memory_space<semaphore_mem>>) src(%dma_wait3A_299 : memref<10240x128xf32, #tpu.memory_space<vmem_shared>>) dst(%arg11 : memref<160x128xf32, #tpu.memory_space<vmem>>)
        %add3A_300 = arith.constant 140 : i32
        %add3A_301 = arith.addi %add3A_300, %scan3A_269 : i32
        %mul3A_302 = arith.constant 160 : i32
        %mul3A_303 = arith.muli %add3A_301, %mul3A_302 : i32
        %add3A_304 = arith.addi %mul3A_2, %mul3A_303 : i32
        %dma_start3A_305 = arith.constant 0 : i32
        %dma_start3A_306 = tpu.memref_slice %arg5[%add3A_304, %dma_start3A_305] : memref<819200x128xf32, #tpu.memory_space<hbm>> -> memref<160x128xf32, #tpu.memory_space<hbm>>
        %dma_start3A_307 = arith.constant 0 : i32
        %dma_start3A_308 = tpu.memref_slice %arg5[%add3A_304, %dma_start3A_307] : memref<819200x128xf32, #tpu.memory_space<hbm>> -> memref<160x128xf32, #tpu.memory_space<hbm>>
        tpu.enqueue_dma source(%arg11 : memref<160x128xf32, #tpu.memory_space<vmem>>) target(%dma_start3A_308 : memref<160x128xf32, #tpu.memory_space<hbm>>) target_semaphore(%arg20 : memref<!tpu.dma_semaphore, #tpu.memory_space<semaphore_mem>>)
      } else {
      }
      %scan3A_279 = arith.constant 0 : i32
      scf.yield %scan3A_279 : i32
    }
    %scan3A_257 = arith.constant 10 : i32
    %scan3A_258 = arith.constant 0 : i32
    %scan3A_259 = arith.constant 0 : i32
    %scan3A_260 = arith.constant 10 : i32
    %scan3A_261 = arith.addi %scan3A_259, %scan3A_260 : i32
    %scan3A_262 = arith.constant 1 : i32
    %scan3A_263 = scf.for %scan3A_269 = %scan3A_259 to %scan3A_261 step %scan3A_262 iter_args(%scan3A_270 = %scan3A_258) -> (i32)  : i32 {
      %rem3A = arith.constant 2 : i32
      %rem3A_271 = arith.remsi %scan3A_269, %rem3A : i32
      %eq3A = arith.constant 0 : i32
      %eq3A_272 = arith.cmpi eq, %rem3A_271, %eq3A : i32
      %convert_element_type3A = arith.extui %eq3A_272 : i1 to i32
      %cond3A = arith.constant 0 : i32
      %cond3A_273 = arith.cmpi ne, %convert_element_type3A, %cond3A : i32
      scf.if %cond3A_273 {
        %add3A_280 = arith.constant 15 : i32
        %add3A_281 = arith.addi %scan3A_269, %add3A_280 : i32
        %gt3A = arith.constant 0 : i32
        %gt3A_282 = arith.cmpi sgt, %add3A_281, %gt3A : i32
        %convert_element_type3A_283 = arith.extui %gt3A_282 : i1 to i32
        %cond3A_284 = arith.constant 0 : i32
        %cond3A_285 = arith.cmpi ne, %convert_element_type3A_283, %cond3A_284 : i32
        scf.if %cond3A_285 {
          %dma_wait3A_304 = arith.constant 0 : i32
          %dma_wait3A_305 = tpu.memref_slice %arg5[%mul3A_2, %dma_wait3A_304] : memref<819200x128xf32, #tpu.memory_space<hbm>> -> memref<160x128xf32, #tpu.memory_space<hbm>>
          %dma_wait3A_306 = arith.constant 0 : i32
          %dma_wait3A_307 = tpu.memref_slice %arg5[%mul3A_2, %dma_wait3A_306] : memref<819200x128xf32, #tpu.memory_space<hbm>> -> memref<160x128xf32, #tpu.memory_space<hbm>>
          tpu.wait_dma2 semaphore(%arg20 : memref<!tpu.dma_semaphore, #tpu.memory_space<semaphore_mem>>) src(%arg11 : memref<160x128xf32, #tpu.memory_space<vmem>>) dst(%dma_wait3A_307 : memref<160x128xf32, #tpu.memory_space<hbm>>)
        } else {
        }
        %lt3A = arith.constant 9 : i32
        %lt3A_286 = arith.cmpi slt, %scan3A_269, %lt3A : i32
        %convert_element_type3A_287 = arith.extui %lt3A_286 : i1 to i32
        %cond3A_288 = arith.constant 0 : i32
        %cond3A_289 = arith.cmpi ne, %convert_element_type3A_287, %cond3A_288 : i32
        scf.if %cond3A_289 {
          %add3A_304 = arith.constant 1 : i32
          %add3A_305 = arith.addi %scan3A_269, %add3A_304 : i32
          %mul3A_306 = arith.constant 160 : i32
          %mul3A_307 = arith.muli %add3A_305, %mul3A_306 : i32
          %dma_start3A_308 = tpu.memref_slice %arg9[%mul3A_307] : memref<1600xi32, #tpu.memory_space<vmem>> -> memref<160xi32, #tpu.memory_space<vmem>>
          %dma_start3A_309 = arith.constant 0 : i32
          %dma_start3A_310 = arith.constant 0 : i32
          %dma_start3A_311 = tpu.memref_slice %arg12[%dma_start3A_309, %dma_start3A_310] : memref<10240x128xf32, #tpu.memory_space<vmem_shared>> -> memref<10240x128xf32, #tpu.memory_space<vmem_shared>>
          tpu.enqueue_indirect_dma source(%dma_start3A_311 : memref<10240x128xf32, #tpu.memory_space<vmem_shared>>) target(%arg11 : memref<160x128xf32, #tpu.memory_space<vmem>>) offsets(%dma_start3A_308 : memref<160xi32, #tpu.memory_space<vmem>>) semaphore(%arg18 : memref<!tpu.dma_semaphore, #tpu.memory_space<semaphore_mem>>)
        } else {
        }
        %dma_wait3A_290 = arith.constant 0 : i32
        %dma_wait3A_291 = tpu.memref_slice %arg8[%dma_wait3A_290] : memref<1600xi32, #tpu.memory_space<vmem>> -> memref<160xi32, #tpu.memory_space<vmem>>
        %dma_wait3A_292 = arith.constant 0 : i32
        %dma_wait3A_293 = arith.constant 0 : i32
        %dma_wait3A_294 = tpu.memref_slice %arg12[%dma_wait3A_292, %dma_wait3A_293] : memref<10240x128xf32, #tpu.memory_space<vmem_shared>> -> memref<10240x128xf32, #tpu.memory_space<vmem_shared>>
        tpu.wait_indirect_dma semaphore(%arg17 : memref<!tpu.dma_semaphore, #tpu.memory_space<semaphore_mem>>) src(%dma_wait3A_294 : memref<10240x128xf32, #tpu.memory_space<vmem_shared>>) dst(%arg10 : memref<160x128xf32, #tpu.memory_space<vmem>>)
        %add3A_295 = arith.constant 150 : i32
        %add3A_296 = arith.addi %add3A_295, %scan3A_269 : i32
        %mul3A_297 = arith.constant 160 : i32
        %mul3A_298 = arith.muli %add3A_296, %mul3A_297 : i32
        %add3A_299 = arith.addi %mul3A_2, %mul3A_298 : i32
        %dma_start3A_300 = arith.constant 0 : i32
        %dma_start3A_301 = tpu.memref_slice %arg5[%add3A_299, %dma_start3A_300] : memref<819200x128xf32, #tpu.memory_space<hbm>> -> memref<160x128xf32, #tpu.memory_space<hbm>>
        %dma_start3A_302 = arith.constant 0 : i32
        %dma_start3A_303 = tpu.memref_slice %arg5[%add3A_299, %dma_start3A_302] : memref<819200x128xf32, #tpu.memory_space<hbm>> -> memref<160x128xf32, #tpu.memory_space<hbm>>
        tpu.enqueue_dma source(%arg10 : memref<160x128xf32, #tpu.memory_space<vmem>>) target(%dma_start3A_303 : memref<160x128xf32, #tpu.memory_space<hbm>>) target_semaphore(%arg19 : memref<!tpu.dma_semaphore, #tpu.memory_space<semaphore_mem>>)
      } else {
      }
      %eq3A_274 = arith.constant 1 : i32
      %eq3A_275 = arith.cmpi eq, %rem3A_271, %eq3A_274 : i32
      %convert_element_type3A_276 = arith.extui %eq3A_275 : i1 to i32
      %cond3A_277 = arith.constant 0 : i32
      %cond3A_278 = arith.cmpi ne, %convert_element_type3A_276, %cond3A_277 : i32
      scf.if %cond3A_278 {
        %add3A_280 = arith.constant 15 : i32
        %add3A_281 = arith.addi %scan3A_269, %add3A_280 : i32
        %gt3A = arith.constant 0 : i32
        %gt3A_282 = arith.cmpi sgt, %add3A_281, %gt3A : i32
        %convert_element_type3A_283 = arith.extui %gt3A_282 : i1 to i32
        %cond3A_284 = arith.constant 0 : i32
        %cond3A_285 = arith.cmpi ne, %convert_element_type3A_283, %cond3A_284 : i32
        scf.if %cond3A_285 {
          %dma_wait3A_304 = arith.constant 0 : i32
          %dma_wait3A_305 = tpu.memref_slice %arg5[%mul3A_2, %dma_wait3A_304] : memref<819200x128xf32, #tpu.memory_space<hbm>> -> memref<160x128xf32, #tpu.memory_space<hbm>>
          %dma_wait3A_306 = arith.constant 0 : i32
          %dma_wait3A_307 = tpu.memref_slice %arg5[%mul3A_2, %dma_wait3A_306] : memref<819200x128xf32, #tpu.memory_space<hbm>> -> memref<160x128xf32, #tpu.memory_space<hbm>>
          tpu.wait_dma2 semaphore(%arg19 : memref<!tpu.dma_semaphore, #tpu.memory_space<semaphore_mem>>) src(%arg10 : memref<160x128xf32, #tpu.memory_space<vmem>>) dst(%dma_wait3A_307 : memref<160x128xf32, #tpu.memory_space<hbm>>)
        } else {
        }
        %lt3A = arith.constant 9 : i32
        %lt3A_286 = arith.cmpi slt, %scan3A_269, %lt3A : i32
        %convert_element_type3A_287 = arith.extui %lt3A_286 : i1 to i32
        %cond3A_288 = arith.constant 0 : i32
        %cond3A_289 = arith.cmpi ne, %convert_element_type3A_287, %cond3A_288 : i32
        scf.if %cond3A_289 {
          %add3A_304 = arith.constant 1 : i32
          %add3A_305 = arith.addi %scan3A_269, %add3A_304 : i32
          %mul3A_306 = arith.constant 160 : i32
          %mul3A_307 = arith.muli %add3A_305, %mul3A_306 : i32
          %dma_start3A_308 = tpu.memref_slice %arg9[%mul3A_307] : memref<1600xi32, #tpu.memory_space<vmem>> -> memref<160xi32, #tpu.memory_space<vmem>>
          %dma_start3A_309 = arith.constant 0 : i32
          %dma_start3A_310 = arith.constant 0 : i32
          %dma_start3A_311 = tpu.memref_slice %arg12[%dma_start3A_309, %dma_start3A_310] : memref<10240x128xf32, #tpu.memory_space<vmem_shared>> -> memref<10240x128xf32, #tpu.memory_space<vmem_shared>>
          tpu.enqueue_indirect_dma source(%dma_start3A_311 : memref<10240x128xf32, #tpu.memory_space<vmem_shared>>) target(%arg10 : memref<160x128xf32, #tpu.memory_space<vmem>>) offsets(%dma_start3A_308 : memref<160xi32, #tpu.memory_space<vmem>>) semaphore(%arg17 : memref<!tpu.dma_semaphore, #tpu.memory_space<semaphore_mem>>)
        } else {
        }
        %dma_wait3A_290 = arith.constant 0 : i32
        %dma_wait3A_291 = tpu.memref_slice %arg8[%dma_wait3A_290] : memref<1600xi32, #tpu.memory_space<vmem>> -> memref<160xi32, #tpu.memory_space<vmem>>
        %dma_wait3A_292 = arith.constant 0 : i32
        %dma_wait3A_293 = arith.constant 0 : i32
        %dma_wait3A_294 = tpu.memref_slice %arg12[%dma_wait3A_292, %dma_wait3A_293] : memref<10240x128xf32, #tpu.memory_space<vmem_shared>> -> memref<10240x128xf32, #tpu.memory_space<vmem_shared>>
        tpu.wait_indirect_dma semaphore(%arg18 : memref<!tpu.dma_semaphore, #tpu.memory_space<semaphore_mem>>) src(%dma_wait3A_294 : memref<10240x128xf32, #tpu.memory_space<vmem_shared>>) dst(%arg11 : memref<160x128xf32, #tpu.memory_space<vmem>>)
        %add3A_295 = arith.constant 150 : i32
        %add3A_296 = arith.addi %add3A_295, %scan3A_269 : i32
        %mul3A_297 = arith.constant 160 : i32
        %mul3A_298 = arith.muli %add3A_296, %mul3A_297 : i32
        %add3A_299 = arith.addi %mul3A_2, %mul3A_298 : i32
        %dma_start3A_300 = arith.constant 0 : i32
        %dma_start3A_301 = tpu.memref_slice %arg5[%add3A_299, %dma_start3A_300] : memref<819200x128xf32, #tpu.memory_space<hbm>> -> memref<160x128xf32, #tpu.memory_space<hbm>>
        %dma_start3A_302 = arith.constant 0 : i32
        %dma_start3A_303 = tpu.memref_slice %arg5[%add3A_299, %dma_start3A_302] : memref<819200x128xf32, #tpu.memory_space<hbm>> -> memref<160x128xf32, #tpu.memory_space<hbm>>
        tpu.enqueue_dma source(%arg11 : memref<160x128xf32, #tpu.memory_space<vmem>>) target(%dma_start3A_303 : memref<160x128xf32, #tpu.memory_space<hbm>>) target_semaphore(%arg20 : memref<!tpu.dma_semaphore, #tpu.memory_space<semaphore_mem>>)
      } else {
      }
      %scan3A_279 = arith.constant 0 : i32
      scf.yield %scan3A_279 : i32
    }
    %scan3A_264 = arith.constant 10 : i32
    %dma_wait3A_265 = arith.constant 0 : i32
    %dma_wait3A_266 = tpu.memref_slice %arg5[%mul3A_2, %dma_wait3A_265] : memref<819200x128xf32, #tpu.memory_space<hbm>> -> memref<160x128xf32, #tpu.memory_space<hbm>>
    %dma_wait3A_267 = arith.constant 0 : i32
    %dma_wait3A_268 = tpu.memref_slice %arg5[%mul3A_2, %dma_wait3A_267] : memref<819200x128xf32, #tpu.memory_space<hbm>> -> memref<160x128xf32, #tpu.memory_space<hbm>>
    tpu.wait_dma2 semaphore(%arg20 : memref<!tpu.dma_semaphore, #tpu.memory_space<semaphore_mem>>) src(%arg11 : memref<160x128xf32, #tpu.memory_space<vmem>>) dst(%dma_wait3A_268 : memref<160x128xf32, #tpu.memory_space<hbm>>)
    return
  }
}

</mosaic_0001>

<sc_bundles>
// kernel: kernel.3.cloned.1.call-start
scs
__scs_entry_jumppad:
0x0: {  	(pc) =	sbr.rel $0x88, $3  }
0x1: {  	(tag) =	ssettag $0x0;
	lr =	simm.s32 $0x1  }
0x2: {  	[smem:$0x3F9E] =	sst lr;
	_ =	strace $0xD0000000  }
0x3: {  	_ = 	snop  }
0x4: {  	_ = 	snop  }
0x5: {  	_ = 	snop  }
0x6: {  	_ = 	snop  }
0x7: {  	_ = 	snop  }
__scs_overlays_trampoline_lowered:
0x8: {  	[smem:$0x3FAD] =	sst s0  }
0x9: {  	[smem:$0x3FAE] =	sst s1  }
0xa: {  	[smem:$0x3FAF] =	sst s2  }
0xb: {  	[smem:$0x3FB0] =	sst s3  }
0xc: {  	[smem:$0x3FB1] =	sst s4  }
0xd: {  	[smem:$0x3FB2] =	sst s5  }
0xe: {  	[smem:$0x3FB3] =	sst s6  }
0xf: {  	[smem:$0x3FB4] =	sst s7  }
0x10: {  	[smem:$0x3FB5] =	sst s8  }
0x11: {  	[smem:$0x3FB6] =	sst s9;
	s0 =	simm.s32 @!p0 $0x0  }
0x12: {  	s1 =	sld [smem:$0x3F9C];
	s0 =	simm.s32 @p0 $0x1  }
0x13: {  	[smem:$0x3FB7] =	sst s0;
	s0 =	simm.s32 @!p1 $0x0  }
0x14: {  	s2 =	sld [smem:$0x3F9B];
	s0 =	simm.s32 @p1 $0x1  }
0x15: {  	[smem:$0x3FB8] =	sst s0;
	s0 =	simm.s32 @!p2 $0x0  }
0x16: {  	s3 =	sld [smem:$0x3FDB];
	s0 =	simm.s32 @p2 $0x1  }
0x17: {  	s4 =	simm.s32 $0x1BF5;
	[smem:$0x3FBA] =	sst s0  }
0x18: {  	s0 =	sld [smem:$0x3F9D];
	_ =	swait.ge [sflag:s4], $0x0  }
0x19: {  	s7 =	sld [smem:$0x3F9E]  }
0x1a: {  	s8 =	sadd.s32 $0xFFFFE003, lr  }
0x1b: {  	s9 =	sadd.s32 $0xFFFFFEF7, lr;
	s5 =	simm.s32 $0xFFFFFFFF;
	p2 =	slt.u32 s8, $0xFFFFF086  }
0x1c: {  	p1 =	slt.u32 s9, $0xF7A;
	s5 =	simm.s32 @!p2 $0x0  }
0x1d: {  	s5 =	simm.s32 @p1 $0x1;
	p0 =	seq.s32 s7, s2  }
0x1e: {  	s7 =	smul.u32 @!p0 $0xF7A, s2;
	p2 =	seq.s32 @!p0 s5, $0x0  }
0x1f: {  	s9 =	smul.u32 $0xF7A, s1;
	s8 =	simm.s32 @!p0 $0x1BF5;
	p2 =	por !p2, p0  }
0x20: {  	[sflag:s8] =	ssyncset.s32 @!p0 $0xFFFFF086;
	s6 =	sadd.s32 @!p0 s3, s7;
	s7 =	simm.s32 @!p0 $0x108  }
0x21: {  	s3 =	sadd.s32 s3, s9;
	s6 =	sadd.s32 @!p0 $0x88, s6;
	s7 =	simm.s32 @p2 $0x1082  }
0x22: {  	[simem:s7], [sflag:s8] =	dma.local @!p0 [hbm:s6], $0xF7A  }
0x23: {  	s9 =	sor.u32 $0xD0000000, s2;
	s6 =	simm.s32 $0x108;
	_ =	swait.ge @!p0 [sflag:s8], $0x0  }
0x24: {  	s3 =	sadd.s32 $0x88, s3;
	s6 =	simm.s32 @!p1 $0x1082;
	[sflag:s4] =	ssyncset.s32 $0xFFFFF086  }
0x25: {  	[simem:s6], [sflag:s4] =	dma.local [hbm:s3], $0xF7A  }
0x26: {  	[smem:$0x3F9E] =	sst s1;
	(tag) =	ssettag s2;
	_ =	strace s9  }
0x27: {  	s1 =	sld [smem:$0x3FAE]  }
0x28: {  	s2 =	sld [smem:$0x3FAF]  }
0x29: {  	s4 =	sld [smem:$0x3FB1]  }
0x2a: {  	p0 =	seq.s32 s5, $0x0;
	s5 =	sld [smem:$0x3FB2]  }
0x2b: {  	s6 =	sld [smem:$0x3FB3]  }
0x2c: {  	s7 =	sld [smem:$0x3FB4]  }
0x2d: {  	s3 =	simm.s32 $0x108;
	s8 =	sld [smem:$0x3FB5]  }
0x2e: {  	s3 =	simm.s32 @!p0 $0x1082;
	s9 =	sld [smem:$0x3FB6]  }
0x2f: {  	lr =	sadd.s32 s0, s3;
	s0 =	sld [smem:$0x3FAD]  }
0x30: {  	s3 =	sld [smem:$0x3FB0]  }
0x31: {  	[smem:$0x3FB9] =	sst s10  }
0x32: {  	s10 =	sld [smem:$0x3FB7];
	_ =	sdelay $0x3  }
0x33: {  	p0 =	seq.s32 s10, $0x1;
	s10 =	sld [smem:$0x3FB9];
	_ =	sdelay $0x3  }
0x34: {  	[smem:$0x3FB9] =	sst s10  }
0x35: {  	s10 =	sld [smem:$0x3FB8];
	_ =	sdelay $0x3  }
0x36: {  	p1 =	seq.s32 s10, $0x1;
	s10 =	sld [smem:$0x3FB9];
	_ =	sdelay $0x3  }
0x37: {  	[smem:$0x3FB9] =	sst s10  }
0x38: {  	s10 =	sld [smem:$0x3FBA]  }
0x39: {  	_ = 	snop;
	(pc) =	sbr.ind lr, $3  }
0x3a: {  	_ = 	snop  }
0x3b: {  	_ = 	snop  }
0x3c: {  	p2 =	seq.s32 s10, $0x1;
	s10 =	sld [smem:$0x3FB9]  }
0x3d: {  	_ =	shalt  }
0x3e: {  	_ =	shalt  }
0x3f: {  	_ =	shalt  }
0x40: {  	_ =	shalt  }
0x41: {  	_ =	shalt  }
0x42: {  	_ =	shalt  }
0x43: {  	_ =	shalt  }
0x44: {  	_ =	shalt  }
0x45: {  	_ =	shalt  }
0x46: {  	_ =	shalt  }
0x47: {  	_ =	shalt  }
0x48: {  	_ =	shalt  }
0x49: {  	_ =	shalt  }
0x4a: {  	_ =	shalt  }
0x4b: {  	_ =	shalt  }
0x4c: {  	_ =	shalt  }
0x4d: {  	_ =	shalt  }
0x4e: {  	_ =	shalt  }
0x4f: {  	_ =	shalt  }
0x50: {  	_ =	shalt  }
0x51: {  	_ =	shalt  }
0x52: {  	_ =	shalt  }
0x53: {  	_ =	shalt  }
0x54: {  	_ =	shalt  }
0x55: {  	_ =	shalt  }
0x56: {  	_ =	shalt  }
0x57: {  	_ =	shalt  }
0x58: {  	_ =	shalt  }
0x59: {  	_ =	shalt  }
0x5a: {  	_ =	shalt  }
0x5b: {  	_ =	shalt  }
0x5c: {  	_ =	shalt  }
0x5d: {  	_ =	shalt  }
0x5e: {  	_ =	shalt  }
0x5f: {  	_ =	shalt  }
0x60: {  	_ =	shalt  }
0x61: {  	_ =	shalt  }
0x62: {  	_ =	shalt  }
0x63: {  	_ =	shalt  }
0x64: {  	_ =	shalt  }
0x65: {  	_ =	shalt  }
0x66: {  	_ =	shalt  }
0x67: {  	_ =	shalt  }
0x68: {  	_ =	shalt  }
0x69: {  	_ =	shalt  }
0x6a: {  	_ =	shalt  }
0x6b: {  	_ =	shalt  }
0x6c: {  	_ =	shalt  }
0x6d: {  	_ =	shalt  }
0x6e: {  	_ =	shalt  }
0x6f: {  	_ =	shalt  }
0x70: {  	_ =	shalt  }
0x71: {  	_ =	shalt  }
0x72: {  	_ =	shalt  }
0x73: {  	_ =	shalt  }
0x74: {  	_ =	shalt  }
0x75: {  	_ =	shalt  }
0x76: {  	_ =	shalt  }
0x77: {  	_ =	shalt  }
0x78: {  	_ =	shalt  }
0x79: {  	_ =	shalt  }
0x7a: {  	_ =	shalt  }
0x7b: {  	_ =	shalt  }
0x7c: {  	_ =	shalt  }
0x7d: {  	_ =	shalt  }
0x7e: {  	_ =	shalt  }
0x7f: {  	_ =	shalt  }
0x80: {  	_ =	shalt  }
0x81: {  	_ =	shalt  }
0x82: {  	_ =	shalt  }
0x83: {  	_ =	shalt  }
0x84: {  	_ =	shalt  }
0x85: {  	_ =	shalt  }
0x86: {  	_ =	shalt  }
0x87: {  	_ =	shalt  }
.Lfunc_end0:
.L_simem_size_0:
called_computation.1_lowered:
.L_overlay_start_0:
0x88: {  	s2 =	sld [smem:$0x3FD9]  }
0x89: {  	s3 =	sld [smem:$0x3FFE];
	_ =	sdelay $0x1  }
0x8a: {  	s1 =	srdreg.scid  }
0x8b: {  	s0 =	sand.u32 $0x1, s1  }
0x8c: {  	s17 =	sshll.u32 s0, $0xA;
	s2 =	sadd.s32 s3, s2  }
0x8d: {  	s2 =	sadd.s32 s2, s17  }
0x8e: {  	[smem:$0x3FC5] =	sst s2  }
0x8f: {  	_ = 	snop  }
0x90: {  	s2 =	sld [smem:$0x3FD0];
	(tm) =	ssettm $0x1  }
0x91: {  	s18 =	sld [smem:$0x3FFB];
	_ =	sdelay $0x3  }
0x92: {  	_ =	strace s18  }
0x93: {  	s3 =	sld [smem:$0x3FFC];
	_ =	sdelay $0x3  }
0x94: {  	_ =	strace s3  }
0x95: {  	s3 =	sld [smem:$0x3FFD];
	_ =	sdelay $0x3  }
0x96: {  	_ =	strace s3  }
0x97: {  	_ =	strace $0x8FFFFFFF  }
0x98: {  	s19 =	sld [smem:$0x3FDB];
	_ =	sdelay $0x1  }
0x99: {  	s4 =	simm.s32 $_scs_section_size  }
0x9a: {  	s5 =	simm.s32 $_size__tile_overlayer_lowered;
	s6 =	simm.s32 $_tile_overlayer_lowered  }
0x9b: {  	s22 =	simm.s32 $0x1BFF;
	s21 =	sshll.u32 s6, $0x1;
	s3 =	sadd.s32 s4, s19  }
0x9c: {  	s7 =	simm.s32 $0x0;
	s20 =	sshll.u32 s5, $0x1;
	s5 =	sadd.s32 s21, s3  }
0x9d: {  	[timem:s7], [sflag:s22] =	dma.local [hbm:s5], s20  }
0x9e: {  	_ =	swait.ge [sflag:s22], s20  }
0x9f: {  	s4 =	ssub.s32 $0x0, s20;
	[sflag:s22] =	ssyncset.done $0x0  }
0xa0: {  	[sflag:s22] =	ssyncadd.s32 s4;
	_ =	sdelay $0x1  }
0xa1: {  	s23 =	simm.s32 $0x1B8B  }
0xa2: {  	_ =	swait.ge [sflag:s23], $0x1  }
0xa3: {  	[sflag:s23] =	ssyncset.done $0x0  }
0xa4: {  	s25 =	simm.s32 $0x1B8E;
	s24 =	sld [smem:$0x3FFE];
	[sflag:s23] =	ssyncadd.s32 $0xFFFFFFFF  }
0xa5: {  	s26 =	simm.s32 $execute0_lowered;
	[smem:$0x3FD2] =	sst s25  }
0xa6: {  	s5 =	sshll.u32 s26, $0x1;
	_ =	strace $0x80000046;
	[dreg:$0x1] =	wrdreg $0xFFFFFFFF  }
0xa7: {  	s28 =	simm.s32 $_size_execute0_lowered;
	s3 =	sadd.s32 s3, s5;
	[dreg:$0x0] =	wrdreg $0x0  }
0xa8: {  	s5 =	sshll.u32 s28, $0x1;
	[dreg:$0x2] =	wrdreg s3  }
0xa9: {  	[dreg:$0x3] =	wrdreg s5  }
0xaa: {  	[dreg:$0x4] =	wrdreg $0xC0  }
0xab: {  	_ =	task [dreg:s7], $0x5FFFF  }
0xac: {  	[dreg:$0x1] =	wrdreg $0xFFFFFFFF  }
0xad: {  	[dreg:$0x0] =	wrdreg $0x60  }
0xae: {  	[dreg:$0x2] =	wrdreg s24  }
0xaf: {  	[dreg:$0x3] =	wrdreg s2  }
0xb0: {  	[dreg:$0x4] =	wrdreg $0xBA000  }
0xb1: {  	[dreg:$0x5] =	wrdreg $0x9  }
0xb2: {  	_ =	task.clear_ibuf [dreg:s7], $0x6FFFF;
	_ =	strace $0x90000046  }
0xb3: {  	s29 =	simm.s32 $0x9;
	_ =	strace $0x80000048  }
0xb4: {  	_ =	swait.ge [sflag:s29], $0x1  }
0xb5: {  	[sflag:s29] =	ssyncadd.s32 $0xFFFFFFFF  }
0xb6: {  	_ =	strace $0x90000048  }
0xb7: {  	_ =	sfence  }
0xb8: {  	s30 =	sld [smem:$0x0];
	_ =	sdelay $0x2  }
0xb9: {  	s31 =	sshll.u32 s1, $0xD;
	s1 =	sshrl.u32 s1, $0x2  }
0xba: {  	s3 =	sand.u32 $0x4000, s31;
	s1 =	sadd.s32 s1, s30  }
0xbb: {  	s0 =	sor.u32 s3, s0;
	s1 =	sshll.u32 s1, $0x11  }
0xbc: {  	s0 =	sor.u32 s1, s0  }
0xbd: {  	s0 =	sadd.s32 $0x8F2B, s0  }
0xbe: {  	[sflag:s0] =	ssyncadd.remote.s32 $0x1  }
0xbf: {  	_ =	sfence.sel $0xFFFF  }
0xc0: {  	[dreg:$0x0] =	wrdreg $0xFFFFFFFF;
	(pc) =	sbr.abs _section_cstart, $3  }
0xc1: {  	[dreg:$0x1] =	wrdreg $0xFFFFFFFF  }
0xc2: {  	_ =	task.clear_ibuf [dreg:s7], $0x2FFFF;
	_ =	strace $0x9FFFFFFF  }
0xc3: {  	(tm) =	ssettm $0x7FFFFFFF  }
tec
execute0_lowered:
.L_overlay_start_1:
0x0: {  	(tag) =	ssettag $0x1  }
0x1: {  	s0 =	rddreg [dreg:$0x0]  }
0x2: {  	s7 =	rddreg [dreg:$0x1];
	s1 =	srdreg.scid  }
0x3: {  	s11 =	stileid.u32;
	s2 =	rddreg [dreg:$0x2]  }
0x4: {  	s3 =	simm.s32 $0x0;
	s1 =	sand.u32 $0x1, s1;
	s8 =	smul.u32 $0x280, s11  }
0x5: {  	s4 =	sshll.u32 s11, $0x1;
	[smem:$0x7FF] =	sst s3;
	s10 =	smul.u32 $0x2800, s11  }
0x6: {  	s29 =	smul.u32 $0x50000, s11;
	s21 =	sor.u32 s1, s4;
	_ =	strace $0x80000047  }
0x7: {  	s4 =	sadd.s32 $0xC00, s0;
	s6 =	smul.u32 $0x6400, s21;
	s30 =	sadd.s32 s7, s10  }
0x8: {  	s31 =	sadd.s32 $0xA0, s8;
	s14 =	sadd.s32 $0x140, s8;
	s8 =	sadd.s32 $0x1E0, s8  }
0x9: {  	s21 =	smul.u32 $0x64000, s21;
	[dreg:$0x6] =	wrdreg s30;
	s11 =	sshll.u32 s31, $0x4  }
0xa: {  	s13 =	sshll.u32 s31, $0x7;
	s15 =	sshll.u32 s14, $0x4;
	s10 =	sshll.u32 s14, $0x7  }
0xb: {  	s17 =	sshll.u32 s8, $0x4;
	s8 =	sshll.u32 s8, $0x7;
	s5 =	sshrl.u32 s6, $0x3  }
0xc: {  	s19 =	sadd.s32 $0x640, s6;
	s12 =	sadd.s32 s7, s11;
	s16 =	sadd.s32 s10, s2  }
0xd: {  	s18 =	sadd.s32 s8, s2;
	s20 =	sadd.s32 $0xC80, s6;
	[dreg:$0x8] =	wrdreg s12  }
0xe: {  	s14 =	sadd.s32 $0x2BC0, s6;
	s11 =	sadd.s32 $0x3E80, s6;
	[dreg:$0xb] =	wrdreg s16  }
0xf: {  	s5 =	sadd.s32 s4, s5;
	s9 =	sshrl.u32 s19, $0x3;
	[dreg:$0xd] =	wrdreg s18  }
0x10: {  	s22 =	sshrl.u32 s20, $0x3;
	s18 =	sadd.s32 $0x12C0, s6;
	s16 =	sadd.s32 $0x1F40, s6  }
0x11: {  	s31 =	sshrl.u32 s14, $0x3;
	s12 =	sadd.s32 $0x3840, s6;
	s19 =	sshll.u32 s19, $0x4  }
0x12: {  	s14 =	sshll.u32 s14, $0x4;
	[dreg:$0x4] =	wrdreg s5;
	s28 =	sadd.s32 s4, s9  }
0x13: {  	s9 =	sshrl.u32 s29, $0x2;
	s8 =	sadd.s32 s4, s31;
	[dreg:$0x5] =	wrdreg s28  }
0x14: {  	s23 =	sshrl.u32 s18, $0x3;
	s9 =	sadd.s32 s9, s2;
	[dreg:$0x13] =	wrdreg s8  }
0x15: {  	s5 =	sadd.s32 $0x1CE00, s0;
	s24 =	sadd.s32 s4, s23;
	[dreg:$0x7] =	wrdreg s9  }
0x16: {  	s18 =	sshll.u32 s18, $0x4;
	s19 =	sadd.s32 s5, s19;
	[dreg:$0xf] =	wrdreg s24  }
0x17: {  	s10 =	sshrl.u32 s12, $0x3;
	s18 =	sadd.s32 s5, s18;
	[smem:$0x767] =	sst s19  }
0x18: {  	s12 =	sshll.u32 s12, $0x4;
	s14 =	sadd.s32 s5, s14;
	[smem:$0x77B] =	sst s18  }
0x19: {  	s28 =	sshrl.u32 s16, $0x3;
	s12 =	sadd.s32 s5, s12;
	[smem:$0x7A3] =	sst s14  }
0x1a: {  	s23 =	sshrl.u32 s11, $0x3;
	s9 =	sadd.s32 s13, s2;
	[smem:$0x7B7] =	sst s12  }
0x1b: {  	s16 =	sshll.u32 s16, $0x4;
	s24 =	sadd.s32 s4, s23;
	[dreg:$0x9] =	wrdreg s9  }
0x1c: {  	s11 =	sshll.u32 s11, $0x4;
	s16 =	sadd.s32 s5, s16;
	[dreg:$0x16] =	wrdreg s24  }
0x1d: {  	s8 =	sadd.s32 $0x5140, s6;
	s11 =	sadd.s32 s5, s11;
	[smem:$0x78F] =	sst s16  }
0x1e: {  	s13 =	sadd.s32 $0x3200, s6;
	s9 =	sadd.s32 s7, s15;
	[smem:$0x7C1] =	sst s11  }
0x1f: {  	s7 =	sadd.s32 s7, s17;
	s17 =	sadd.s32 $0x1900, s6;
	[dreg:$0xa] =	wrdreg s9  }
0x20: {  	s15 =	sadd.s32 $0x2580, s6;
	[dreg:$0xc] =	wrdreg s7;
	s7 =	sadd.s32 s4, s22  }
0x21: {  	s25 =	sshrl.u32 s17, $0x3;
	s29 =	sshrl.u32 s15, $0x3;
	s9 =	sshrl.u32 s13, $0x3  }
0x22: {  	s22 =	sadd.s32 s4, s10;
	s10 =	sadd.s32 $0x44C0, s6;
	[dreg:$0xe] =	wrdreg s7  }
0x23: {  	s17 =	sshll.u32 s17, $0x4;
	s26 =	sadd.s32 s4, s25;
	[dreg:$0x15] =	wrdreg s22  }
0x24: {  	s15 =	sshll.u32 s15, $0x4;
	s7 =	sadd.s32 s4, s28;
	[dreg:$0x10] =	wrdreg s26  }
0x25: {  	s13 =	sshll.u32 s13, $0x4;
	s30 =	sadd.s32 s4, s29;
	[dreg:$0x11] =	wrdreg s7  }
0x26: {  	s25 =	sshrl.u32 s10, $0x3;
	s17 =	sadd.s32 s5, s17;
	[dreg:$0x12] =	wrdreg s30  }
0x27: {  	s28 =	sshrl.u32 s8, $0x3;
	s15 =	sadd.s32 s5, s15;
	[smem:$0x785] =	sst s17  }
0x28: {  	s13 =	sadd.s32 s5, s13;
	s10 =	sshll.u32 s10, $0x4;
	[smem:$0x799] =	sst s15  }
0x29: {  	s8 =	sshll.u32 s8, $0x4;
	s7 =	sadd.s32 s4, s9;
	[smem:$0x7AD] =	sst s13  }
0x2a: {  	s9 =	sadd.s32 $0x4B00, s6;
	s10 =	sadd.s32 s5, s10;
	[dreg:$0x14] =	wrdreg s7  }
0x2b: {  	s8 =	sadd.s32 s5, s8;
	s7 =	sadd.s32 s4, s25;
	[smem:$0x7CB] =	sst s10  }
0x2c: {  	s22 =	sshrl.u32 s9, $0x3;
	s9 =	sshll.u32 s9, $0x4;
	[smem:$0x7DF] =	sst s8  }
0x2d: {  	[dreg:$0x17] =	wrdreg s7;
	s26 =	sadd.s32 s4, s22;
	s22 =	sadd.s32 s4, s28  }
0x2e: {  	s7 =	sadd.s32 $0x5780, s6;
	s6 =	sadd.s32 $0x5DC0, s6;
	[dreg:$0x18] =	wrdreg s26  }
0x2f: {  	s9 =	sadd.s32 s5, s9;
	s23 =	sshrl.u32 s7, $0x3;
	[dreg:$0x19] =	wrdreg s22  }
0x30: {  	s30 =	sshrl.u32 s6, $0x3;
	[smem:$0x7D5] =	sst s9;
	s29 =	sadd.s32 s4, s23  }
0x31: {  	s7 =	sshll.u32 s7, $0x4;
	s31 =	sadd.s32 s4, s30;
	[dreg:$0x1a] =	wrdreg s29  }
0x32: {  	s7 =	sadd.s32 s5, s7;
	[dreg:$0x1b] =	wrdreg s31  }
0x33: {  	s4 =	sadd.s32 s5, s21;
	[smem:$0x7E9] =	sst s7  }
0x34: {  	s21 =	sadd.s32 $0xA00, s4;
	[smem:$0x7FC] =	sst s4  }
0x35: {  	s23 =	sadd.s32 $0x1400, s4;
	[dreg:$0x1c] =	wrdreg s21  }
0x36: {  	s24 =	sadd.s32 $0x1E00, s4;
	[dreg:$0x1d] =	wrdreg s23  }
0x37: {  	s25 =	sadd.s32 $0x2800, s4;
	[dreg:$0x1e] =	wrdreg s24  }
0x38: {  	s26 =	sadd.s32 $0x3200, s4;
	[dreg:$0x1f] =	wrdreg s25  }
0x39: {  	s28 =	sadd.s32 $0x3C00, s4;
	[smem:$0x762] =	sst s26  }
0x3a: {  	s29 =	sadd.s32 $0x4600, s4;
	[smem:$0x763] =	sst s28  }
0x3b: {  	s30 =	sadd.s32 $0x5000, s4;
	[smem:$0x764] =	sst s29  }
0x3c: {  	s31 =	sadd.s32 $0x5A00, s4;
	[smem:$0x765] =	sst s30  }
0x3d: {  	s22 =	sadd.s32 $0x7800, s4;
	[smem:$0x766] =	sst s31  }
0x3e: {  	s19 =	sadd.s32 $0x14A00, s4;
	[smem:$0x769] =	sst s22  }
0x3f: {  	s18 =	sadd.s32 $0x1CC00, s4;
	[smem:$0x77E] =	sst s19  }
0x40: {  	s16 =	sadd.s32 $0x26200, s4;
	[smem:$0x78B] =	sst s18  }
0x41: {  	s17 =	sadd.s32 $0x26C00, s4;
	[smem:$0x79A] =	sst s16  }
0x42: {  	s15 =	sadd.s32 $0x30200, s4;
	[smem:$0x79B] =	sst s17  }
0x43: {  	s13 =	sadd.s32 $0x3B600, s4;
	[smem:$0x7AA] =	sst s15  }
0x44: {  	s14 =	sadd.s32 $0x3C000, s4;
	[smem:$0x7BC] =	sst s13  }
0x45: {  	s11 =	sadd.s32 $0x47E00, s4;
	[smem:$0x7BD] =	sst s14  }
0x46: {  	s12 =	sadd.s32 $0x48800, s4;
	[smem:$0x7D0] =	sst s11  }
0x47: {  	s9 =	sadd.s32 $0x55A00, s4;
	[smem:$0x7D1] =	sst s12  }
0x48: {  	s10 =	sadd.s32 $0x56400, s4;
	[smem:$0x7E6] =	sst s9  }
0x49: {  	s21 =	sadd.s32 $0x6E00, s4;
	[smem:$0x7E7] =	sst s10  }
0x4a: {  	s23 =	sadd.s32 $0x8200, s4;
	[smem:$0x768] =	sst s21  }
0x4b: {  	s24 =	sadd.s32 $0x8C00, s4;
	[smem:$0x76A] =	sst s23  }
0x4c: {  	s25 =	sadd.s32 $0x9600, s4;
	[smem:$0x76B] =	sst s24  }
0x4d: {  	s26 =	sadd.s32 $0xA000, s4;
	[smem:$0x76C] =	sst s25  }
0x4e: {  	s28 =	sadd.s32 $0xAA00, s4;
	[smem:$0x76D] =	sst s26  }
0x4f: {  	s29 =	sadd.s32 $0xB400, s4;
	[smem:$0x76E] =	sst s28  }
0x50: {  	s20 =	sshll.u32 s20, $0x4;
	s30 =	sadd.s32 $0xBE00, s4;
	[smem:$0x76F] =	sst s29  }
0x51: {  	s31 =	sadd.s32 s5, s20;
	[smem:$0x770] =	sst s30  }
0x52: {  	s20 =	sadd.s32 $0xD200, s4;
	[smem:$0x771] =	sst s31  }
0x53: {  	s22 =	sadd.s32 $0xE600, s4;
	[smem:$0x772] =	sst s20  }
0x54: {  	s19 =	sadd.s32 $0x1D600, s4;
	[smem:$0x774] =	sst s22  }
0x55: {  	s18 =	sadd.s32 $0x27600, s4;
	[smem:$0x78C] =	sst s19  }
0x56: {  	s16 =	sadd.s32 $0x30C00, s4;
	[smem:$0x79C] =	sst s18  }
0x57: {  	s17 =	sadd.s32 $0x31600, s4;
	[smem:$0x7AB] =	sst s16  }
0x58: {  	s15 =	sadd.s32 $0x3CA00, s4;
	[smem:$0x7AC] =	sst s17  }
0x59: {  	s13 =	sadd.s32 $0x49200, s4;
	[smem:$0x7BE] =	sst s15  }
0x5a: {  	s14 =	sadd.s32 $0x49C00, s4;
	[smem:$0x7D2] =	sst s13  }
0x5b: {  	s11 =	sadd.s32 $0x56E00, s4;
	[smem:$0x7D3] =	sst s14  }
0x5c: {  	s6 =	sshll.u32 s6, $0x4;
	s12 =	sadd.s32 $0x58200, s4;
	[smem:$0x7E8] =	sst s11  }
0x5d: {  	s5 =	sadd.s32 s5, s6;
	[smem:$0x7EA] =	sst s12  }
0x5e: {  	s21 =	sadd.s32 $0xDC00, s4;
	[smem:$0x7F3] =	sst s5  }
0x5f: {  	s23 =	sadd.s32 $0xF000, s4;
	[smem:$0x773] =	sst s21  }
0x60: {  	s24 =	sadd.s32 $0xFA00, s4;
	[smem:$0x775] =	sst s23  }
0x61: {  	s25 =	sadd.s32 $0x10400, s4;
	[smem:$0x776] =	sst s24  }
0x62: {  	s26 =	sadd.s32 $0x10E00, s4;
	[smem:$0x777] =	sst s25  }
0x63: {  	s28 =	sadd.s32 $0x11800, s4;
	[smem:$0x778] =	sst s26  }
0x64: {  	s29 =	sadd.s32 $0x12200, s4;
	[smem:$0x779] =	sst s28  }
0x65: {  	s30 =	sadd.s32 $0x13600, s4;
	[smem:$0x77A] =	sst s29  }
0x66: {  	s31 =	sadd.s32 $0x14000, s4;
	[smem:$0x77C] =	sst s30  }
0x67: {  	s20 =	sadd.s32 $0x15400, s4;
	[smem:$0x77D] =	sst s31  }
0x68: {  	s22 =	sadd.s32 $0x16800, s4;
	[smem:$0x77F] =	sst s20  }
0x69: {  	s19 =	sadd.s32 $0x28000, s4;
	[smem:$0x781] =	sst s22  }
0x6a: {  	s18 =	sadd.s32 $0x32A00, s4;
	[smem:$0x79D] =	sst s19  }
0x6b: {  	s16 =	sadd.s32 $0x3D400, s4;
	[smem:$0x7AE] =	sst s18  }
0x6c: {  	s17 =	sadd.s32 $0x3DE00, s4;
	[smem:$0x7BF] =	sst s16  }
0x6d: {  	s15 =	sadd.s32 $0x4A600, s4;
	[smem:$0x7C0] =	sst s17  }
0x6e: {  	s13 =	sadd.s32 $0x58C00, s4;
	[smem:$0x7D4] =	sst s15  }
0x6f: {  	s14 =	sadd.s32 $0x59600, s4;
	[smem:$0x7EB] =	sst s13  }
0x70: {  	s21 =	sadd.s32 $0x15E00, s4;
	[smem:$0x7EC] =	sst s14  }
0x71: {  	s23 =	sadd.s32 $0x17200, s4;
	[smem:$0x780] =	sst s21  }
0x72: {  	s24 =	sadd.s32 $0x17C00, s4;
	[smem:$0x782] =	sst s23  }
0x73: {  	s25 =	sadd.s32 $0x18600, s4;
	[smem:$0x783] =	sst s24  }
0x74: {  	s26 =	sadd.s32 $0x19A00, s4;
	[smem:$0x784] =	sst s25  }
0x75: {  	s28 =	sadd.s32 $0x1A400, s4;
	[smem:$0x786] =	sst s26  }
0x76: {  	s29 =	sadd.s32 $0x1AE00, s4;
	[smem:$0x787] =	sst s28  }
0x77: {  	s30 =	sadd.s32 $0x1B800, s4;
	[smem:$0x788] =	sst s29  }
0x78: {  	s31 =	sadd.s32 $0x1C200, s4;
	[smem:$0x789] =	sst s30  }
0x79: {  	s20 =	sadd.s32 $0x1E000, s4;
	[smem:$0x78A] =	sst s31  }
0x7a: {  	s22 =	sadd.s32 $0x1FE00, s4;
	[smem:$0x78D] =	sst s20  }
0x7b: {  	s19 =	sadd.s32 $0x33400, s4;
	[smem:$0x790] =	sst s22  }
0x7c: {  	s18 =	sadd.s32 $0x3F200, s4;
	[smem:$0x7AF] =	sst s19  }
0x7d: {  	s16 =	sadd.s32 $0x4BA00, s4;
	[smem:$0x7C2] =	sst s18  }
0x7e: {  	s17 =	sadd.s32 $0x4C400, s4;
	[smem:$0x7D6] =	sst s16  }
0x7f: {  	s15 =	sadd.s32 $0x5A000, s4;
	[smem:$0x7D7] =	sst s17  }
0x80: {  	s21 =	sadd.s32 $0x1EA00, s4;
	[smem:$0x7ED] =	sst s15  }
0x81: {  	s23 =	sadd.s32 $0x20800, s4;
	[smem:$0x78E] =	sst s21  }
0x82: {  	s24 =	sadd.s32 $0x21200, s4;
	[smem:$0x791] =	sst s23  }
0x83: {  	s25 =	sadd.s32 $0x21C00, s4;
	[smem:$0x792] =	sst s24  }
0x84: {  	s26 =	sadd.s32 $0x22600, s4;
	[smem:$0x793] =	sst s25  }
0x85: {  	s28 =	sadd.s32 $0x23000, s4;
	[smem:$0x794] =	sst s26  }
0x86: {  	s29 =	sadd.s32 $0x23A00, s4;
	[smem:$0x795] =	sst s28  }
0x87: {  	s30 =	sadd.s32 $0x24400, s4;
	[smem:$0x796] =	sst s29  }
0x88: {  	s31 =	sadd.s32 $0x24E00, s4;
	[smem:$0x797] =	sst s30  }
0x89: {  	s20 =	sadd.s32 $0x28A00, s4;
	[smem:$0x798] =	sst s31  }
0x8a: {  	s22 =	sadd.s32 $0x29E00, s4;
	[smem:$0x79E] =	sst s20  }
0x8b: {  	s19 =	sadd.s32 $0x3FC00, s4;
	[smem:$0x7A0] =	sst s22  }
0x8c: {  	s18 =	sadd.s32 $0x4CE00, s4;
	[smem:$0x7C3] =	sst s19  }
0x8d: {  	s16 =	sadd.s32 $0x5AA00, s4;
	[smem:$0x7D8] =	sst s18  }
0x8e: {  	s17 =	sadd.s32 $0x5B400, s4;
	[smem:$0x7EE] =	sst s16  }
0x8f: {  	s21 =	sadd.s32 $0x29400, s4;
	[smem:$0x7EF] =	sst s17  }
0x90: {  	s23 =	sadd.s32 $0x2A800, s4;
	[smem:$0x79F] =	sst s21  }
0x91: {  	s24 =	sadd.s32 $0x2B200, s4;
	[smem:$0x7A1] =	sst s23  }
0x92: {  	s25 =	sadd.s32 $0x2C600, s4;
	[smem:$0x7A2] =	sst s24  }
0x93: {  	s26 =	sadd.s32 $0x2D000, s4;
	[smem:$0x7A4] =	sst s25  }
0x94: {  	s28 =	sadd.s32 $0x2DA00, s4;
	[smem:$0x7A5] =	sst s26  }
0x95: {  	s29 =	sadd.s32 $0x2E400, s4;
	[smem:$0x7A6] =	sst s28  }
0x96: {  	s30 =	sadd.s32 $0x2EE00, s4;
	[smem:$0x7A7] =	sst s29  }
0x97: {  	s31 =	sadd.s32 $0x2F800, s4;
	[smem:$0x7A8] =	sst s30  }
0x98: {  	s20 =	sadd.s32 $0x33E00, s4;
	[smem:$0x7A9] =	sst s31  }
0x99: {  	s22 =	sadd.s32 $0x35200, s4;
	[smem:$0x7B0] =	sst s20  }
0x9a: {  	s19 =	sadd.s32 $0x4D800, s4;
	[smem:$0x7B2] =	sst s22  }
0x9b: {  	s18 =	sadd.s32 $0x5BE00, s4;
	[smem:$0x7D9] =	sst s19  }
0x9c: {  	s21 =	sadd.s32 $0x34800, s4;
	[smem:$0x7F0] =	sst s18  }
0x9d: {  	s23 =	sadd.s32 $0x35C00, s4;
	[smem:$0x7B1] =	sst s21  }
0x9e: {  	s24 =	sadd.s32 $0x36600, s4;
	[smem:$0x7B3] =	sst s23  }
0x9f: {  	s25 =	sadd.s32 $0x37000, s4;
	[smem:$0x7B4] =	sst s24  }
0xa0: {  	s26 =	sadd.s32 $0x37A00, s4;
	[smem:$0x7B5] =	sst s25  }
0xa1: {  	s28 =	sadd.s32 $0x38E00, s4;
	[smem:$0x7B6] =	sst s26  }
0xa2: {  	s29 =	sadd.s32 $0x39800, s4;
	[smem:$0x7B8] =	sst s28  }
0xa3: {  	s30 =	sadd.s32 $0x3A200, s4;
	[smem:$0x7B9] =	sst s29  }
0xa4: {  	s31 =	sadd.s32 $0x3AC00, s4;
	[smem:$0x7BA] =	sst s30  }
0xa5: {  	s20 =	sadd.s32 $0x40600, s4;
	[smem:$0x7BB] =	sst s31  }
0xa6: {  	s22 =	sadd.s32 $0x41A00, s4;
	[smem:$0x7C4] =	sst s20  }
0xa7: {  	s19 =	sadd.s32 $0x5C800, s4;
	[smem:$0x7C6] =	sst s22  }
0xa8: {  	s21 =	sadd.s32 $0x41000, s4;
	[smem:$0x7F1] =	sst s19  }
0xa9: {  	s23 =	sadd.s32 $0x42400, s4;
	[smem:$0x7C5] =	sst s21  }
0xaa: {  	s24 =	sadd.s32 $0x42E00, s4;
	[smem:$0x7C7] =	sst s23  }
0xab: {  	s25 =	sadd.s32 $0x43800, s4;
	[smem:$0x7C8] =	sst s24  }
0xac: {  	s26 =	sadd.s32 $0x44200, s4;
	[smem:$0x7C9] =	sst s25  }
0xad: {  	s28 =	sadd.s32 $0x45600, s4;
	[smem:$0x7CA] =	sst s26  }
0xae: {  	s29 =	sadd.s32 $0x46000, s4;
	[smem:$0x7CC] =	sst s28  }
0xaf: {  	s30 =	sadd.s32 $0x46A00, s4;
	[smem:$0x7CD] =	sst s29  }
0xb0: {  	s31 =	sadd.s32 $0x47400, s4;
	[smem:$0x7CE] =	sst s30  }
0xb1: {  	s20 =	sadd.s32 $0x4E200, s4;
	[smem:$0x7CF] =	sst s31  }
0xb2: {  	s22 =	sadd.s32 $0x4F600, s4;
	[smem:$0x7DA] =	sst s20  }
0xb3: {  	s21 =	sadd.s32 $0x4EC00, s4;
	[smem:$0x7DC] =	sst s22  }
0xb4: {  	s23 =	sadd.s32 $0x50000, s4;
	[smem:$0x7DB] =	sst s21  }
0xb5: {  	s24 =	sadd.s32 $0x50A00, s4;
	[smem:$0x7DD] =	sst s23  }
0xb6: {  	s1 =	ssub.s32 $0x2, s1;
	s25 =	sadd.s32 $0x51E00, s4;
	[smem:$0x7DE] =	sst s24  }
0xb7: {  	s8 =	simm.s32 $0x1A00;
	s26 =	sadd.s32 $0x52800, s4;
	[smem:$0x7E0] =	sst s25  }
0xb8: {  	s7 =	simm.s32 $0x680;
	s28 =	sadd.s32 $0x53200, s4;
	[smem:$0x7E1] =	sst s26  }
0xb9: {  	s9 =	simm.s32 $0x9;
	s29 =	sadd.s32 $0x53C00, s4;
	[smem:$0x7E2] =	sst s28  }
0xba: {  	s10 =	simm.s32 $0x1;
	s30 =	sadd.s32 $0x54600, s4;
	[smem:$0x7E3] =	sst s29  }
0xbb: {  	s5 =	sadd.s32 $0x19C00, s0;
	s31 =	sadd.s32 $0x55000, s4;
	[smem:$0x7E4] =	sst s30  }
0xbc: {  	s11 =	simm.s32 $0x640;
	s20 =	sadd.s32 $0x5D200, s4;
	[smem:$0x7E5] =	sst s31  }
0xbd: {  	s12 =	simm.s32 $0xD00;
	s22 =	sadd.s32 $0x5F000, s4;
	[smem:$0x7F2] =	sst s20  }
0xbe: {  	s13 =	simm.s32 $0x3;
	s21 =	sadd.s32 $0x5E600, s4;
	[smem:$0x7F5] =	sst s22  }
0xbf: {  	s14 =	simm.s32 $0xA0;
	s23 =	sadd.s32 $0x5FA00, s4;
	[smem:$0x7F4] =	sst s21  }
0xc0: {  	s15 =	simm.s32 $0x2;
	s24 =	sadd.s32 $0x60400, s4;
	[smem:$0x7F6] =	sst s23  }
0xc1: {  	s16 =	simm.s32 $0x1380;
	s25 =	sadd.s32 $0x60E00, s4;
	[smem:$0x7F7] =	sst s24  }
0xc2: {  	s18 =	simm.s32 $0x6A00;
	s26 =	sadd.s32 $0x61800, s4;
	[smem:$0x7F8] =	sst s25  }
0xc3: {  	s19 =	simm.s32 $0x5;
	s28 =	sadd.s32 $0x62200, s4;
	[smem:$0x7F9] =	sst s26  }
0xc4: {  	s29 =	sshrl.u32 s1, $0x1;
	s30 =	sadd.s32 $0x62C00, s4;
	[smem:$0x7FA] =	sst s28  }
0xc5: {  	s31 =	sadd.s32 $0x63600, s4;
	s20 =	simm.s32 $0x7;
	[smem:$0x7FB] =	sst s30  }
0xc6: {  	s22 =	simm.s32 $0x6;
	s1 =	ssub.s32 s1, s29;
	[smem:$0x7FD] =	sst s31  }
0xc7: {  	s23 =	simm.s32 $0x8;
	s4 =	smax.u32 s1, $0x1;
	s1 =	simm.s32 $0x4  }
.LBB2_1:
0xc8: {  	[smem:$0x761] =	sst s4  }
0xc9: {  	s31 =	rddreg [dreg:$0x4]  }
0xca: {  	[tilespmem:s3], [sflag:$0x1] =	stream.linear.gather [hbm4b:s31+s3], $0x640, $0x38;
	[tilespmem:$0x1FA00] =	vst v63  }
0xcb: {  	s0 =	rddreg [dreg:$0x5]  }
0xcc: {  	[tilespmem:s7], [sflag:$0x2] =	stream.linear.gather [hbm4b:s0+s3], $0x640, $0x38;
	[tilespmem:$0x1FA00] =	vst v63  }
0xcd: {  	s26 =	rddreg [dreg:$0x6]  }
0xce: {  	[tilespmem:s8], [sflag:$0x9] =	stream.linear.gather [hbm4b:s26+s3], $0x5000, $0x38;
	[tilespmem:$0x1FA00] =	vst v63  }
0xcf: {  	_ =	swait.ge [sflag:s9], $0x5000  }
0xd0: {  	[sflag:s9] =	ssyncset.done $0x0  }
0xd1: {  	s28 =	rddreg [dreg:$0x7];
	[sflag:s9] =	ssyncadd.s32 $0xFFFFB000  }
0xd2: {  	[spmem:s28] =	stream.linear.scatter [tilespmem:s8], [sflag:$0x9], $0x5000, $0x38;
	[tilespmem:$0x1FA00] =	vst v63  }
0xd3: {  	_ =	swait.ge [sflag:s9], $0x5000  }
0xd4: {  	[sflag:s9] =	ssyncset.done $0x0  }
0xd5: {  	s29 =	rddreg [dreg:$0x8];
	[sflag:s9] =	ssyncadd.s32 $0xFFFFB000  }
0xd6: {  	[tilespmem:s8], [sflag:$0x9] =	stream.linear.gather [hbm4b:s29+s3], $0x5000, $0x38;
	[tilespmem:$0x1FA00] =	vst v63  }
0xd7: {  	_ =	swait.ge [sflag:s9], $0x5000  }
0xd8: {  	[sflag:s9] =	ssyncset.done $0x0  }
0xd9: {  	s30 =	rddreg [dreg:$0x9];
	[sflag:s9] =	ssyncadd.s32 $0xFFFFB000  }
0xda: {  	[spmem:s30] =	stream.linear.scatter [tilespmem:s8], [sflag:$0x9], $0x5000, $0x38;
	[tilespmem:$0x1FA00] =	vst v63  }
0xdb: {  	_ =	swait.ge [sflag:s9], $0x5000  }
0xdc: {  	[sflag:s9] =	ssyncset.done $0x0  }
0xdd: {  	s31 =	rddreg [dreg:$0xa];
	[sflag:s9] =	ssyncadd.s32 $0xFFFFB000  }
0xde: {  	[tilespmem:s8], [sflag:$0x9] =	stream.linear.gather [hbm4b:s31+s3], $0x5000, $0x38;
	[tilespmem:$0x1FA00] =	vst v63  }
0xdf: {  	_ =	swait.ge [sflag:s9], $0x5000  }
0xe0: {  	[sflag:s9] =	ssyncset.done $0x0  }
0xe1: {  	s4 =	rddreg [dreg:$0xb];
	[sflag:s9] =	ssyncadd.s32 $0xFFFFB000  }
0xe2: {  	[spmem:s4] =	stream.linear.scatter [tilespmem:s8], [sflag:$0x9], $0x5000, $0x38;
	[tilespmem:$0x1FA00] =	vst v63  }
0xe3: {  	_ =	swait.ge [sflag:s9], $0x5000  }
0xe4: {  	[sflag:s9] =	ssyncset.done $0x0  }
0xe5: {  	s6 =	rddreg [dreg:$0xc];
	[sflag:s9] =	ssyncadd.s32 $0xFFFFB000  }
0xe6: {  	[tilespmem:s8], [sflag:$0x9] =	stream.linear.gather [hbm4b:s6+s3], $0x5000, $0x38;
	[tilespmem:$0x1FA00] =	vst v63  }
0xe7: {  	_ =	swait.ge [sflag:s9], $0x5000  }
0xe8: {  	[sflag:s9] =	ssyncset.done $0x0  }
0xe9: {  	s17 =	rddreg [dreg:$0xd];
	[sflag:s9] =	ssyncadd.s32 $0xFFFFB000  }
0xea: {  	[spmem:s17] =	stream.linear.scatter [tilespmem:s8], [sflag:$0x9], $0x5000, $0x38;
	[tilespmem:$0x1FA00] =	vst v63  }
0xeb: {  	_ =	swait.ge [sflag:s9], $0x5000  }
0xec: {  	[sflag:s9] =	ssyncset.done $0x0  }
0xed: {  	[sflag:s9] =	ssyncadd.s32 $0xFFFFB000  }
0xee: {  	[bflag:$0x0] =	sbarrier.arrive $0xFFFF  }
0xef: {  	_ =	swait.ge [sflag:s10], $0x640  }
0xf0: {  	[sflag:s10] =	ssyncset.done $0x0  }
0xf1: {  	[sflag:s10] =	ssyncadd.s32 $0xFFFFF9C0  }
0xf2: {  	[tilespmem:s12], [sflag:$0x3] =	stream.indirect.gather [hbm4b:s5+s11], $0x1, s3, s11, $0xb8;
	[tilespmem:$0x1FA00] =	vst v63  }
0xf3: {  	_ =	swait.ge [sflag:s13], $0x640  }
0xf4: {  	[sflag:s13] =	ssyncset.done $0x0  }
0xf5: {  	[sflag:s13] =	ssyncadd.s32 $0xFFFFF9C0  }
0xf6: {  	[tilespmem:s8], [sflag:$0x5] =	stream.indirect.gather [spmem:s2], $0x80, s12, s14, $0xb8;
	[tilespmem:$0x1FA00] =	vst v63  }
0xf7: {  	_ =	swait.ge [sflag:s15], $0x640  }
0xf8: {  	[sflag:s15] =	ssyncset.done $0x0  }
0xf9: {  	[sflag:s15] =	ssyncadd.s32 $0xFFFFF9C0  }
0xfa: {  	[tilespmem:s16], [sflag:$0x4] =	stream.indirect.gather [hbm4b:s5+s11], $0x1, s7, s11, $0xb8;
	[tilespmem:$0x1FA00] =	vst v63  }
0xfb: {  	s21 =	rddreg [dreg:$0xe]  }
0xfc: {  	[tilespmem:s3], [sflag:$0x1] =	stream.linear.gather [hbm4b:s21+s3], $0x640, $0x38;
	[tilespmem:$0x1FA00] =	vst v63  }
0xfd: {  	s24 =	simm.s32 $0xDA0  }
0xfe: {  	[tilespmem:s18], [sflag:$0x6] =	stream.indirect.gather [spmem:s2], $0x80, s24, s14, $0xb8;
	[tilespmem:$0x1FA00] =	vst v63  }
0xff: {  	_ =	swait.ge [sflag:s19], $0x5000  }
0x100: {  	s25 =	sld [smem:$0x7FC]  }
0x101: {  	[sflag:s19] =	ssyncset.done $0x0  }
0x102: {  	[sflag:s19] =	ssyncadd.s32 $0xFFFFB000  }
0x103: {  	[hbm4b:s25+s3] =	stream.linear.scatter [tilespmem:s8], [sflag:$0x7], $0x5000, $0x38;
	[tilespmem:$0x1FA00] =	vst v63  }
0x104: {  	_ =	swait.ge [sflag:s20], $0x5000  }
0x105: {  	[sflag:s20] =	ssyncset.done $0x0  }
0x106: {  	s26 =	simm.s32 $0xE40;
	[sflag:s20] =	ssyncadd.s32 $0xFFFFB000  }
0x107: {  	[tilespmem:s8], [sflag:$0x5] =	stream.indirect.gather [spmem:s2], $0x80, s26, s14, $0xb8;
	[tilespmem:$0x1FA00] =	vst v63  }
0x108: {  	_ =	swait.ge [sflag:s22], $0x5000  }
0x109: {  	[sflag:s22] =	ssyncset.done $0x0  }
0x10a: {  	s28 =	rddreg [dreg:$0x1c];
	[sflag:s22] =	ssyncadd.s32 $0xFFFFB000  }
0x10b: {  	[hbm4b:s28+s3] =	stream.linear.scatter [tilespmem:s18], [sflag:$0x8], $0x5000, $0x38;
	[tilespmem:$0x1FA00] =	vst v63  }
0x10c: {  	_ =	swait.ge [sflag:s23], $0x5000  }
0x10d: {  	[sflag:s23] =	ssyncset.done $0x0  }
0x10e: {  	s30 =	simm.s32 $0xEE0;
	[sflag:s23] =	ssyncadd.s32 $0xFFFFB000  }
0x10f: {  	[tilespmem:s18], [sflag:$0x6] =	stream.indirect.gather [spmem:s2], $0x80, s30, s14, $0xb8;
	[tilespmem:$0x1FA00] =	vst v63  }
0x110: {  	_ =	swait.ge [sflag:s19], $0x5000  }
0x111: {  	[sflag:s19] =	ssyncset.done $0x0  }
0x112: {  	s31 =	rddreg [dreg:$0x1d];
	[sflag:s19] =	ssyncadd.s32 $0xFFFFB000  }
0x113: {  	[hbm4b:s31+s3] =	stream.linear.scatter [tilespmem:s8], [sflag:$0x7], $0x5000, $0x38;
	[tilespmem:$0x1FA00] =	vst v63  }
0x114: {  	_ =	swait.ge [sflag:s20], $0x5000  }
0x115: {  	[sflag:s20] =	ssyncset.done $0x0  }
0x116: {  	s17 =	simm.s32 $0xF80;
	[sflag:s20] =	ssyncadd.s32 $0xFFFFB000  }
0x117: {  	[tilespmem:s8], [sflag:$0x5] =	stream.indirect.gather [spmem:s2], $0x80, s17, s14, $0xb8;
	[tilespmem:$0x1FA00] =	vst v63  }
0x118: {  	_ =	swait.ge [sflag:s22], $0x5000  }
0x119: {  	[sflag:s22] =	ssyncset.done $0x0  }
0x11a: {  	s21 =	rddreg [dreg:$0x1e];
	[sflag:s22] =	ssyncadd.s32 $0xFFFFB000  }
0x11b: {  	[hbm4b:s21+s3] =	stream.linear.scatter [tilespmem:s18], [sflag:$0x8], $0x5000, $0x38;
	[tilespmem:$0x1FA00] =	vst v63  }
0x11c: {  	_ =	swait.ge [sflag:s23], $0x5000  }
0x11d: {  	[sflag:s23] =	ssyncset.done $0x0  }
0x11e: {  	s24 =	simm.s32 $0x1020;
	[sflag:s23] =	ssyncadd.s32 $0xFFFFB000  }
0x11f: {  	[tilespmem:s18], [sflag:$0x6] =	stream.indirect.gather [spmem:s2], $0x80, s24, s14, $0xb8;
	[tilespmem:$0x1FA00] =	vst v63  }
0x120: {  	_ =	swait.ge [sflag:s19], $0x5000  }
0x121: {  	[sflag:s19] =	ssyncset.done $0x0  }
0x122: {  	s25 =	rddreg [dreg:$0x1f];
	[sflag:s19] =	ssyncadd.s32 $0xFFFFB000  }
0x123: {  	[hbm4b:s25+s3] =	stream.linear.scatter [tilespmem:s8], [sflag:$0x7], $0x5000, $0x38;
	[tilespmem:$0x1FA00] =	vst v63  }
0x124: {  	_ =	swait.ge [sflag:s20], $0x5000  }
0x125: {  	[sflag:s20] =	ssyncset.done $0x0  }
0x126: {  	s26 =	simm.s32 $0x10C0;
	[sflag:s20] =	ssyncadd.s32 $0xFFFFB000  }
0x127: {  	[tilespmem:s8], [sflag:$0x5] =	stream.indirect.gather [spmem:s2], $0x80, s26, s14, $0xb8;
	[tilespmem:$0x1FA00] =	vst v63  }
0x128: {  	_ =	swait.ge [sflag:s22], $0x5000  }
0x129: {  	s28 =	sld [smem:$0x762]  }
0x12a: {  	[sflag:s22] =	ssyncset.done $0x0  }
0x12b: {  	[sflag:s22] =	ssyncadd.s32 $0xFFFFB000  }
0x12c: {  	[hbm4b:s28+s3] =	stream.linear.scatter [tilespmem:s18], [sflag:$0x8], $0x5000, $0x38;
	[tilespmem:$0x1FA00] =	vst v63  }
0x12d: {  	_ =	swait.ge [sflag:s23], $0x5000  }
0x12e: {  	[sflag:s23] =	ssyncset.done $0x0  }
0x12f: {  	s30 =	simm.s32 $0x1160;
	[sflag:s23] =	ssyncadd.s32 $0xFFFFB000  }
0x130: {  	[tilespmem:s18], [sflag:$0x6] =	stream.indirect.gather [spmem:s2], $0x80, s30, s14, $0xb8;
	[tilespmem:$0x1FA00] =	vst v63  }
0x131: {  	_ =	swait.ge [sflag:s19], $0x5000  }
0x132: {  	s31 =	sld [smem:$0x763]  }
0x133: {  	[sflag:s19] =	ssyncset.done $0x0  }
0x134: {  	[sflag:s19] =	ssyncadd.s32 $0xFFFFB000  }
0x135: {  	[hbm4b:s31+s3] =	stream.linear.scatter [tilespmem:s8], [sflag:$0x7], $0x5000, $0x38;
	[tilespmem:$0x1FA00] =	vst v63  }
0x136: {  	_ =	swait.ge [sflag:s20], $0x5000  }
0x137: {  	[sflag:s20] =	ssyncset.done $0x0  }
0x138: {  	s26 =	simm.s32 $0x1200;
	[sflag:s20] =	ssyncadd.s32 $0xFFFFB000  }
0x139: {  	[tilespmem:s8], [sflag:$0x5] =	stream.indirect.gather [spmem:s2], $0x80, s26, s14, $0xb8;
	[tilespmem:$0x1FA00] =	vst v63  }
0x13a: {  	_ =	swait.ge [sflag:s22], $0x5000  }
0x13b: {  	s28 =	sld [smem:$0x764]  }
0x13c: {  	[sflag:s22] =	ssyncset.done $0x0  }
0x13d: {  	[sflag:s22] =	ssyncadd.s32 $0xFFFFB000  }
0x13e: {  	[hbm4b:s28+s3] =	stream.linear.scatter [tilespmem:s18], [sflag:$0x8], $0x5000, $0x38;
	[tilespmem:$0x1FA00] =	vst v63  }
0x13f: {  	_ =	swait.ge [sflag:s23], $0x5000  }
0x140: {  	[sflag:s23] =	ssyncset.done $0x0  }
0x141: {  	s30 =	simm.s32 $0x12A0;
	[sflag:s23] =	ssyncadd.s32 $0xFFFFB000  }
0x142: {  	[tilespmem:s18], [sflag:$0x6] =	stream.indirect.gather [spmem:s2], $0x80, s30, s14, $0xb8;
	[tilespmem:$0x1FA00] =	vst v63  }
0x143: {  	_ =	swait.ge [sflag:s19], $0x5000  }
0x144: {  	s31 =	sld [smem:$0x765]  }
0x145: {  	[sflag:s19] =	ssyncset.done $0x0  }
0x146: {  	[sflag:s19] =	ssyncadd.s32 $0xFFFFB000  }
0x147: {  	[hbm4b:s31+s3] =	stream.linear.scatter [tilespmem:s8], [sflag:$0x7], $0x5000, $0x38;
	[tilespmem:$0x1FA00] =	vst v63  }
0x148: {  	_ =	swait.ge [sflag:s20], $0x5000  }
0x149: {  	[sflag:s20] =	ssyncset.done $0x0  }
0x14a: {  	[sflag:s20] =	ssyncadd.s32 $0xFFFFB000  }
0x14b: {  	_ =	swait.ge [sflag:s1], $0x640  }
0x14c: {  	[sflag:s1] =	ssyncset.done $0x0  }
0x14d: {  	[sflag:s1] =	ssyncadd.s32 $0xFFFFF9C0  }
0x14e: {  	[tilespmem:s8], [sflag:$0x5] =	stream.indirect.gather [spmem:s2], $0x80, s16, s14, $0xb8;
	[tilespmem:$0x1FA00] =	vst v63  }
0x14f: {  	_ =	swait.ge [sflag:s22], $0x5000  }
0x150: {  	s30 =	sld [smem:$0x766]  }
0x151: {  	[sflag:s22] =	ssyncset.done $0x0  }
0x152: {  	[sflag:s22] =	ssyncadd.s32 $0xFFFFB000  }
0x153: {  	[hbm4b:s30+s3] =	stream.linear.scatter [tilespmem:s18], [sflag:$0x8], $0x5000, $0x38;
	[tilespmem:$0x1FA00] =	vst v63  }
0x154: {  	_ =	swait.ge [sflag:s10], $0x640  }
0x155: {  	[sflag:s10] =	ssyncset.done $0x0  }
0x156: {  	[sflag:s10] =	ssyncadd.s32 $0xFFFFF9C0  }
0x157: {  	[tilespmem:s12], [sflag:$0x3] =	stream.indirect.gather [hbm4b:s5+s11], $0x1, s3, s11, $0xb8;
	[tilespmem:$0x1FA00] =	vst v63  }
0x158: {  	s31 =	rddreg [dreg:$0xf]  }
0x159: {  	[tilespmem:s7], [sflag:$0x2] =	stream.linear.gather [hbm4b:s31+s3], $0x640, $0x38;
	[tilespmem:$0x1FA00] =	vst v63  }
0x15a: {  	_ =	swait.ge [sflag:s23], $0x5000  }
0x15b: {  	[sflag:s23] =	ssyncset.done $0x0  }
0x15c: {  	s30 =	simm.s32 $0x1420;
	[sflag:s23] =	ssyncadd.s32 $0xFFFFB000  }
0x15d: {  	[tilespmem:s18], [sflag:$0x6] =	stream.indirect.gather [spmem:s2], $0x80, s30, s14, $0xb8;
	[tilespmem:$0x1FA00] =	vst v63  }
0x15e: {  	_ =	swait.ge [sflag:s19], $0x5000  }
0x15f: {  	s31 =	sld [smem:$0x767]  }
0x160: {  	[sflag:s19] =	ssyncset.done $0x0  }
0x161: {  	[sflag:s19] =	ssyncadd.s32 $0xFFFFB000  }
0x162: {  	[hbm4b:s31+s3] =	stream.linear.scatter [tilespmem:s8], [sflag:$0x7], $0x5000, $0x38;
	[tilespmem:$0x1FA00] =	vst v63  }
0x163: {  	_ =	swait.ge [sflag:s20], $0x5000  }
0x164: {  	[sflag:s20] =	ssyncset.done $0x0  }
0x165: {  	s30 =	simm.s32 $0x14C0;
	[sflag:s20] =	ssyncadd.s32 $0xFFFFB000  }
0x166: {  	[tilespmem:s8], [sflag:$0x5] =	stream.indirect.gather [spmem:s2], $0x80, s30, s14, $0xb8;
	[tilespmem:$0x1FA00] =	vst v63  }
0x167: {  	_ =	swait.ge [sflag:s22], $0x5000  }
0x168: {  	s31 =	sld [smem:$0x768]  }
0x169: {  	[sflag:s22] =	ssyncset.done $0x0  }
0x16a: {  	[sflag:s22] =	ssyncadd.s32 $0xFFFFB000  }
0x16b: {  	[hbm4b:s31+s3] =	stream.linear.scatter [tilespmem:s18], [sflag:$0x8], $0x5000, $0x38;
	[tilespmem:$0x1FA00] =	vst v63  }
0x16c: {  	_ =	swait.ge [sflag:s23], $0x5000  }
0x16d: {  	[sflag:s23] =	ssyncset.done $0x0  }
0x16e: {  	s31 =	simm.s32 $0x1560;
	[sflag:s23] =	ssyncadd.s32 $0xFFFFB000  }
0x16f: {  	[tilespmem:s18], [sflag:$0x6] =	stream.indirect.gather [spmem:s2], $0x80, s31, s14, $0xb8;
	[tilespmem:$0x1FA00] =	vst v63  }
0x170: {  	_ =	swait.ge [sflag:s19], $0x5000  }
0x171: {  	s0 =	sld [smem:$0x769]  }
0x172: {  	[sflag:s19] =	ssyncset.done $0x0  }
0x173: {  	[sflag:s19] =	ssyncadd.s32 $0xFFFFB000  }
0x174: {  	[hbm4b:s0+s3] =	stream.linear.scatter [tilespmem:s8], [sflag:$0x7], $0x5000, $0x38;
	[tilespmem:$0x1FA00] =	vst v63  }
0x175: {  	_ =	swait.ge [sflag:s20], $0x5000  }
0x176: {  	[sflag:s20] =	ssyncset.done $0x0  }
0x177: {  	s0 =	simm.s32 $0x1600;
	[sflag:s20] =	ssyncadd.s32 $0xFFFFB000  }
0x178: {  	[tilespmem:s8], [sflag:$0x5] =	stream.indirect.gather [spmem:s2], $0x80, s0, s14, $0xb8;
	[tilespmem:$0x1FA00] =	vst v63  }
0x179: {  	_ =	swait.ge [sflag:s22], $0x5000  }
0x17a: {  	s0 =	sld [smem:$0x76A]  }
0x17b: {  	[sflag:s22] =	ssyncset.done $0x0  }
0x17c: {  	[sflag:s22] =	ssyncadd.s32 $0xFFFFB000  }
0x17d: {  	[hbm4b:s0+s3] =	stream.linear.scatter [tilespmem:s18], [sflag:$0x8], $0x5000, $0x38;
	[tilespmem:$0x1FA00] =	vst v63  }
0x17e: {  	_ =	swait.ge [sflag:s23], $0x5000  }
0x17f: {  	[sflag:s23] =	ssyncset.done $0x0  }
0x180: {  	s0 =	simm.s32 $0x16A0;
	[sflag:s23] =	ssyncadd.s32 $0xFFFFB000  }
0x181: {  	[tilespmem:s18], [sflag:$0x6] =	stream.indirect.gather [spmem:s2], $0x80, s0, s14, $0xb8;
	[tilespmem:$0x1FA00] =	vst v63  }
0x182: {  	_ =	swait.ge [sflag:s19], $0x5000  }
0x183: {  	s0 =	sld [smem:$0x76B]  }
0x184: {  	[sflag:s19] =	ssyncset.done $0x0  }
0x185: {  	[sflag:s19] =	ssyncadd.s32 $0xFFFFB000  }
0x186: {  	[hbm4b:s0+s3] =	stream.linear.scatter [tilespmem:s8], [sflag:$0x7], $0x5000, $0x38;
	[tilespmem:$0x1FA00] =	vst v63  }
0x187: {  	_ =	swait.ge [sflag:s20], $0x5000  }
0x188: {  	[sflag:s20] =	ssyncset.done $0x0  }
0x189: {  	s0 =	simm.s32 $0x1740;
	[sflag:s20] =	ssyncadd.s32 $0xFFFFB000  }
0x18a: {  	[tilespmem:s8], [sflag:$0x5] =	stream.indirect.gather [spmem:s2], $0x80, s0, s14, $0xb8;
	[tilespmem:$0x1FA00] =	vst v63  }
0x18b: {  	_ =	swait.ge [sflag:s22], $0x5000  }
0x18c: {  	s0 =	sld [smem:$0x76C]  }
0x18d: {  	[sflag:s22] =	ssyncset.done $0x0  }
0x18e: {  	[sflag:s22] =	ssyncadd.s32 $0xFFFFB000  }
0x18f: {  	[hbm4b:s0+s3] =	stream.linear.scatter [tilespmem:s18], [sflag:$0x8], $0x5000, $0x38;
	[tilespmem:$0x1FA00] =	vst v63  }
0x190: {  	_ =	swait.ge [sflag:s23], $0x5000  }
0x191: {  	[sflag:s23] =	ssyncset.done $0x0  }
0x192: {  	s0 =	simm.s32 $0x17E0;
	[sflag:s23] =	ssyncadd.s32 $0xFFFFB000  }
0x193: {  	[tilespmem:s18], [sflag:$0x6] =	stream.indirect.gather [spmem:s2], $0x80, s0, s14, $0xb8;
	[tilespmem:$0x1FA00] =	vst v63  }
0x194: {  	_ =	swait.ge [sflag:s19], $0x5000  }
0x195: {  	s0 =	sld [smem:$0x76D]  }
0x196: {  	[sflag:s19] =	ssyncset.done $0x0  }
0x197: {  	[sflag:s19] =	ssyncadd.s32 $0xFFFFB000  }
0x198: {  	[hbm4b:s0+s3] =	stream.linear.scatter [tilespmem:s8], [sflag:$0x7], $0x5000, $0x38;
	[tilespmem:$0x1FA00] =	vst v63  }
0x199: {  	_ =	swait.ge [sflag:s20], $0x5000  }
0x19a: {  	[sflag:s20] =	ssyncset.done $0x0  }
0x19b: {  	s0 =	simm.s32 $0x1880;
	[sflag:s20] =	ssyncadd.s32 $0xFFFFB000  }
0x19c: {  	[tilespmem:s8], [sflag:$0x5] =	stream.indirect.gather [spmem:s2], $0x80, s0, s14, $0xb8;
	[tilespmem:$0x1FA00] =	vst v63  }
0x19d: {  	_ =	swait.ge [sflag:s22], $0x5000  }
0x19e: {  	s0 =	sld [smem:$0x76E]  }
0x19f: {  	[sflag:s22] =	ssyncset.done $0x0  }
0x1a0: {  	[sflag:s22] =	ssyncadd.s32 $0xFFFFB000  }
0x1a1: {  	[hbm4b:s0+s3] =	stream.linear.scatter [tilespmem:s18], [sflag:$0x8], $0x5000, $0x38;
	[tilespmem:$0x1FA00] =	vst v63  }
0x1a2: {  	_ =	swait.ge [sflag:s23], $0x5000  }
0x1a3: {  	[sflag:s23] =	ssyncset.done $0x0  }
0x1a4: {  	s0 =	simm.s32 $0x1920;
	[sflag:s23] =	ssyncadd.s32 $0xFFFFB000  }
0x1a5: {  	[tilespmem:s18], [sflag:$0x6] =	stream.indirect.gather [spmem:s2], $0x80, s0, s14, $0xb8;
	[tilespmem:$0x1FA00] =	vst v63  }
0x1a6: {  	_ =	swait.ge [sflag:s19], $0x5000  }
0x1a7: {  	s0 =	sld [smem:$0x76F]  }
0x1a8: {  	[sflag:s19] =	ssyncset.done $0x0  }
0x1a9: {  	[sflag:s19] =	ssyncadd.s32 $0xFFFFB000  }
0x1aa: {  	[hbm4b:s0+s3] =	stream.linear.scatter [tilespmem:s8], [sflag:$0x7], $0x5000, $0x38;
	[tilespmem:$0x1FA00] =	vst v63  }
0x1ab: {  	_ =	swait.ge [sflag:s20], $0x5000  }
0x1ac: {  	[sflag:s20] =	ssyncset.done $0x0  }
0x1ad: {  	[sflag:s20] =	ssyncadd.s32 $0xFFFFB000  }
0x1ae: {  	_ =	swait.ge [sflag:s13], $0x640  }
0x1af: {  	[sflag:s13] =	ssyncset.done $0x0  }
0x1b0: {  	[sflag:s13] =	ssyncadd.s32 $0xFFFFF9C0  }
0x1b1: {  	[tilespmem:s8], [sflag:$0x5] =	stream.indirect.gather [spmem:s2], $0x80, s12, s14, $0xb8;
	[tilespmem:$0x1FA00] =	vst v63  }
0x1b2: {  	_ =	swait.ge [sflag:s22], $0x5000  }
0x1b3: {  	s0 =	sld [smem:$0x770]  }
0x1b4: {  	[sflag:s22] =	ssyncset.done $0x0  }
0x1b5: {  	[sflag:s22] =	ssyncadd.s32 $0xFFFFB000  }
0x1b6: {  	[hbm4b:s0+s3] =	stream.linear.scatter [tilespmem:s18], [sflag:$0x8], $0x5000, $0x38;
	[tilespmem:$0x1FA00] =	vst v63  }
0x1b7: {  	_ =	swait.ge [sflag:s15], $0x640  }
0x1b8: {  	[sflag:s15] =	ssyncset.done $0x0  }
0x1b9: {  	[sflag:s15] =	ssyncadd.s32 $0xFFFFF9C0  }
0x1ba: {  	[tilespmem:s16], [sflag:$0x4] =	stream.indirect.gather [hbm4b:s5+s11], $0x1, s7, s11, $0xb8;
	[tilespmem:$0x1FA00] =	vst v63  }
0x1bb: {  	s0 =	rddreg [dreg:$0x10]  }
0x1bc: {  	[tilespmem:s3], [sflag:$0x1] =	stream.linear.gather [hbm4b:s0+s3], $0x640, $0x38;
	[tilespmem:$0x1FA00] =	vst v63  }
0x1bd: {  	_ =	swait.ge [sflag:s23], $0x5000  }
0x1be: {  	[sflag:s23] =	ssyncset.done $0x0  }
0x1bf: {  	s29 =	simm.s32 $0xDA0;
	[sflag:s23] =	ssyncadd.s32 $0xFFFFB000  }
0x1c0: {  	[tilespmem:s18], [sflag:$0x6] =	stream.indirect.gather [spmem:s2], $0x80, s29, s14, $0xb8;
	[tilespmem:$0x1FA00] =	vst v63  }
0x1c1: {  	_ =	swait.ge [sflag:s19], $0x5000  }
0x1c2: {  	s0 =	sld [smem:$0x771]  }
0x1c3: {  	[sflag:s19] =	ssyncset.done $0x0  }
0x1c4: {  	[sflag:s19] =	ssyncadd.s32 $0xFFFFB000  }
0x1c5: {  	[hbm4b:s0+s3] =	stream.linear.scatter [tilespmem:s8], [sflag:$0x7], $0x5000, $0x38;
	[tilespmem:$0x1FA00] =	vst v63  }
0x1c6: {  	_ =	swait.ge [sflag:s20], $0x5000  }
0x1c7: {  	[sflag:s20] =	ssyncset.done $0x0  }
0x1c8: {  	s4 =	simm.s32 $0xE40;
	[sflag:s20] =	ssyncadd.s32 $0xFFFFB000  }
0x1c9: {  	[tilespmem:s8], [sflag:$0x5] =	stream.indirect.gather [spmem:s2], $0x80, s4, s14, $0xb8;
	[tilespmem:$0x1FA00] =	vst v63  }
0x1ca: {  	_ =	swait.ge [sflag:s22], $0x5000  }
0x1cb: {  	s0 =	sld [smem:$0x772]  }
0x1cc: {  	[sflag:s22] =	ssyncset.done $0x0  }
0x1cd: {  	[sflag:s22] =	ssyncadd.s32 $0xFFFFB000  }
0x1ce: {  	[hbm4b:s0+s3] =	stream.linear.scatter [tilespmem:s18], [sflag:$0x8], $0x5000, $0x38;
	[tilespmem:$0x1FA00] =	vst v63  }
0x1cf: {  	_ =	swait.ge [sflag:s23], $0x5000  }
0x1d0: {  	[sflag:s23] =	ssyncset.done $0x0  }
0x1d1: {  	s6 =	simm.s32 $0xEE0;
	[sflag:s23] =	ssyncadd.s32 $0xFFFFB000  }
0x1d2: {  	[tilespmem:s18], [sflag:$0x6] =	stream.indirect.gather [spmem:s2], $0x80, s6, s14, $0xb8;
	[tilespmem:$0x1FA00] =	vst v63  }
0x1d3: {  	_ =	swait.ge [sflag:s19], $0x5000  }
0x1d4: {  	s0 =	sld [smem:$0x773]  }
0x1d5: {  	[sflag:s19] =	ssyncset.done $0x0  }
0x1d6: {  	[sflag:s19] =	ssyncadd.s32 $0xFFFFB000  }
0x1d7: {  	[hbm4b:s0+s3] =	stream.linear.scatter [tilespmem:s8], [sflag:$0x7], $0x5000, $0x38;
	[tilespmem:$0x1FA00] =	vst v63  }
0x1d8: {  	_ =	swait.ge [sflag:s20], $0x5000  }
0x1d9: {  	[sflag:s20] =	ssyncset.done $0x0  }
0x1da: {  	s17 =	simm.s32 $0xF80;
	[sflag:s20] =	ssyncadd.s32 $0xFFFFB000  }
0x1db: {  	[tilespmem:s8], [sflag:$0x5] =	stream.indirect.gather [spmem:s2], $0x80, s17, s14, $0xb8;
	[tilespmem:$0x1FA00] =	vst v63  }
0x1dc: {  	_ =	swait.ge [sflag:s22], $0x5000  }
0x1dd: {  	s0 =	sld [smem:$0x774]  }
0x1de: {  	[sflag:s22] =	ssyncset.done $0x0  }
0x1df: {  	[sflag:s22] =	ssyncadd.s32 $0xFFFFB000  }
0x1e0: {  	[hbm4b:s0+s3] =	stream.linear.scatter [tilespmem:s18], [sflag:$0x8], $0x5000, $0x38;
	[tilespmem:$0x1FA00] =	vst v63  }
0x1e1: {  	_ =	swait.ge [sflag:s23], $0x5000  }
0x1e2: {  	[sflag:s23] =	ssyncset.done $0x0  }
0x1e3: {  	s21 =	simm.s32 $0x1020;
	[sflag:s23] =	ssyncadd.s32 $0xFFFFB000  }
0x1e4: {  	[tilespmem:s18], [sflag:$0x6] =	stream.indirect.gather [spmem:s2], $0x80, s21, s14, $0xb8;
	[tilespmem:$0x1FA00] =	vst v63  }
0x1e5: {  	_ =	swait.ge [sflag:s19], $0x5000  }
0x1e6: {  	s0 =	sld [smem:$0x775]  }
0x1e7: {  	[sflag:s19] =	ssyncset.done $0x0  }
0x1e8: {  	[sflag:s19] =	ssyncadd.s32 $0xFFFFB000  }
0x1e9: {  	[hbm4b:s0+s3] =	stream.linear.scatter [tilespmem:s8], [sflag:$0x7], $0x5000, $0x38;
	[tilespmem:$0x1FA00] =	vst v63  }
0x1ea: {  	_ =	swait.ge [sflag:s20], $0x5000  }
0x1eb: {  	[sflag:s20] =	ssyncset.done $0x0  }
0x1ec: {  	s24 =	simm.s32 $0x10C0;
	[sflag:s20] =	ssyncadd.s32 $0xFFFFB000  }
0x1ed: {  	[tilespmem:s8], [sflag:$0x5] =	stream.indirect.gather [spmem:s2], $0x80, s24, s14, $0xb8;
	[tilespmem:$0x1FA00] =	vst v63  }
0x1ee: {  	_ =	swait.ge [sflag:s22], $0x5000  }
0x1ef: {  	s0 =	sld [smem:$0x776]  }
0x1f0: {  	[sflag:s22] =	ssyncset.done $0x0  }
0x1f1: {  	[sflag:s22] =	ssyncadd.s32 $0xFFFFB000  }
0x1f2: {  	[hbm4b:s0+s3] =	stream.linear.scatter [tilespmem:s18], [sflag:$0x8], $0x5000, $0x38;
	[tilespmem:$0x1FA00] =	vst v63  }
0x1f3: {  	_ =	swait.ge [sflag:s23], $0x5000  }
0x1f4: {  	[sflag:s23] =	ssyncset.done $0x0  }
0x1f5: {  	s25 =	simm.s32 $0x1160;
	[sflag:s23] =	ssyncadd.s32 $0xFFFFB000  }
0x1f6: {  	[tilespmem:s18], [sflag:$0x6] =	stream.indirect.gather [spmem:s2], $0x80, s25, s14, $0xb8;
	[tilespmem:$0x1FA00] =	vst v63  }
0x1f7: {  	_ =	swait.ge [sflag:s19], $0x5000  }
0x1f8: {  	s0 =	sld [smem:$0x777]  }
0x1f9: {  	[sflag:s19] =	ssyncset.done $0x0  }
0x1fa: {  	[sflag:s19] =	ssyncadd.s32 $0xFFFFB000  }
0x1fb: {  	[hbm4b:s0+s3] =	stream.linear.scatter [tilespmem:s8], [sflag:$0x7], $0x5000, $0x38;
	[tilespmem:$0x1FA00] =	vst v63  }
0x1fc: {  	_ =	swait.ge [sflag:s20], $0x5000  }
0x1fd: {  	[sflag:s20] =	ssyncset.done $0x0  }
0x1fe: {  	s26 =	simm.s32 $0x1200;
	[sflag:s20] =	ssyncadd.s32 $0xFFFFB000  }
0x1ff: {  	[tilespmem:s8], [sflag:$0x5] =	stream.indirect.gather [spmem:s2], $0x80, s26, s14, $0xb8;
	[tilespmem:$0x1FA00] =	vst v63  }
0x200: {  	_ =	swait.ge [sflag:s22], $0x5000  }
0x201: {  	s0 =	sld [smem:$0x778]  }
0x202: {  	[sflag:s22] =	ssyncset.done $0x0  }
0x203: {  	[sflag:s22] =	ssyncadd.s32 $0xFFFFB000  }
0x204: {  	[hbm4b:s0+s3] =	stream.linear.scatter [tilespmem:s18], [sflag:$0x8], $0x5000, $0x38;
	[tilespmem:$0x1FA00] =	vst v63  }
0x205: {  	_ =	swait.ge [sflag:s23], $0x5000  }
0x206: {  	[sflag:s23] =	ssyncset.done $0x0  }
0x207: {  	s28 =	simm.s32 $0x12A0;
	[sflag:s23] =	ssyncadd.s32 $0xFFFFB000  }
0x208: {  	[tilespmem:s18], [sflag:$0x6] =	stream.indirect.gather [spmem:s2], $0x80, s28, s14, $0xb8;
	[tilespmem:$0x1FA00] =	vst v63  }
0x209: {  	_ =	swait.ge [sflag:s19], $0x5000  }
0x20a: {  	s0 =	sld [smem:$0x779]  }
0x20b: {  	[sflag:s19] =	ssyncset.done $0x0  }
0x20c: {  	[sflag:s19] =	ssyncadd.s32 $0xFFFFB000  }
0x20d: {  	[hbm4b:s0+s3] =	stream.linear.scatter [tilespmem:s8], [sflag:$0x7], $0x5000, $0x38;
	[tilespmem:$0x1FA00] =	vst v63  }
0x20e: {  	_ =	swait.ge [sflag:s20], $0x5000  }
0x20f: {  	[sflag:s20] =	ssyncset.done $0x0  }
0x210: {  	[sflag:s20] =	ssyncadd.s32 $0xFFFFB000  }
0x211: {  	_ =	swait.ge [sflag:s1], $0x640  }
0x212: {  	[sflag:s1] =	ssyncset.done $0x0  }
0x213: {  	[sflag:s1] =	ssyncadd.s32 $0xFFFFF9C0  }
0x214: {  	[tilespmem:s8], [sflag:$0x5] =	stream.indirect.gather [spmem:s2], $0x80, s16, s14, $0xb8;
	[tilespmem:$0x1FA00] =	vst v63  }
0x215: {  	_ =	swait.ge [sflag:s22], $0x5000  }
0x216: {  	s0 =	sld [smem:$0x77A]  }
0x217: {  	[sflag:s22] =	ssyncset.done $0x0  }
0x218: {  	[sflag:s22] =	ssyncadd.s32 $0xFFFFB000  }
0x219: {  	[hbm4b:s0+s3] =	stream.linear.scatter [tilespmem:s18], [sflag:$0x8], $0x5000, $0x38;
	[tilespmem:$0x1FA00] =	vst v63  }
0x21a: {  	_ =	swait.ge [sflag:s10], $0x640  }
0x21b: {  	[sflag:s10] =	ssyncset.done $0x0  }
0x21c: {  	[sflag:s10] =	ssyncadd.s32 $0xFFFFF9C0  }
0x21d: {  	[tilespmem:s12], [sflag:$0x3] =	stream.indirect.gather [hbm4b:s5+s11], $0x1, s3, s11, $0xb8;
	[tilespmem:$0x1FA00] =	vst v63  }
0x21e: {  	s0 =	rddreg [dreg:$0x11]  }
0x21f: {  	[tilespmem:s7], [sflag:$0x2] =	stream.linear.gather [hbm4b:s0+s3], $0x640, $0x38;
	[tilespmem:$0x1FA00] =	vst v63  }
0x220: {  	_ =	swait.ge [sflag:s23], $0x5000  }
0x221: {  	[sflag:s23] =	ssyncset.done $0x0  }
0x222: {  	s0 =	simm.s32 $0x1420;
	[sflag:s23] =	ssyncadd.s32 $0xFFFFB000  }
0x223: {  	[tilespmem:s18], [sflag:$0x6] =	stream.indirect.gather [spmem:s2], $0x80, s0, s14, $0xb8;
	[tilespmem:$0x1FA00] =	vst v63  }
0x224: {  	_ =	swait.ge [sflag:s19], $0x5000  }
0x225: {  	s0 =	sld [smem:$0x77B]  }
0x226: {  	[sflag:s19] =	ssyncset.done $0x0  }
0x227: {  	[sflag:s19] =	ssyncadd.s32 $0xFFFFB000  }
0x228: {  	[hbm4b:s0+s3] =	stream.linear.scatter [tilespmem:s8], [sflag:$0x7], $0x5000, $0x38;
	[tilespmem:$0x1FA00] =	vst v63  }
0x229: {  	_ =	swait.ge [sflag:s20], $0x5000  }
0x22a: {  	[sflag:s20] =	ssyncset.done $0x0  }
0x22b: {  	s30 =	simm.s32 $0x14C0;
	[sflag:s20] =	ssyncadd.s32 $0xFFFFB000  }
0x22c: {  	[tilespmem:s8], [sflag:$0x5] =	stream.indirect.gather [spmem:s2], $0x80, s30, s14, $0xb8;
	[tilespmem:$0x1FA00] =	vst v63  }
0x22d: {  	_ =	swait.ge [sflag:s22], $0x5000  }
0x22e: {  	s0 =	sld [smem:$0x77C]  }
0x22f: {  	[sflag:s22] =	ssyncset.done $0x0  }
0x230: {  	[sflag:s22] =	ssyncadd.s32 $0xFFFFB000  }
0x231: {  	[hbm4b:s0+s3] =	stream.linear.scatter [tilespmem:s18], [sflag:$0x8], $0x5000, $0x38;
	[tilespmem:$0x1FA00] =	vst v63  }
0x232: {  	_ =	swait.ge [sflag:s23], $0x5000  }
0x233: {  	[sflag:s23] =	ssyncset.done $0x0  }
0x234: {  	s31 =	simm.s32 $0x1560;
	[sflag:s23] =	ssyncadd.s32 $0xFFFFB000  }
0x235: {  	[tilespmem:s18], [sflag:$0x6] =	stream.indirect.gather [spmem:s2], $0x80, s31, s14, $0xb8;
	[tilespmem:$0x1FA00] =	vst v63  }
0x236: {  	_ =	swait.ge [sflag:s19], $0x5000  }
0x237: {  	s0 =	sld [smem:$0x77D]  }
0x238: {  	[sflag:s19] =	ssyncset.done $0x0  }
0x239: {  	[sflag:s19] =	ssyncadd.s32 $0xFFFFB000  }
0x23a: {  	[hbm4b:s0+s3] =	stream.linear.scatter [tilespmem:s8], [sflag:$0x7], $0x5000, $0x38;
	[tilespmem:$0x1FA00] =	vst v63  }
0x23b: {  	_ =	swait.ge [sflag:s20], $0x5000  }
0x23c: {  	[sflag:s20] =	ssyncset.done $0x0  }
0x23d: {  	s0 =	simm.s32 $0x1600;
	[sflag:s20] =	ssyncadd.s32 $0xFFFFB000  }
0x23e: {  	[tilespmem:s8], [sflag:$0x5] =	stream.indirect.gather [spmem:s2], $0x80, s0, s14, $0xb8;
	[tilespmem:$0x1FA00] =	vst v63  }
0x23f: {  	_ =	swait.ge [sflag:s22], $0x5000  }
0x240: {  	s0 =	sld [smem:$0x77E]  }
0x241: {  	[sflag:s22] =	ssyncset.done $0x0  }
0x242: {  	[sflag:s22] =	ssyncadd.s32 $0xFFFFB000  }
0x243: {  	[hbm4b:s0+s3] =	stream.linear.scatter [tilespmem:s18], [sflag:$0x8], $0x5000, $0x38;
	[tilespmem:$0x1FA00] =	vst v63  }
0x244: {  	_ =	swait.ge [sflag:s23], $0x5000  }
0x245: {  	[sflag:s23] =	ssyncset.done $0x0  }
0x246: {  	s0 =	simm.s32 $0x16A0;
	[sflag:s23] =	ssyncadd.s32 $0xFFFFB000  }
0x247: {  	[tilespmem:s18], [sflag:$0x6] =	stream.indirect.gather [spmem:s2], $0x80, s0, s14, $0xb8;
	[tilespmem:$0x1FA00] =	vst v63  }
0x248: {  	_ =	swait.ge [sflag:s19], $0x5000  }
0x249: {  	s0 =	sld [smem:$0x77F]  }
0x24a: {  	[sflag:s19] =	ssyncset.done $0x0  }
0x24b: {  	[sflag:s19] =	ssyncadd.s32 $0xFFFFB000  }
0x24c: {  	[hbm4b:s0+s3] =	stream.linear.scatter [tilespmem:s8], [sflag:$0x7], $0x5000, $0x38;
	[tilespmem:$0x1FA00] =	vst v63  }
0x24d: {  	_ =	swait.ge [sflag:s20], $0x5000  }
0x24e: {  	[sflag:s20] =	ssyncset.done $0x0  }
0x24f: {  	s0 =	simm.s32 $0x1740;
	[sflag:s20] =	ssyncadd.s32 $0xFFFFB000  }
0x250: {  	[tilespmem:s8], [sflag:$0x5] =	stream.indirect.gather [spmem:s2], $0x80, s0, s14, $0xb8;
	[tilespmem:$0x1FA00] =	vst v63  }
0x251: {  	_ =	swait.ge [sflag:s22], $0x5000  }
0x252: {  	s0 =	sld [smem:$0x780]  }
0x253: {  	[sflag:s22] =	ssyncset.done $0x0  }
0x254: {  	[sflag:s22] =	ssyncadd.s32 $0xFFFFB000  }
0x255: {  	[hbm4b:s0+s3] =	stream.linear.scatter [tilespmem:s18], [sflag:$0x8], $0x5000, $0x38;
	[tilespmem:$0x1FA00] =	vst v63  }
0x256: {  	_ =	swait.ge [sflag:s23], $0x5000  }
0x257: {  	[sflag:s23] =	ssyncset.done $0x0  }
0x258: {  	s0 =	simm.s32 $0x17E0;
	[sflag:s23] =	ssyncadd.s32 $0xFFFFB000  }
0x259: {  	[tilespmem:s18], [sflag:$0x6] =	stream.indirect.gather [spmem:s2], $0x80, s0, s14, $0xb8;
	[tilespmem:$0x1FA00] =	vst v63  }
0x25a: {  	_ =	swait.ge [sflag:s19], $0x5000  }
0x25b: {  	s0 =	sld [smem:$0x781]  }
0x25c: {  	[sflag:s19] =	ssyncset.done $0x0  }
0x25d: {  	[sflag:s19] =	ssyncadd.s32 $0xFFFFB000  }
0x25e: {  	[hbm4b:s0+s3] =	stream.linear.scatter [tilespmem:s8], [sflag:$0x7], $0x5000, $0x38;
	[tilespmem:$0x1FA00] =	vst v63  }
0x25f: {  	_ =	swait.ge [sflag:s20], $0x5000  }
0x260: {  	[sflag:s20] =	ssyncset.done $0x0  }
0x261: {  	s0 =	simm.s32 $0x1880;
	[sflag:s20] =	ssyncadd.s32 $0xFFFFB000  }
0x262: {  	[tilespmem:s8], [sflag:$0x5] =	stream.indirect.gather [spmem:s2], $0x80, s0, s14, $0xb8;
	[tilespmem:$0x1FA00] =	vst v63  }
0x263: {  	_ =	swait.ge [sflag:s22], $0x5000  }
0x264: {  	s0 =	sld [smem:$0x782]  }
0x265: {  	[sflag:s22] =	ssyncset.done $0x0  }
0x266: {  	[sflag:s22] =	ssyncadd.s32 $0xFFFFB000  }
0x267: {  	[hbm4b:s0+s3] =	stream.linear.scatter [tilespmem:s18], [sflag:$0x8], $0x5000, $0x38;
	[tilespmem:$0x1FA00] =	vst v63  }
0x268: {  	_ =	swait.ge [sflag:s23], $0x5000  }
0x269: {  	[sflag:s23] =	ssyncset.done $0x0  }
0x26a: {  	s0 =	simm.s32 $0x1920;
	[sflag:s23] =	ssyncadd.s32 $0xFFFFB000  }
0x26b: {  	[tilespmem:s18], [sflag:$0x6] =	stream.indirect.gather [spmem:s2], $0x80, s0, s14, $0xb8;
	[tilespmem:$0x1FA00] =	vst v63  }
0x26c: {  	_ =	swait.ge [sflag:s19], $0x5000  }
0x26d: {  	s0 =	sld [smem:$0x783]  }
0x26e: {  	[sflag:s19] =	ssyncset.done $0x0  }
0x26f: {  	[sflag:s19] =	ssyncadd.s32 $0xFFFFB000  }
0x270: {  	[hbm4b:s0+s3] =	stream.linear.scatter [tilespmem:s8], [sflag:$0x7], $0x5000, $0x38;
	[tilespmem:$0x1FA00] =	vst v63  }
0x271: {  	_ =	swait.ge [sflag:s20], $0x5000  }
0x272: {  	[sflag:s20] =	ssyncset.done $0x0  }
0x273: {  	[sflag:s20] =	ssyncadd.s32 $0xFFFFB000  }
0x274: {  	_ =	swait.ge [sflag:s13], $0x640  }
0x275: {  	[sflag:s13] =	ssyncset.done $0x0  }
0x276: {  	[sflag:s13] =	ssyncadd.s32 $0xFFFFF9C0  }
0x277: {  	[tilespmem:s8], [sflag:$0x5] =	stream.indirect.gather [spmem:s2], $0x80, s12, s14, $0xb8;
	[tilespmem:$0x1FA00] =	vst v63  }
0x278: {  	_ =	swait.ge [sflag:s22], $0x5000  }
0x279: {  	s0 =	sld [smem:$0x784]  }
0x27a: {  	[sflag:s22] =	ssyncset.done $0x0  }
0x27b: {  	[sflag:s22] =	ssyncadd.s32 $0xFFFFB000  }
0x27c: {  	[hbm4b:s0+s3] =	stream.linear.scatter [tilespmem:s18], [sflag:$0x8], $0x5000, $0x38;
	[tilespmem:$0x1FA00] =	vst v63  }
0x27d: {  	_ =	swait.ge [sflag:s15], $0x640  }
0x27e: {  	[sflag:s15] =	ssyncset.done $0x0  }
0x27f: {  	[sflag:s15] =	ssyncadd.s32 $0xFFFFF9C0  }
0x280: {  	[tilespmem:s16], [sflag:$0x4] =	stream.indirect.gather [hbm4b:s5+s11], $0x1, s7, s11, $0xb8;
	[tilespmem:$0x1FA00] =	vst v63  }
0x281: {  	s0 =	rddreg [dreg:$0x12]  }
0x282: {  	[tilespmem:s3], [sflag:$0x1] =	stream.linear.gather [hbm4b:s0+s3], $0x640, $0x38;
	[tilespmem:$0x1FA00] =	vst v63  }
0x283: {  	_ =	swait.ge [sflag:s23], $0x5000  }
0x284: {  	[sflag:s23] =	ssyncset.done $0x0  }
0x285: {  	s29 =	simm.s32 $0xDA0;
	[sflag:s23] =	ssyncadd.s32 $0xFFFFB000  }
0x286: {  	[tilespmem:s18], [sflag:$0x6] =	stream.indirect.gather [spmem:s2], $0x80, s29, s14, $0xb8;
	[tilespmem:$0x1FA00] =	vst v63  }
0x287: {  	_ =	swait.ge [sflag:s19], $0x5000  }
0x288: {  	s29 =	sld [smem:$0x785]  }
0x289: {  	[sflag:s19] =	ssyncset.done $0x0  }
0x28a: {  	[sflag:s19] =	ssyncadd.s32 $0xFFFFB000  }
0x28b: {  	[hbm4b:s29+s3] =	stream.linear.scatter [tilespmem:s8], [sflag:$0x7], $0x5000, $0x38;
	[tilespmem:$0x1FA00] =	vst v63  }
0x28c: {  	_ =	swait.ge [sflag:s20], $0x5000  }
0x28d: {  	[sflag:s20] =	ssyncset.done $0x0  }
0x28e: {  	s4 =	simm.s32 $0xE40;
	[sflag:s20] =	ssyncadd.s32 $0xFFFFB000  }
0x28f: {  	[tilespmem:s8], [sflag:$0x5] =	stream.indirect.gather [spmem:s2], $0x80, s4, s14, $0xb8;
	[tilespmem:$0x1FA00] =	vst v63  }
0x290: {  	_ =	swait.ge [sflag:s22], $0x5000  }
0x291: {  	s4 =	sld [smem:$0x786]  }
0x292: {  	[sflag:s22] =	ssyncset.done $0x0  }
0x293: {  	[sflag:s22] =	ssyncadd.s32 $0xFFFFB000  }
0x294: {  	[hbm4b:s4+s3] =	stream.linear.scatter [tilespmem:s18], [sflag:$0x8], $0x5000, $0x38;
	[tilespmem:$0x1FA00] =	vst v63  }
0x295: {  	_ =	swait.ge [sflag:s23], $0x5000  }
0x296: {  	[sflag:s23] =	ssyncset.done $0x0  }
0x297: {  	s6 =	simm.s32 $0xEE0;
	[sflag:s23] =	ssyncadd.s32 $0xFFFFB000  }
0x298: {  	[tilespmem:s18], [sflag:$0x6] =	stream.indirect.gather [spmem:s2], $0x80, s6, s14, $0xb8;
	[tilespmem:$0x1FA00] =	vst v63  }
0x299: {  	_ =	swait.ge [sflag:s19], $0x5000  }
0x29a: {  	s6 =	sld [smem:$0x787]  }
0x29b: {  	[sflag:s19] =	ssyncset.done $0x0  }
0x29c: {  	[sflag:s19] =	ssyncadd.s32 $0xFFFFB000  }
0x29d: {  	[hbm4b:s6+s3] =	stream.linear.scatter [tilespmem:s8], [sflag:$0x7], $0x5000, $0x38;
	[tilespmem:$0x1FA00] =	vst v63  }
0x29e: {  	_ =	swait.ge [sflag:s20], $0x5000  }
0x29f: {  	[sflag:s20] =	ssyncset.done $0x0  }
0x2a0: {  	s17 =	simm.s32 $0xF80;
	[sflag:s20] =	ssyncadd.s32 $0xFFFFB000  }
0x2a1: {  	[tilespmem:s8], [sflag:$0x5] =	stream.indirect.gather [spmem:s2], $0x80, s17, s14, $0xb8;
	[tilespmem:$0x1FA00] =	vst v63  }
0x2a2: {  	_ =	swait.ge [sflag:s22], $0x5000  }
0x2a3: {  	s17 =	sld [smem:$0x788]  }
0x2a4: {  	[sflag:s22] =	ssyncset.done $0x0  }
0x2a5: {  	[sflag:s22] =	ssyncadd.s32 $0xFFFFB000  }
0x2a6: {  	[hbm4b:s17+s3] =	stream.linear.scatter [tilespmem:s18], [sflag:$0x8], $0x5000, $0x38;
	[tilespmem:$0x1FA00] =	vst v63  }
0x2a7: {  	_ =	swait.ge [sflag:s23], $0x5000  }
0x2a8: {  	[sflag:s23] =	ssyncset.done $0x0  }
0x2a9: {  	s21 =	simm.s32 $0x1020;
	[sflag:s23] =	ssyncadd.s32 $0xFFFFB000  }
0x2aa: {  	[tilespmem:s18], [sflag:$0x6] =	stream.indirect.gather [spmem:s2], $0x80, s21, s14, $0xb8;
	[tilespmem:$0x1FA00] =	vst v63  }
0x2ab: {  	_ =	swait.ge [sflag:s19], $0x5000  }
0x2ac: {  	s21 =	sld [smem:$0x789]  }
0x2ad: {  	[sflag:s19] =	ssyncset.done $0x0  }
0x2ae: {  	[sflag:s19] =	ssyncadd.s32 $0xFFFFB000  }
0x2af: {  	[hbm4b:s21+s3] =	stream.linear.scatter [tilespmem:s8], [sflag:$0x7], $0x5000, $0x38;
	[tilespmem:$0x1FA00] =	vst v63  }
0x2b0: {  	_ =	swait.ge [sflag:s20], $0x5000  }
0x2b1: {  	[sflag:s20] =	ssyncset.done $0x0  }
0x2b2: {  	s24 =	simm.s32 $0x10C0;
	[sflag:s20] =	ssyncadd.s32 $0xFFFFB000  }
0x2b3: {  	[tilespmem:s8], [sflag:$0x5] =	stream.indirect.gather [spmem:s2], $0x80, s24, s14, $0xb8;
	[tilespmem:$0x1FA00] =	vst v63  }
0x2b4: {  	_ =	swait.ge [sflag:s22], $0x5000  }
0x2b5: {  	s24 =	sld [smem:$0x78A]  }
0x2b6: {  	[sflag:s22] =	ssyncset.done $0x0  }
0x2b7: {  	[sflag:s22] =	ssyncadd.s32 $0xFFFFB000  }
0x2b8: {  	[hbm4b:s24+s3] =	stream.linear.scatter [tilespmem:s18], [sflag:$0x8], $0x5000, $0x38;
	[tilespmem:$0x1FA00] =	vst v63  }
0x2b9: {  	_ =	swait.ge [sflag:s23], $0x5000  }
0x2ba: {  	[sflag:s23] =	ssyncset.done $0x0  }
0x2bb: {  	s25 =	simm.s32 $0x1160;
	[sflag:s23] =	ssyncadd.s32 $0xFFFFB000  }
0x2bc: {  	[tilespmem:s18], [sflag:$0x6] =	stream.indirect.gather [spmem:s2], $0x80, s25, s14, $0xb8;
	[tilespmem:$0x1FA00] =	vst v63  }
0x2bd: {  	_ =	swait.ge [sflag:s19], $0x5000  }
0x2be: {  	s25 =	sld [smem:$0x78B]  }
0x2bf: {  	[sflag:s19] =	ssyncset.done $0x0  }
0x2c0: {  	[sflag:s19] =	ssyncadd.s32 $0xFFFFB000  }
0x2c1: {  	[hbm4b:s25+s3] =	stream.linear.scatter [tilespmem:s8], [sflag:$0x7], $0x5000, $0x38;
	[tilespmem:$0x1FA00] =	vst v63  }
0x2c2: {  	_ =	swait.ge [sflag:s20], $0x5000  }
0x2c3: {  	[sflag:s20] =	ssyncset.done $0x0  }
0x2c4: {  	s26 =	simm.s32 $0x1200;
	[sflag:s20] =	ssyncadd.s32 $0xFFFFB000  }
0x2c5: {  	[tilespmem:s8], [sflag:$0x5] =	stream.indirect.gather [spmem:s2], $0x80, s26, s14, $0xb8;
	[tilespmem:$0x1FA00] =	vst v63  }
0x2c6: {  	_ =	swait.ge [sflag:s22], $0x5000  }
0x2c7: {  	s26 =	sld [smem:$0x78C]  }
0x2c8: {  	[sflag:s22] =	ssyncset.done $0x0  }
0x2c9: {  	[sflag:s22] =	ssyncadd.s32 $0xFFFFB000  }
0x2ca: {  	[hbm4b:s26+s3] =	stream.linear.scatter [tilespmem:s18], [sflag:$0x8], $0x5000, $0x38;
	[tilespmem:$0x1FA00] =	vst v63  }
0x2cb: {  	_ =	swait.ge [sflag:s23], $0x5000  }
0x2cc: {  	[sflag:s23] =	ssyncset.done $0x0  }
0x2cd: {  	s28 =	simm.s32 $0x12A0;
	[sflag:s23] =	ssyncadd.s32 $0xFFFFB000  }
0x2ce: {  	[tilespmem:s18], [sflag:$0x6] =	stream.indirect.gather [spmem:s2], $0x80, s28, s14, $0xb8;
	[tilespmem:$0x1FA00] =	vst v63  }
0x2cf: {  	_ =	swait.ge [sflag:s19], $0x5000  }
0x2d0: {  	s28 =	sld [smem:$0x78D]  }
0x2d1: {  	[sflag:s19] =	ssyncset.done $0x0  }
0x2d2: {  	[sflag:s19] =	ssyncadd.s32 $0xFFFFB000  }
0x2d3: {  	[hbm4b:s28+s3] =	stream.linear.scatter [tilespmem:s8], [sflag:$0x7], $0x5000, $0x38;
	[tilespmem:$0x1FA00] =	vst v63  }
0x2d4: {  	_ =	swait.ge [sflag:s20], $0x5000  }
0x2d5: {  	[sflag:s20] =	ssyncset.done $0x0  }
0x2d6: {  	[sflag:s20] =	ssyncadd.s32 $0xFFFFB000  }
0x2d7: {  	_ =	swait.ge [sflag:s1], $0x640  }
0x2d8: {  	[sflag:s1] =	ssyncset.done $0x0  }
0x2d9: {  	[sflag:s1] =	ssyncadd.s32 $0xFFFFF9C0  }
0x2da: {  	[tilespmem:s8], [sflag:$0x5] =	stream.indirect.gather [spmem:s2], $0x80, s16, s14, $0xb8;
	[tilespmem:$0x1FA00] =	vst v63  }
0x2db: {  	_ =	swait.ge [sflag:s22], $0x5000  }
0x2dc: {  	s28 =	sld [smem:$0x78E]  }
0x2dd: {  	[sflag:s22] =	ssyncset.done $0x0  }
0x2de: {  	[sflag:s22] =	ssyncadd.s32 $0xFFFFB000  }
0x2df: {  	[hbm4b:s28+s3] =	stream.linear.scatter [tilespmem:s18], [sflag:$0x8], $0x5000, $0x38;
	[tilespmem:$0x1FA00] =	vst v63  }
0x2e0: {  	_ =	swait.ge [sflag:s10], $0x640  }
0x2e1: {  	[sflag:s10] =	ssyncset.done $0x0  }
0x2e2: {  	[sflag:s10] =	ssyncadd.s32 $0xFFFFF9C0  }
0x2e3: {  	[tilespmem:s12], [sflag:$0x3] =	stream.indirect.gather [hbm4b:s5+s11], $0x1, s3, s11, $0xb8;
	[tilespmem:$0x1FA00] =	vst v63  }
0x2e4: {  	s28 =	rddreg [dreg:$0x13]  }
0x2e5: {  	[tilespmem:s7], [sflag:$0x2] =	stream.linear.gather [hbm4b:s28+s3], $0x640, $0x38;
	[tilespmem:$0x1FA00] =	vst v63  }
0x2e6: {  	_ =	swait.ge [sflag:s23], $0x5000  }
0x2e7: {  	[sflag:s23] =	ssyncset.done $0x0  }
0x2e8: {  	s28 =	simm.s32 $0x1420;
	[sflag:s23] =	ssyncadd.s32 $0xFFFFB000  }
0x2e9: {  	[tilespmem:s18], [sflag:$0x6] =	stream.indirect.gather [spmem:s2], $0x80, s28, s14, $0xb8;
	[tilespmem:$0x1FA00] =	vst v63  }
0x2ea: {  	_ =	swait.ge [sflag:s19], $0x5000  }
0x2eb: {  	s28 =	sld [smem:$0x78F]  }
0x2ec: {  	[sflag:s19] =	ssyncset.done $0x0  }
0x2ed: {  	[sflag:s19] =	ssyncadd.s32 $0xFFFFB000  }
0x2ee: {  	[hbm4b:s28+s3] =	stream.linear.scatter [tilespmem:s8], [sflag:$0x7], $0x5000, $0x38;
	[tilespmem:$0x1FA00] =	vst v63  }
0x2ef: {  	_ =	swait.ge [sflag:s20], $0x5000  }
0x2f0: {  	[sflag:s20] =	ssyncset.done $0x0  }
0x2f1: {  	s30 =	simm.s32 $0x14C0;
	[sflag:s20] =	ssyncadd.s32 $0xFFFFB000  }
0x2f2: {  	[tilespmem:s8], [sflag:$0x5] =	stream.indirect.gather [spmem:s2], $0x80, s30, s14, $0xb8;
	[tilespmem:$0x1FA00] =	vst v63  }
0x2f3: {  	_ =	swait.ge [sflag:s22], $0x5000  }
0x2f4: {  	s30 =	sld [smem:$0x790]  }
0x2f5: {  	[sflag:s22] =	ssyncset.done $0x0  }
0x2f6: {  	[sflag:s22] =	ssyncadd.s32 $0xFFFFB000  }
0x2f7: {  	[hbm4b:s30+s3] =	stream.linear.scatter [tilespmem:s18], [sflag:$0x8], $0x5000, $0x38;
	[tilespmem:$0x1FA00] =	vst v63  }
0x2f8: {  	_ =	swait.ge [sflag:s23], $0x5000  }
0x2f9: {  	[sflag:s23] =	ssyncset.done $0x0  }
0x2fa: {  	s31 =	simm.s32 $0x1560;
	[sflag:s23] =	ssyncadd.s32 $0xFFFFB000  }
0x2fb: {  	[tilespmem:s18], [sflag:$0x6] =	stream.indirect.gather [spmem:s2], $0x80, s31, s14, $0xb8;
	[tilespmem:$0x1FA00] =	vst v63  }
0x2fc: {  	_ =	swait.ge [sflag:s19], $0x5000  }
0x2fd: {  	s31 =	sld [smem:$0x791]  }
0x2fe: {  	[sflag:s19] =	ssyncset.done $0x0  }
0x2ff: {  	[sflag:s19] =	ssyncadd.s32 $0xFFFFB000  }
0x300: {  	[hbm4b:s31+s3] =	stream.linear.scatter [tilespmem:s8], [sflag:$0x7], $0x5000, $0x38;
	[tilespmem:$0x1FA00] =	vst v63  }
0x301: {  	_ =	swait.ge [sflag:s20], $0x5000  }
0x302: {  	[sflag:s20] =	ssyncset.done $0x0  }
0x303: {  	s31 =	simm.s32 $0x1600;
	[sflag:s20] =	ssyncadd.s32 $0xFFFFB000  }
0x304: {  	[tilespmem:s8], [sflag:$0x5] =	stream.indirect.gather [spmem:s2], $0x80, s31, s14, $0xb8;
	[tilespmem:$0x1FA00] =	vst v63  }
0x305: {  	_ =	swait.ge [sflag:s22], $0x5000  }
0x306: {  	s0 =	sld [smem:$0x792]  }
0x307: {  	[sflag:s22] =	ssyncset.done $0x0  }
0x308: {  	[sflag:s22] =	ssyncadd.s32 $0xFFFFB000  }
0x309: {  	[hbm4b:s0+s3] =	stream.linear.scatter [tilespmem:s18], [sflag:$0x8], $0x5000, $0x38;
	[tilespmem:$0x1FA00] =	vst v63  }
0x30a: {  	_ =	swait.ge [sflag:s23], $0x5000  }
0x30b: {  	[sflag:s23] =	ssyncset.done $0x0  }
0x30c: {  	s0 =	simm.s32 $0x16A0;
	[sflag:s23] =	ssyncadd.s32 $0xFFFFB000  }
0x30d: {  	[tilespmem:s18], [sflag:$0x6] =	stream.indirect.gather [spmem:s2], $0x80, s0, s14, $0xb8;
	[tilespmem:$0x1FA00] =	vst v63  }
0x30e: {  	_ =	swait.ge [sflag:s19], $0x5000  }
0x30f: {  	s0 =	sld [smem:$0x793]  }
0x310: {  	[sflag:s19] =	ssyncset.done $0x0  }
0x311: {  	[sflag:s19] =	ssyncadd.s32 $0xFFFFB000  }
0x312: {  	[hbm4b:s0+s3] =	stream.linear.scatter [tilespmem:s8], [sflag:$0x7], $0x5000, $0x38;
	[tilespmem:$0x1FA00] =	vst v63  }
0x313: {  	_ =	swait.ge [sflag:s20], $0x5000  }
0x314: {  	[sflag:s20] =	ssyncset.done $0x0  }
0x315: {  	s0 =	simm.s32 $0x1740;
	[sflag:s20] =	ssyncadd.s32 $0xFFFFB000  }
0x316: {  	[tilespmem:s8], [sflag:$0x5] =	stream.indirect.gather [spmem:s2], $0x80, s0, s14, $0xb8;
	[tilespmem:$0x1FA00] =	vst v63  }
0x317: {  	_ =	swait.ge [sflag:s22], $0x5000  }
0x318: {  	s0 =	sld [smem:$0x794]  }
0x319: {  	[sflag:s22] =	ssyncset.done $0x0  }
0x31a: {  	[sflag:s22] =	ssyncadd.s32 $0xFFFFB000  }
0x31b: {  	[hbm4b:s0+s3] =	stream.linear.scatter [tilespmem:s18], [sflag:$0x8], $0x5000, $0x38;
	[tilespmem:$0x1FA00] =	vst v63  }
0x31c: {  	_ =	swait.ge [sflag:s23], $0x5000  }
0x31d: {  	[sflag:s23] =	ssyncset.done $0x0  }
0x31e: {  	s0 =	simm.s32 $0x17E0;
	[sflag:s23] =	ssyncadd.s32 $0xFFFFB000  }
0x31f: {  	[tilespmem:s18], [sflag:$0x6] =	stream.indirect.gather [spmem:s2], $0x80, s0, s14, $0xb8;
	[tilespmem:$0x1FA00] =	vst v63  }
0x320: {  	_ =	swait.ge [sflag:s19], $0x5000  }
0x321: {  	s0 =	sld [smem:$0x795]  }
0x322: {  	[sflag:s19] =	ssyncset.done $0x0  }
0x323: {  	[sflag:s19] =	ssyncadd.s32 $0xFFFFB000  }
0x324: {  	[hbm4b:s0+s3] =	stream.linear.scatter [tilespmem:s8], [sflag:$0x7], $0x5000, $0x38;
	[tilespmem:$0x1FA00] =	vst v63  }
0x325: {  	_ =	swait.ge [sflag:s20], $0x5000  }
0x326: {  	[sflag:s20] =	ssyncset.done $0x0  }
0x327: {  	s0 =	simm.s32 $0x1880;
	[sflag:s20] =	ssyncadd.s32 $0xFFFFB000  }
0x328: {  	[tilespmem:s8], [sflag:$0x5] =	stream.indirect.gather [spmem:s2], $0x80, s0, s14, $0xb8;
	[tilespmem:$0x1FA00] =	vst v63  }
0x329: {  	_ =	swait.ge [sflag:s22], $0x5000  }
0x32a: {  	s0 =	sld [smem:$0x796]  }
0x32b: {  	[sflag:s22] =	ssyncset.done $0x0  }
0x32c: {  	[sflag:s22] =	ssyncadd.s32 $0xFFFFB000  }
0x32d: {  	[hbm4b:s0+s3] =	stream.linear.scatter [tilespmem:s18], [sflag:$0x8], $0x5000, $0x38;
	[tilespmem:$0x1FA00] =	vst v63  }
0x32e: {  	_ =	swait.ge [sflag:s23], $0x5000  }
0x32f: {  	[sflag:s23] =	ssyncset.done $0x0  }
0x330: {  	s0 =	simm.s32 $0x1920;
	[sflag:s23] =	ssyncadd.s32 $0xFFFFB000  }
0x331: {  	[tilespmem:s18], [sflag:$0x6] =	stream.indirect.gather [spmem:s2], $0x80, s0, s14, $0xb8;
	[tilespmem:$0x1FA00] =	vst v63  }
0x332: {  	_ =	swait.ge [sflag:s19], $0x5000  }
0x333: {  	s0 =	sld [smem:$0x797]  }
0x334: {  	[sflag:s19] =	ssyncset.done $0x0  }
0x335: {  	[sflag:s19] =	ssyncadd.s32 $0xFFFFB000  }
0x336: {  	[hbm4b:s0+s3] =	stream.linear.scatter [tilespmem:s8], [sflag:$0x7], $0x5000, $0x38;
	[tilespmem:$0x1FA00] =	vst v63  }
0x337: {  	_ =	swait.ge [sflag:s20], $0x5000  }
0x338: {  	[sflag:s20] =	ssyncset.done $0x0  }
0x339: {  	[sflag:s20] =	ssyncadd.s32 $0xFFFFB000  }
0x33a: {  	_ =	swait.ge [sflag:s13], $0x640  }
0x33b: {  	[sflag:s13] =	ssyncset.done $0x0  }
0x33c: {  	[sflag:s13] =	ssyncadd.s32 $0xFFFFF9C0  }
0x33d: {  	[tilespmem:s8], [sflag:$0x5] =	stream.indirect.gather [spmem:s2], $0x80, s12, s14, $0xb8;
	[tilespmem:$0x1FA00] =	vst v63  }
0x33e: {  	_ =	swait.ge [sflag:s22], $0x5000  }
0x33f: {  	s0 =	sld [smem:$0x798]  }
0x340: {  	[sflag:s22] =	ssyncset.done $0x0  }
0x341: {  	[sflag:s22] =	ssyncadd.s32 $0xFFFFB000  }
0x342: {  	[hbm4b:s0+s3] =	stream.linear.scatter [tilespmem:s18], [sflag:$0x8], $0x5000, $0x38;
	[tilespmem:$0x1FA00] =	vst v63  }
0x343: {  	_ =	swait.ge [sflag:s15], $0x640  }
0x344: {  	[sflag:s15] =	ssyncset.done $0x0  }
0x345: {  	[sflag:s15] =	ssyncadd.s32 $0xFFFFF9C0  }
0x346: {  	[tilespmem:s16], [sflag:$0x4] =	stream.indirect.gather [hbm4b:s5+s11], $0x1, s7, s11, $0xb8;
	[tilespmem:$0x1FA00] =	vst v63  }
0x347: {  	s0 =	rddreg [dreg:$0x14]  }
0x348: {  	[tilespmem:s3], [sflag:$0x1] =	stream.linear.gather [hbm4b:s0+s3], $0x640, $0x38;
	[tilespmem:$0x1FA00] =	vst v63  }
0x349: {  	_ =	swait.ge [sflag:s23], $0x5000  }
0x34a: {  	[sflag:s23] =	ssyncset.done $0x0  }
0x34b: {  	s0 =	simm.s32 $0xDA0;
	[sflag:s23] =	ssyncadd.s32 $0xFFFFB000  }
0x34c: {  	[tilespmem:s18], [sflag:$0x6] =	stream.indirect.gather [spmem:s2], $0x80, s0, s14, $0xb8;
	[tilespmem:$0x1FA00] =	vst v63  }
0x34d: {  	_ =	swait.ge [sflag:s19], $0x5000  }
0x34e: {  	s0 =	sld [smem:$0x799]  }
0x34f: {  	[sflag:s19] =	ssyncset.done $0x0  }
0x350: {  	[sflag:s19] =	ssyncadd.s32 $0xFFFFB000  }
0x351: {  	[hbm4b:s0+s3] =	stream.linear.scatter [tilespmem:s8], [sflag:$0x7], $0x5000, $0x38;
	[tilespmem:$0x1FA00] =	vst v63  }
0x352: {  	_ =	swait.ge [sflag:s20], $0x5000  }
0x353: {  	[sflag:s20] =	ssyncset.done $0x0  }
0x354: {  	s29 =	simm.s32 $0xE40;
	[sflag:s20] =	ssyncadd.s32 $0xFFFFB000  }
0x355: {  	[tilespmem:s8], [sflag:$0x5] =	stream.indirect.gather [spmem:s2], $0x80, s29, s14, $0xb8;
	[tilespmem:$0x1FA00] =	vst v63  }
0x356: {  	_ =	swait.ge [sflag:s22], $0x5000  }
0x357: {  	s0 =	sld [smem:$0x79A]  }
0x358: {  	[sflag:s22] =	ssyncset.done $0x0  }
0x359: {  	[sflag:s22] =	ssyncadd.s32 $0xFFFFB000  }
0x35a: {  	[hbm4b:s0+s3] =	stream.linear.scatter [tilespmem:s18], [sflag:$0x8], $0x5000, $0x38;
	[tilespmem:$0x1FA00] =	vst v63  }
0x35b: {  	_ =	swait.ge [sflag:s23], $0x5000  }
0x35c: {  	[sflag:s23] =	ssyncset.done $0x0  }
0x35d: {  	s4 =	simm.s32 $0xEE0;
	[sflag:s23] =	ssyncadd.s32 $0xFFFFB000  }
0x35e: {  	[tilespmem:s18], [sflag:$0x6] =	stream.indirect.gather [spmem:s2], $0x80, s4, s14, $0xb8;
	[tilespmem:$0x1FA00] =	vst v63  }
0x35f: {  	_ =	swait.ge [sflag:s19], $0x5000  }
0x360: {  	s0 =	sld [smem:$0x79B]  }
0x361: {  	[sflag:s19] =	ssyncset.done $0x0  }
0x362: {  	[sflag:s19] =	ssyncadd.s32 $0xFFFFB000  }
0x363: {  	[hbm4b:s0+s3] =	stream.linear.scatter [tilespmem:s8], [sflag:$0x7], $0x5000, $0x38;
	[tilespmem:$0x1FA00] =	vst v63  }
0x364: {  	_ =	swait.ge [sflag:s20], $0x5000  }
0x365: {  	[sflag:s20] =	ssyncset.done $0x0  }
0x366: {  	s6 =	simm.s32 $0xF80;
	[sflag:s20] =	ssyncadd.s32 $0xFFFFB000  }
0x367: {  	[tilespmem:s8], [sflag:$0x5] =	stream.indirect.gather [spmem:s2], $0x80, s6, s14, $0xb8;
	[tilespmem:$0x1FA00] =	vst v63  }
0x368: {  	_ =	swait.ge [sflag:s22], $0x5000  }
0x369: {  	s0 =	sld [smem:$0x79C]  }
0x36a: {  	[sflag:s22] =	ssyncset.done $0x0  }
0x36b: {  	[sflag:s22] =	ssyncadd.s32 $0xFFFFB000  }
0x36c: {  	[hbm4b:s0+s3] =	stream.linear.scatter [tilespmem:s18], [sflag:$0x8], $0x5000, $0x38;
	[tilespmem:$0x1FA00] =	vst v63  }
0x36d: {  	_ =	swait.ge [sflag:s23], $0x5000  }
0x36e: {  	[sflag:s23] =	ssyncset.done $0x0  }
0x36f: {  	s17 =	simm.s32 $0x1020;
	[sflag:s23] =	ssyncadd.s32 $0xFFFFB000  }
0x370: {  	[tilespmem:s18], [sflag:$0x6] =	stream.indirect.gather [spmem:s2], $0x80, s17, s14, $0xb8;
	[tilespmem:$0x1FA00] =	vst v63  }
0x371: {  	_ =	swait.ge [sflag:s19], $0x5000  }
0x372: {  	s0 =	sld [smem:$0x79D]  }
0x373: {  	[sflag:s19] =	ssyncset.done $0x0  }
0x374: {  	[sflag:s19] =	ssyncadd.s32 $0xFFFFB000  }
0x375: {  	[hbm4b:s0+s3] =	stream.linear.scatter [tilespmem:s8], [sflag:$0x7], $0x5000, $0x38;
	[tilespmem:$0x1FA00] =	vst v63  }
0x376: {  	_ =	swait.ge [sflag:s20], $0x5000  }
0x377: {  	[sflag:s20] =	ssyncset.done $0x0  }
0x378: {  	s21 =	simm.s32 $0x10C0;
	[sflag:s20] =	ssyncadd.s32 $0xFFFFB000  }
0x379: {  	[tilespmem:s8], [sflag:$0x5] =	stream.indirect.gather [spmem:s2], $0x80, s21, s14, $0xb8;
	[tilespmem:$0x1FA00] =	vst v63  }
0x37a: {  	_ =	swait.ge [sflag:s22], $0x5000  }
0x37b: {  	s0 =	sld [smem:$0x79E]  }
0x37c: {  	[sflag:s22] =	ssyncset.done $0x0  }
0x37d: {  	[sflag:s22] =	ssyncadd.s32 $0xFFFFB000  }
0x37e: {  	[hbm4b:s0+s3] =	stream.linear.scatter [tilespmem:s18], [sflag:$0x8], $0x5000, $0x38;
	[tilespmem:$0x1FA00] =	vst v63  }
0x37f: {  	_ =	swait.ge [sflag:s23], $0x5000  }
0x380: {  	[sflag:s23] =	ssyncset.done $0x0  }
0x381: {  	s24 =	simm.s32 $0x1160;
	[sflag:s23] =	ssyncadd.s32 $0xFFFFB000  }
0x382: {  	[tilespmem:s18], [sflag:$0x6] =	stream.indirect.gather [spmem:s2], $0x80, s24, s14, $0xb8;
	[tilespmem:$0x1FA00] =	vst v63  }
0x383: {  	_ =	swait.ge [sflag:s19], $0x5000  }
0x384: {  	s0 =	sld [smem:$0x79F]  }
0x385: {  	[sflag:s19] =	ssyncset.done $0x0  }
0x386: {  	[sflag:s19] =	ssyncadd.s32 $0xFFFFB000  }
0x387: {  	[hbm4b:s0+s3] =	stream.linear.scatter [tilespmem:s8], [sflag:$0x7], $0x5000, $0x38;
	[tilespmem:$0x1FA00] =	vst v63  }
0x388: {  	_ =	swait.ge [sflag:s20], $0x5000  }
0x389: {  	[sflag:s20] =	ssyncset.done $0x0  }
0x38a: {  	s25 =	simm.s32 $0x1200;
	[sflag:s20] =	ssyncadd.s32 $0xFFFFB000  }
0x38b: {  	[tilespmem:s8], [sflag:$0x5] =	stream.indirect.gather [spmem:s2], $0x80, s25, s14, $0xb8;
	[tilespmem:$0x1FA00] =	vst v63  }
0x38c: {  	_ =	swait.ge [sflag:s22], $0x5000  }
0x38d: {  	s0 =	sld [smem:$0x7A0]  }
0x38e: {  	[sflag:s22] =	ssyncset.done $0x0  }
0x38f: {  	[sflag:s22] =	ssyncadd.s32 $0xFFFFB000  }
0x390: {  	[hbm4b:s0+s3] =	stream.linear.scatter [tilespmem:s18], [sflag:$0x8], $0x5000, $0x38;
	[tilespmem:$0x1FA00] =	vst v63  }
0x391: {  	_ =	swait.ge [sflag:s23], $0x5000  }
0x392: {  	[sflag:s23] =	ssyncset.done $0x0  }
0x393: {  	s26 =	simm.s32 $0x12A0;
	[sflag:s23] =	ssyncadd.s32 $0xFFFFB000  }
0x394: {  	[tilespmem:s18], [sflag:$0x6] =	stream.indirect.gather [spmem:s2], $0x80, s26, s14, $0xb8;
	[tilespmem:$0x1FA00] =	vst v63  }
0x395: {  	_ =	swait.ge [sflag:s19], $0x5000  }
0x396: {  	s0 =	sld [smem:$0x7A1]  }
0x397: {  	[sflag:s19] =	ssyncset.done $0x0  }
0x398: {  	[sflag:s19] =	ssyncadd.s32 $0xFFFFB000  }
0x399: {  	[hbm4b:s0+s3] =	stream.linear.scatter [tilespmem:s8], [sflag:$0x7], $0x5000, $0x38;
	[tilespmem:$0x1FA00] =	vst v63  }
0x39a: {  	_ =	swait.ge [sflag:s20], $0x5000  }
0x39b: {  	[sflag:s20] =	ssyncset.done $0x0  }
0x39c: {  	[sflag:s20] =	ssyncadd.s32 $0xFFFFB000  }
0x39d: {  	_ =	swait.ge [sflag:s1], $0x640  }
0x39e: {  	[sflag:s1] =	ssyncset.done $0x0  }
0x39f: {  	[sflag:s1] =	ssyncadd.s32 $0xFFFFF9C0  }
0x3a0: {  	[tilespmem:s8], [sflag:$0x5] =	stream.indirect.gather [spmem:s2], $0x80, s16, s14, $0xb8;
	[tilespmem:$0x1FA00] =	vst v63  }
0x3a1: {  	_ =	swait.ge [sflag:s22], $0x5000  }
0x3a2: {  	s0 =	sld [smem:$0x7A2]  }
0x3a3: {  	[sflag:s22] =	ssyncset.done $0x0  }
0x3a4: {  	[sflag:s22] =	ssyncadd.s32 $0xFFFFB000  }
0x3a5: {  	[hbm4b:s0+s3] =	stream.linear.scatter [tilespmem:s18], [sflag:$0x8], $0x5000, $0x38;
	[tilespmem:$0x1FA00] =	vst v63  }
0x3a6: {  	_ =	swait.ge [sflag:s10], $0x640  }
0x3a7: {  	[sflag:s10] =	ssyncset.done $0x0  }
0x3a8: {  	[sflag:s10] =	ssyncadd.s32 $0xFFFFF9C0  }
0x3a9: {  	[tilespmem:s12], [sflag:$0x3] =	stream.indirect.gather [hbm4b:s5+s11], $0x1, s3, s11, $0xb8;
	[tilespmem:$0x1FA00] =	vst v63  }
0x3aa: {  	s0 =	rddreg [dreg:$0x15]  }
0x3ab: {  	[tilespmem:s7], [sflag:$0x2] =	stream.linear.gather [hbm4b:s0+s3], $0x640, $0x38;
	[tilespmem:$0x1FA00] =	vst v63  }
0x3ac: {  	_ =	swait.ge [sflag:s23], $0x5000  }
0x3ad: {  	[sflag:s23] =	ssyncset.done $0x0  }
0x3ae: {  	s0 =	simm.s32 $0x1420;
	[sflag:s23] =	ssyncadd.s32 $0xFFFFB000  }
0x3af: {  	[tilespmem:s18], [sflag:$0x6] =	stream.indirect.gather [spmem:s2], $0x80, s0, s14, $0xb8;
	[tilespmem:$0x1FA00] =	vst v63  }
0x3b0: {  	_ =	swait.ge [sflag:s19], $0x5000  }
0x3b1: {  	s0 =	sld [smem:$0x7A3]  }
0x3b2: {  	[sflag:s19] =	ssyncset.done $0x0  }
0x3b3: {  	[sflag:s19] =	ssyncadd.s32 $0xFFFFB000  }
0x3b4: {  	[hbm4b:s0+s3] =	stream.linear.scatter [tilespmem:s8], [sflag:$0x7], $0x5000, $0x38;
	[tilespmem:$0x1FA00] =	vst v63  }
0x3b5: {  	_ =	swait.ge [sflag:s20], $0x5000  }
0x3b6: {  	[sflag:s20] =	ssyncset.done $0x0  }
0x3b7: {  	s28 =	simm.s32 $0x14C0;
	[sflag:s20] =	ssyncadd.s32 $0xFFFFB000  }
0x3b8: {  	[tilespmem:s8], [sflag:$0x5] =	stream.indirect.gather [spmem:s2], $0x80, s28, s14, $0xb8;
	[tilespmem:$0x1FA00] =	vst v63  }
0x3b9: {  	_ =	swait.ge [sflag:s22], $0x5000  }
0x3ba: {  	s0 =	sld [smem:$0x7A4]  }
0x3bb: {  	[sflag:s22] =	ssyncset.done $0x0  }
0x3bc: {  	[sflag:s22] =	ssyncadd.s32 $0xFFFFB000  }
0x3bd: {  	[hbm4b:s0+s3] =	stream.linear.scatter [tilespmem:s18], [sflag:$0x8], $0x5000, $0x38;
	[tilespmem:$0x1FA00] =	vst v63  }
0x3be: {  	_ =	swait.ge [sflag:s23], $0x5000  }
0x3bf: {  	[sflag:s23] =	ssyncset.done $0x0  }
0x3c0: {  	s30 =	simm.s32 $0x1560;
	[sflag:s23] =	ssyncadd.s32 $0xFFFFB000  }
0x3c1: {  	[tilespmem:s18], [sflag:$0x6] =	stream.indirect.gather [spmem:s2], $0x80, s30, s14, $0xb8;
	[tilespmem:$0x1FA00] =	vst v63  }
0x3c2: {  	_ =	swait.ge [sflag:s19], $0x5000  }
0x3c3: {  	s0 =	sld [smem:$0x7A5]  }
0x3c4: {  	[sflag:s19] =	ssyncset.done $0x0  }
0x3c5: {  	[sflag:s19] =	ssyncadd.s32 $0xFFFFB000  }
0x3c6: {  	[hbm4b:s0+s3] =	stream.linear.scatter [tilespmem:s8], [sflag:$0x7], $0x5000, $0x38;
	[tilespmem:$0x1FA00] =	vst v63  }
0x3c7: {  	_ =	swait.ge [sflag:s20], $0x5000  }
0x3c8: {  	[sflag:s20] =	ssyncset.done $0x0  }
0x3c9: {  	s31 =	simm.s32 $0x1600;
	[sflag:s20] =	ssyncadd.s32 $0xFFFFB000  }
0x3ca: {  	[tilespmem:s8], [sflag:$0x5] =	stream.indirect.gather [spmem:s2], $0x80, s31, s14, $0xb8;
	[tilespmem:$0x1FA00] =	vst v63  }
0x3cb: {  	_ =	swait.ge [sflag:s22], $0x5000  }
0x3cc: {  	s0 =	sld [smem:$0x7A6]  }
0x3cd: {  	[sflag:s22] =	ssyncset.done $0x0  }
0x3ce: {  	[sflag:s22] =	ssyncadd.s32 $0xFFFFB000  }
0x3cf: {  	[hbm4b:s0+s3] =	stream.linear.scatter [tilespmem:s18], [sflag:$0x8], $0x5000, $0x38;
	[tilespmem:$0x1FA00] =	vst v63  }
0x3d0: {  	_ =	swait.ge [sflag:s23], $0x5000  }
0x3d1: {  	[sflag:s23] =	ssyncset.done $0x0  }
0x3d2: {  	s0 =	simm.s32 $0x16A0;
	[sflag:s23] =	ssyncadd.s32 $0xFFFFB000  }
0x3d3: {  	[tilespmem:s18], [sflag:$0x6] =	stream.indirect.gather [spmem:s2], $0x80, s0, s14, $0xb8;
	[tilespmem:$0x1FA00] =	vst v63  }
0x3d4: {  	_ =	swait.ge [sflag:s19], $0x5000  }
0x3d5: {  	s0 =	sld [smem:$0x7A7]  }
0x3d6: {  	[sflag:s19] =	ssyncset.done $0x0  }
0x3d7: {  	[sflag:s19] =	ssyncadd.s32 $0xFFFFB000  }
0x3d8: {  	[hbm4b:s0+s3] =	stream.linear.scatter [tilespmem:s8], [sflag:$0x7], $0x5000, $0x38;
	[tilespmem:$0x1FA00] =	vst v63  }
0x3d9: {  	_ =	swait.ge [sflag:s20], $0x5000  }
0x3da: {  	[sflag:s20] =	ssyncset.done $0x0  }
0x3db: {  	s0 =	simm.s32 $0x1740;
	[sflag:s20] =	ssyncadd.s32 $0xFFFFB000  }
0x3dc: {  	[tilespmem:s8], [sflag:$0x5] =	stream.indirect.gather [spmem:s2], $0x80, s0, s14, $0xb8;
	[tilespmem:$0x1FA00] =	vst v63  }
0x3dd: {  	_ =	swait.ge [sflag:s22], $0x5000  }
0x3de: {  	s0 =	sld [smem:$0x7A8]  }
0x3df: {  	[sflag:s22] =	ssyncset.done $0x0  }
0x3e0: {  	[sflag:s22] =	ssyncadd.s32 $0xFFFFB000  }
0x3e1: {  	[hbm4b:s0+s3] =	stream.linear.scatter [tilespmem:s18], [sflag:$0x8], $0x5000, $0x38;
	[tilespmem:$0x1FA00] =	vst v63  }
0x3e2: {  	_ =	swait.ge [sflag:s23], $0x5000  }
0x3e3: {  	[sflag:s23] =	ssyncset.done $0x0  }
0x3e4: {  	s0 =	simm.s32 $0x17E0;
	[sflag:s23] =	ssyncadd.s32 $0xFFFFB000  }
0x3e5: {  	[tilespmem:s18], [sflag:$0x6] =	stream.indirect.gather [spmem:s2], $0x80, s0, s14, $0xb8;
	[tilespmem:$0x1FA00] =	vst v63  }
0x3e6: {  	_ =	swait.ge [sflag:s19], $0x5000  }
0x3e7: {  	s0 =	sld [smem:$0x7A9]  }
0x3e8: {  	[sflag:s19] =	ssyncset.done $0x0  }
0x3e9: {  	[sflag:s19] =	ssyncadd.s32 $0xFFFFB000  }
0x3ea: {  	[hbm4b:s0+s3] =	stream.linear.scatter [tilespmem:s8], [sflag:$0x7], $0x5000, $0x38;
	[tilespmem:$0x1FA00] =	vst v63  }
0x3eb: {  	_ =	swait.ge [sflag:s20], $0x5000  }
0x3ec: {  	[sflag:s20] =	ssyncset.done $0x0  }
0x3ed: {  	s0 =	simm.s32 $0x1880;
	[sflag:s20] =	ssyncadd.s32 $0xFFFFB000  }
0x3ee: {  	[tilespmem:s8], [sflag:$0x5] =	stream.indirect.gather [spmem:s2], $0x80, s0, s14, $0xb8;
	[tilespmem:$0x1FA00] =	vst v63  }
0x3ef: {  	_ =	swait.ge [sflag:s22], $0x5000  }
0x3f0: {  	s0 =	sld [smem:$0x7AA]  }
0x3f1: {  	[sflag:s22] =	ssyncset.done $0x0  }
0x3f2: {  	[sflag:s22] =	ssyncadd.s32 $0xFFFFB000  }
0x3f3: {  	[hbm4b:s0+s3] =	stream.linear.scatter [tilespmem:s18], [sflag:$0x8], $0x5000, $0x38;
	[tilespmem:$0x1FA00] =	vst v63  }
0x3f4: {  	_ =	swait.ge [sflag:s23], $0x5000  }
0x3f5: {  	[sflag:s23] =	ssyncset.done $0x0  }
0x3f6: {  	s0 =	simm.s32 $0x1920;
	[sflag:s23] =	ssyncadd.s32 $0xFFFFB000  }
0x3f7: {  	[tilespmem:s18], [sflag:$0x6] =	stream.indirect.gather [spmem:s2], $0x80, s0, s14, $0xb8;
	[tilespmem:$0x1FA00] =	vst v63  }
0x3f8: {  	_ =	swait.ge [sflag:s19], $0x5000  }
0x3f9: {  	s0 =	sld [smem:$0x7AB]  }
0x3fa: {  	[sflag:s19] =	ssyncset.done $0x0  }
0x3fb: {  	[sflag:s19] =	ssyncadd.s32 $0xFFFFB000  }
0x3fc: {  	[hbm4b:s0+s3] =	stream.linear.scatter [tilespmem:s8], [sflag:$0x7], $0x5000, $0x38;
	[tilespmem:$0x1FA00] =	vst v63  }
0x3fd: {  	_ =	swait.ge [sflag:s20], $0x5000  }
0x3fe: {  	[sflag:s20] =	ssyncset.done $0x0  }
0x3ff: {  	[sflag:s20] =	ssyncadd.s32 $0xFFFFB000  }
0x400: {  	_ =	swait.ge [sflag:s13], $0x640  }
0x401: {  	[sflag:s13] =	ssyncset.done $0x0  }
0x402: {  	[sflag:s13] =	ssyncadd.s32 $0xFFFFF9C0  }
0x403: {  	[tilespmem:s8], [sflag:$0x5] =	stream.indirect.gather [spmem:s2], $0x80, s12, s14, $0xb8;
	[tilespmem:$0x1FA00] =	vst v63  }
0x404: {  	_ =	swait.ge [sflag:s22], $0x5000  }
0x405: {  	s0 =	sld [smem:$0x7AC]  }
0x406: {  	[sflag:s22] =	ssyncset.done $0x0  }
0x407: {  	[sflag:s22] =	ssyncadd.s32 $0xFFFFB000  }
0x408: {  	[hbm4b:s0+s3] =	stream.linear.scatter [tilespmem:s18], [sflag:$0x8], $0x5000, $0x38;
	[tilespmem:$0x1FA00] =	vst v63  }
0x409: {  	_ =	swait.ge [sflag:s15], $0x640  }
0x40a: {  	[sflag:s15] =	ssyncset.done $0x0  }
0x40b: {  	[sflag:s15] =	ssyncadd.s32 $0xFFFFF9C0  }
0x40c: {  	[tilespmem:s16], [sflag:$0x4] =	stream.indirect.gather [hbm4b:s5+s11], $0x1, s7, s11, $0xb8;
	[tilespmem:$0x1FA00] =	vst v63  }
0x40d: {  	s0 =	rddreg [dreg:$0x16]  }
0x40e: {  	[tilespmem:s3], [sflag:$0x1] =	stream.linear.gather [hbm4b:s0+s3], $0x640, $0x38;
	[tilespmem:$0x1FA00] =	vst v63  }
0x40f: {  	_ =	swait.ge [sflag:s23], $0x5000  }
0x410: {  	[sflag:s23] =	ssyncset.done $0x0  }
0x411: {  	s0 =	simm.s32 $0xDA0;
	[sflag:s23] =	ssyncadd.s32 $0xFFFFB000  }
0x412: {  	[tilespmem:s18], [sflag:$0x6] =	stream.indirect.gather [spmem:s2], $0x80, s0, s14, $0xb8;
	[tilespmem:$0x1FA00] =	vst v63  }
0x413: {  	_ =	swait.ge [sflag:s19], $0x5000  }
0x414: {  	s0 =	sld [smem:$0x7AD]  }
0x415: {  	[sflag:s19] =	ssyncset.done $0x0  }
0x416: {  	[sflag:s19] =	ssyncadd.s32 $0xFFFFB000  }
0x417: {  	[hbm4b:s0+s3] =	stream.linear.scatter [tilespmem:s8], [sflag:$0x7], $0x5000, $0x38;
	[tilespmem:$0x1FA00] =	vst v63  }
0x418: {  	_ =	swait.ge [sflag:s20], $0x5000  }
0x419: {  	[sflag:s20] =	ssyncset.done $0x0  }
0x41a: {  	s29 =	simm.s32 $0xE40;
	[sflag:s20] =	ssyncadd.s32 $0xFFFFB000  }
0x41b: {  	[tilespmem:s8], [sflag:$0x5] =	stream.indirect.gather [spmem:s2], $0x80, s29, s14, $0xb8;
	[tilespmem:$0x1FA00] =	vst v63  }
0x41c: {  	_ =	swait.ge [sflag:s22], $0x5000  }
0x41d: {  	s0 =	sld [smem:$0x7AE]  }
0x41e: {  	[sflag:s22] =	ssyncset.done $0x0  }
0x41f: {  	[sflag:s22] =	ssyncadd.s32 $0xFFFFB000  }
0x420: {  	[hbm4b:s0+s3] =	stream.linear.scatter [tilespmem:s18], [sflag:$0x8], $0x5000, $0x38;
	[tilespmem:$0x1FA00] =	vst v63  }
0x421: {  	_ =	swait.ge [sflag:s23], $0x5000  }
0x422: {  	[sflag:s23] =	ssyncset.done $0x0  }
0x423: {  	s4 =	simm.s32 $0xEE0;
	[sflag:s23] =	ssyncadd.s32 $0xFFFFB000  }
0x424: {  	[tilespmem:s18], [sflag:$0x6] =	stream.indirect.gather [spmem:s2], $0x80, s4, s14, $0xb8;
	[tilespmem:$0x1FA00] =	vst v63  }
0x425: {  	_ =	swait.ge [sflag:s19], $0x5000  }
0x426: {  	s0 =	sld [smem:$0x7AF]  }
0x427: {  	[sflag:s19] =	ssyncset.done $0x0  }
0x428: {  	[sflag:s19] =	ssyncadd.s32 $0xFFFFB000  }
0x429: {  	[hbm4b:s0+s3] =	stream.linear.scatter [tilespmem:s8], [sflag:$0x7], $0x5000, $0x38;
	[tilespmem:$0x1FA00] =	vst v63  }
0x42a: {  	_ =	swait.ge [sflag:s20], $0x5000  }
0x42b: {  	[sflag:s20] =	ssyncset.done $0x0  }
0x42c: {  	s6 =	simm.s32 $0xF80;
	[sflag:s20] =	ssyncadd.s32 $0xFFFFB000  }
0x42d: {  	[tilespmem:s8], [sflag:$0x5] =	stream.indirect.gather [spmem:s2], $0x80, s6, s14, $0xb8;
	[tilespmem:$0x1FA00] =	vst v63  }
0x42e: {  	_ =	swait.ge [sflag:s22], $0x5000  }
0x42f: {  	s0 =	sld [smem:$0x7B0]  }
0x430: {  	[sflag:s22] =	ssyncset.done $0x0  }
0x431: {  	[sflag:s22] =	ssyncadd.s32 $0xFFFFB000  }
0x432: {  	[hbm4b:s0+s3] =	stream.linear.scatter [tilespmem:s18], [sflag:$0x8], $0x5000, $0x38;
	[tilespmem:$0x1FA00] =	vst v63  }
0x433: {  	_ =	swait.ge [sflag:s23], $0x5000  }
0x434: {  	[sflag:s23] =	ssyncset.done $0x0  }
0x435: {  	s17 =	simm.s32 $0x1020;
	[sflag:s23] =	ssyncadd.s32 $0xFFFFB000  }
0x436: {  	[tilespmem:s18], [sflag:$0x6] =	stream.indirect.gather [spmem:s2], $0x80, s17, s14, $0xb8;
	[tilespmem:$0x1FA00] =	vst v63  }
0x437: {  	_ =	swait.ge [sflag:s19], $0x5000  }
0x438: {  	s0 =	sld [smem:$0x7B1]  }
0x439: {  	[sflag:s19] =	ssyncset.done $0x0  }
0x43a: {  	[sflag:s19] =	ssyncadd.s32 $0xFFFFB000  }
0x43b: {  	[hbm4b:s0+s3] =	stream.linear.scatter [tilespmem:s8], [sflag:$0x7], $0x5000, $0x38;
	[tilespmem:$0x1FA00] =	vst v63  }
0x43c: {  	_ =	swait.ge [sflag:s20], $0x5000  }
0x43d: {  	[sflag:s20] =	ssyncset.done $0x0  }
0x43e: {  	s21 =	simm.s32 $0x10C0;
	[sflag:s20] =	ssyncadd.s32 $0xFFFFB000  }
0x43f: {  	[tilespmem:s8], [sflag:$0x5] =	stream.indirect.gather [spmem:s2], $0x80, s21, s14, $0xb8;
	[tilespmem:$0x1FA00] =	vst v63  }
0x440: {  	_ =	swait.ge [sflag:s22], $0x5000  }
0x441: {  	s0 =	sld [smem:$0x7B2]  }
0x442: {  	[sflag:s22] =	ssyncset.done $0x0  }
0x443: {  	[sflag:s22] =	ssyncadd.s32 $0xFFFFB000  }
0x444: {  	[hbm4b:s0+s3] =	stream.linear.scatter [tilespmem:s18], [sflag:$0x8], $0x5000, $0x38;
	[tilespmem:$0x1FA00] =	vst v63  }
0x445: {  	_ =	swait.ge [sflag:s23], $0x5000  }
0x446: {  	[sflag:s23] =	ssyncset.done $0x0  }
0x447: {  	s24 =	simm.s32 $0x1160;
	[sflag:s23] =	ssyncadd.s32 $0xFFFFB000  }
0x448: {  	[tilespmem:s18], [sflag:$0x6] =	stream.indirect.gather [spmem:s2], $0x80, s24, s14, $0xb8;
	[tilespmem:$0x1FA00] =	vst v63  }
0x449: {  	_ =	swait.ge [sflag:s19], $0x5000  }
0x44a: {  	s0 =	sld [smem:$0x7B3]  }
0x44b: {  	[sflag:s19] =	ssyncset.done $0x0  }
0x44c: {  	[sflag:s19] =	ssyncadd.s32 $0xFFFFB000  }
0x44d: {  	[hbm4b:s0+s3] =	stream.linear.scatter [tilespmem:s8], [sflag:$0x7], $0x5000, $0x38;
	[tilespmem:$0x1FA00] =	vst v63  }
0x44e: {  	_ =	swait.ge [sflag:s20], $0x5000  }
0x44f: {  	[sflag:s20] =	ssyncset.done $0x0  }
0x450: {  	s25 =	simm.s32 $0x1200;
	[sflag:s20] =	ssyncadd.s32 $0xFFFFB000  }
0x451: {  	[tilespmem:s8], [sflag:$0x5] =	stream.indirect.gather [spmem:s2], $0x80, s25, s14, $0xb8;
	[tilespmem:$0x1FA00] =	vst v63  }
0x452: {  	_ =	swait.ge [sflag:s22], $0x5000  }
0x453: {  	s0 =	sld [smem:$0x7B4]  }
0x454: {  	[sflag:s22] =	ssyncset.done $0x0  }
0x455: {  	[sflag:s22] =	ssyncadd.s32 $0xFFFFB000  }
0x456: {  	[hbm4b:s0+s3] =	stream.linear.scatter [tilespmem:s18], [sflag:$0x8], $0x5000, $0x38;
	[tilespmem:$0x1FA00] =	vst v63  }
0x457: {  	_ =	swait.ge [sflag:s23], $0x5000  }
0x458: {  	[sflag:s23] =	ssyncset.done $0x0  }
0x459: {  	s26 =	simm.s32 $0x12A0;
	[sflag:s23] =	ssyncadd.s32 $0xFFFFB000  }
0x45a: {  	[tilespmem:s18], [sflag:$0x6] =	stream.indirect.gather [spmem:s2], $0x80, s26, s14, $0xb8;
	[tilespmem:$0x1FA00] =	vst v63  }
0x45b: {  	_ =	swait.ge [sflag:s19], $0x5000  }
0x45c: {  	s0 =	sld [smem:$0x7B5]  }
0x45d: {  	[sflag:s19] =	ssyncset.done $0x0  }
0x45e: {  	[sflag:s19] =	ssyncadd.s32 $0xFFFFB000  }
0x45f: {  	[hbm4b:s0+s3] =	stream.linear.scatter [tilespmem:s8], [sflag:$0x7], $0x5000, $0x38;
	[tilespmem:$0x1FA00] =	vst v63  }
0x460: {  	_ =	swait.ge [sflag:s20], $0x5000  }
0x461: {  	[sflag:s20] =	ssyncset.done $0x0  }
0x462: {  	[sflag:s20] =	ssyncadd.s32 $0xFFFFB000  }
0x463: {  	_ =	swait.ge [sflag:s1], $0x640  }
0x464: {  	[sflag:s1] =	ssyncset.done $0x0  }
0x465: {  	[sflag:s1] =	ssyncadd.s32 $0xFFFFF9C0  }
0x466: {  	[tilespmem:s8], [sflag:$0x5] =	stream.indirect.gather [spmem:s2], $0x80, s16, s14, $0xb8;
	[tilespmem:$0x1FA00] =	vst v63  }
0x467: {  	_ =	swait.ge [sflag:s22], $0x5000  }
0x468: {  	s0 =	sld [smem:$0x7B6]  }
0x469: {  	[sflag:s22] =	ssyncset.done $0x0  }
0x46a: {  	[sflag:s22] =	ssyncadd.s32 $0xFFFFB000  }
0x46b: {  	[hbm4b:s0+s3] =	stream.linear.scatter [tilespmem:s18], [sflag:$0x8], $0x5000, $0x38;
	[tilespmem:$0x1FA00] =	vst v63  }
0x46c: {  	_ =	swait.ge [sflag:s10], $0x640  }
0x46d: {  	[sflag:s10] =	ssyncset.done $0x0  }
0x46e: {  	[sflag:s10] =	ssyncadd.s32 $0xFFFFF9C0  }
0x46f: {  	[tilespmem:s12], [sflag:$0x3] =	stream.indirect.gather [hbm4b:s5+s11], $0x1, s3, s11, $0xb8;
	[tilespmem:$0x1FA00] =	vst v63  }
0x470: {  	s0 =	rddreg [dreg:$0x17]  }
0x471: {  	[tilespmem:s7], [sflag:$0x2] =	stream.linear.gather [hbm4b:s0+s3], $0x640, $0x38;
	[tilespmem:$0x1FA00] =	vst v63  }
0x472: {  	_ =	swait.ge [sflag:s23], $0x5000  }
0x473: {  	[sflag:s23] =	ssyncset.done $0x0  }
0x474: {  	s0 =	simm.s32 $0x1420;
	[sflag:s23] =	ssyncadd.s32 $0xFFFFB000  }
0x475: {  	[tilespmem:s18], [sflag:$0x6] =	stream.indirect.gather [spmem:s2], $0x80, s0, s14, $0xb8;
	[tilespmem:$0x1FA00] =	vst v63  }
0x476: {  	_ =	swait.ge [sflag:s19], $0x5000  }
0x477: {  	s0 =	sld [smem:$0x7B7]  }
0x478: {  	[sflag:s19] =	ssyncset.done $0x0  }
0x479: {  	[sflag:s19] =	ssyncadd.s32 $0xFFFFB000  }
0x47a: {  	[hbm4b:s0+s3] =	stream.linear.scatter [tilespmem:s8], [sflag:$0x7], $0x5000, $0x38;
	[tilespmem:$0x1FA00] =	vst v63  }
0x47b: {  	_ =	swait.ge [sflag:s20], $0x5000  }
0x47c: {  	[sflag:s20] =	ssyncset.done $0x0  }
0x47d: {  	s28 =	simm.s32 $0x14C0;
	[sflag:s20] =	ssyncadd.s32 $0xFFFFB000  }
0x47e: {  	[tilespmem:s8], [sflag:$0x5] =	stream.indirect.gather [spmem:s2], $0x80, s28, s14, $0xb8;
	[tilespmem:$0x1FA00] =	vst v63  }
0x47f: {  	_ =	swait.ge [sflag:s22], $0x5000  }
0x480: {  	s0 =	sld [smem:$0x7B8]  }
0x481: {  	[sflag:s22] =	ssyncset.done $0x0  }
0x482: {  	[sflag:s22] =	ssyncadd.s32 $0xFFFFB000  }
0x483: {  	[hbm4b:s0+s3] =	stream.linear.scatter [tilespmem:s18], [sflag:$0x8], $0x5000, $0x38;
	[tilespmem:$0x1FA00] =	vst v63  }
0x484: {  	_ =	swait.ge [sflag:s23], $0x5000  }
0x485: {  	[sflag:s23] =	ssyncset.done $0x0  }
0x486: {  	s30 =	simm.s32 $0x1560;
	[sflag:s23] =	ssyncadd.s32 $0xFFFFB000  }
0x487: {  	[tilespmem:s18], [sflag:$0x6] =	stream.indirect.gather [spmem:s2], $0x80, s30, s14, $0xb8;
	[tilespmem:$0x1FA00] =	vst v63  }
0x488: {  	_ =	swait.ge [sflag:s19], $0x5000  }
0x489: {  	s0 =	sld [smem:$0x7B9]  }
0x48a: {  	[sflag:s19] =	ssyncset.done $0x0  }
0x48b: {  	[sflag:s19] =	ssyncadd.s32 $0xFFFFB000  }
0x48c: {  	[hbm4b:s0+s3] =	stream.linear.scatter [tilespmem:s8], [sflag:$0x7], $0x5000, $0x38;
	[tilespmem:$0x1FA00] =	vst v63  }
0x48d: {  	_ =	swait.ge [sflag:s20], $0x5000  }
0x48e: {  	[sflag:s20] =	ssyncset.done $0x0  }
0x48f: {  	s31 =	simm.s32 $0x1600;
	[sflag:s20] =	ssyncadd.s32 $0xFFFFB000  }
0x490: {  	[tilespmem:s8], [sflag:$0x5] =	stream.indirect.gather [spmem:s2], $0x80, s31, s14, $0xb8;
	[tilespmem:$0x1FA00] =	vst v63  }
0x491: {  	_ =	swait.ge [sflag:s22], $0x5000  }
0x492: {  	s0 =	sld [smem:$0x7BA]  }
0x493: {  	[sflag:s22] =	ssyncset.done $0x0  }
0x494: {  	[sflag:s22] =	ssyncadd.s32 $0xFFFFB000  }
0x495: {  	[hbm4b:s0+s3] =	stream.linear.scatter [tilespmem:s18], [sflag:$0x8], $0x5000, $0x38;
	[tilespmem:$0x1FA00] =	vst v63  }
0x496: {  	_ =	swait.ge [sflag:s23], $0x5000  }
0x497: {  	[sflag:s23] =	ssyncset.done $0x0  }
0x498: {  	s0 =	simm.s32 $0x16A0;
	[sflag:s23] =	ssyncadd.s32 $0xFFFFB000  }
0x499: {  	[tilespmem:s18], [sflag:$0x6] =	stream.indirect.gather [spmem:s2], $0x80, s0, s14, $0xb8;
	[tilespmem:$0x1FA00] =	vst v63  }
0x49a: {  	_ =	swait.ge [sflag:s19], $0x5000  }
0x49b: {  	s0 =	sld [smem:$0x7BB]  }
0x49c: {  	[sflag:s19] =	ssyncset.done $0x0  }
0x49d: {  	[sflag:s19] =	ssyncadd.s32 $0xFFFFB000  }
0x49e: {  	[hbm4b:s0+s3] =	stream.linear.scatter [tilespmem:s8], [sflag:$0x7], $0x5000, $0x38;
	[tilespmem:$0x1FA00] =	vst v63  }
0x49f: {  	_ =	swait.ge [sflag:s20], $0x5000  }
0x4a0: {  	[sflag:s20] =	ssyncset.done $0x0  }
0x4a1: {  	s0 =	simm.s32 $0x1740;
	[sflag:s20] =	ssyncadd.s32 $0xFFFFB000  }
0x4a2: {  	[tilespmem:s8], [sflag:$0x5] =	stream.indirect.gather [spmem:s2], $0x80, s0, s14, $0xb8;
	[tilespmem:$0x1FA00] =	vst v63  }
0x4a3: {  	_ =	swait.ge [sflag:s22], $0x5000  }
0x4a4: {  	s0 =	sld [smem:$0x7BC]  }
0x4a5: {  	[sflag:s22] =	ssyncset.done $0x0  }
0x4a6: {  	[sflag:s22] =	ssyncadd.s32 $0xFFFFB000  }
0x4a7: {  	[hbm4b:s0+s3] =	stream.linear.scatter [tilespmem:s18], [sflag:$0x8], $0x5000, $0x38;
	[tilespmem:$0x1FA00] =	vst v63  }
0x4a8: {  	_ =	swait.ge [sflag:s23], $0x5000  }
0x4a9: {  	[sflag:s23] =	ssyncset.done $0x0  }
0x4aa: {  	s0 =	simm.s32 $0x17E0;
	[sflag:s23] =	ssyncadd.s32 $0xFFFFB000  }
0x4ab: {  	[tilespmem:s18], [sflag:$0x6] =	stream.indirect.gather [spmem:s2], $0x80, s0, s14, $0xb8;
	[tilespmem:$0x1FA00] =	vst v63  }
0x4ac: {  	_ =	swait.ge [sflag:s19], $0x5000  }
0x4ad: {  	s0 =	sld [smem:$0x7BD]  }
0x4ae: {  	[sflag:s19] =	ssyncset.done $0x0  }
0x4af: {  	[sflag:s19] =	ssyncadd.s32 $0xFFFFB000  }
0x4b0: {  	[hbm4b:s0+s3] =	stream.linear.scatter [tilespmem:s8], [sflag:$0x7], $0x5000, $0x38;
	[tilespmem:$0x1FA00] =	vst v63  }
0x4b1: {  	_ =	swait.ge [sflag:s20], $0x5000  }
0x4b2: {  	[sflag:s20] =	ssyncset.done $0x0  }
0x4b3: {  	s0 =	simm.s32 $0x1880;
	[sflag:s20] =	ssyncadd.s32 $0xFFFFB000  }
0x4b4: {  	[tilespmem:s8], [sflag:$0x5] =	stream.indirect.gather [spmem:s2], $0x80, s0, s14, $0xb8;
	[tilespmem:$0x1FA00] =	vst v63  }
0x4b5: {  	_ =	swait.ge [sflag:s22], $0x5000  }
0x4b6: {  	s0 =	sld [smem:$0x7BE]  }
0x4b7: {  	[sflag:s22] =	ssyncset.done $0x0  }
0x4b8: {  	[sflag:s22] =	ssyncadd.s32 $0xFFFFB000  }
0x4b9: {  	[hbm4b:s0+s3] =	stream.linear.scatter [tilespmem:s18], [sflag:$0x8], $0x5000, $0x38;
	[tilespmem:$0x1FA00] =	vst v63  }
0x4ba: {  	_ =	swait.ge [sflag:s23], $0x5000  }
0x4bb: {  	[sflag:s23] =	ssyncset.done $0x0  }
0x4bc: {  	s0 =	simm.s32 $0x1920;
	[sflag:s23] =	ssyncadd.s32 $0xFFFFB000  }
0x4bd: {  	[tilespmem:s18], [sflag:$0x6] =	stream.indirect.gather [spmem:s2], $0x80, s0, s14, $0xb8;
	[tilespmem:$0x1FA00] =	vst v63  }
0x4be: {  	_ =	swait.ge [sflag:s19], $0x5000  }
0x4bf: {  	s0 =	sld [smem:$0x7BF]  }
0x4c0: {  	[sflag:s19] =	ssyncset.done $0x0  }
0x4c1: {  	[sflag:s19] =	ssyncadd.s32 $0xFFFFB000  }
0x4c2: {  	[hbm4b:s0+s3] =	stream.linear.scatter [tilespmem:s8], [sflag:$0x7], $0x5000, $0x38;
	[tilespmem:$0x1FA00] =	vst v63  }
0x4c3: {  	_ =	swait.ge [sflag:s20], $0x5000  }
0x4c4: {  	[sflag:s20] =	ssyncset.done $0x0  }
0x4c5: {  	[sflag:s20] =	ssyncadd.s32 $0xFFFFB000  }
0x4c6: {  	_ =	swait.ge [sflag:s13], $0x640  }
0x4c7: {  	[sflag:s13] =	ssyncset.done $0x0  }
0x4c8: {  	[sflag:s13] =	ssyncadd.s32 $0xFFFFF9C0  }
0x4c9: {  	[tilespmem:s8], [sflag:$0x5] =	stream.indirect.gather [spmem:s2], $0x80, s12, s14, $0xb8;
	[tilespmem:$0x1FA00] =	vst v63  }
0x4ca: {  	_ =	swait.ge [sflag:s22], $0x5000  }
0x4cb: {  	s0 =	sld [smem:$0x7C0]  }
0x4cc: {  	[sflag:s22] =	ssyncset.done $0x0  }
0x4cd: {  	[sflag:s22] =	ssyncadd.s32 $0xFFFFB000  }
0x4ce: {  	[hbm4b:s0+s3] =	stream.linear.scatter [tilespmem:s18], [sflag:$0x8], $0x5000, $0x38;
	[tilespmem:$0x1FA00] =	vst v63  }
0x4cf: {  	_ =	swait.ge [sflag:s15], $0x640  }
0x4d0: {  	[sflag:s15] =	ssyncset.done $0x0  }
0x4d1: {  	[sflag:s15] =	ssyncadd.s32 $0xFFFFF9C0  }
0x4d2: {  	[tilespmem:s16], [sflag:$0x4] =	stream.indirect.gather [hbm4b:s5+s11], $0x1, s7, s11, $0xb8;
	[tilespmem:$0x1FA00] =	vst v63  }
0x4d3: {  	s0 =	rddreg [dreg:$0x18]  }
0x4d4: {  	[tilespmem:s3], [sflag:$0x1] =	stream.linear.gather [hbm4b:s0+s3], $0x640, $0x38;
	[tilespmem:$0x1FA00] =	vst v63  }
0x4d5: {  	_ =	swait.ge [sflag:s23], $0x5000  }
0x4d6: {  	[sflag:s23] =	ssyncset.done $0x0  }
0x4d7: {  	s0 =	simm.s32 $0xDA0;
	[sflag:s23] =	ssyncadd.s32 $0xFFFFB000  }
0x4d8: {  	[tilespmem:s18], [sflag:$0x6] =	stream.indirect.gather [spmem:s2], $0x80, s0, s14, $0xb8;
	[tilespmem:$0x1FA00] =	vst v63  }
0x4d9: {  	_ =	swait.ge [sflag:s19], $0x5000  }
0x4da: {  	s0 =	sld [smem:$0x7C1]  }
0x4db: {  	[sflag:s19] =	ssyncset.done $0x0  }
0x4dc: {  	[sflag:s19] =	ssyncadd.s32 $0xFFFFB000  }
0x4dd: {  	[hbm4b:s0+s3] =	stream.linear.scatter [tilespmem:s8], [sflag:$0x7], $0x5000, $0x38;
	[tilespmem:$0x1FA00] =	vst v63  }
0x4de: {  	_ =	swait.ge [sflag:s20], $0x5000  }
0x4df: {  	[sflag:s20] =	ssyncset.done $0x0  }
0x4e0: {  	s29 =	simm.s32 $0xE40;
	[sflag:s20] =	ssyncadd.s32 $0xFFFFB000  }
0x4e1: {  	[tilespmem:s8], [sflag:$0x5] =	stream.indirect.gather [spmem:s2], $0x80, s29, s14, $0xb8;
	[tilespmem:$0x1FA00] =	vst v63  }
0x4e2: {  	_ =	swait.ge [sflag:s22], $0x5000  }
0x4e3: {  	s0 =	sld [smem:$0x7C2]  }
0x4e4: {  	[sflag:s22] =	ssyncset.done $0x0  }
0x4e5: {  	[sflag:s22] =	ssyncadd.s32 $0xFFFFB000  }
0x4e6: {  	[hbm4b:s0+s3] =	stream.linear.scatter [tilespmem:s18], [sflag:$0x8], $0x5000, $0x38;
	[tilespmem:$0x1FA00] =	vst v63  }
0x4e7: {  	_ =	swait.ge [sflag:s23], $0x5000  }
0x4e8: {  	[sflag:s23] =	ssyncset.done $0x0  }
0x4e9: {  	s4 =	simm.s32 $0xEE0;
	[sflag:s23] =	ssyncadd.s32 $0xFFFFB000  }
0x4ea: {  	[tilespmem:s18], [sflag:$0x6] =	stream.indirect.gather [spmem:s2], $0x80, s4, s14, $0xb8;
	[tilespmem:$0x1FA00] =	vst v63  }
0x4eb: {  	_ =	swait.ge [sflag:s19], $0x5000  }
0x4ec: {  	s4 =	sld [smem:$0x7C3]  }
0x4ed: {  	[sflag:s19] =	ssyncset.done $0x0  }
0x4ee: {  	[sflag:s19] =	ssyncadd.s32 $0xFFFFB000  }
0x4ef: {  	[hbm4b:s4+s3] =	stream.linear.scatter [tilespmem:s8], [sflag:$0x7], $0x5000, $0x38;
	[tilespmem:$0x1FA00] =	vst v63  }
0x4f0: {  	_ =	swait.ge [sflag:s20], $0x5000  }
0x4f1: {  	[sflag:s20] =	ssyncset.done $0x0  }
0x4f2: {  	s6 =	simm.s32 $0xF80;
	[sflag:s20] =	ssyncadd.s32 $0xFFFFB000  }
0x4f3: {  	[tilespmem:s8], [sflag:$0x5] =	stream.indirect.gather [spmem:s2], $0x80, s6, s14, $0xb8;
	[tilespmem:$0x1FA00] =	vst v63  }
0x4f4: {  	_ =	swait.ge [sflag:s22], $0x5000  }
0x4f5: {  	s4 =	sld [smem:$0x7C4]  }
0x4f6: {  	[sflag:s22] =	ssyncset.done $0x0  }
0x4f7: {  	[sflag:s22] =	ssyncadd.s32 $0xFFFFB000  }
0x4f8: {  	[hbm4b:s4+s3] =	stream.linear.scatter [tilespmem:s18], [sflag:$0x8], $0x5000, $0x38;
	[tilespmem:$0x1FA00] =	vst v63  }
0x4f9: {  	_ =	swait.ge [sflag:s23], $0x5000  }
0x4fa: {  	[sflag:s23] =	ssyncset.done $0x0  }
0x4fb: {  	s17 =	simm.s32 $0x1020;
	[sflag:s23] =	ssyncadd.s32 $0xFFFFB000  }
0x4fc: {  	[tilespmem:s18], [sflag:$0x6] =	stream.indirect.gather [spmem:s2], $0x80, s17, s14, $0xb8;
	[tilespmem:$0x1FA00] =	vst v63  }
0x4fd: {  	_ =	swait.ge [sflag:s19], $0x5000  }
0x4fe: {  	s4 =	sld [smem:$0x7C5]  }
0x4ff: {  	[sflag:s19] =	ssyncset.done $0x0  }
0x500: {  	[sflag:s19] =	ssyncadd.s32 $0xFFFFB000  }
0x501: {  	[hbm4b:s4+s3] =	stream.linear.scatter [tilespmem:s8], [sflag:$0x7], $0x5000, $0x38;
	[tilespmem:$0x1FA00] =	vst v63  }
0x502: {  	_ =	swait.ge [sflag:s20], $0x5000  }
0x503: {  	[sflag:s20] =	ssyncset.done $0x0  }
0x504: {  	s21 =	simm.s32 $0x10C0;
	[sflag:s20] =	ssyncadd.s32 $0xFFFFB000  }
0x505: {  	[tilespmem:s8], [sflag:$0x5] =	stream.indirect.gather [spmem:s2], $0x80, s21, s14, $0xb8;
	[tilespmem:$0x1FA00] =	vst v63  }
0x506: {  	_ =	swait.ge [sflag:s22], $0x5000  }
0x507: {  	s4 =	sld [smem:$0x7C6]  }
0x508: {  	[sflag:s22] =	ssyncset.done $0x0  }
0x509: {  	[sflag:s22] =	ssyncadd.s32 $0xFFFFB000  }
0x50a: {  	[hbm4b:s4+s3] =	stream.linear.scatter [tilespmem:s18], [sflag:$0x8], $0x5000, $0x38;
	[tilespmem:$0x1FA00] =	vst v63  }
0x50b: {  	_ =	swait.ge [sflag:s23], $0x5000  }
0x50c: {  	[sflag:s23] =	ssyncset.done $0x0  }
0x50d: {  	s24 =	simm.s32 $0x1160;
	[sflag:s23] =	ssyncadd.s32 $0xFFFFB000  }
0x50e: {  	[tilespmem:s18], [sflag:$0x6] =	stream.indirect.gather [spmem:s2], $0x80, s24, s14, $0xb8;
	[tilespmem:$0x1FA00] =	vst v63  }
0x50f: {  	_ =	swait.ge [sflag:s19], $0x5000  }
0x510: {  	s4 =	sld [smem:$0x7C7]  }
0x511: {  	[sflag:s19] =	ssyncset.done $0x0  }
0x512: {  	[sflag:s19] =	ssyncadd.s32 $0xFFFFB000  }
0x513: {  	[hbm4b:s4+s3] =	stream.linear.scatter [tilespmem:s8], [sflag:$0x7], $0x5000, $0x38;
	[tilespmem:$0x1FA00] =	vst v63  }
0x514: {  	_ =	swait.ge [sflag:s20], $0x5000  }
0x515: {  	[sflag:s20] =	ssyncset.done $0x0  }
0x516: {  	s25 =	simm.s32 $0x1200;
	[sflag:s20] =	ssyncadd.s32 $0xFFFFB000  }
0x517: {  	[tilespmem:s8], [sflag:$0x5] =	stream.indirect.gather [spmem:s2], $0x80, s25, s14, $0xb8;
	[tilespmem:$0x1FA00] =	vst v63  }
0x518: {  	_ =	swait.ge [sflag:s22], $0x5000  }
0x519: {  	s4 =	sld [smem:$0x7C8]  }
0x51a: {  	[sflag:s22] =	ssyncset.done $0x0  }
0x51b: {  	[sflag:s22] =	ssyncadd.s32 $0xFFFFB000  }
0x51c: {  	[hbm4b:s4+s3] =	stream.linear.scatter [tilespmem:s18], [sflag:$0x8], $0x5000, $0x38;
	[tilespmem:$0x1FA00] =	vst v63  }
0x51d: {  	_ =	swait.ge [sflag:s23], $0x5000  }
0x51e: {  	[sflag:s23] =	ssyncset.done $0x0  }
0x51f: {  	s26 =	simm.s32 $0x12A0;
	[sflag:s23] =	ssyncadd.s32 $0xFFFFB000  }
0x520: {  	[tilespmem:s18], [sflag:$0x6] =	stream.indirect.gather [spmem:s2], $0x80, s26, s14, $0xb8;
	[tilespmem:$0x1FA00] =	vst v63  }
0x521: {  	_ =	swait.ge [sflag:s19], $0x5000  }
0x522: {  	s4 =	sld [smem:$0x7C9]  }
0x523: {  	[sflag:s19] =	ssyncset.done $0x0  }
0x524: {  	[sflag:s19] =	ssyncadd.s32 $0xFFFFB000  }
0x525: {  	[hbm4b:s4+s3] =	stream.linear.scatter [tilespmem:s8], [sflag:$0x7], $0x5000, $0x38;
	[tilespmem:$0x1FA00] =	vst v63  }
0x526: {  	_ =	swait.ge [sflag:s20], $0x5000  }
0x527: {  	[sflag:s20] =	ssyncset.done $0x0  }
0x528: {  	[sflag:s20] =	ssyncadd.s32 $0xFFFFB000  }
0x529: {  	_ =	swait.ge [sflag:s1], $0x640  }
0x52a: {  	[sflag:s1] =	ssyncset.done $0x0  }
0x52b: {  	[sflag:s1] =	ssyncadd.s32 $0xFFFFF9C0  }
0x52c: {  	[tilespmem:s8], [sflag:$0x5] =	stream.indirect.gather [spmem:s2], $0x80, s16, s14, $0xb8;
	[tilespmem:$0x1FA00] =	vst v63  }
0x52d: {  	_ =	swait.ge [sflag:s22], $0x5000  }
0x52e: {  	s4 =	sld [smem:$0x7CA]  }
0x52f: {  	[sflag:s22] =	ssyncset.done $0x0  }
0x530: {  	[sflag:s22] =	ssyncadd.s32 $0xFFFFB000  }
0x531: {  	[hbm4b:s4+s3] =	stream.linear.scatter [tilespmem:s18], [sflag:$0x8], $0x5000, $0x38;
	[tilespmem:$0x1FA00] =	vst v63  }
0x532: {  	_ =	swait.ge [sflag:s10], $0x640  }
0x533: {  	[sflag:s10] =	ssyncset.done $0x0  }
0x534: {  	[sflag:s10] =	ssyncadd.s32 $0xFFFFF9C0  }
0x535: {  	[tilespmem:s12], [sflag:$0x3] =	stream.indirect.gather [hbm4b:s5+s11], $0x1, s3, s11, $0xb8;
	[tilespmem:$0x1FA00] =	vst v63  }
0x536: {  	s4 =	rddreg [dreg:$0x19]  }
0x537: {  	[tilespmem:s7], [sflag:$0x2] =	stream.linear.gather [hbm4b:s4+s3], $0x640, $0x38;
	[tilespmem:$0x1FA00] =	vst v63  }
0x538: {  	_ =	swait.ge [sflag:s23], $0x5000  }
0x539: {  	[sflag:s23] =	ssyncset.done $0x0  }
0x53a: {  	s4 =	simm.s32 $0x1420;
	[sflag:s23] =	ssyncadd.s32 $0xFFFFB000  }
0x53b: {  	[tilespmem:s18], [sflag:$0x6] =	stream.indirect.gather [spmem:s2], $0x80, s4, s14, $0xb8;
	[tilespmem:$0x1FA00] =	vst v63  }
0x53c: {  	_ =	swait.ge [sflag:s19], $0x5000  }
0x53d: {  	s4 =	sld [smem:$0x7CB]  }
0x53e: {  	[sflag:s19] =	ssyncset.done $0x0  }
0x53f: {  	[sflag:s19] =	ssyncadd.s32 $0xFFFFB000  }
0x540: {  	[hbm4b:s4+s3] =	stream.linear.scatter [tilespmem:s8], [sflag:$0x7], $0x5000, $0x38;
	[tilespmem:$0x1FA00] =	vst v63  }
0x541: {  	_ =	swait.ge [sflag:s20], $0x5000  }
0x542: {  	[sflag:s20] =	ssyncset.done $0x0  }
0x543: {  	s28 =	simm.s32 $0x14C0;
	[sflag:s20] =	ssyncadd.s32 $0xFFFFB000  }
0x544: {  	[tilespmem:s8], [sflag:$0x5] =	stream.indirect.gather [spmem:s2], $0x80, s28, s14, $0xb8;
	[tilespmem:$0x1FA00] =	vst v63  }
0x545: {  	_ =	swait.ge [sflag:s22], $0x5000  }
0x546: {  	s28 =	sld [smem:$0x7CC]  }
0x547: {  	[sflag:s22] =	ssyncset.done $0x0  }
0x548: {  	[sflag:s22] =	ssyncadd.s32 $0xFFFFB000  }
0x549: {  	[hbm4b:s28+s3] =	stream.linear.scatter [tilespmem:s18], [sflag:$0x8], $0x5000, $0x38;
	[tilespmem:$0x1FA00] =	vst v63  }
0x54a: {  	_ =	swait.ge [sflag:s23], $0x5000  }
0x54b: {  	[sflag:s23] =	ssyncset.done $0x0  }
0x54c: {  	s30 =	simm.s32 $0x1560;
	[sflag:s23] =	ssyncadd.s32 $0xFFFFB000  }
0x54d: {  	[tilespmem:s18], [sflag:$0x6] =	stream.indirect.gather [spmem:s2], $0x80, s30, s14, $0xb8;
	[tilespmem:$0x1FA00] =	vst v63  }
0x54e: {  	_ =	swait.ge [sflag:s19], $0x5000  }
0x54f: {  	s30 =	sld [smem:$0x7CD]  }
0x550: {  	[sflag:s19] =	ssyncset.done $0x0  }
0x551: {  	[sflag:s19] =	ssyncadd.s32 $0xFFFFB000  }
0x552: {  	[hbm4b:s30+s3] =	stream.linear.scatter [tilespmem:s8], [sflag:$0x7], $0x5000, $0x38;
	[tilespmem:$0x1FA00] =	vst v63  }
0x553: {  	_ =	swait.ge [sflag:s20], $0x5000  }
0x554: {  	[sflag:s20] =	ssyncset.done $0x0  }
0x555: {  	s31 =	simm.s32 $0x1600;
	[sflag:s20] =	ssyncadd.s32 $0xFFFFB000  }
0x556: {  	[tilespmem:s8], [sflag:$0x5] =	stream.indirect.gather [spmem:s2], $0x80, s31, s14, $0xb8;
	[tilespmem:$0x1FA00] =	vst v63  }
0x557: {  	_ =	swait.ge [sflag:s22], $0x5000  }
0x558: {  	s4 =	sld [smem:$0x7CE]  }
0x559: {  	[sflag:s22] =	ssyncset.done $0x0  }
0x55a: {  	[sflag:s22] =	ssyncadd.s32 $0xFFFFB000  }
0x55b: {  	[hbm4b:s4+s3] =	stream.linear.scatter [tilespmem:s18], [sflag:$0x8], $0x5000, $0x38;
	[tilespmem:$0x1FA00] =	vst v63  }
0x55c: {  	_ =	swait.ge [sflag:s23], $0x5000  }
0x55d: {  	[sflag:s23] =	ssyncset.done $0x0  }
0x55e: {  	s28 =	simm.s32 $0x16A0;
	[sflag:s23] =	ssyncadd.s32 $0xFFFFB000  }
0x55f: {  	[tilespmem:s18], [sflag:$0x6] =	stream.indirect.gather [spmem:s2], $0x80, s28, s14, $0xb8;
	[tilespmem:$0x1FA00] =	vst v63  }
0x560: {  	_ =	swait.ge [sflag:s19], $0x5000  }
0x561: {  	s30 =	sld [smem:$0x7CF]  }
0x562: {  	[sflag:s19] =	ssyncset.done $0x0  }
0x563: {  	[sflag:s19] =	ssyncadd.s32 $0xFFFFB000  }
0x564: {  	[hbm4b:s30+s3] =	stream.linear.scatter [tilespmem:s8], [sflag:$0x7], $0x5000, $0x38;
	[tilespmem:$0x1FA00] =	vst v63  }
0x565: {  	_ =	swait.ge [sflag:s20], $0x5000  }
0x566: {  	[sflag:s20] =	ssyncset.done $0x0  }
0x567: {  	s31 =	simm.s32 $0x1740;
	[sflag:s20] =	ssyncadd.s32 $0xFFFFB000  }
0x568: {  	[tilespmem:s8], [sflag:$0x5] =	stream.indirect.gather [spmem:s2], $0x80, s31, s14, $0xb8;
	[tilespmem:$0x1FA00] =	vst v63  }
0x569: {  	_ =	swait.ge [sflag:s22], $0x5000  }
0x56a: {  	s4 =	sld [smem:$0x7D0]  }
0x56b: {  	[sflag:s22] =	ssyncset.done $0x0  }
0x56c: {  	[sflag:s22] =	ssyncadd.s32 $0xFFFFB000  }
0x56d: {  	[hbm4b:s4+s3] =	stream.linear.scatter [tilespmem:s18], [sflag:$0x8], $0x5000, $0x38;
	[tilespmem:$0x1FA00] =	vst v63  }
0x56e: {  	_ =	swait.ge [sflag:s23], $0x5000  }
0x56f: {  	[sflag:s23] =	ssyncset.done $0x0  }
0x570: {  	s28 =	simm.s32 $0x17E0;
	[sflag:s23] =	ssyncadd.s32 $0xFFFFB000  }
0x571: {  	[tilespmem:s18], [sflag:$0x6] =	stream.indirect.gather [spmem:s2], $0x80, s28, s14, $0xb8;
	[tilespmem:$0x1FA00] =	vst v63  }
0x572: {  	_ =	swait.ge [sflag:s19], $0x5000  }
0x573: {  	s30 =	sld [smem:$0x7D1]  }
0x574: {  	[sflag:s19] =	ssyncset.done $0x0  }
0x575: {  	[sflag:s19] =	ssyncadd.s32 $0xFFFFB000  }
0x576: {  	[hbm4b:s30+s3] =	stream.linear.scatter [tilespmem:s8], [sflag:$0x7], $0x5000, $0x38;
	[tilespmem:$0x1FA00] =	vst v63  }
0x577: {  	_ =	swait.ge [sflag:s20], $0x5000  }
0x578: {  	[sflag:s20] =	ssyncset.done $0x0  }
0x579: {  	s31 =	simm.s32 $0x1880;
	[sflag:s20] =	ssyncadd.s32 $0xFFFFB000  }
0x57a: {  	[tilespmem:s8], [sflag:$0x5] =	stream.indirect.gather [spmem:s2], $0x80, s31, s14, $0xb8;
	[tilespmem:$0x1FA00] =	vst v63  }
0x57b: {  	_ =	swait.ge [sflag:s22], $0x5000  }
0x57c: {  	s4 =	sld [smem:$0x7D2]  }
0x57d: {  	[sflag:s22] =	ssyncset.done $0x0  }
0x57e: {  	[sflag:s22] =	ssyncadd.s32 $0xFFFFB000  }
0x57f: {  	[hbm4b:s4+s3] =	stream.linear.scatter [tilespmem:s18], [sflag:$0x8], $0x5000, $0x38;
	[tilespmem:$0x1FA00] =	vst v63  }
0x580: {  	_ =	swait.ge [sflag:s23], $0x5000  }
0x581: {  	[sflag:s23] =	ssyncset.done $0x0  }
0x582: {  	s28 =	simm.s32 $0x1920;
	[sflag:s23] =	ssyncadd.s32 $0xFFFFB000  }
0x583: {  	[tilespmem:s18], [sflag:$0x6] =	stream.indirect.gather [spmem:s2], $0x80, s28, s14, $0xb8;
	[tilespmem:$0x1FA00] =	vst v63  }
0x584: {  	_ =	swait.ge [sflag:s19], $0x5000  }
0x585: {  	s30 =	sld [smem:$0x7D3]  }
0x586: {  	[sflag:s19] =	ssyncset.done $0x0  }
0x587: {  	[sflag:s19] =	ssyncadd.s32 $0xFFFFB000  }
0x588: {  	[hbm4b:s30+s3] =	stream.linear.scatter [tilespmem:s8], [sflag:$0x7], $0x5000, $0x38;
	[tilespmem:$0x1FA00] =	vst v63  }
0x589: {  	_ =	swait.ge [sflag:s20], $0x5000  }
0x58a: {  	[sflag:s20] =	ssyncset.done $0x0  }
0x58b: {  	[sflag:s20] =	ssyncadd.s32 $0xFFFFB000  }
0x58c: {  	_ =	swait.ge [sflag:s13], $0x640  }
0x58d: {  	[sflag:s13] =	ssyncset.done $0x0  }
0x58e: {  	[sflag:s13] =	ssyncadd.s32 $0xFFFFF9C0  }
0x58f: {  	[tilespmem:s8], [sflag:$0x5] =	stream.indirect.gather [spmem:s2], $0x80, s12, s14, $0xb8;
	[tilespmem:$0x1FA00] =	vst v63  }
0x590: {  	_ =	swait.ge [sflag:s22], $0x5000  }
0x591: {  	s31 =	sld [smem:$0x7D4]  }
0x592: {  	[sflag:s22] =	ssyncset.done $0x0  }
0x593: {  	[sflag:s22] =	ssyncadd.s32 $0xFFFFB000  }
0x594: {  	[hbm4b:s31+s3] =	stream.linear.scatter [tilespmem:s18], [sflag:$0x8], $0x5000, $0x38;
	[tilespmem:$0x1FA00] =	vst v63  }
0x595: {  	_ =	swait.ge [sflag:s15], $0x640  }
0x596: {  	[sflag:s15] =	ssyncset.done $0x0  }
0x597: {  	[sflag:s15] =	ssyncadd.s32 $0xFFFFF9C0  }
0x598: {  	[tilespmem:s16], [sflag:$0x4] =	stream.indirect.gather [hbm4b:s5+s11], $0x1, s7, s11, $0xb8;
	[tilespmem:$0x1FA00] =	vst v63  }
0x599: {  	s4 =	rddreg [dreg:$0x1a]  }
0x59a: {  	[tilespmem:s3], [sflag:$0x1] =	stream.linear.gather [hbm4b:s4+s3], $0x640, $0x38;
	[tilespmem:$0x1FA00] =	vst v63  }
0x59b: {  	_ =	swait.ge [sflag:s23], $0x5000  }
0x59c: {  	[sflag:s23] =	ssyncset.done $0x0  }
0x59d: {  	s28 =	simm.s32 $0xDA0;
	[sflag:s23] =	ssyncadd.s32 $0xFFFFB000  }
0x59e: {  	[tilespmem:s18], [sflag:$0x6] =	stream.indirect.gather [spmem:s2], $0x80, s28, s14, $0xb8;
	[tilespmem:$0x1FA00] =	vst v63  }
0x59f: {  	_ =	swait.ge [sflag:s19], $0x5000  }
0x5a0: {  	s30 =	sld [smem:$0x7D5]  }
0x5a1: {  	[sflag:s19] =	ssyncset.done $0x0  }
0x5a2: {  	[sflag:s19] =	ssyncadd.s32 $0xFFFFB000  }
0x5a3: {  	[hbm4b:s30+s3] =	stream.linear.scatter [tilespmem:s8], [sflag:$0x7], $0x5000, $0x38;
	[tilespmem:$0x1FA00] =	vst v63  }
0x5a4: {  	_ =	swait.ge [sflag:s20], $0x5000  }
0x5a5: {  	[sflag:s20] =	ssyncset.done $0x0  }
0x5a6: {  	s29 =	simm.s32 $0xE40;
	[sflag:s20] =	ssyncadd.s32 $0xFFFFB000  }
0x5a7: {  	[tilespmem:s8], [sflag:$0x5] =	stream.indirect.gather [spmem:s2], $0x80, s29, s14, $0xb8;
	[tilespmem:$0x1FA00] =	vst v63  }
0x5a8: {  	_ =	swait.ge [sflag:s22], $0x5000  }
0x5a9: {  	s31 =	sld [smem:$0x7D6]  }
0x5aa: {  	[sflag:s22] =	ssyncset.done $0x0  }
0x5ab: {  	[sflag:s22] =	ssyncadd.s32 $0xFFFFB000  }
0x5ac: {  	[hbm4b:s31+s3] =	stream.linear.scatter [tilespmem:s18], [sflag:$0x8], $0x5000, $0x38;
	[tilespmem:$0x1FA00] =	vst v63  }
0x5ad: {  	_ =	swait.ge [sflag:s23], $0x5000  }
0x5ae: {  	[sflag:s23] =	ssyncset.done $0x0  }
0x5af: {  	s4 =	simm.s32 $0xEE0;
	[sflag:s23] =	ssyncadd.s32 $0xFFFFB000  }
0x5b0: {  	[tilespmem:s18], [sflag:$0x6] =	stream.indirect.gather [spmem:s2], $0x80, s4, s14, $0xb8;
	[tilespmem:$0x1FA00] =	vst v63  }
0x5b1: {  	_ =	swait.ge [sflag:s19], $0x5000  }
0x5b2: {  	s28 =	sld [smem:$0x7D7]  }
0x5b3: {  	[sflag:s19] =	ssyncset.done $0x0  }
0x5b4: {  	[sflag:s19] =	ssyncadd.s32 $0xFFFFB000  }
0x5b5: {  	[hbm4b:s28+s3] =	stream.linear.scatter [tilespmem:s8], [sflag:$0x7], $0x5000, $0x38;
	[tilespmem:$0x1FA00] =	vst v63  }
0x5b6: {  	_ =	swait.ge [sflag:s20], $0x5000  }
0x5b7: {  	[sflag:s20] =	ssyncset.done $0x0  }
0x5b8: {  	s6 =	simm.s32 $0xF80;
	[sflag:s20] =	ssyncadd.s32 $0xFFFFB000  }
0x5b9: {  	[tilespmem:s8], [sflag:$0x5] =	stream.indirect.gather [spmem:s2], $0x80, s6, s14, $0xb8;
	[tilespmem:$0x1FA00] =	vst v63  }
0x5ba: {  	_ =	swait.ge [sflag:s22], $0x5000  }
0x5bb: {  	s29 =	sld [smem:$0x7D8]  }
0x5bc: {  	[sflag:s22] =	ssyncset.done $0x0  }
0x5bd: {  	[sflag:s22] =	ssyncadd.s32 $0xFFFFB000  }
0x5be: {  	[hbm4b:s29+s3] =	stream.linear.scatter [tilespmem:s18], [sflag:$0x8], $0x5000, $0x38;
	[tilespmem:$0x1FA00] =	vst v63  }
0x5bf: {  	_ =	swait.ge [sflag:s23], $0x5000  }
0x5c0: {  	[sflag:s23] =	ssyncset.done $0x0  }
0x5c1: {  	s17 =	simm.s32 $0x1020;
	[sflag:s23] =	ssyncadd.s32 $0xFFFFB000  }
0x5c2: {  	[tilespmem:s18], [sflag:$0x6] =	stream.indirect.gather [spmem:s2], $0x80, s17, s14, $0xb8;
	[tilespmem:$0x1FA00] =	vst v63  }
0x5c3: {  	_ =	swait.ge [sflag:s19], $0x5000  }
0x5c4: {  	s30 =	sld [smem:$0x7D9]  }
0x5c5: {  	[sflag:s19] =	ssyncset.done $0x0  }
0x5c6: {  	[sflag:s19] =	ssyncadd.s32 $0xFFFFB000  }
0x5c7: {  	[hbm4b:s30+s3] =	stream.linear.scatter [tilespmem:s8], [sflag:$0x7], $0x5000, $0x38;
	[tilespmem:$0x1FA00] =	vst v63  }
0x5c8: {  	_ =	swait.ge [sflag:s20], $0x5000  }
0x5c9: {  	[sflag:s20] =	ssyncset.done $0x0  }
0x5ca: {  	s21 =	simm.s32 $0x10C0;
	[sflag:s20] =	ssyncadd.s32 $0xFFFFB000  }
0x5cb: {  	[tilespmem:s8], [sflag:$0x5] =	stream.indirect.gather [spmem:s2], $0x80, s21, s14, $0xb8;
	[tilespmem:$0x1FA00] =	vst v63  }
0x5cc: {  	_ =	swait.ge [sflag:s22], $0x5000  }
0x5cd: {  	s6 =	sld [smem:$0x7DA]  }
0x5ce: {  	[sflag:s22] =	ssyncset.done $0x0  }
0x5cf: {  	[sflag:s22] =	ssyncadd.s32 $0xFFFFB000  }
0x5d0: {  	[hbm4b:s6+s3] =	stream.linear.scatter [tilespmem:s18], [sflag:$0x8], $0x5000, $0x38;
	[tilespmem:$0x1FA00] =	vst v63  }
0x5d1: {  	_ =	swait.ge [sflag:s23], $0x5000  }
0x5d2: {  	[sflag:s23] =	ssyncset.done $0x0  }
0x5d3: {  	s24 =	simm.s32 $0x1160;
	[sflag:s23] =	ssyncadd.s32 $0xFFFFB000  }
0x5d4: {  	[tilespmem:s18], [sflag:$0x6] =	stream.indirect.gather [spmem:s2], $0x80, s24, s14, $0xb8;
	[tilespmem:$0x1FA00] =	vst v63  }
0x5d5: {  	_ =	swait.ge [sflag:s19], $0x5000  }
0x5d6: {  	s17 =	sld [smem:$0x7DB]  }
0x5d7: {  	[sflag:s19] =	ssyncset.done $0x0  }
0x5d8: {  	[sflag:s19] =	ssyncadd.s32 $0xFFFFB000  }
0x5d9: {  	[hbm4b:s17+s3] =	stream.linear.scatter [tilespmem:s8], [sflag:$0x7], $0x5000, $0x38;
	[tilespmem:$0x1FA00] =	vst v63  }
0x5da: {  	_ =	swait.ge [sflag:s20], $0x5000  }
0x5db: {  	[sflag:s20] =	ssyncset.done $0x0  }
0x5dc: {  	s25 =	simm.s32 $0x1200;
	[sflag:s20] =	ssyncadd.s32 $0xFFFFB000  }
0x5dd: {  	[tilespmem:s8], [sflag:$0x5] =	stream.indirect.gather [spmem:s2], $0x80, s25, s14, $0xb8;
	[tilespmem:$0x1FA00] =	vst v63  }
0x5de: {  	_ =	swait.ge [sflag:s22], $0x5000  }
0x5df: {  	s21 =	sld [smem:$0x7DC]  }
0x5e0: {  	[sflag:s22] =	ssyncset.done $0x0  }
0x5e1: {  	[sflag:s22] =	ssyncadd.s32 $0xFFFFB000  }
0x5e2: {  	[hbm4b:s21+s3] =	stream.linear.scatter [tilespmem:s18], [sflag:$0x8], $0x5000, $0x38;
	[tilespmem:$0x1FA00] =	vst v63  }
0x5e3: {  	_ =	swait.ge [sflag:s23], $0x5000  }
0x5e4: {  	[sflag:s23] =	ssyncset.done $0x0  }
0x5e5: {  	s26 =	simm.s32 $0x12A0;
	[sflag:s23] =	ssyncadd.s32 $0xFFFFB000  }
0x5e6: {  	[tilespmem:s18], [sflag:$0x6] =	stream.indirect.gather [spmem:s2], $0x80, s26, s14, $0xb8;
	[tilespmem:$0x1FA00] =	vst v63  }
0x5e7: {  	_ =	swait.ge [sflag:s19], $0x5000  }
0x5e8: {  	s24 =	sld [smem:$0x7DD]  }
0x5e9: {  	[sflag:s19] =	ssyncset.done $0x0  }
0x5ea: {  	[sflag:s19] =	ssyncadd.s32 $0xFFFFB000  }
0x5eb: {  	[hbm4b:s24+s3] =	stream.linear.scatter [tilespmem:s8], [sflag:$0x7], $0x5000, $0x38;
	[tilespmem:$0x1FA00] =	vst v63  }
0x5ec: {  	_ =	swait.ge [sflag:s20], $0x5000  }
0x5ed: {  	[sflag:s20] =	ssyncset.done $0x0  }
0x5ee: {  	[sflag:s20] =	ssyncadd.s32 $0xFFFFB000  }
0x5ef: {  	_ =	swait.ge [sflag:s1], $0x640  }
0x5f0: {  	[sflag:s1] =	ssyncset.done $0x0  }
0x5f1: {  	[sflag:s1] =	ssyncadd.s32 $0xFFFFF9C0  }
0x5f2: {  	[tilespmem:s8], [sflag:$0x5] =	stream.indirect.gather [spmem:s2], $0x80, s16, s14, $0xb8;
	[tilespmem:$0x1FA00] =	vst v63  }
0x5f3: {  	_ =	swait.ge [sflag:s22], $0x5000  }
0x5f4: {  	s25 =	sld [smem:$0x7DE]  }
0x5f5: {  	[sflag:s22] =	ssyncset.done $0x0  }
0x5f6: {  	[sflag:s22] =	ssyncadd.s32 $0xFFFFB000  }
0x5f7: {  	[hbm4b:s25+s3] =	stream.linear.scatter [tilespmem:s18], [sflag:$0x8], $0x5000, $0x38;
	[tilespmem:$0x1FA00] =	vst v63  }
0x5f8: {  	_ =	swait.ge [sflag:s10], $0x640  }
0x5f9: {  	[sflag:s10] =	ssyncset.done $0x0  }
0x5fa: {  	[sflag:s10] =	ssyncadd.s32 $0xFFFFF9C0  }
0x5fb: {  	[tilespmem:s12], [sflag:$0x3] =	stream.indirect.gather [hbm4b:s5+s11], $0x1, s3, s11, $0xb8;
	[tilespmem:$0x1FA00] =	vst v63  }
0x5fc: {  	s26 =	rddreg [dreg:$0x1b]  }
0x5fd: {  	[tilespmem:s7], [sflag:$0x2] =	stream.linear.gather [hbm4b:s26+s3], $0x640, $0x38;
	[tilespmem:$0x1FA00] =	vst v63  }
0x5fe: {  	_ =	swait.ge [sflag:s23], $0x5000  }
0x5ff: {  	[sflag:s23] =	ssyncset.done $0x0  }
0x600: {  	s28 =	simm.s32 $0x1420;
	[sflag:s23] =	ssyncadd.s32 $0xFFFFB000  }
0x601: {  	[tilespmem:s18], [sflag:$0x6] =	stream.indirect.gather [spmem:s2], $0x80, s28, s14, $0xb8;
	[tilespmem:$0x1FA00] =	vst v63  }
0x602: {  	_ =	swait.ge [sflag:s19], $0x5000  }
0x603: {  	s29 =	sld [smem:$0x7DF]  }
0x604: {  	[sflag:s19] =	ssyncset.done $0x0  }
0x605: {  	[sflag:s19] =	ssyncadd.s32 $0xFFFFB000  }
0x606: {  	[hbm4b:s29+s3] =	stream.linear.scatter [tilespmem:s8], [sflag:$0x7], $0x5000, $0x38;
	[tilespmem:$0x1FA00] =	vst v63  }
0x607: {  	_ =	swait.ge [sflag:s20], $0x5000  }
0x608: {  	[sflag:s20] =	ssyncset.done $0x0  }
0x609: {  	s6 =	simm.s32 $0x14C0;
	[sflag:s20] =	ssyncadd.s32 $0xFFFFB000  }
0x60a: {  	[tilespmem:s8], [sflag:$0x5] =	stream.indirect.gather [spmem:s2], $0x80, s6, s14, $0xb8;
	[tilespmem:$0x1FA00] =	vst v63  }
0x60b: {  	_ =	swait.ge [sflag:s22], $0x5000  }
0x60c: {  	s17 =	sld [smem:$0x7E0]  }
0x60d: {  	[sflag:s22] =	ssyncset.done $0x0  }
0x60e: {  	[sflag:s22] =	ssyncadd.s32 $0xFFFFB000  }
0x60f: {  	[hbm4b:s17+s3] =	stream.linear.scatter [tilespmem:s18], [sflag:$0x8], $0x5000, $0x38;
	[tilespmem:$0x1FA00] =	vst v63  }
0x610: {  	_ =	swait.ge [sflag:s23], $0x5000  }
0x611: {  	[sflag:s23] =	ssyncset.done $0x0  }
0x612: {  	s21 =	simm.s32 $0x1560;
	[sflag:s23] =	ssyncadd.s32 $0xFFFFB000  }
0x613: {  	[tilespmem:s18], [sflag:$0x6] =	stream.indirect.gather [spmem:s2], $0x80, s21, s14, $0xb8;
	[tilespmem:$0x1FA00] =	vst v63  }
0x614: {  	_ =	swait.ge [sflag:s19], $0x5000  }
0x615: {  	s24 =	sld [smem:$0x7E1]  }
0x616: {  	[sflag:s19] =	ssyncset.done $0x0  }
0x617: {  	[sflag:s19] =	ssyncadd.s32 $0xFFFFB000  }
0x618: {  	[hbm4b:s24+s3] =	stream.linear.scatter [tilespmem:s8], [sflag:$0x7], $0x5000, $0x38;
	[tilespmem:$0x1FA00] =	vst v63  }
0x619: {  	_ =	swait.ge [sflag:s20], $0x5000  }
0x61a: {  	[sflag:s20] =	ssyncset.done $0x0  }
0x61b: {  	s25 =	simm.s32 $0x1600;
	[sflag:s20] =	ssyncadd.s32 $0xFFFFB000  }
0x61c: {  	[tilespmem:s8], [sflag:$0x5] =	stream.indirect.gather [spmem:s2], $0x80, s25, s14, $0xb8;
	[tilespmem:$0x1FA00] =	vst v63  }
0x61d: {  	_ =	swait.ge [sflag:s22], $0x5000  }
0x61e: {  	s26 =	sld [smem:$0x7E2]  }
0x61f: {  	[sflag:s22] =	ssyncset.done $0x0  }
0x620: {  	[sflag:s22] =	ssyncadd.s32 $0xFFFFB000  }
0x621: {  	[hbm4b:s26+s3] =	stream.linear.scatter [tilespmem:s18], [sflag:$0x8], $0x5000, $0x38;
	[tilespmem:$0x1FA00] =	vst v63  }
0x622: {  	_ =	swait.ge [sflag:s23], $0x5000  }
0x623: {  	[sflag:s23] =	ssyncset.done $0x0  }
0x624: {  	s28 =	simm.s32 $0x16A0;
	[sflag:s23] =	ssyncadd.s32 $0xFFFFB000  }
0x625: {  	[tilespmem:s18], [sflag:$0x6] =	stream.indirect.gather [spmem:s2], $0x80, s28, s14, $0xb8;
	[tilespmem:$0x1FA00] =	vst v63  }
0x626: {  	_ =	swait.ge [sflag:s19], $0x5000  }
0x627: {  	s29 =	sld [smem:$0x7E3]  }
0x628: {  	[sflag:s19] =	ssyncset.done $0x0  }
0x629: {  	[sflag:s19] =	ssyncadd.s32 $0xFFFFB000  }
0x62a: {  	[hbm4b:s29+s3] =	stream.linear.scatter [tilespmem:s8], [sflag:$0x7], $0x5000, $0x38;
	[tilespmem:$0x1FA00] =	vst v63  }
0x62b: {  	_ =	swait.ge [sflag:s20], $0x5000  }
0x62c: {  	[sflag:s20] =	ssyncset.done $0x0  }
0x62d: {  	s25 =	simm.s32 $0x1740;
	[sflag:s20] =	ssyncadd.s32 $0xFFFFB000  }
0x62e: {  	[tilespmem:s8], [sflag:$0x5] =	stream.indirect.gather [spmem:s2], $0x80, s25, s14, $0xb8;
	[tilespmem:$0x1FA00] =	vst v63  }
0x62f: {  	_ =	swait.ge [sflag:s22], $0x5000  }
0x630: {  	s26 =	sld [smem:$0x7E4]  }
0x631: {  	[sflag:s22] =	ssyncset.done $0x0  }
0x632: {  	[sflag:s22] =	ssyncadd.s32 $0xFFFFB000  }
0x633: {  	[hbm4b:s26+s3] =	stream.linear.scatter [tilespmem:s18], [sflag:$0x8], $0x5000, $0x38;
	[tilespmem:$0x1FA00] =	vst v63  }
0x634: {  	_ =	swait.ge [sflag:s23], $0x5000  }
0x635: {  	[sflag:s23] =	ssyncset.done $0x0  }
0x636: {  	s28 =	simm.s32 $0x17E0;
	[sflag:s23] =	ssyncadd.s32 $0xFFFFB000  }
0x637: {  	[tilespmem:s18], [sflag:$0x6] =	stream.indirect.gather [spmem:s2], $0x80, s28, s14, $0xb8;
	[tilespmem:$0x1FA00] =	vst v63  }
0x638: {  	_ =	swait.ge [sflag:s19], $0x5000  }
0x639: {  	s29 =	sld [smem:$0x7E5]  }
0x63a: {  	[sflag:s19] =	ssyncset.done $0x0  }
0x63b: {  	[sflag:s19] =	ssyncadd.s32 $0xFFFFB000  }
0x63c: {  	[hbm4b:s29+s3] =	stream.linear.scatter [tilespmem:s8], [sflag:$0x7], $0x5000, $0x38;
	[tilespmem:$0x1FA00] =	vst v63  }
0x63d: {  	_ =	swait.ge [sflag:s20], $0x5000  }
0x63e: {  	[sflag:s20] =	ssyncset.done $0x0  }
0x63f: {  	s28 =	simm.s32 $0x1880;
	[sflag:s20] =	ssyncadd.s32 $0xFFFFB000  }
0x640: {  	[tilespmem:s8], [sflag:$0x5] =	stream.indirect.gather [spmem:s2], $0x80, s28, s14, $0xb8;
	[tilespmem:$0x1FA00] =	vst v63  }
0x641: {  	_ =	swait.ge [sflag:s22], $0x5000  }
0x642: {  	s29 =	sld [smem:$0x7E6]  }
0x643: {  	[sflag:s22] =	ssyncset.done $0x0  }
0x644: {  	[sflag:s22] =	ssyncadd.s32 $0xFFFFB000  }
0x645: {  	[hbm4b:s29+s3] =	stream.linear.scatter [tilespmem:s18], [sflag:$0x8], $0x5000, $0x38;
	[tilespmem:$0x1FA00] =	vst v63  }
0x646: {  	_ =	swait.ge [sflag:s23], $0x5000  }
0x647: {  	[sflag:s23] =	ssyncset.done $0x0  }
0x648: {  	s29 =	simm.s32 $0x1920;
	[sflag:s23] =	ssyncadd.s32 $0xFFFFB000  }
0x649: {  	[tilespmem:s18], [sflag:$0x6] =	stream.indirect.gather [spmem:s2], $0x80, s29, s14, $0xb8;
	[tilespmem:$0x1FA00] =	vst v63  }
0x64a: {  	_ =	swait.ge [sflag:s19], $0x5000  }
0x64b: {  	s0 =	sld [smem:$0x7E7]  }
0x64c: {  	[sflag:s19] =	ssyncset.done $0x0  }
0x64d: {  	[sflag:s19] =	ssyncadd.s32 $0xFFFFB000  }
0x64e: {  	[hbm4b:s0+s3] =	stream.linear.scatter [tilespmem:s8], [sflag:$0x7], $0x5000, $0x38;
	[tilespmem:$0x1FA00] =	vst v63  }
0x64f: {  	_ =	swait.ge [sflag:s20], $0x5000  }
0x650: {  	[sflag:s20] =	ssyncset.done $0x0  }
0x651: {  	[sflag:s20] =	ssyncadd.s32 $0xFFFFB000  }
0x652: {  	_ =	swait.ge [sflag:s13], $0x640  }
0x653: {  	[sflag:s13] =	ssyncset.done $0x0  }
0x654: {  	[sflag:s13] =	ssyncadd.s32 $0xFFFFF9C0  }
0x655: {  	[tilespmem:s8], [sflag:$0x5] =	stream.indirect.gather [spmem:s2], $0x80, s12, s14, $0xb8;
	[tilespmem:$0x1FA00] =	vst v63  }
0x656: {  	_ =	swait.ge [sflag:s22], $0x5000  }
0x657: {  	s0 =	sld [smem:$0x7E8]  }
0x658: {  	[sflag:s22] =	ssyncset.done $0x0  }
0x659: {  	[sflag:s22] =	ssyncadd.s32 $0xFFFFB000  }
0x65a: {  	[hbm4b:s0+s3] =	stream.linear.scatter [tilespmem:s18], [sflag:$0x8], $0x5000, $0x38;
	[tilespmem:$0x1FA00] =	vst v63  }
0x65b: {  	_ =	swait.ge [sflag:s15], $0x640  }
0x65c: {  	[sflag:s15] =	ssyncset.done $0x0  }
0x65d: {  	[sflag:s15] =	ssyncadd.s32 $0xFFFFF9C0  }
0x65e: {  	[tilespmem:s16], [sflag:$0x4] =	stream.indirect.gather [hbm4b:s5+s11], $0x1, s7, s11, $0xb8;
	[tilespmem:$0x1FA00] =	vst v63  }
0x65f: {  	_ =	swait.ge [sflag:s23], $0x5000  }
0x660: {  	[sflag:s23] =	ssyncset.done $0x0  }
0x661: {  	s0 =	simm.s32 $0xDA0;
	[sflag:s23] =	ssyncadd.s32 $0xFFFFB000  }
0x662: {  	[tilespmem:s18], [sflag:$0x6] =	stream.indirect.gather [spmem:s2], $0x80, s0, s14, $0xb8;
	[tilespmem:$0x1FA00] =	vst v63  }
0x663: {  	_ =	swait.ge [sflag:s19], $0x5000  }
0x664: {  	s0 =	sld [smem:$0x7E9]  }
0x665: {  	[sflag:s19] =	ssyncset.done $0x0  }
0x666: {  	[sflag:s19] =	ssyncadd.s32 $0xFFFFB000  }
0x667: {  	[hbm4b:s0+s3] =	stream.linear.scatter [tilespmem:s8], [sflag:$0x7], $0x5000, $0x38;
	[tilespmem:$0x1FA00] =	vst v63  }
0x668: {  	_ =	swait.ge [sflag:s20], $0x5000  }
0x669: {  	[sflag:s20] =	ssyncset.done $0x0  }
0x66a: {  	s0 =	simm.s32 $0xE40;
	[sflag:s20] =	ssyncadd.s32 $0xFFFFB000  }
0x66b: {  	[tilespmem:s8], [sflag:$0x5] =	stream.indirect.gather [spmem:s2], $0x80, s0, s14, $0xb8;
	[tilespmem:$0x1FA00] =	vst v63  }
0x66c: {  	_ =	swait.ge [sflag:s22], $0x5000  }
0x66d: {  	s0 =	sld [smem:$0x7EA]  }
0x66e: {  	[sflag:s22] =	ssyncset.done $0x0  }
0x66f: {  	[sflag:s22] =	ssyncadd.s32 $0xFFFFB000  }
0x670: {  	[hbm4b:s0+s3] =	stream.linear.scatter [tilespmem:s18], [sflag:$0x8], $0x5000, $0x38;
	[tilespmem:$0x1FA00] =	vst v63  }
0x671: {  	_ =	swait.ge [sflag:s23], $0x5000  }
0x672: {  	[sflag:s23] =	ssyncset.done $0x0  }
0x673: {  	s4 =	simm.s32 $0xEE0;
	[sflag:s23] =	ssyncadd.s32 $0xFFFFB000  }
0x674: {  	[tilespmem:s18], [sflag:$0x6] =	stream.indirect.gather [spmem:s2], $0x80, s4, s14, $0xb8;
	[tilespmem:$0x1FA00] =	vst v63  }
0x675: {  	s4 =	sld [smem:$0x761];
	_ =	swait.ge [sflag:s19], $0x5000  }
0x676: {  	s0 =	sld [smem:$0x7EB]  }
0x677: {  	[sflag:s19] =	ssyncset.done $0x0  }
0x678: {  	[sflag:s19] =	ssyncadd.s32 $0xFFFFB000  }
0x679: {  	[hbm4b:s0+s3] =	stream.linear.scatter [tilespmem:s8], [sflag:$0x7], $0x5000, $0x38;
	[tilespmem:$0x1FA00] =	vst v63  }
0x67a: {  	_ =	swait.ge [sflag:s20], $0x5000  }
0x67b: {  	[sflag:s20] =	ssyncset.done $0x0  }
0x67c: {  	s0 =	simm.s32 $0xF80;
	[sflag:s20] =	ssyncadd.s32 $0xFFFFB000  }
0x67d: {  	[tilespmem:s8], [sflag:$0x5] =	stream.indirect.gather [spmem:s2], $0x80, s0, s14, $0xb8;
	[tilespmem:$0x1FA00] =	vst v63  }
0x67e: {  	_ =	swait.ge [sflag:s22], $0x5000  }
0x67f: {  	s0 =	sld [smem:$0x7EC]  }
0x680: {  	[sflag:s22] =	ssyncset.done $0x0  }
0x681: {  	[sflag:s22] =	ssyncadd.s32 $0xFFFFB000  }
0x682: {  	[hbm4b:s0+s3] =	stream.linear.scatter [tilespmem:s18], [sflag:$0x8], $0x5000, $0x38;
	[tilespmem:$0x1FA00] =	vst v63  }
0x683: {  	_ =	swait.ge [sflag:s23], $0x5000  }
0x684: {  	[sflag:s23] =	ssyncset.done $0x0  }
0x685: {  	s31 =	simm.s32 $0x1020;
	[sflag:s23] =	ssyncadd.s32 $0xFFFFB000  }
0x686: {  	[tilespmem:s18], [sflag:$0x6] =	stream.indirect.gather [spmem:s2], $0x80, s31, s14, $0xb8;
	[tilespmem:$0x1FA00] =	vst v63  }
0x687: {  	_ =	swait.ge [sflag:s19], $0x5000  }
0x688: {  	s31 =	sld [smem:$0x7ED]  }
0x689: {  	[sflag:s19] =	ssyncset.done $0x0  }
0x68a: {  	[sflag:s19] =	ssyncadd.s32 $0xFFFFB000  }
0x68b: {  	[hbm4b:s31+s3] =	stream.linear.scatter [tilespmem:s8], [sflag:$0x7], $0x5000, $0x38;
	[tilespmem:$0x1FA00] =	vst v63  }
0x68c: {  	_ =	swait.ge [sflag:s20], $0x5000  }
0x68d: {  	[sflag:s20] =	ssyncset.done $0x0  }
0x68e: {  	s31 =	simm.s32 $0x10C0;
	[sflag:s20] =	ssyncadd.s32 $0xFFFFB000  }
0x68f: {  	[tilespmem:s8], [sflag:$0x5] =	stream.indirect.gather [spmem:s2], $0x80, s31, s14, $0xb8;
	[tilespmem:$0x1FA00] =	vst v63  }
0x690: {  	_ =	swait.ge [sflag:s22], $0x5000  }
0x691: {  	s31 =	sld [smem:$0x7EE]  }
0x692: {  	[sflag:s22] =	ssyncset.done $0x0  }
0x693: {  	[sflag:s22] =	ssyncadd.s32 $0xFFFFB000  }
0x694: {  	[hbm4b:s31+s3] =	stream.linear.scatter [tilespmem:s18], [sflag:$0x8], $0x5000, $0x38;
	[tilespmem:$0x1FA00] =	vst v63  }
0x695: {  	_ =	swait.ge [sflag:s23], $0x5000  }
0x696: {  	[sflag:s23] =	ssyncset.done $0x0  }
0x697: {  	s31 =	simm.s32 $0x1160;
	[sflag:s23] =	ssyncadd.s32 $0xFFFFB000  }
0x698: {  	[tilespmem:s18], [sflag:$0x6] =	stream.indirect.gather [spmem:s2], $0x80, s31, s14, $0xb8;
	[tilespmem:$0x1FA00] =	vst v63  }
0x699: {  	_ =	swait.ge [sflag:s19], $0x5000  }
0x69a: {  	s31 =	sld [smem:$0x7EF]  }
0x69b: {  	[sflag:s19] =	ssyncset.done $0x0  }
0x69c: {  	[sflag:s19] =	ssyncadd.s32 $0xFFFFB000  }
0x69d: {  	[hbm4b:s31+s3] =	stream.linear.scatter [tilespmem:s8], [sflag:$0x7], $0x5000, $0x38;
	[tilespmem:$0x1FA00] =	vst v63  }
0x69e: {  	_ =	swait.ge [sflag:s20], $0x5000  }
0x69f: {  	[sflag:s20] =	ssyncset.done $0x0  }
0x6a0: {  	s31 =	simm.s32 $0x1200;
	[sflag:s20] =	ssyncadd.s32 $0xFFFFB000  }
0x6a1: {  	[tilespmem:s8], [sflag:$0x5] =	stream.indirect.gather [spmem:s2], $0x80, s31, s14, $0xb8;
	[tilespmem:$0x1FA00] =	vst v63  }
0x6a2: {  	_ =	swait.ge [sflag:s22], $0x5000  }
0x6a3: {  	s31 =	sld [smem:$0x7F0]  }
0x6a4: {  	[sflag:s22] =	ssyncset.done $0x0  }
0x6a5: {  	[sflag:s22] =	ssyncadd.s32 $0xFFFFB000  }
0x6a6: {  	[hbm4b:s31+s3] =	stream.linear.scatter [tilespmem:s18], [sflag:$0x8], $0x5000, $0x38;
	[tilespmem:$0x1FA00] =	vst v63  }
0x6a7: {  	_ =	swait.ge [sflag:s23], $0x5000  }
0x6a8: {  	[sflag:s23] =	ssyncset.done $0x0  }
0x6a9: {  	s31 =	simm.s32 $0x12A0;
	[sflag:s23] =	ssyncadd.s32 $0xFFFFB000  }
0x6aa: {  	[tilespmem:s18], [sflag:$0x6] =	stream.indirect.gather [spmem:s2], $0x80, s31, s14, $0xb8;
	[tilespmem:$0x1FA00] =	vst v63  }
0x6ab: {  	_ =	swait.ge [sflag:s19], $0x5000  }
0x6ac: {  	s31 =	sld [smem:$0x7F1]  }
0x6ad: {  	[sflag:s19] =	ssyncset.done $0x0  }
0x6ae: {  	[sflag:s19] =	ssyncadd.s32 $0xFFFFB000  }
0x6af: {  	[hbm4b:s31+s3] =	stream.linear.scatter [tilespmem:s8], [sflag:$0x7], $0x5000, $0x38;
	[tilespmem:$0x1FA00] =	vst v63  }
0x6b0: {  	_ =	swait.ge [sflag:s20], $0x5000  }
0x6b1: {  	[sflag:s20] =	ssyncset.done $0x0  }
0x6b2: {  	[sflag:s20] =	ssyncadd.s32 $0xFFFFB000  }
0x6b3: {  	_ =	swait.ge [sflag:s1], $0x640  }
0x6b4: {  	[sflag:s1] =	ssyncset.done $0x0  }
0x6b5: {  	[sflag:s1] =	ssyncadd.s32 $0xFFFFF9C0  }
0x6b6: {  	[tilespmem:s8], [sflag:$0x5] =	stream.indirect.gather [spmem:s2], $0x80, s16, s14, $0xb8;
	[tilespmem:$0x1FA00] =	vst v63  }
0x6b7: {  	_ =	swait.ge [sflag:s22], $0x5000  }
0x6b8: {  	s31 =	sld [smem:$0x7F2]  }
0x6b9: {  	[sflag:s22] =	ssyncset.done $0x0  }
0x6ba: {  	[sflag:s22] =	ssyncadd.s32 $0xFFFFB000  }
0x6bb: {  	[hbm4b:s31+s3] =	stream.linear.scatter [tilespmem:s18], [sflag:$0x8], $0x5000, $0x38;
	[tilespmem:$0x1FA00] =	vst v63  }
0x6bc: {  	_ =	swait.ge [sflag:s23], $0x5000  }
0x6bd: {  	[sflag:s23] =	ssyncset.done $0x0  }
0x6be: {  	s30 =	simm.s32 $0x1420;
	[sflag:s23] =	ssyncadd.s32 $0xFFFFB000  }
0x6bf: {  	[tilespmem:s18], [sflag:$0x6] =	stream.indirect.gather [spmem:s2], $0x80, s30, s14, $0xb8;
	[tilespmem:$0x1FA00] =	vst v63  }
0x6c0: {  	_ =	swait.ge [sflag:s19], $0x5000  }
0x6c1: {  	s31 =	sld [smem:$0x7F3]  }
0x6c2: {  	[sflag:s19] =	ssyncset.done $0x0  }
0x6c3: {  	[sflag:s19] =	ssyncadd.s32 $0xFFFFB000  }
0x6c4: {  	[hbm4b:s31+s3] =	stream.linear.scatter [tilespmem:s8], [sflag:$0x7], $0x5000, $0x38;
	[tilespmem:$0x1FA00] =	vst v63  }
0x6c5: {  	_ =	swait.ge [sflag:s20], $0x5000  }
0x6c6: {  	[sflag:s20] =	ssyncset.done $0x0  }
0x6c7: {  	s6 =	simm.s32 $0x14C0;
	[sflag:s20] =	ssyncadd.s32 $0xFFFFB000  }
0x6c8: {  	[tilespmem:s8], [sflag:$0x5] =	stream.indirect.gather [spmem:s2], $0x80, s6, s14, $0xb8;
	[tilespmem:$0x1FA00] =	vst v63  }
0x6c9: {  	_ =	swait.ge [sflag:s22], $0x5000  }
0x6ca: {  	s6 =	sld [smem:$0x7F4]  }
0x6cb: {  	[sflag:s22] =	ssyncset.done $0x0  }
0x6cc: {  	[sflag:s22] =	ssyncadd.s32 $0xFFFFB000  }
0x6cd: {  	[hbm4b:s6+s3] =	stream.linear.scatter [tilespmem:s18], [sflag:$0x8], $0x5000, $0x38;
	[tilespmem:$0x1FA00] =	vst v63  }
0x6ce: {  	_ =	swait.ge [sflag:s23], $0x5000  }
0x6cf: {  	[sflag:s23] =	ssyncset.done $0x0  }
0x6d0: {  	s17 =	simm.s32 $0x1560;
	[sflag:s23] =	ssyncadd.s32 $0xFFFFB000  }
0x6d1: {  	[tilespmem:s18], [sflag:$0x6] =	stream.indirect.gather [spmem:s2], $0x80, s17, s14, $0xb8;
	[tilespmem:$0x1FA00] =	vst v63  }
0x6d2: {  	_ =	swait.ge [sflag:s19], $0x5000  }
0x6d3: {  	s17 =	sld [smem:$0x7F5]  }
0x6d4: {  	[sflag:s19] =	ssyncset.done $0x0  }
0x6d5: {  	[sflag:s19] =	ssyncadd.s32 $0xFFFFB000  }
0x6d6: {  	[hbm4b:s17+s3] =	stream.linear.scatter [tilespmem:s8], [sflag:$0x7], $0x5000, $0x38;
	[tilespmem:$0x1FA00] =	vst v63  }
0x6d7: {  	_ =	swait.ge [sflag:s20], $0x5000  }
0x6d8: {  	[sflag:s20] =	ssyncset.done $0x0  }
0x6d9: {  	s21 =	simm.s32 $0x1600;
	[sflag:s20] =	ssyncadd.s32 $0xFFFFB000  }
0x6da: {  	[tilespmem:s8], [sflag:$0x5] =	stream.indirect.gather [spmem:s2], $0x80, s21, s14, $0xb8;
	[tilespmem:$0x1FA00] =	vst v63  }
0x6db: {  	_ =	swait.ge [sflag:s22], $0x5000  }
0x6dc: {  	s21 =	sld [smem:$0x7F6]  }
0x6dd: {  	[sflag:s22] =	ssyncset.done $0x0  }
0x6de: {  	[sflag:s22] =	ssyncadd.s32 $0xFFFFB000  }
0x6df: {  	[hbm4b:s21+s3] =	stream.linear.scatter [tilespmem:s18], [sflag:$0x8], $0x5000, $0x38;
	[tilespmem:$0x1FA00] =	vst v63  }
0x6e0: {  	_ =	swait.ge [sflag:s23], $0x5000  }
0x6e1: {  	[sflag:s23] =	ssyncset.done $0x0  }
0x6e2: {  	s24 =	simm.s32 $0x16A0;
	[sflag:s23] =	ssyncadd.s32 $0xFFFFB000  }
0x6e3: {  	[tilespmem:s18], [sflag:$0x6] =	stream.indirect.gather [spmem:s2], $0x80, s24, s14, $0xb8;
	[tilespmem:$0x1FA00] =	vst v63  }
0x6e4: {  	_ =	swait.ge [sflag:s19], $0x5000  }
0x6e5: {  	s24 =	sld [smem:$0x7F7]  }
0x6e6: {  	[sflag:s19] =	ssyncset.done $0x0  }
0x6e7: {  	[sflag:s19] =	ssyncadd.s32 $0xFFFFB000  }
0x6e8: {  	[hbm4b:s24+s3] =	stream.linear.scatter [tilespmem:s8], [sflag:$0x7], $0x5000, $0x38;
	[tilespmem:$0x1FA00] =	vst v63  }
0x6e9: {  	_ =	swait.ge [sflag:s20], $0x5000  }
0x6ea: {  	[sflag:s20] =	ssyncset.done $0x0  }
0x6eb: {  	s25 =	simm.s32 $0x1740;
	[sflag:s20] =	ssyncadd.s32 $0xFFFFB000  }
0x6ec: {  	[tilespmem:s8], [sflag:$0x5] =	stream.indirect.gather [spmem:s2], $0x80, s25, s14, $0xb8;
	[tilespmem:$0x1FA00] =	vst v63  }
0x6ed: {  	_ =	swait.ge [sflag:s22], $0x5000  }
0x6ee: {  	s25 =	sld [smem:$0x7F8]  }
0x6ef: {  	[sflag:s22] =	ssyncset.done $0x0  }
0x6f0: {  	[sflag:s22] =	ssyncadd.s32 $0xFFFFB000  }
0x6f1: {  	[hbm4b:s25+s3] =	stream.linear.scatter [tilespmem:s18], [sflag:$0x8], $0x5000, $0x38;
	[tilespmem:$0x1FA00] =	vst v63  }
0x6f2: {  	_ =	swait.ge [sflag:s23], $0x5000  }
0x6f3: {  	[sflag:s23] =	ssyncset.done $0x0  }
0x6f4: {  	s26 =	simm.s32 $0x17E0;
	[sflag:s23] =	ssyncadd.s32 $0xFFFFB000  }
0x6f5: {  	[tilespmem:s18], [sflag:$0x6] =	stream.indirect.gather [spmem:s2], $0x80, s26, s14, $0xb8;
	[tilespmem:$0x1FA00] =	vst v63  }
0x6f6: {  	_ =	swait.ge [sflag:s19], $0x5000  }
0x6f7: {  	s26 =	sld [smem:$0x7F9]  }
0x6f8: {  	[sflag:s19] =	ssyncset.done $0x0  }
0x6f9: {  	[sflag:s19] =	ssyncadd.s32 $0xFFFFB000  }
0x6fa: {  	[hbm4b:s26+s3] =	stream.linear.scatter [tilespmem:s8], [sflag:$0x7], $0x5000, $0x38;
	[tilespmem:$0x1FA00] =	vst v63  }
0x6fb: {  	_ =	swait.ge [sflag:s20], $0x5000  }
0x6fc: {  	[sflag:s20] =	ssyncset.done $0x0  }
0x6fd: {  	s28 =	simm.s32 $0x1880;
	[sflag:s20] =	ssyncadd.s32 $0xFFFFB000  }
0x6fe: {  	[tilespmem:s8], [sflag:$0x5] =	stream.indirect.gather [spmem:s2], $0x80, s28, s14, $0xb8;
	[tilespmem:$0x1FA00] =	vst v63  }
0x6ff: {  	_ =	swait.ge [sflag:s22], $0x5000  }
0x700: {  	s28 =	sld [smem:$0x7FA]  }
0x701: {  	[sflag:s22] =	ssyncset.done $0x0  }
0x702: {  	[sflag:s22] =	ssyncadd.s32 $0xFFFFB000  }
0x703: {  	[hbm4b:s28+s3] =	stream.linear.scatter [tilespmem:s18], [sflag:$0x8], $0x5000, $0x38;
	[tilespmem:$0x1FA00] =	vst v63  }
0x704: {  	_ =	swait.ge [sflag:s23], $0x5000  }
0x705: {  	[sflag:s23] =	ssyncset.done $0x0  }
0x706: {  	s29 =	simm.s32 $0x1920;
	[sflag:s23] =	ssyncadd.s32 $0xFFFFB000  }
0x707: {  	[tilespmem:s18], [sflag:$0x6] =	stream.indirect.gather [spmem:s2], $0x80, s29, s14, $0xb8;
	[tilespmem:$0x1FA00] =	vst v63  }
0x708: {  	_ =	swait.ge [sflag:s19], $0x5000  }
0x709: {  	s30 =	sld [smem:$0x7FB]  }
0x70a: {  	[sflag:s19] =	ssyncset.done $0x0  }
0x70b: {  	[sflag:s19] =	ssyncadd.s32 $0xFFFFB000  }
0x70c: {  	[hbm4b:s30+s3] =	stream.linear.scatter [tilespmem:s8], [sflag:$0x7], $0x5000, $0x38;
	[tilespmem:$0x1FA00] =	vst v63  }
0x70d: {  	_ =	swait.ge [sflag:s20], $0x5000  }
0x70e: {  	[sflag:s20] =	ssyncset.done $0x0  }
0x70f: {  	[sflag:s20] =	ssyncadd.s32 $0xFFFFB000  }
0x710: {  	_ =	swait.ge [sflag:s22], $0x5000  }
0x711: {  	s31 =	sld [smem:$0x7FD]  }
0x712: {  	p0 =	sne.s32 s4, $0x1;
	[sflag:s22] =	ssyncset.done $0x0  }
.Ltmp0:
0x713: {  	[sflag:s22] =	ssyncadd.s32 $0xFFFFB000;
	(pc) =	sbr.rel @p0 .LBB2_1-.Ltmp0, $4  }
0x714: {  	[hbm4b:s31+s3] =	stream.linear.scatter [tilespmem:s18], [sflag:$0x8], $0x5000, $0x38;
	[tilespmem:$0x1FA00] =	vst v63  }
0x715: {  	_ =	swait.ge [sflag:s23], $0x5000  }
0x716: {  	[sflag:s23] =	ssyncset.done $0x0  }
0x717: {  	s4 =	sadd.s32 $0xFFFFFFFF, s4;
	[sflag:s23] =	ssyncadd.s32 $0xFFFFB000  }
0x718: {  	_ =	sfence.sel $0x180000  }
0x719: {  	[bflag:$0x0] =	sbarrier.arrive $0xFFFF  }
0x71a: {  	_ =	strace $0x90000047  }
0x71b: {  	s0 =	stileid.u32;
	[bflag:$0x2] =	sbarrier.arrive $0xFFFF  }
0x71c: {  	p0 =	sne.s32 s0, $0x0;
	s0 =	rddreg [dreg:$0x3]  }
0x71d: {  	s0 =	sadd.s32 @!p0 $0x100000, s0  }
0x71e: {  	[sflag:s0] =	ssyncadd.tile.s32 @!p0 $0x1;
	_ =	shalt  }
.Lfunc_end2:
_tile_overlayer_lowered:
.L_overlay_start_2:
0x71f: {  	(tag) =	ssettag $0x2  }
0x720: {  	s0 =	rddreg [dreg:$0x0];
	s2 =	stileid.u32  }
0x721: {  	s1 =	rddreg [dreg:$0x1];
	p0 =	sne.s32 s2, $0x0  }
0x722: {  	s3 =	rddreg [dreg:$0x2];
	[bflag:$0x3] =	sbarrier.arrive $0xFFFF;
	s2 =	simm.s32 @!p0 $0x1C09  }
0x723: {  	[timem:s3], [sflag:s2] =	dma.local @!p0 [hbm:s0], s1  }
0x724: {  	s0 =	simm.s32 @!p0 $0x9  }
0x725: {  	_ =	swait.ge @!p0 [sflag:s0], s1  }
0x726: {  	s1 =	ssub.s32 @!p0 $0x0, s1;
	[sflag:s0] =	ssyncset.done @!p0 $0x0  }
0x727: {  	[sflag:s0] =	ssyncadd.s32 @!p0 s1  }
0x728: {  	[bflag:$0x3] =	sbarrier.arrive $0xFFFF  }
0x729: {  	_ =	shalt  }

// kernel: sparse-core-data-format-call.cloned.1.call-start
scs
called_computation_lowered:
.L_overlay_start_0:
0x0: {  	s2 =	sld [smem:$0x3FD9]  }
0x1: {  	s3 =	sld [smem:$0x3FFE];
	_ =	sdelay $0x1  }
0x2: {  	s1 =	srdreg.scid  }
0x3: {  	s0 =	sand.u32 $0x1, s1  }
0x4: {  	s18 =	sshll.u32 s0, $0xA;
	s2 =	sadd.s32 s3, s2  }
0x5: {  	s2 =	sadd.s32 s2, s18  }
0x6: {  	[smem:$0x3FC5] =	sst s2  }
0x7: {  	_ = 	snop  }
0x8: {  	s2 =	sld [smem:$0x3FD0];
	(tm) =	ssettm $0x1  }
0x9: {  	s19 =	sld [smem:$0x3FFB];
	_ =	sdelay $0x3  }
0xa: {  	_ =	strace s19  }
0xb: {  	s3 =	sld [smem:$0x3FFC];
	_ =	sdelay $0x3  }
0xc: {  	_ =	strace s3  }
0xd: {  	s3 =	sld [smem:$0x3FFD];
	_ =	sdelay $0x3  }
0xe: {  	_ =	strace s3  }
0xf: {  	_ =	strace $0x8FFFFFFF  }
0x10: {  	s20 =	sld [smem:$0x3FDB];
	_ =	sdelay $0x1  }
0x11: {  	s4 =	simm.s32 $_scs_section_size  }
0x12: {  	s5 =	simm.s32 $_size__tile_overlayer_lowered;
	s6 =	simm.s32 $_tile_overlayer_lowered  }
0x13: {  	s23 =	simm.s32 $0x1BFF;
	s22 =	sshll.u32 s6, $0x1;
	s3 =	sadd.s32 s4, s20  }
0x14: {  	s7 =	simm.s32 $0x0;
	s21 =	sshll.u32 s5, $0x1;
	s5 =	sadd.s32 s22, s3  }
0x15: {  	[timem:s7], [sflag:s23] =	dma.local [hbm:s5], s21  }
0x16: {  	_ =	swait.ge [sflag:s23], s21  }
0x17: {  	s4 =	ssub.s32 $0x0, s21;
	[sflag:s23] =	ssyncset.done $0x0  }
0x18: {  	[sflag:s23] =	ssyncadd.s32 s4;
	_ =	sdelay $0x1  }
0x19: {  	s24 =	simm.s32 $0x1B8B  }
0x1a: {  	_ =	swait.ge [sflag:s24], $0x1  }
0x1b: {  	[sflag:s24] =	ssyncset.done $0x0  }
0x1c: {  	s26 =	simm.s32 $0x1B8E;
	s25 =	sld [smem:$0x3FFE];
	[sflag:s24] =	ssyncadd.s32 $0xFFFFFFFF  }
0x1d: {  	s27 =	simm.s32 $execute0_lowered;
	[smem:$0x3FD2] =	sst s26  }
0x1e: {  	s5 =	sshll.u32 s27, $0x1;
	_ =	strace $0x80000049;
	[dreg:$0x1] =	wrdreg $0xFFFFFFFF  }
0x1f: {  	s28 =	simm.s32 $_size_execute0_lowered;
	s3 =	sadd.s32 s3, s5;
	[dreg:$0x0] =	wrdreg $0x0  }
0x20: {  	s5 =	sshll.u32 s28, $0x1;
	[dreg:$0x2] =	wrdreg s3  }
0x21: {  	[dreg:$0x3] =	wrdreg s5  }
0x22: {  	[dreg:$0x4] =	wrdreg $0xC0  }
0x23: {  	_ =	task [dreg:s7], $0x5FFFF  }
0x24: {  	[dreg:$0x1] =	wrdreg $0xFFFFFFFF  }
0x25: {  	[dreg:$0x0] =	wrdreg $0x60  }
0x26: {  	[dreg:$0x2] =	wrdreg s25  }
0x27: {  	[dreg:$0x3] =	wrdreg s2  }
0x28: {  	[dreg:$0x4] =	wrdreg $0x9  }
0x29: {  	_ =	task.clear_ibuf [dreg:s7], $0x5FFFF;
	_ =	strace $0x90000049  }
0x2a: {  	s29 =	simm.s32 $0x9;
	_ =	strace $0x8000004B  }
0x2b: {  	_ =	swait.ge [sflag:s29], $0x1  }
0x2c: {  	[sflag:s29] =	ssyncadd.s32 $0xFFFFFFFF  }
0x2d: {  	_ =	strace $0x9000004B  }
0x2e: {  	_ =	sfence  }
0x2f: {  	s30 =	sld [smem:$0x0];
	_ =	sdelay $0x2  }
0x30: {  	s31 =	sshll.u32 s1, $0xD;
	s1 =	sshrl.u32 s1, $0x2  }
0x31: {  	s3 =	sand.u32 $0x4000, s31;
	s1 =	sadd.s32 s1, s30  }
0x32: {  	s0 =	sor.u32 s3, s0;
	s1 =	sshll.u32 s1, $0x11  }
0x33: {  	s0 =	sor.u32 s1, s0  }
0x34: {  	s0 =	sadd.s32 $0x8F2B, s0  }
0x35: {  	[sflag:s0] =	ssyncadd.remote.s32 $0x1  }
0x36: {  	_ =	sfence.sel $0xFFFF  }
0x37: {  	[dreg:$0x0] =	wrdreg $0xFFFFFFFF;
	(pc) =	sbr.abs _section_cstart, $3  }
0x38: {  	[dreg:$0x1] =	wrdreg $0xFFFFFFFF  }
0x39: {  	_ =	task.clear_ibuf [dreg:s7], $0x2FFFF;
	_ =	strace $0x9FFFFFFF  }
0x3a: {  	(tm) =	ssettm $0x7FFFFFFF  }
0x3b: {  	_ =	shalt  }
tec
execute0_lowered:
.L_overlay_start_1:
0x0: {  	(tag) =	ssettag $0x1  }
0x1: {  	s0 =	srdreg.scid  }
0x2: {  	s1 =	sshll.u32 s0, $0x4  }
0x3: {  	s0 =	stileid.u32;
	s1 =	sand.u32 $0x10, s1  }
0x4: {  	s1 =	sor.u32 s0, s1  }
0x5: {  	s6 =	rddreg [dreg:$0x0];
	s4 =	simm.s32 $0x1;
	s2 =	sshll.u32 s1, $0x7  }
0x6: {  	s7 =	simm.s32 $0x2;
	s12 =	simm.s32 $0x0;
	s1 =	ssub.s32 $0x1000, s2  }
0x7: {  	s8 =	simm.s32 $0x8000;
	s13 =	simm.s32 $0x0;
	s3 =	sand.u32 $0xF80, s1  }
0x8: {  	s9 =	simm.s32 $0x0;
	s5 =	sshrl.u32 s1, $0xC;
	p0 =	sne.s32 s3, $0x0  }
.Ltmp0:
0x9: {  	s1 =	rddreg [dreg:$0x2];
	s4 =	simm.s32 @!p0 $0x0;
	(pc) =	sbr.rel .LBB1_1-.Ltmp0, $4  }
0xa: {  	s11 =	simm.s32 $0x0;
	s3 =	rddreg [dreg:$0x1];
	s5 =	sadd.s32 s4, s5  }
0xb: {  	_ =	strace $0x8000004A;
	s4 =	simm.s32 $0x1;
	s5 =	smul.u32 $0xC8, s5  }
0xc: {  	s6 =	sadd.s32 $0x1CE00, s6;
	s10 =	smov.u32 s2;
	[sflag:s4] =	ssyncpa.u1 $0x0  }
0xd: {  	p0 =	por $0x0, $0x0;
	[sflag:s7] =	ssyncpa.u1 $0x0;
	s7 =	sor.u32 $0x1, s5  }
.LBB1_4:
0xe: {  	s16 =	sshll.u32 s13, $0x3;
	s17 =	sand.u32 $0x78, s13  }
0xf: {  	s30 =	sand.u32 $0x7E00, s13;
	s12 =	sshll.u32 s12, $0xF;
	s16 =	sand.u32 $0xC00, s16  }
0x10: {  	[tilespmem:s15+$0x810 ss:$0x81] =	vst.msk $0xffff, v2;
	s31 =	sand.u32 $0x7, s13;
	s16 =	sor.u32 s17, s16;
	s17 =	sadd.s32 s3, s30  }
0x11: {  	[tilespmem:s15+$0x1020 ss:$0x81] =	vst.msk $0xffff, v0;
	s13 =	sshll.u32 s31, $0x12;
	s12 =	sadd.s32 s12, s17;
	s16 =	sshrl.u32 s16, $0x3  }
0x12: {  	[tilespmem:s15+$0x0 ss:$0x81] =	vst.msk $0xffff, v1;
	s13 =	sor.u32 $0x400, s13;
	s12 =	sadd.s32 s16, s12  }
0x13: {  	[hbm4b:s12+s13] =	stream.strided.scatter [tilespmem:s14], [sflag:$0x2], $0x2000, s8, s13, $0x20;
	[tilespmem:$0x8080] =	vst v63  }
.LBB1_5:
0x14: {  	s14 =	sadd.s32 $0x1, s9  }
0x15: {  	s12 =	sadd.s32 $0x1000, s10;
	s16 =	smov.u32 s10;
	p2 =	sgt.s32 s14, $0xC7  }
0x16: {  	s16 =	smov.u32 @p2 s12  }
0x17: {  	s14 =	simm.s32 @p2 $0x0;
	p2 =	sgt.s32 s16, $0xFFF  }
0x18: {  	s16 =	smov.u32 @p2 s2;
	p2 =	sne.s32 s11, s7  }
.Ltmp1:
0x19: {  	p1 =	slt.u32 s11, $0x2;
	(pc) =	sbr.rel @!p2 .LBB1_6-.Ltmp1, $4  }
0x1a: {  	s15 =	simm.s32 @!p1 $0x2  }
0x1b: {  	s13 =	smov.u32 s10;
	p0 =	por !p0, !p0;
	_ =	swait.ge @!p1 [sflag:s15], $0x2000  }
0x1c: {  	s12 =	smov.u32 s9;
	[sflag:s15] =	ssyncset.done @!p1 $0x0;
	s9 =	smov.u32 s14  }
0x1d: {  	s11 =	sadd.s32 $0x1, s11;
	[sflag:s15] =	ssyncadd.s32 @!p1 $0xFFFFE000;
	s10 =	smov.u32 s16  }
.LBB1_1:
0x1e: {  	p1 =	sge.u32 s11, s5  }
0x1f: {  	s14 =	sand.u32 @!p1 $0x1FFFFFF, s9  }
0x20: {  	s15 =	smulhi.u32 @!p1 $0x147AE15, s14;
	_ =	sdelay $0x1  }
0x21: {  	s15 =	smul.u32 @!p1 $0xC8, s15  }
0x22: {  	s16 =	sxor.u32 @!p1 $0xFFFFFFFF, s11;
	s17 =	smul.u32 @!p1 $0xC80, s10  }
0x23: {  	s31 =	sadd.s32 $0xFFFFFFFF, s11;
	s16 =	sshll.u32 @!p1 s16, $0xD;
	s14 =	ssub.s32 @!p1 s14, s15  }
0x24: {  	s15 =	sand.u32 @!p1 $0x2000, s16;
	s16 =	sadd.s32 @!p1 s6, s17;
	s14 =	sshll.u32 @!p1 s14, $0x4  }
0x25: {  	s17 =	simm.s32 @!p1 $0x6400;
	s14 =	sadd.s32 @!p1 s14, s16;
	s16 =	simm.s32 @!p1 $0x40  }
0x26: {  	[tilespmem:s15], [sflag:$0x1] =	stream.strided.gather @!p1 [hbm4b:s14+s16], $0x2000, s17, s16, $0x38;
	[tilespmem:$0x8080] =	vst v63  }
0x27: {  	p1 =	sge.u32 s31, s5  }
.Ltmp2:
0x28: {  	_ = 	snop;
	(pc) =	sbr.rel @p1 .LBB1_5-.Ltmp2, $1  }
0x29: {  	_ =	sdelay $0x3  }
0x2a: {  	s14 =	simm.s32 $0x1  }
0x2b: {  	_ =	swait.ge [sflag:s4], $0x2000;
	s14 =	simm.s32 @!p0 $0x0  }
0x2c: {  	[sflag:s4] =	ssyncset.done $0x0;
	s15 =	sshll.u32 s14, $0xD  }
0x2d: {  	[sflag:s4] =	ssyncadd.s32 $0xFFFFE000;
	s18 =	sor.u32 $0x20, s15  }
0x2e: {  	s14 =	smul.u32 $0x8100, s14;
	v3 =	vld [tilespmem:s18+$0x10]  }
0x2f: {  	s30 =	sand.u32 $0x1, s11;
	v2 =	vld [tilespmem:s18+$0xFFFFFFF0]  }
0x30: {  	s15 =	smul.u32 $0x8100, s30;
	s14 =	sshrl.u32 s14, $0x2;
	v0 =	vld [tilespmem:s18+$0x0]  }
0x31: {  	v1 =	vld [tilespmem:s18+$0xFFFFFFE0];
	s16 =	sor.u32 $0x4000, s14  }
0x32: {  	s31 =	sshrl.u32 s15, $0x2;
	s15 =	sadd.s32 $0x0, s16  }
0x33: {  	s17 =	simm.s32 $0x4;
	s18 =	sadd.s32 $0x40, s18;
	s14 =	sor.u32 $0x4000, s31;
	[tilespmem:s15+$0x1830 ss:$0x81] =	vst.msk $0xffff, v3  }
.LBB1_3:
0x34: {  	v3 =	vld [tilespmem:s18+$0x10];
	p1 =	sne.s32 s17, $0x1FC;
	[tilespmem:s15+$0x810 ss:$0x81] =	vst.msk $0xffff, v2;
	s19 =	smov.u32 s17;
	s17 =	sadd.s32 $0x4, s17  }
.Ltmp3:
0x35: {  	v2 =	vld [tilespmem:s18+$0xFFFFFFF0];
	[tilespmem:s15+$0x1020 ss:$0x81] =	vst.msk $0xffff, v0;
	(pc) =	sbr.rel @p1 .LBB1_3-.Ltmp3, $4  }
0x36: {  	v0 =	vld [tilespmem:s18+$0x0];
	[tilespmem:s15+$0x0 ss:$0x81] =	vst.msk $0xffff, v1  }
0x37: {  	s15 =	sshra.s32 s19, $0x2;
	v1 =	vld [tilespmem:s18+$0xFFFFFFE0]  }
0x38: {  	s15 =	sadd.s32 s15, s16  }
0x39: {  	s18 =	sadd.s32 $0x40, s18;
	[tilespmem:s15+$0x1830 ss:$0x81] =	vst.msk $0xffff, v3  }
.Ltmp4:
0x3a: {  	_ = 	snop;
	(pc) =	sbr.rel .LBB1_4-.Ltmp4, $1  }
0x3b: {  	_ =	sdelay $0x3  }
.LBB1_6:
0x3c: {  	_ =	sfence.sel $0x180000  }
0x3d: {  	s2 =	simm.s32 $0x1;
	[bflag:$0x0] =	sbarrier.arrive $0xFFFF  }
0x3e: {  	s31 =	simm.s32 $0x2;
	[sflag:s2] =	ssyncpa.u1 $0x1  }
0x3f: {  	[sflag:s31] =	ssyncpa.u1 $0x1  }
0x40: {  	p0 =	sne.s32 s0, $0x0;
	_ =	strace $0x9000004A  }
0x41: {  	s0 =	sadd.s32 @!p0 $0x100000, s1;
	[bflag:$0x2] =	sbarrier.arrive $0xFFFF  }
0x42: {  	[sflag:s0] =	ssyncadd.tile.s32 @!p0 $0x1;
	_ =	shalt  }
.Lfunc_end1:
_tile_overlayer_lowered:
.L_overlay_start_2:
0x43: {  	(tag) =	ssettag $0x2  }
0x44: {  	s0 =	rddreg [dreg:$0x0];
	s2 =	stileid.u32  }
0x45: {  	s1 =	rddreg [dreg:$0x1];
	p0 =	sne.s32 s2, $0x0  }
0x46: {  	s3 =	rddreg [dreg:$0x2];
	[bflag:$0x3] =	sbarrier.arrive $0xFFFF;
	s2 =	simm.s32 @!p0 $0x1C01  }
0x47: {  	[timem:s3], [sflag:s2] =	dma.local @!p0 [hbm:s0], s1  }
0x48: {  	s0 =	simm.s32 @!p0 $0x1  }
0x49: {  	_ =	swait.ge @!p0 [sflag:s0], s1  }
0x4a: {  	s1 =	ssub.s32 @!p0 $0x0, s1;
	[sflag:s0] =	ssyncset.done @!p0 $0x0  }
0x4b: {  	[sflag:s0] =	ssyncadd.s32 @!p0 s1  }
0x4c: {  	[bflag:$0x3] =	sbarrier.arrive $0xFFFF  }
0x4d: {  	_ =	shalt  }

</sc_bundles>
